<compile_context>
chip_gen: v7x
topology: tpu7x:2x2x1
jax: 0.10.2.dev20260603
libtpu: 0.0.44.dev20260713+nightly
codegen_flags: <defaults>
</compile_context>

<pallas_src>
import functools

import jax
import jax.numpy as jnp
from jax import lax
from jax.experimental import pallas as pl
from jax.experimental.pallas import tpu as pltpu
from jax.experimental.pallas import tpu_sc as plsc

_LOG2 = 0.6931471805599453

_NC = 2
_NS = 16
_NW = _NC * _NS


def _ssp(x):
    return jax.nn.softplus(x) - _LOG2


def _h_body(x_ref, w_ref, o_ref):
    o_ref[...] = jnp.dot(x_ref[...], w_ref[...],
                         preferred_element_type=jnp.float32)


def _compute_h(x, W_in2f, block=1000):
    n, d = x.shape
    f = W_in2f.shape[1]
    grid = n // block
    return pl.pallas_call(
        _h_body,
        grid=(grid,),
        in_specs=[
            pl.BlockSpec((block, d), lambda i: (i, 0)),
            pl.BlockSpec((d, f), lambda i: (0, 0)),
        ],
        out_specs=pl.BlockSpec((block, f), lambda i: (i, 0)),
        out_shape=jax.ShapeDtypeStruct((n, f), jnp.float32),
    )(x, W_in2f)


def _filter_body(f_ref, rc_ref, w1_ref, b1_ref, w2_ref, b2_ref, o_ref):
    t = lax.dot_general(f_ref[...], w1_ref[...],
                        dimension_numbers=(((0,), (0,)), ((), ())),
                        preferred_element_type=jnp.float32)
    t = _ssp(t + b1_ref[...])
    t = jnp.dot(t, w2_ref[...], preferred_element_type=jnp.float32)
    rc = jnp.transpose(rc_ref[0])
    o_ref[...] = (t + b2_ref[...]) * rc


def _compute_wij(f_ij, rcut, W_f1, b_f1, W_f2, b_f2, e_slab, row_off,
                 block=3200):
    e, r = f_ij.shape
    nf = W_f1.shape[1]
    grid = e_slab // block
    off = row_off // block
    b1 = b_f1.reshape(1, nf)
    b2 = b_f2.reshape(1, nf)
    return pl.pallas_call(
        _filter_body,
        grid=(grid,),
        in_specs=[
            pl.BlockSpec((r, block), lambda i: (0, i + off)),
            pl.BlockSpec((1, 1, block), lambda i: (i + off, 0, 0)),
            pl.BlockSpec((r, nf), lambda i: (0, 0)),
            pl.BlockSpec((1, nf), lambda i: (0, 0)),
            pl.BlockSpec((nf, nf), lambda i: (0, 0)),
            pl.BlockSpec((1, nf), lambda i: (0, 0)),
        ],
        out_specs=pl.BlockSpec((block, nf), lambda i: (i, 0)),
        out_shape=jax.ShapeDtypeStruct((e_slab, nf), jnp.float32),
    )(f_ij.T, rcut.reshape(e // block, 1, block), W_f1, b1, W_f2, b2)


def _make_sc_gather_scatter(n_atoms, n_slab, edge_off, d, chunk=40,
                            nhalf=1):
    epw = n_slab // _NW
    nchunk = epw // chunk
    nch = nchunk // nhalf
    eph = nch * chunk
    assert nchunk == nch * nhalf and nch % 2 == 1 and nch >= 3
    n_pad = ((n_atoms + 8 * _NS - 1) // (8 * _NS)) * (8 * _NS)
    rows_per_tile = n_pad // _NS
    vecs_per_row = d // 16
    mesh = plsc.VectorSubcoreMesh(core_axis_name="c", subcore_axis_name="s")

    @functools.partial(
        pl.kernel,
        out_type=jax.ShapeDtypeStruct((_NC, n_pad, d), jnp.float32),
        mesh=mesh,
        scratch_types=[
            pltpu.VMEM((eph,), jnp.int32),
            pltpu.VMEM((chunk,), jnp.int32),
            pltpu.VMEM((chunk,), jnp.int32),
            pltpu.VMEM((chunk, d), jnp.float32),
            pltpu.VMEM((chunk, d), jnp.float32),
            pltpu.VMEM((chunk, d), jnp.float32),
            pltpu.VMEM((chunk, d), jnp.float32),
            pltpu.VMEM_SHARED((n_pad, d), jnp.float32),
            pltpu.SemaphoreType.DMA,
            pltpu.SemaphoreType.DMA,
            pltpu.SemaphoreType.DMA,
            pltpu.SemaphoreType.DMA,
            pltpu.SemaphoreType.DMA,
            pltpu.SemaphoreType.DMA,
        ],
    )
    def sc_kern(h_hbm, wij_hbm, idxi_hbm, idxj_hbm, out_hbm,
                idxj_all, idxi_a, idxi_b, wij_a, wij_b, rows_a, rows_b,
                acc_sh, gsem_a, gsem_b, wsem_a, wsem_b, isem_a, isem_b):
        cid = lax.axis_index("c")
        sid = lax.axis_index("s")
        wid = sid * _NC + cid

        zed = jnp.zeros((16,), jnp.float32)

        def zero_body(r, _):
            for k in range(vecs_per_row):
                rows_a[r, pl.ds(k * 16, 16)] = zed
            return 0

        lax.fori_loop(0, chunk, zero_body, 0)

        row0 = sid * rows_per_tile
        done = 0
        while done < rows_per_tile:
            cnt = min(chunk, rows_per_tile - done)
            pltpu.sync_copy(rows_a.at[pl.ds(0, cnt)],
                            acc_sh.at[pl.ds(row0 + done, cnt)])
            done += cnt
        plsc.subcore_barrier()

        def run_half(wbase, ibase):
            pltpu.sync_copy(idxj_hbm.at[pl.ds(ibase, eph)], idxj_all)

            def start(ci, rows_v, wij_v, idxi_v, gsem, wsem, isem):
                pltpu.make_async_copy(
                    h_hbm.at[idxj_all.at[pl.ds(ci * chunk, chunk)]],
                    rows_v, gsem).start()
                pltpu.make_async_copy(
                    wij_hbm.at[pl.ds(wbase + ci * chunk, chunk)],
                    wij_v, wsem).start()
                pltpu.make_async_copy(
                    idxi_hbm.at[pl.ds(ibase + ci * chunk, chunk)],
                    idxi_v, isem).start()

            def wait(rows_v, wij_v, idxi_v, gsem, wsem, isem):
                pltpu.make_async_copy(h_hbm.at[pl.ds(0, chunk)],
                                      rows_v, gsem).wait()
                pltpu.make_async_copy(wij_hbm.at[pl.ds(0, chunk)],
                                      wij_v, wsem).wait()
                pltpu.make_async_copy(idxi_hbm.at[pl.ds(0, chunk)],
                                      idxi_v, isem).wait()

            def mul(rows_v, wij_v):
                @plsc.parallel_loop(0, chunk, 1, unroll=4)
                def row_body(r):
                    for k in range(vecs_per_row):
                        s = pl.ds(k * 16, 16)
                        rows_v[r, s] = rows_v[r, s] * wij_v[r, s]

            def scat(rows_v, idxi_v):
                pltpu.sync_copy(rows_v, acc_sh.at[idxi_v], add=True)

            start(0, rows_a, wij_a, idxi_a, gsem_a, wsem_a, isem_a)

            def pair_body(g, _):
                c0 = 2 * g
                start(c0 + 1, rows_b, wij_b, idxi_b,
                      gsem_b, wsem_b, isem_b)
                wait(rows_a, wij_a, idxi_a, gsem_a, wsem_a, isem_a)
                mul(rows_a, wij_a)
                scat(rows_a, idxi_a)
                start(c0 + 2, rows_a, wij_a, idxi_a,
                      gsem_a, wsem_a, isem_a)
                wait(rows_b, wij_b, idxi_b, gsem_b, wsem_b, isem_b)
                mul(rows_b, wij_b)
                scat(rows_b, idxi_b)
                return 0

            lax.fori_loop(0, nch // 2, pair_body, 0)
            wait(rows_a, wij_a, idxi_a, gsem_a, wsem_a, isem_a)
            mul(rows_a, wij_a)
            scat(rows_a, idxi_a)

        for hf in range(nhalf):
            run_half(wid * epw + hf * eph,
                     edge_off + wid * epw + hf * eph)
        plsc.subcore_barrier()

        pltpu.sync_copy(acc_sh.at[pl.ds(row0, rows_per_tile)],
                        out_hbm.at[cid, pl.ds(row0, rows_per_tile)])

    return sc_kern


def _out_body(*refs):
    p_refs = refs[:-5]
    w1_ref, b1_ref, w2_ref, b2_ref, o_ref = refs[-5:]
    s = p_refs[0][0] + p_refs[0][1]
    for p in p_refs[1:]:
        s = s + (p[0] + p[1])
    t = jnp.dot(s, w1_ref[...], preferred_element_type=jnp.float32)
    t = _ssp(t + b1_ref[...])
    t = jnp.dot(t, w2_ref[...], preferred_element_type=jnp.float32)
    o_ref[...] = t + b2_ref[...]


def _compute_out(parts, n_out, W_o1, b_o1, W_o2, b_o2, block=1000):
    _, _, nf = parts[0].shape
    na = W_o1.shape[1]
    grid = n_out // block
    b1 = b_o1.reshape(1, na)
    b2 = b_o2.reshape(1, na)
    return pl.pallas_call(
        _out_body,
        grid=(grid,),
        in_specs=[pl.BlockSpec((2, block, nf), lambda i: (0, i, 0))
                  for _ in parts] + [
            pl.BlockSpec((nf, na), lambda i: (0, 0)),
            pl.BlockSpec((1, na), lambda i: (0, 0)),
            pl.BlockSpec((na, na), lambda i: (0, 0)),
            pl.BlockSpec((1, na), lambda i: (0, 0)),
        ],
        out_specs=pl.BlockSpec((block, na), lambda i: (i, 0)),
        out_shape=jax.ShapeDtypeStruct((n_out, na), jnp.float32),
    )(*parts, W_o1, b1, W_o2, b2)


def kernel(x, f_ij, idx_i, idx_j, rcut_ij,
           W_in2f, W_f1, b_f1, W_f2, b_f2, W_o1, b_o1, W_o2, b_o2):
    n_atoms, _ = x.shape
    n_edges, _ = f_ij.shape
    d = W_in2f.shape[1]

    h = _compute_h(x, W_in2f)
    idx_i = idx_i.astype(jnp.int32)
    idx_j = idx_j.astype(jnp.int32)

    slabs = [(n_edges // 2, 0), (n_edges // 2, n_edges // 2)]
    parts = []
    for e_slab, off in slabs:
        wij_s = _compute_wij(f_ij, rcut_ij, W_f1, b_f1, W_f2, b_f2,
                             e_slab, off)
        sc_s = _make_sc_gather_scatter(n_atoms, e_slab, off, d)
        parts.append(sc_s(h, wij_s, idx_i, idx_j))

    return _compute_out(parts, n_atoms, W_o1, b_o1, W_o2, b_o2)

# --- scband reference (transcript-rebuilt; emitter-appended) ---
"""Pipeline reference for scband-pbgnninteraction-16758962389035 (READ-ONLY COPY).

The authoritative reference and input builder live on the scoring server;
editing this copy changes nothing except your own understanding.
"""

import jax, jax.numpy as jnp
import numpy as np

N_ATOMS = 10000
N_EDGES = 320000
N_ATOM_BASIS = 128
N_RBF = 50
N_FILTERS = 128


def shifted_softplus(x):
    # log(0.5*exp(x) + 0.5) = softplus(x) - log(2)
    return jax.nn.softplus(x) - jnp.log(2.0)


def setup_inputs(seed: int = 0) -> dict:
    key = jax.random.key(seed)
    ks = jax.random.split(key, 16)
    x = jax.random.normal(ks[0], (N_ATOMS, N_ATOM_BASIS), dtype=jnp.float32)
    f_ij = jax.random.uniform(ks[1], (N_EDGES, N_RBF), dtype=jnp.float32)
    idx_i = jax.random.randint(ks[2], (N_EDGES,), 0, N_ATOMS, dtype=jnp.int64 if jax.config.jax_enable_x64 else jnp.int32)
    idx_j = jax.random.randint(ks[3], (N_EDGES,), 0, N_ATOMS, dtype=jnp.int64 if jax.config.jax_enable_x64 else jnp.int32)
    rcut_ij = jax.random.uniform(ks[4], (N_EDGES,), dtype=jnp.float32)
    s = 0.05
    W_in2f = jax.random.normal(ks[5], (N_ATOM_BASIS, N_FILTERS), dtype=jnp.float32) * s
    W_f1 = jax.random.normal(ks[6], (N_RBF, N_FILTERS), dtype=jnp.float32) * s
    b_f1 = jnp.zeros((N_FILTERS,), dtype=jnp.float32)
    W_f2 = jax.random.normal(ks[7], (N_FILTERS, N_FILTERS), dtype=jnp.float32) * s
    b_f2 = jnp.zeros((N_FILTERS,), dtype=jnp.float32)
    W_o1 = jax.random.normal(ks[8], (N_FILTERS, N_ATOM_BASIS), dtype=jnp.float32) * s
    b_o1 = jnp.zeros((N_ATOM_BASIS,), dtype=jnp.float32)
    W_o2 = jax.random.normal(ks[9], (N_ATOM_BASIS, N_ATOM_BASIS), dtype=jnp.float32) * s
    b_o2 = jnp.zeros((N_ATOM_BASIS,), dtype=jnp.float32)
    return {
        'x': x, 'f_ij': f_ij, 'idx_i': idx_i, 'idx_j': idx_j, 'rcut_ij': rcut_ij,
        'W_in2f': W_in2f,
        'W_f1': W_f1, 'b_f1': b_f1, 'W_f2': W_f2, 'b_f2': b_f2,
        'W_o1': W_o1, 'b_o1': b_o1, 'W_o2': W_o2, 'b_o2': b_o2,
    }


def reference(x, f_ij, idx_i, idx_j, rcut_ij,
              W_in2f, W_f1, b_f1, W_f2, b_f2, W_o1, b_o1, W_o2, b_o2):
    n_atoms = x.shape[0]
    # in2f: Dense without bias, no activation
    h = x @ W_in2f
    # filter network: Dense(n_rbf -> n_filters, ssp) -> Dense(n_filters -> n_filters)
    Wij = shifted_softplus(f_ij @ W_f1 + b_f1) @ W_f2 + b_f2
    Wij = Wij * rcut_ij[:, None]
    # gather neighbor features (SparseCore gather)
    x_j = jnp.take(h, idx_j, axis=0)
    x_ij = x_j * Wij
    # scatter-add to center atoms (SparseCore scatter-add)
    agg = jax.ops.segment_sum(x_ij, idx_i, num_segments=n_atoms)
    # f2out: Dense(ssp) -> Dense(identity)
    out = shifted_softplus(agg @ W_o1 + b_o1) @ W_o2 + b_o2
    return out

if __name__ == "__main__":
    import jax
    _d = setup_inputs()
    print(jax.jit(kernel)(*tuple(_d.values())))

</pallas_src>

<mosaic_0001>
#map = affine_map<(d0, d1) -> (0, 0)>
#map1 = affine_map<(d0, d1) -> (0)>
#map2 = affine_map<(d0, d1) -> (0, 0, 0)>
module attributes {stable_mosaic.version = 14 : i64} {
  func.func @sc_kern(%arg0: i32, %arg1: i32, %arg2: memref<10000x128xf32, #tpu.memory_space<hbm>>, %arg3: memref<160000x128xf32, #tpu.memory_space<hbm>>, %arg4: memref<320000xi32, #tpu.memory_space<hbm>>, %arg5: memref<320000xi32, #tpu.memory_space<hbm>>, %arg6: memref<2x10112x128xf32, #tpu.memory_space<hbm>>, %arg7: memref<5000xi32, #tpu.memory_space<vmem>>, %arg8: memref<40xi32, #tpu.memory_space<vmem>>, %arg9: memref<40xi32, #tpu.memory_space<vmem>>, %arg10: memref<40x128xf32, #tpu.memory_space<vmem>>, %arg11: memref<40x128xf32, #tpu.memory_space<vmem>>, %arg12: memref<40x128xf32, #tpu.memory_space<vmem>>, %arg13: memref<40x128xf32, #tpu.memory_space<vmem>>, %arg14: memref<10112x128xf32, #tpu.memory_space<vmem_shared>>, %arg15: memref<!tpu.dma_semaphore, #tpu.memory_space<semaphore_mem>>, %arg16: memref<!tpu.dma_semaphore, #tpu.memory_space<semaphore_mem>>, %arg17: memref<!tpu.dma_semaphore, #tpu.memory_space<semaphore_mem>>, %arg18: memref<!tpu.dma_semaphore, #tpu.memory_space<semaphore_mem>>, %arg19: memref<!tpu.dma_semaphore, #tpu.memory_space<semaphore_mem>>, %arg20: memref<!tpu.dma_semaphore, #tpu.memory_space<semaphore_mem>>) attributes {dimension_semantics = [#tpu.dimension_semantics<core_parallel>, #tpu.dimension_semantics<subcore_parallel>], iteration_bounds = array<i64: 2, 16>, scalar_prefetch = 0 : i64, scratch_operands = 14 : i64, tpu.core_type = #tpu.core_type<sc_vector_subcore>, window_params = [{transform_indices = #map}, {transform_indices = #map}, {transform_indices = #map1}, {transform_indices = #map1}, {transform_indices = #map2}]} {
    %mul3A = arith.constant 2 : i32
    %mul3A_0 = arith.muli %arg1, %mul3A : i32
    %add3A = arith.addi %mul3A_0, %arg0 : i32
    %broadcast_in_dim3A = arith.constant 0.000000e+00 : f32
    %broadcast_in_dim3A_1 = vector.broadcast %broadcast_in_dim3A : f32 to vector<16xf32>
    %scan3A = arith.constant 0 : i32
    %scan3A_2 = arith.constant 0 : i32
    %scan3A_3 = arith.constant 40 : i32
    %scan3A_4 = arith.addi %scan3A_2, %scan3A_3 : i32
    %scan3A_5 = arith.constant 1 : i32
    %scan3A_6 = scf.for %scan3A_91 = %scan3A_2 to %scan3A_4 step %scan3A_5 iter_args(%scan3A_92 = %scan3A) -> (i32)  : i32 {
      %swap3A = arith.index_cast %scan3A_91 : i32 to index
      %swap3A_93 = arith.constant 0 : index
      %swap3A_94 = tpu.vector_load %arg12[%swap3A, %swap3A_93] {strides = array<i32>} : memref<40x128xf32, #tpu.memory_space<vmem>>, vector<1x16xf32>,
      %swap3A_95 = vector.shape_cast %swap3A_94 : vector<1x16xf32> to vector<16xf32>
      %swap3A_96 = vector.shape_cast %broadcast_in_dim3A_1 : vector<16xf32> to vector<1x16xf32>
      tpu.vector_store %arg12[%swap3A, %swap3A_93], %swap3A_96 {strides = array<i32>} : memref<40x128xf32, #tpu.memory_space<vmem>>, vector<1x16xf32>,
      %swap3A_97 = arith.index_cast %scan3A_91 : i32 to index
      %swap3A_98 = arith.constant 16 : index
      %swap3A_99 = tpu.vector_load %arg12[%swap3A_97, %swap3A_98] {strides = array<i32>} : memref<40x128xf32, #tpu.memory_space<vmem>>, vector<1x16xf32>,
      %swap3A_100 = vector.shape_cast %swap3A_99 : vector<1x16xf32> to vector<16xf32>
      %swap3A_101 = vector.shape_cast %broadcast_in_dim3A_1 : vector<16xf32> to vector<1x16xf32>
      tpu.vector_store %arg12[%swap3A_97, %swap3A_98], %swap3A_101 {strides = array<i32>} : memref<40x128xf32, #tpu.memory_space<vmem>>, vector<1x16xf32>,
      %swap3A_102 = arith.index_cast %scan3A_91 : i32 to index
      %swap3A_103 = arith.constant 32 : index
      %swap3A_104 = tpu.vector_load %arg12[%swap3A_102, %swap3A_103] {strides = array<i32>} : memref<40x128xf32, #tpu.memory_space<vmem>>, vector<1x16xf32>,
      %swap3A_105 = vector.shape_cast %swap3A_104 : vector<1x16xf32> to vector<16xf32>
      %swap3A_106 = vector.shape_cast %broadcast_in_dim3A_1 : vector<16xf32> to vector<1x16xf32>
      tpu.vector_store %arg12[%swap3A_102, %swap3A_103], %swap3A_106 {strides = array<i32>} : memref<40x128xf32, #tpu.memory_space<vmem>>, vector<1x16xf32>,
      %swap3A_107 = arith.index_cast %scan3A_91 : i32 to index
      %swap3A_108 = arith.constant 48 : index
      %swap3A_109 = tpu.vector_load %arg12[%swap3A_107, %swap3A_108] {strides = array<i32>} : memref<40x128xf32, #tpu.memory_space<vmem>>, vector<1x16xf32>,
      %swap3A_110 = vector.shape_cast %swap3A_109 : vector<1x16xf32> to vector<16xf32>
      %swap3A_111 = vector.shape_cast %broadcast_in_dim3A_1 : vector<16xf32> to vector<1x16xf32>
      tpu.vector_store %arg12[%swap3A_107, %swap3A_108], %swap3A_111 {strides = array<i32>} : memref<40x128xf32, #tpu.memory_space<vmem>>, vector<1x16xf32>,
      %swap3A_112 = arith.index_cast %scan3A_91 : i32 to index
      %swap3A_113 = arith.constant 64 : index
      %swap3A_114 = tpu.vector_load %arg12[%swap3A_112, %swap3A_113] {strides = array<i32>} : memref<40x128xf32, #tpu.memory_space<vmem>>, vector<1x16xf32>,
      %swap3A_115 = vector.shape_cast %swap3A_114 : vector<1x16xf32> to vector<16xf32>
      %swap3A_116 = vector.shape_cast %broadcast_in_dim3A_1 : vector<16xf32> to vector<1x16xf32>
      tpu.vector_store %arg12[%swap3A_112, %swap3A_113], %swap3A_116 {strides = array<i32>} : memref<40x128xf32, #tpu.memory_space<vmem>>, vector<1x16xf32>,
      %swap3A_117 = arith.index_cast %scan3A_91 : i32 to index
      %swap3A_118 = arith.constant 80 : index
      %swap3A_119 = tpu.vector_load %arg12[%swap3A_117, %swap3A_118] {strides = array<i32>} : memref<40x128xf32, #tpu.memory_space<vmem>>, vector<1x16xf32>,
      %swap3A_120 = vector.shape_cast %swap3A_119 : vector<1x16xf32> to vector<16xf32>
      %swap3A_121 = vector.shape_cast %broadcast_in_dim3A_1 : vector<16xf32> to vector<1x16xf32>
      tpu.vector_store %arg12[%swap3A_117, %swap3A_118], %swap3A_121 {strides = array<i32>} : memref<40x128xf32, #tpu.memory_space<vmem>>, vector<1x16xf32>,
      %swap3A_122 = arith.index_cast %scan3A_91 : i32 to index
      %swap3A_123 = arith.constant 96 : index
      %swap3A_124 = tpu.vector_load %arg12[%swap3A_122, %swap3A_123] {strides = array<i32>} : memref<40x128xf32, #tpu.memory_space<vmem>>, vector<1x16xf32>,
      %swap3A_125 = vector.shape_cast %swap3A_124 : vector<1x16xf32> to vector<16xf32>
      %swap3A_126 = vector.shape_cast %broadcast_in_dim3A_1 : vector<16xf32> to vector<1x16xf32>
      tpu.vector_store %arg12[%swap3A_122, %swap3A_123], %swap3A_126 {strides = array<i32>} : memref<40x128xf32, #tpu.memory_space<vmem>>, vector<1x16xf32>,
      %swap3A_127 = arith.index_cast %scan3A_91 : i32 to index
      %swap3A_128 = arith.constant 112 : index
      %swap3A_129 = tpu.vector_load %arg12[%swap3A_127, %swap3A_128] {strides = array<i32>} : memref<40x128xf32, #tpu.memory_space<vmem>>, vector<1x16xf32>,
      %swap3A_130 = vector.shape_cast %swap3A_129 : vector<1x16xf32> to vector<16xf32>
      %swap3A_131 = vector.shape_cast %broadcast_in_dim3A_1 : vector<16xf32> to vector<1x16xf32>
      tpu.vector_store %arg12[%swap3A_127, %swap3A_128], %swap3A_131 {strides = array<i32>} : memref<40x128xf32, #tpu.memory_space<vmem>>, vector<1x16xf32>,
      %scan3A_132 = arith.constant 0 : i32
      scf.yield %scan3A_132 : i32
    }
    %scan3A_7 = arith.constant 40 : i32
    %mul3A_8 = arith.constant 632 : i32
    %mul3A_9 = arith.muli %arg1, %mul3A_8 : i32
    %add3A_10 = arith.constant 0 : i32
    %add3A_11 = arith.addi %mul3A_9, %add3A_10 : i32
    "tpu.region"() ({
      %run_scoped3A = tpu.sem_alloc : memref<!tpu.dma_semaphore, #tpu.memory_space<semaphore_mem>>
      %dma_start3A_91 = arith.constant 0 : i32
      %dma_start3A_92 = arith.constant 0 : i32
      %dma_start3A_93 = tpu.memref_slice %arg12[%dma_start3A_91, %dma_start3A_92] : memref<40x128xf32, #tpu.memory_space<vmem>> -> memref<40x128xf32, #tpu.memory_space<vmem>>
      %dma_start3A_94 = arith.constant 0 : i32
      %dma_start3A_95 = tpu.memref_slice %arg14[%add3A_11, %dma_start3A_94] : memref<10112x128xf32, #tpu.memory_space<vmem_shared>> -> memref<40x128xf32, #tpu.memory_space<vmem_shared>>
      %dma_start3A_96 = arith.constant 0 : i32
      %dma_start3A_97 = tpu.memref_slice %arg14[%add3A_11, %dma_start3A_96] : memref<10112x128xf32, #tpu.memory_space<vmem_shared>> -> memref<40x128xf32, #tpu.memory_space<vmem_shared>>
      %dma_start3A_98 = arith.constant 0 : i32
      %dma_start3A_99 = arith.constant 0 : i32
      %dma_start3A_100 = tpu.memref_slice %arg12[%dma_start3A_98, %dma_start3A_99] : memref<40x128xf32, #tpu.memory_space<vmem>> -> memref<40x128xf32, #tpu.memory_space<vmem>>
      tpu.enqueue_dma source(%dma_start3A_100 : memref<40x128xf32, #tpu.memory_space<vmem>>) target(%dma_start3A_97 : memref<40x128xf32, #tpu.memory_space<vmem_shared>>) target_semaphore(%run_scoped3A : memref<!tpu.dma_semaphore, #tpu.memory_space<semaphore_mem>>)
      %dma_wait3A_101 = arith.constant 0 : i32
      %dma_wait3A_102 = arith.constant 0 : i32
      %dma_wait3A_103 = tpu.memref_slice %arg12[%dma_wait3A_101, %dma_wait3A_102] : memref<40x128xf32, #tpu.memory_space<vmem>> -> memref<40x128xf32, #tpu.memory_space<vmem>>
      %dma_wait3A_104 = arith.constant 0 : i32
      %dma_wait3A_105 = tpu.memref_slice %arg14[%add3A_11, %dma_wait3A_104] : memref<10112x128xf32, #tpu.memory_space<vmem_shared>> -> memref<40x128xf32, #tpu.memory_space<vmem_shared>>
      %dma_wait3A_106 = arith.constant 0 : i32
      %dma_wait3A_107 = tpu.memref_slice %arg14[%add3A_11, %dma_wait3A_106] : memref<10112x128xf32, #tpu.memory_space<vmem_shared>> -> memref<40x128xf32, #tpu.memory_space<vmem_shared>>
      %dma_wait3A_108 = arith.constant 0 : i32
      %dma_wait3A_109 = arith.constant 0 : i32
      %dma_wait3A_110 = tpu.memref_slice %arg12[%dma_wait3A_108, %dma_wait3A_109] : memref<40x128xf32, #tpu.memory_space<vmem>> -> memref<40x128xf32, #tpu.memory_space<vmem>>
      tpu.wait_dma2 semaphore(%run_scoped3A : memref<!tpu.dma_semaphore, #tpu.memory_space<semaphore_mem>>) src(%dma_wait3A_110 : memref<40x128xf32, #tpu.memory_space<vmem>>) dst(%dma_wait3A_107 : memref<40x128xf32, #tpu.memory_space<vmem_shared>>)
      tpu.yield
    }) : () -> ()
    %add3A_12 = arith.constant 40 : i32
    %add3A_13 = arith.addi %mul3A_9, %add3A_12 : i32
    "tpu.region"() ({
      %run_scoped3A = tpu.sem_alloc : memref<!tpu.dma_semaphore, #tpu.memory_space<semaphore_mem>>
      %dma_start3A_91 = arith.constant 0 : i32
      %dma_start3A_92 = arith.constant 0 : i32
      %dma_start3A_93 = tpu.memref_slice %arg12[%dma_start3A_91, %dma_start3A_92] : memref<40x128xf32, #tpu.memory_space<vmem>> -> memref<40x128xf32, #tpu.memory_space<vmem>>
      %dma_start3A_94 = arith.constant 0 : i32
      %dma_start3A_95 = tpu.memref_slice %arg14[%add3A_13, %dma_start3A_94] : memref<10112x128xf32, #tpu.memory_space<vmem_shared>> -> memref<40x128xf32, #tpu.memory_space<vmem_shared>>
      %dma_start3A_96 = arith.constant 0 : i32
      %dma_start3A_97 = tpu.memref_slice %arg14[%add3A_13, %dma_start3A_96] : memref<10112x128xf32, #tpu.memory_space<vmem_shared>> -> memref<40x128xf32, #tpu.memory_space<vmem_shared>>
      %dma_start3A_98 = arith.constant 0 : i32
      %dma_start3A_99 = arith.constant 0 : i32
      %dma_start3A_100 = tpu.memref_slice %arg12[%dma_start3A_98, %dma_start3A_99] : memref<40x128xf32, #tpu.memory_space<vmem>> -> memref<40x128xf32, #tpu.memory_space<vmem>>
      tpu.enqueue_dma source(%dma_start3A_100 : memref<40x128xf32, #tpu.memory_space<vmem>>) target(%dma_start3A_97 : memref<40x128xf32, #tpu.memory_space<vmem_shared>>) target_semaphore(%run_scoped3A : memref<!tpu.dma_semaphore, #tpu.memory_space<semaphore_mem>>)
      %dma_wait3A_101 = arith.constant 0 : i32
      %dma_wait3A_102 = arith.constant 0 : i32
      %dma_wait3A_103 = tpu.memref_slice %arg12[%dma_wait3A_101, %dma_wait3A_102] : memref<40x128xf32, #tpu.memory_space<vmem>> -> memref<40x128xf32, #tpu.memory_space<vmem>>
      %dma_wait3A_104 = arith.constant 0 : i32
      %dma_wait3A_105 = tpu.memref_slice %arg14[%add3A_13, %dma_wait3A_104] : memref<10112x128xf32, #tpu.memory_space<vmem_shared>> -> memref<40x128xf32, #tpu.memory_space<vmem_shared>>
      %dma_wait3A_106 = arith.constant 0 : i32
      %dma_wait3A_107 = tpu.memref_slice %arg14[%add3A_13, %dma_wait3A_106] : memref<10112x128xf32, #tpu.memory_space<vmem_shared>> -> memref<40x128xf32, #tpu.memory_space<vmem_shared>>
      %dma_wait3A_108 = arith.constant 0 : i32
      %dma_wait3A_109 = arith.constant 0 : i32
      %dma_wait3A_110 = tpu.memref_slice %arg12[%dma_wait3A_108, %dma_wait3A_109] : memref<40x128xf32, #tpu.memory_space<vmem>> -> memref<40x128xf32, #tpu.memory_space<vmem>>
      tpu.wait_dma2 semaphore(%run_scoped3A : memref<!tpu.dma_semaphore, #tpu.memory_space<semaphore_mem>>) src(%dma_wait3A_110 : memref<40x128xf32, #tpu.memory_space<vmem>>) dst(%dma_wait3A_107 : memref<40x128xf32, #tpu.memory_space<vmem_shared>>)
      tpu.yield
    }) : () -> ()
    %add3A_14 = arith.constant 80 : i32
    %add3A_15 = arith.addi %mul3A_9, %add3A_14 : i32
    "tpu.region"() ({
      %run_scoped3A = tpu.sem_alloc : memref<!tpu.dma_semaphore, #tpu.memory_space<semaphore_mem>>
      %dma_start3A_91 = arith.constant 0 : i32
      %dma_start3A_92 = arith.constant 0 : i32
      %dma_start3A_93 = tpu.memref_slice %arg12[%dma_start3A_91, %dma_start3A_92] : memref<40x128xf32, #tpu.memory_space<vmem>> -> memref<40x128xf32, #tpu.memory_space<vmem>>
      %dma_start3A_94 = arith.constant 0 : i32
      %dma_start3A_95 = tpu.memref_slice %arg14[%add3A_15, %dma_start3A_94] : memref<10112x128xf32, #tpu.memory_space<vmem_shared>> -> memref<40x128xf32, #tpu.memory_space<vmem_shared>>
      %dma_start3A_96 = arith.constant 0 : i32
      %dma_start3A_97 = tpu.memref_slice %arg14[%add3A_15, %dma_start3A_96] : memref<10112x128xf32, #tpu.memory_space<vmem_shared>> -> memref<40x128xf32, #tpu.memory_space<vmem_shared>>
      %dma_start3A_98 = arith.constant 0 : i32
      %dma_start3A_99 = arith.constant 0 : i32
      %dma_start3A_100 = tpu.memref_slice %arg12[%dma_start3A_98, %dma_start3A_99] : memref<40x128xf32, #tpu.memory_space<vmem>> -> memref<40x128xf32, #tpu.memory_space<vmem>>
      tpu.enqueue_dma source(%dma_start3A_100 : memref<40x128xf32, #tpu.memory_space<vmem>>) target(%dma_start3A_97 : memref<40x128xf32, #tpu.memory_space<vmem_shared>>) target_semaphore(%run_scoped3A : memref<!tpu.dma_semaphore, #tpu.memory_space<semaphore_mem>>)
      %dma_wait3A_101 = arith.constant 0 : i32
      %dma_wait3A_102 = arith.constant 0 : i32
      %dma_wait3A_103 = tpu.memref_slice %arg12[%dma_wait3A_101, %dma_wait3A_102] : memref<40x128xf32, #tpu.memory_space<vmem>> -> memref<40x128xf32, #tpu.memory_space<vmem>>
      %dma_wait3A_104 = arith.constant 0 : i32
      %dma_wait3A_105 = tpu.memref_slice %arg14[%add3A_15, %dma_wait3A_104] : memref<10112x128xf32, #tpu.memory_space<vmem_shared>> -> memref<40x128xf32, #tpu.memory_space<vmem_shared>>
      %dma_wait3A_106 = arith.constant 0 : i32
      %dma_wait3A_107 = tpu.memref_slice %arg14[%add3A_15, %dma_wait3A_106] : memref<10112x128xf32, #tpu.memory_space<vmem_shared>> -> memref<40x128xf32, #tpu.memory_space<vmem_shared>>
      %dma_wait3A_108 = arith.constant 0 : i32
      %dma_wait3A_109 = arith.constant 0 : i32
      %dma_wait3A_110 = tpu.memref_slice %arg12[%dma_wait3A_108, %dma_wait3A_109] : memref<40x128xf32, #tpu.memory_space<vmem>> -> memref<40x128xf32, #tpu.memory_space<vmem>>
      tpu.wait_dma2 semaphore(%run_scoped3A : memref<!tpu.dma_semaphore, #tpu.memory_space<semaphore_mem>>) src(%dma_wait3A_110 : memref<40x128xf32, #tpu.memory_space<vmem>>) dst(%dma_wait3A_107 : memref<40x128xf32, #tpu.memory_space<vmem_shared>>)
      tpu.yield
    }) : () -> ()
    %add3A_16 = arith.constant 120 : i32
    %add3A_17 = arith.addi %mul3A_9, %add3A_16 : i32
    "tpu.region"() ({
      %run_scoped3A = tpu.sem_alloc : memref<!tpu.dma_semaphore, #tpu.memory_space<semaphore_mem>>
      %dma_start3A_91 = arith.constant 0 : i32
      %dma_start3A_92 = arith.constant 0 : i32
      %dma_start3A_93 = tpu.memref_slice %arg12[%dma_start3A_91, %dma_start3A_92] : memref<40x128xf32, #tpu.memory_space<vmem>> -> memref<40x128xf32, #tpu.memory_space<vmem>>
      %dma_start3A_94 = arith.constant 0 : i32
      %dma_start3A_95 = tpu.memref_slice %arg14[%add3A_17, %dma_start3A_94] : memref<10112x128xf32, #tpu.memory_space<vmem_shared>> -> memref<40x128xf32, #tpu.memory_space<vmem_shared>>
      %dma_start3A_96 = arith.constant 0 : i32
      %dma_start3A_97 = tpu.memref_slice %arg14[%add3A_17, %dma_start3A_96] : memref<10112x128xf32, #tpu.memory_space<vmem_shared>> -> memref<40x128xf32, #tpu.memory_space<vmem_shared>>
      %dma_start3A_98 = arith.constant 0 : i32
      %dma_start3A_99 = arith.constant 0 : i32
      %dma_start3A_100 = tpu.memref_slice %arg12[%dma_start3A_98, %dma_start3A_99] : memref<40x128xf32, #tpu.memory_space<vmem>> -> memref<40x128xf32, #tpu.memory_space<vmem>>
      tpu.enqueue_dma source(%dma_start3A_100 : memref<40x128xf32, #tpu.memory_space<vmem>>) target(%dma_start3A_97 : memref<40x128xf32, #tpu.memory_space<vmem_shared>>) target_semaphore(%run_scoped3A : memref<!tpu.dma_semaphore, #tpu.memory_space<semaphore_mem>>)
      %dma_wait3A_101 = arith.constant 0 : i32
      %dma_wait3A_102 = arith.constant 0 : i32
      %dma_wait3A_103 = tpu.memref_slice %arg12[%dma_wait3A_101, %dma_wait3A_102] : memref<40x128xf32, #tpu.memory_space<vmem>> -> memref<40x128xf32, #tpu.memory_space<vmem>>
      %dma_wait3A_104 = arith.constant 0 : i32
      %dma_wait3A_105 = tpu.memref_slice %arg14[%add3A_17, %dma_wait3A_104] : memref<10112x128xf32, #tpu.memory_space<vmem_shared>> -> memref<40x128xf32, #tpu.memory_space<vmem_shared>>
      %dma_wait3A_106 = arith.constant 0 : i32
      %dma_wait3A_107 = tpu.memref_slice %arg14[%add3A_17, %dma_wait3A_106] : memref<10112x128xf32, #tpu.memory_space<vmem_shared>> -> memref<40x128xf32, #tpu.memory_space<vmem_shared>>
      %dma_wait3A_108 = arith.constant 0 : i32
      %dma_wait3A_109 = arith.constant 0 : i32
      %dma_wait3A_110 = tpu.memref_slice %arg12[%dma_wait3A_108, %dma_wait3A_109] : memref<40x128xf32, #tpu.memory_space<vmem>> -> memref<40x128xf32, #tpu.memory_space<vmem>>
      tpu.wait_dma2 semaphore(%run_scoped3A : memref<!tpu.dma_semaphore, #tpu.memory_space<semaphore_mem>>) src(%dma_wait3A_110 : memref<40x128xf32, #tpu.memory_space<vmem>>) dst(%dma_wait3A_107 : memref<40x128xf32, #tpu.memory_space<vmem_shared>>)
      tpu.yield
    }) : () -> ()
    %add3A_18 = arith.constant 160 : i32
    %add3A_19 = arith.addi %mul3A_9, %add3A_18 : i32
    "tpu.region"() ({
      %run_scoped3A = tpu.sem_alloc : memref<!tpu.dma_semaphore, #tpu.memory_space<semaphore_mem>>
      %dma_start3A_91 = arith.constant 0 : i32
      %dma_start3A_92 = arith.constant 0 : i32
      %dma_start3A_93 = tpu.memref_slice %arg12[%dma_start3A_91, %dma_start3A_92] : memref<40x128xf32, #tpu.memory_space<vmem>> -> memref<40x128xf32, #tpu.memory_space<vmem>>
      %dma_start3A_94 = arith.constant 0 : i32
      %dma_start3A_95 = tpu.memref_slice %arg14[%add3A_19, %dma_start3A_94] : memref<10112x128xf32, #tpu.memory_space<vmem_shared>> -> memref<40x128xf32, #tpu.memory_space<vmem_shared>>
      %dma_start3A_96 = arith.constant 0 : i32
      %dma_start3A_97 = tpu.memref_slice %arg14[%add3A_19, %dma_start3A_96] : memref<10112x128xf32, #tpu.memory_space<vmem_shared>> -> memref<40x128xf32, #tpu.memory_space<vmem_shared>>
      %dma_start3A_98 = arith.constant 0 : i32
      %dma_start3A_99 = arith.constant 0 : i32
      %dma_start3A_100 = tpu.memref_slice %arg12[%dma_start3A_98, %dma_start3A_99] : memref<40x128xf32, #tpu.memory_space<vmem>> -> memref<40x128xf32, #tpu.memory_space<vmem>>
      tpu.enqueue_dma source(%dma_start3A_100 : memref<40x128xf32, #tpu.memory_space<vmem>>) target(%dma_start3A_97 : memref<40x128xf32, #tpu.memory_space<vmem_shared>>) target_semaphore(%run_scoped3A : memref<!tpu.dma_semaphore, #tpu.memory_space<semaphore_mem>>)
      %dma_wait3A_101 = arith.constant 0 : i32
      %dma_wait3A_102 = arith.constant 0 : i32
      %dma_wait3A_103 = tpu.memref_slice %arg12[%dma_wait3A_101, %dma_wait3A_102] : memref<40x128xf32, #tpu.memory_space<vmem>> -> memref<40x128xf32, #tpu.memory_space<vmem>>
      %dma_wait3A_104 = arith.constant 0 : i32
      %dma_wait3A_105 = tpu.memref_slice %arg14[%add3A_19, %dma_wait3A_104] : memref<10112x128xf32, #tpu.memory_space<vmem_shared>> -> memref<40x128xf32, #tpu.memory_space<vmem_shared>>
      %dma_wait3A_106 = arith.constant 0 : i32
      %dma_wait3A_107 = tpu.memref_slice %arg14[%add3A_19, %dma_wait3A_106] : memref<10112x128xf32, #tpu.memory_space<vmem_shared>> -> memref<40x128xf32, #tpu.memory_space<vmem_shared>>
      %dma_wait3A_108 = arith.constant 0 : i32
      %dma_wait3A_109 = arith.constant 0 : i32
      %dma_wait3A_110 = tpu.memref_slice %arg12[%dma_wait3A_108, %dma_wait3A_109] : memref<40x128xf32, #tpu.memory_space<vmem>> -> memref<40x128xf32, #tpu.memory_space<vmem>>
      tpu.wait_dma2 semaphore(%run_scoped3A : memref<!tpu.dma_semaphore, #tpu.memory_space<semaphore_mem>>) src(%dma_wait3A_110 : memref<40x128xf32, #tpu.memory_space<vmem>>) dst(%dma_wait3A_107 : memref<40x128xf32, #tpu.memory_space<vmem_shared>>)
      tpu.yield
    }) : () -> ()
    %add3A_20 = arith.constant 200 : i32
    %add3A_21 = arith.addi %mul3A_9, %add3A_20 : i32
    "tpu.region"() ({
      %run_scoped3A = tpu.sem_alloc : memref<!tpu.dma_semaphore, #tpu.memory_space<semaphore_mem>>
      %dma_start3A_91 = arith.constant 0 : i32
      %dma_start3A_92 = arith.constant 0 : i32
      %dma_start3A_93 = tpu.memref_slice %arg12[%dma_start3A_91, %dma_start3A_92] : memref<40x128xf32, #tpu.memory_space<vmem>> -> memref<40x128xf32, #tpu.memory_space<vmem>>
      %dma_start3A_94 = arith.constant 0 : i32
      %dma_start3A_95 = tpu.memref_slice %arg14[%add3A_21, %dma_start3A_94] : memref<10112x128xf32, #tpu.memory_space<vmem_shared>> -> memref<40x128xf32, #tpu.memory_space<vmem_shared>>
      %dma_start3A_96 = arith.constant 0 : i32
      %dma_start3A_97 = tpu.memref_slice %arg14[%add3A_21, %dma_start3A_96] : memref<10112x128xf32, #tpu.memory_space<vmem_shared>> -> memref<40x128xf32, #tpu.memory_space<vmem_shared>>
      %dma_start3A_98 = arith.constant 0 : i32
      %dma_start3A_99 = arith.constant 0 : i32
      %dma_start3A_100 = tpu.memref_slice %arg12[%dma_start3A_98, %dma_start3A_99] : memref<40x128xf32, #tpu.memory_space<vmem>> -> memref<40x128xf32, #tpu.memory_space<vmem>>
      tpu.enqueue_dma source(%dma_start3A_100 : memref<40x128xf32, #tpu.memory_space<vmem>>) target(%dma_start3A_97 : memref<40x128xf32, #tpu.memory_space<vmem_shared>>) target_semaphore(%run_scoped3A : memref<!tpu.dma_semaphore, #tpu.memory_space<semaphore_mem>>)
      %dma_wait3A_101 = arith.constant 0 : i32
      %dma_wait3A_102 = arith.constant 0 : i32
      %dma_wait3A_103 = tpu.memref_slice %arg12[%dma_wait3A_101, %dma_wait3A_102] : memref<40x128xf32, #tpu.memory_space<vmem>> -> memref<40x128xf32, #tpu.memory_space<vmem>>
      %dma_wait3A_104 = arith.constant 0 : i32
      %dma_wait3A_105 = tpu.memref_slice %arg14[%add3A_21, %dma_wait3A_104] : memref<10112x128xf32, #tpu.memory_space<vmem_shared>> -> memref<40x128xf32, #tpu.memory_space<vmem_shared>>
      %dma_wait3A_106 = arith.constant 0 : i32
      %dma_wait3A_107 = tpu.memref_slice %arg14[%add3A_21, %dma_wait3A_106] : memref<10112x128xf32, #tpu.memory_space<vmem_shared>> -> memref<40x128xf32, #tpu.memory_space<vmem_shared>>
      %dma_wait3A_108 = arith.constant 0 : i32
      %dma_wait3A_109 = arith.constant 0 : i32
      %dma_wait3A_110 = tpu.memref_slice %arg12[%dma_wait3A_108, %dma_wait3A_109] : memref<40x128xf32, #tpu.memory_space<vmem>> -> memref<40x128xf32, #tpu.memory_space<vmem>>
      tpu.wait_dma2 semaphore(%run_scoped3A : memref<!tpu.dma_semaphore, #tpu.memory_space<semaphore_mem>>) src(%dma_wait3A_110 : memref<40x128xf32, #tpu.memory_space<vmem>>) dst(%dma_wait3A_107 : memref<40x128xf32, #tpu.memory_space<vmem_shared>>)
      tpu.yield
    }) : () -> ()
    %add3A_22 = arith.constant 240 : i32
    %add3A_23 = arith.addi %mul3A_9, %add3A_22 : i32
    "tpu.region"() ({
      %run_scoped3A = tpu.sem_alloc : memref<!tpu.dma_semaphore, #tpu.memory_space<semaphore_mem>>
      %dma_start3A_91 = arith.constant 0 : i32
      %dma_start3A_92 = arith.constant 0 : i32
      %dma_start3A_93 = tpu.memref_slice %arg12[%dma_start3A_91, %dma_start3A_92] : memref<40x128xf32, #tpu.memory_space<vmem>> -> memref<40x128xf32, #tpu.memory_space<vmem>>
      %dma_start3A_94 = arith.constant 0 : i32
      %dma_start3A_95 = tpu.memref_slice %arg14[%add3A_23, %dma_start3A_94] : memref<10112x128xf32, #tpu.memory_space<vmem_shared>> -> memref<40x128xf32, #tpu.memory_space<vmem_shared>>
      %dma_start3A_96 = arith.constant 0 : i32
      %dma_start3A_97 = tpu.memref_slice %arg14[%add3A_23, %dma_start3A_96] : memref<10112x128xf32, #tpu.memory_space<vmem_shared>> -> memref<40x128xf32, #tpu.memory_space<vmem_shared>>
      %dma_start3A_98 = arith.constant 0 : i32
      %dma_start3A_99 = arith.constant 0 : i32
      %dma_start3A_100 = tpu.memref_slice %arg12[%dma_start3A_98, %dma_start3A_99] : memref<40x128xf32, #tpu.memory_space<vmem>> -> memref<40x128xf32, #tpu.memory_space<vmem>>
      tpu.enqueue_dma source(%dma_start3A_100 : memref<40x128xf32, #tpu.memory_space<vmem>>) target(%dma_start3A_97 : memref<40x128xf32, #tpu.memory_space<vmem_shared>>) target_semaphore(%run_scoped3A : memref<!tpu.dma_semaphore, #tpu.memory_space<semaphore_mem>>)
      %dma_wait3A_101 = arith.constant 0 : i32
      %dma_wait3A_102 = arith.constant 0 : i32
      %dma_wait3A_103 = tpu.memref_slice %arg12[%dma_wait3A_101, %dma_wait3A_102] : memref<40x128xf32, #tpu.memory_space<vmem>> -> memref<40x128xf32, #tpu.memory_space<vmem>>
      %dma_wait3A_104 = arith.constant 0 : i32
      %dma_wait3A_105 = tpu.memref_slice %arg14[%add3A_23, %dma_wait3A_104] : memref<10112x128xf32, #tpu.memory_space<vmem_shared>> -> memref<40x128xf32, #tpu.memory_space<vmem_shared>>
      %dma_wait3A_106 = arith.constant 0 : i32
      %dma_wait3A_107 = tpu.memref_slice %arg14[%add3A_23, %dma_wait3A_106] : memref<10112x128xf32, #tpu.memory_space<vmem_shared>> -> memref<40x128xf32, #tpu.memory_space<vmem_shared>>
      %dma_wait3A_108 = arith.constant 0 : i32
      %dma_wait3A_109 = arith.constant 0 : i32
      %dma_wait3A_110 = tpu.memref_slice %arg12[%dma_wait3A_108, %dma_wait3A_109] : memref<40x128xf32, #tpu.memory_space<vmem>> -> memref<40x128xf32, #tpu.memory_space<vmem>>
      tpu.wait_dma2 semaphore(%run_scoped3A : memref<!tpu.dma_semaphore, #tpu.memory_space<semaphore_mem>>) src(%dma_wait3A_110 : memref<40x128xf32, #tpu.memory_space<vmem>>) dst(%dma_wait3A_107 : memref<40x128xf32, #tpu.memory_space<vmem_shared>>)
      tpu.yield
    }) : () -> ()
    %add3A_24 = arith.constant 280 : i32
    %add3A_25 = arith.addi %mul3A_9, %add3A_24 : i32
    "tpu.region"() ({
      %run_scoped3A = tpu.sem_alloc : memref<!tpu.dma_semaphore, #tpu.memory_space<semaphore_mem>>
      %dma_start3A_91 = arith.constant 0 : i32
      %dma_start3A_92 = arith.constant 0 : i32
      %dma_start3A_93 = tpu.memref_slice %arg12[%dma_start3A_91, %dma_start3A_92] : memref<40x128xf32, #tpu.memory_space<vmem>> -> memref<40x128xf32, #tpu.memory_space<vmem>>
      %dma_start3A_94 = arith.constant 0 : i32
      %dma_start3A_95 = tpu.memref_slice %arg14[%add3A_25, %dma_start3A_94] : memref<10112x128xf32, #tpu.memory_space<vmem_shared>> -> memref<40x128xf32, #tpu.memory_space<vmem_shared>>
      %dma_start3A_96 = arith.constant 0 : i32
      %dma_start3A_97 = tpu.memref_slice %arg14[%add3A_25, %dma_start3A_96] : memref<10112x128xf32, #tpu.memory_space<vmem_shared>> -> memref<40x128xf32, #tpu.memory_space<vmem_shared>>
      %dma_start3A_98 = arith.constant 0 : i32
      %dma_start3A_99 = arith.constant 0 : i32
      %dma_start3A_100 = tpu.memref_slice %arg12[%dma_start3A_98, %dma_start3A_99] : memref<40x128xf32, #tpu.memory_space<vmem>> -> memref<40x128xf32, #tpu.memory_space<vmem>>
      tpu.enqueue_dma source(%dma_start3A_100 : memref<40x128xf32, #tpu.memory_space<vmem>>) target(%dma_start3A_97 : memref<40x128xf32, #tpu.memory_space<vmem_shared>>) target_semaphore(%run_scoped3A : memref<!tpu.dma_semaphore, #tpu.memory_space<semaphore_mem>>)
      %dma_wait3A_101 = arith.constant 0 : i32
      %dma_wait3A_102 = arith.constant 0 : i32
      %dma_wait3A_103 = tpu.memref_slice %arg12[%dma_wait3A_101, %dma_wait3A_102] : memref<40x128xf32, #tpu.memory_space<vmem>> -> memref<40x128xf32, #tpu.memory_space<vmem>>
      %dma_wait3A_104 = arith.constant 0 : i32
      %dma_wait3A_105 = tpu.memref_slice %arg14[%add3A_25, %dma_wait3A_104] : memref<10112x128xf32, #tpu.memory_space<vmem_shared>> -> memref<40x128xf32, #tpu.memory_space<vmem_shared>>
      %dma_wait3A_106 = arith.constant 0 : i32
      %dma_wait3A_107 = tpu.memref_slice %arg14[%add3A_25, %dma_wait3A_106] : memref<10112x128xf32, #tpu.memory_space<vmem_shared>> -> memref<40x128xf32, #tpu.memory_space<vmem_shared>>
      %dma_wait3A_108 = arith.constant 0 : i32
      %dma_wait3A_109 = arith.constant 0 : i32
      %dma_wait3A_110 = tpu.memref_slice %arg12[%dma_wait3A_108, %dma_wait3A_109] : memref<40x128xf32, #tpu.memory_space<vmem>> -> memref<40x128xf32, #tpu.memory_space<vmem>>
      tpu.wait_dma2 semaphore(%run_scoped3A : memref<!tpu.dma_semaphore, #tpu.memory_space<semaphore_mem>>) src(%dma_wait3A_110 : memref<40x128xf32, #tpu.memory_space<vmem>>) dst(%dma_wait3A_107 : memref<40x128xf32, #tpu.memory_space<vmem_shared>>)
      tpu.yield
    }) : () -> ()
    %add3A_26 = arith.constant 320 : i32
    %add3A_27 = arith.addi %mul3A_9, %add3A_26 : i32
    "tpu.region"() ({
      %run_scoped3A = tpu.sem_alloc : memref<!tpu.dma_semaphore, #tpu.memory_space<semaphore_mem>>
      %dma_start3A_91 = arith.constant 0 : i32
      %dma_start3A_92 = arith.constant 0 : i32
      %dma_start3A_93 = tpu.memref_slice %arg12[%dma_start3A_91, %dma_start3A_92] : memref<40x128xf32, #tpu.memory_space<vmem>> -> memref<40x128xf32, #tpu.memory_space<vmem>>
      %dma_start3A_94 = arith.constant 0 : i32
      %dma_start3A_95 = tpu.memref_slice %arg14[%add3A_27, %dma_start3A_94] : memref<10112x128xf32, #tpu.memory_space<vmem_shared>> -> memref<40x128xf32, #tpu.memory_space<vmem_shared>>
      %dma_start3A_96 = arith.constant 0 : i32
      %dma_start3A_97 = tpu.memref_slice %arg14[%add3A_27, %dma_start3A_96] : memref<10112x128xf32, #tpu.memory_space<vmem_shared>> -> memref<40x128xf32, #tpu.memory_space<vmem_shared>>
      %dma_start3A_98 = arith.constant 0 : i32
      %dma_start3A_99 = arith.constant 0 : i32
      %dma_start3A_100 = tpu.memref_slice %arg12[%dma_start3A_98, %dma_start3A_99] : memref<40x128xf32, #tpu.memory_space<vmem>> -> memref<40x128xf32, #tpu.memory_space<vmem>>
      tpu.enqueue_dma source(%dma_start3A_100 : memref<40x128xf32, #tpu.memory_space<vmem>>) target(%dma_start3A_97 : memref<40x128xf32, #tpu.memory_space<vmem_shared>>) target_semaphore(%run_scoped3A : memref<!tpu.dma_semaphore, #tpu.memory_space<semaphore_mem>>)
      %dma_wait3A_101 = arith.constant 0 : i32
      %dma_wait3A_102 = arith.constant 0 : i32
      %dma_wait3A_103 = tpu.memref_slice %arg12[%dma_wait3A_101, %dma_wait3A_102] : memref<40x128xf32, #tpu.memory_space<vmem>> -> memref<40x128xf32, #tpu.memory_space<vmem>>
      %dma_wait3A_104 = arith.constant 0 : i32
      %dma_wait3A_105 = tpu.memref_slice %arg14[%add3A_27, %dma_wait3A_104] : memref<10112x128xf32, #tpu.memory_space<vmem_shared>> -> memref<40x128xf32, #tpu.memory_space<vmem_shared>>
      %dma_wait3A_106 = arith.constant 0 : i32
      %dma_wait3A_107 = tpu.memref_slice %arg14[%add3A_27, %dma_wait3A_106] : memref<10112x128xf32, #tpu.memory_space<vmem_shared>> -> memref<40x128xf32, #tpu.memory_space<vmem_shared>>
      %dma_wait3A_108 = arith.constant 0 : i32
      %dma_wait3A_109 = arith.constant 0 : i32
      %dma_wait3A_110 = tpu.memref_slice %arg12[%dma_wait3A_108, %dma_wait3A_109] : memref<40x128xf32, #tpu.memory_space<vmem>> -> memref<40x128xf32, #tpu.memory_space<vmem>>
      tpu.wait_dma2 semaphore(%run_scoped3A : memref<!tpu.dma_semaphore, #tpu.memory_space<semaphore_mem>>) src(%dma_wait3A_110 : memref<40x128xf32, #tpu.memory_space<vmem>>) dst(%dma_wait3A_107 : memref<40x128xf32, #tpu.memory_space<vmem_shared>>)
      tpu.yield
    }) : () -> ()
    %add3A_28 = arith.constant 360 : i32
    %add3A_29 = arith.addi %mul3A_9, %add3A_28 : i32
    "tpu.region"() ({
      %run_scoped3A = tpu.sem_alloc : memref<!tpu.dma_semaphore, #tpu.memory_space<semaphore_mem>>
      %dma_start3A_91 = arith.constant 0 : i32
      %dma_start3A_92 = arith.constant 0 : i32
      %dma_start3A_93 = tpu.memref_slice %arg12[%dma_start3A_91, %dma_start3A_92] : memref<40x128xf32, #tpu.memory_space<vmem>> -> memref<40x128xf32, #tpu.memory_space<vmem>>
      %dma_start3A_94 = arith.constant 0 : i32
      %dma_start3A_95 = tpu.memref_slice %arg14[%add3A_29, %dma_start3A_94] : memref<10112x128xf32, #tpu.memory_space<vmem_shared>> -> memref<40x128xf32, #tpu.memory_space<vmem_shared>>
      %dma_start3A_96 = arith.constant 0 : i32
      %dma_start3A_97 = tpu.memref_slice %arg14[%add3A_29, %dma_start3A_96] : memref<10112x128xf32, #tpu.memory_space<vmem_shared>> -> memref<40x128xf32, #tpu.memory_space<vmem_shared>>
      %dma_start3A_98 = arith.constant 0 : i32
      %dma_start3A_99 = arith.constant 0 : i32
      %dma_start3A_100 = tpu.memref_slice %arg12[%dma_start3A_98, %dma_start3A_99] : memref<40x128xf32, #tpu.memory_space<vmem>> -> memref<40x128xf32, #tpu.memory_space<vmem>>
      tpu.enqueue_dma source(%dma_start3A_100 : memref<40x128xf32, #tpu.memory_space<vmem>>) target(%dma_start3A_97 : memref<40x128xf32, #tpu.memory_space<vmem_shared>>) target_semaphore(%run_scoped3A : memref<!tpu.dma_semaphore, #tpu.memory_space<semaphore_mem>>)
      %dma_wait3A_101 = arith.constant 0 : i32
      %dma_wait3A_102 = arith.constant 0 : i32
      %dma_wait3A_103 = tpu.memref_slice %arg12[%dma_wait3A_101, %dma_wait3A_102] : memref<40x128xf32, #tpu.memory_space<vmem>> -> memref<40x128xf32, #tpu.memory_space<vmem>>
      %dma_wait3A_104 = arith.constant 0 : i32
      %dma_wait3A_105 = tpu.memref_slice %arg14[%add3A_29, %dma_wait3A_104] : memref<10112x128xf32, #tpu.memory_space<vmem_shared>> -> memref<40x128xf32, #tpu.memory_space<vmem_shared>>
      %dma_wait3A_106 = arith.constant 0 : i32
      %dma_wait3A_107 = tpu.memref_slice %arg14[%add3A_29, %dma_wait3A_106] : memref<10112x128xf32, #tpu.memory_space<vmem_shared>> -> memref<40x128xf32, #tpu.memory_space<vmem_shared>>
      %dma_wait3A_108 = arith.constant 0 : i32
      %dma_wait3A_109 = arith.constant 0 : i32
      %dma_wait3A_110 = tpu.memref_slice %arg12[%dma_wait3A_108, %dma_wait3A_109] : memref<40x128xf32, #tpu.memory_space<vmem>> -> memref<40x128xf32, #tpu.memory_space<vmem>>
      tpu.wait_dma2 semaphore(%run_scoped3A : memref<!tpu.dma_semaphore, #tpu.memory_space<semaphore_mem>>) src(%dma_wait3A_110 : memref<40x128xf32, #tpu.memory_space<vmem>>) dst(%dma_wait3A_107 : memref<40x128xf32, #tpu.memory_space<vmem_shared>>)
      tpu.yield
    }) : () -> ()
    %add3A_30 = arith.constant 400 : i32
    %add3A_31 = arith.addi %mul3A_9, %add3A_30 : i32
    "tpu.region"() ({
      %run_scoped3A = tpu.sem_alloc : memref<!tpu.dma_semaphore, #tpu.memory_space<semaphore_mem>>
      %dma_start3A_91 = arith.constant 0 : i32
      %dma_start3A_92 = arith.constant 0 : i32
      %dma_start3A_93 = tpu.memref_slice %arg12[%dma_start3A_91, %dma_start3A_92] : memref<40x128xf32, #tpu.memory_space<vmem>> -> memref<40x128xf32, #tpu.memory_space<vmem>>
      %dma_start3A_94 = arith.constant 0 : i32
      %dma_start3A_95 = tpu.memref_slice %arg14[%add3A_31, %dma_start3A_94] : memref<10112x128xf32, #tpu.memory_space<vmem_shared>> -> memref<40x128xf32, #tpu.memory_space<vmem_shared>>
      %dma_start3A_96 = arith.constant 0 : i32
      %dma_start3A_97 = tpu.memref_slice %arg14[%add3A_31, %dma_start3A_96] : memref<10112x128xf32, #tpu.memory_space<vmem_shared>> -> memref<40x128xf32, #tpu.memory_space<vmem_shared>>
      %dma_start3A_98 = arith.constant 0 : i32
      %dma_start3A_99 = arith.constant 0 : i32
      %dma_start3A_100 = tpu.memref_slice %arg12[%dma_start3A_98, %dma_start3A_99] : memref<40x128xf32, #tpu.memory_space<vmem>> -> memref<40x128xf32, #tpu.memory_space<vmem>>
      tpu.enqueue_dma source(%dma_start3A_100 : memref<40x128xf32, #tpu.memory_space<vmem>>) target(%dma_start3A_97 : memref<40x128xf32, #tpu.memory_space<vmem_shared>>) target_semaphore(%run_scoped3A : memref<!tpu.dma_semaphore, #tpu.memory_space<semaphore_mem>>)
      %dma_wait3A_101 = arith.constant 0 : i32
      %dma_wait3A_102 = arith.constant 0 : i32
      %dma_wait3A_103 = tpu.memref_slice %arg12[%dma_wait3A_101, %dma_wait3A_102] : memref<40x128xf32, #tpu.memory_space<vmem>> -> memref<40x128xf32, #tpu.memory_space<vmem>>
      %dma_wait3A_104 = arith.constant 0 : i32
      %dma_wait3A_105 = tpu.memref_slice %arg14[%add3A_31, %dma_wait3A_104] : memref<10112x128xf32, #tpu.memory_space<vmem_shared>> -> memref<40x128xf32, #tpu.memory_space<vmem_shared>>
      %dma_wait3A_106 = arith.constant 0 : i32
      %dma_wait3A_107 = tpu.memref_slice %arg14[%add3A_31, %dma_wait3A_106] : memref<10112x128xf32, #tpu.memory_space<vmem_shared>> -> memref<40x128xf32, #tpu.memory_space<vmem_shared>>
      %dma_wait3A_108 = arith.constant 0 : i32
      %dma_wait3A_109 = arith.constant 0 : i32
      %dma_wait3A_110 = tpu.memref_slice %arg12[%dma_wait3A_108, %dma_wait3A_109] : memref<40x128xf32, #tpu.memory_space<vmem>> -> memref<40x128xf32, #tpu.memory_space<vmem>>
      tpu.wait_dma2 semaphore(%run_scoped3A : memref<!tpu.dma_semaphore, #tpu.memory_space<semaphore_mem>>) src(%dma_wait3A_110 : memref<40x128xf32, #tpu.memory_space<vmem>>) dst(%dma_wait3A_107 : memref<40x128xf32, #tpu.memory_space<vmem_shared>>)
      tpu.yield
    }) : () -> ()
    %add3A_32 = arith.constant 440 : i32
    %add3A_33 = arith.addi %mul3A_9, %add3A_32 : i32
    "tpu.region"() ({
      %run_scoped3A = tpu.sem_alloc : memref<!tpu.dma_semaphore, #tpu.memory_space<semaphore_mem>>
      %dma_start3A_91 = arith.constant 0 : i32
      %dma_start3A_92 = arith.constant 0 : i32
      %dma_start3A_93 = tpu.memref_slice %arg12[%dma_start3A_91, %dma_start3A_92] : memref<40x128xf32, #tpu.memory_space<vmem>> -> memref<40x128xf32, #tpu.memory_space<vmem>>
      %dma_start3A_94 = arith.constant 0 : i32
      %dma_start3A_95 = tpu.memref_slice %arg14[%add3A_33, %dma_start3A_94] : memref<10112x128xf32, #tpu.memory_space<vmem_shared>> -> memref<40x128xf32, #tpu.memory_space<vmem_shared>>
      %dma_start3A_96 = arith.constant 0 : i32
      %dma_start3A_97 = tpu.memref_slice %arg14[%add3A_33, %dma_start3A_96] : memref<10112x128xf32, #tpu.memory_space<vmem_shared>> -> memref<40x128xf32, #tpu.memory_space<vmem_shared>>
      %dma_start3A_98 = arith.constant 0 : i32
      %dma_start3A_99 = arith.constant 0 : i32
      %dma_start3A_100 = tpu.memref_slice %arg12[%dma_start3A_98, %dma_start3A_99] : memref<40x128xf32, #tpu.memory_space<vmem>> -> memref<40x128xf32, #tpu.memory_space<vmem>>
      tpu.enqueue_dma source(%dma_start3A_100 : memref<40x128xf32, #tpu.memory_space<vmem>>) target(%dma_start3A_97 : memref<40x128xf32, #tpu.memory_space<vmem_shared>>) target_semaphore(%run_scoped3A : memref<!tpu.dma_semaphore, #tpu.memory_space<semaphore_mem>>)
      %dma_wait3A_101 = arith.constant 0 : i32
      %dma_wait3A_102 = arith.constant 0 : i32
      %dma_wait3A_103 = tpu.memref_slice %arg12[%dma_wait3A_101, %dma_wait3A_102] : memref<40x128xf32, #tpu.memory_space<vmem>> -> memref<40x128xf32, #tpu.memory_space<vmem>>
      %dma_wait3A_104 = arith.constant 0 : i32
      %dma_wait3A_105 = tpu.memref_slice %arg14[%add3A_33, %dma_wait3A_104] : memref<10112x128xf32, #tpu.memory_space<vmem_shared>> -> memref<40x128xf32, #tpu.memory_space<vmem_shared>>
      %dma_wait3A_106 = arith.constant 0 : i32
      %dma_wait3A_107 = tpu.memref_slice %arg14[%add3A_33, %dma_wait3A_106] : memref<10112x128xf32, #tpu.memory_space<vmem_shared>> -> memref<40x128xf32, #tpu.memory_space<vmem_shared>>
      %dma_wait3A_108 = arith.constant 0 : i32
      %dma_wait3A_109 = arith.constant 0 : i32
      %dma_wait3A_110 = tpu.memref_slice %arg12[%dma_wait3A_108, %dma_wait3A_109] : memref<40x128xf32, #tpu.memory_space<vmem>> -> memref<40x128xf32, #tpu.memory_space<vmem>>
      tpu.wait_dma2 semaphore(%run_scoped3A : memref<!tpu.dma_semaphore, #tpu.memory_space<semaphore_mem>>) src(%dma_wait3A_110 : memref<40x128xf32, #tpu.memory_space<vmem>>) dst(%dma_wait3A_107 : memref<40x128xf32, #tpu.memory_space<vmem_shared>>)
      tpu.yield
    }) : () -> ()
    %add3A_34 = arith.constant 480 : i32
    %add3A_35 = arith.addi %mul3A_9, %add3A_34 : i32
    "tpu.region"() ({
      %run_scoped3A = tpu.sem_alloc : memref<!tpu.dma_semaphore, #tpu.memory_space<semaphore_mem>>
      %dma_start3A_91 = arith.constant 0 : i32
      %dma_start3A_92 = arith.constant 0 : i32
      %dma_start3A_93 = tpu.memref_slice %arg12[%dma_start3A_91, %dma_start3A_92] : memref<40x128xf32, #tpu.memory_space<vmem>> -> memref<40x128xf32, #tpu.memory_space<vmem>>
      %dma_start3A_94 = arith.constant 0 : i32
      %dma_start3A_95 = tpu.memref_slice %arg14[%add3A_35, %dma_start3A_94] : memref<10112x128xf32, #tpu.memory_space<vmem_shared>> -> memref<40x128xf32, #tpu.memory_space<vmem_shared>>
      %dma_start3A_96 = arith.constant 0 : i32
      %dma_start3A_97 = tpu.memref_slice %arg14[%add3A_35, %dma_start3A_96] : memref<10112x128xf32, #tpu.memory_space<vmem_shared>> -> memref<40x128xf32, #tpu.memory_space<vmem_shared>>
      %dma_start3A_98 = arith.constant 0 : i32
      %dma_start3A_99 = arith.constant 0 : i32
      %dma_start3A_100 = tpu.memref_slice %arg12[%dma_start3A_98, %dma_start3A_99] : memref<40x128xf32, #tpu.memory_space<vmem>> -> memref<40x128xf32, #tpu.memory_space<vmem>>
      tpu.enqueue_dma source(%dma_start3A_100 : memref<40x128xf32, #tpu.memory_space<vmem>>) target(%dma_start3A_97 : memref<40x128xf32, #tpu.memory_space<vmem_shared>>) target_semaphore(%run_scoped3A : memref<!tpu.dma_semaphore, #tpu.memory_space<semaphore_mem>>)
      %dma_wait3A_101 = arith.constant 0 : i32
      %dma_wait3A_102 = arith.constant 0 : i32
      %dma_wait3A_103 = tpu.memref_slice %arg12[%dma_wait3A_101, %dma_wait3A_102] : memref<40x128xf32, #tpu.memory_space<vmem>> -> memref<40x128xf32, #tpu.memory_space<vmem>>
      %dma_wait3A_104 = arith.constant 0 : i32
      %dma_wait3A_105 = tpu.memref_slice %arg14[%add3A_35, %dma_wait3A_104] : memref<10112x128xf32, #tpu.memory_space<vmem_shared>> -> memref<40x128xf32, #tpu.memory_space<vmem_shared>>
      %dma_wait3A_106 = arith.constant 0 : i32
      %dma_wait3A_107 = tpu.memref_slice %arg14[%add3A_35, %dma_wait3A_106] : memref<10112x128xf32, #tpu.memory_space<vmem_shared>> -> memref<40x128xf32, #tpu.memory_space<vmem_shared>>
      %dma_wait3A_108 = arith.constant 0 : i32
      %dma_wait3A_109 = arith.constant 0 : i32
      %dma_wait3A_110 = tpu.memref_slice %arg12[%dma_wait3A_108, %dma_wait3A_109] : memref<40x128xf32, #tpu.memory_space<vmem>> -> memref<40x128xf32, #tpu.memory_space<vmem>>
      tpu.wait_dma2 semaphore(%run_scoped3A : memref<!tpu.dma_semaphore, #tpu.memory_space<semaphore_mem>>) src(%dma_wait3A_110 : memref<40x128xf32, #tpu.memory_space<vmem>>) dst(%dma_wait3A_107 : memref<40x128xf32, #tpu.memory_space<vmem_shared>>)
      tpu.yield
    }) : () -> ()
    %add3A_36 = arith.constant 520 : i32
    %add3A_37 = arith.addi %mul3A_9, %add3A_36 : i32
    "tpu.region"() ({
      %run_scoped3A = tpu.sem_alloc : memref<!tpu.dma_semaphore, #tpu.memory_space<semaphore_mem>>
      %dma_start3A_91 = arith.constant 0 : i32
      %dma_start3A_92 = arith.constant 0 : i32
      %dma_start3A_93 = tpu.memref_slice %arg12[%dma_start3A_91, %dma_start3A_92] : memref<40x128xf32, #tpu.memory_space<vmem>> -> memref<40x128xf32, #tpu.memory_space<vmem>>
      %dma_start3A_94 = arith.constant 0 : i32
      %dma_start3A_95 = tpu.memref_slice %arg14[%add3A_37, %dma_start3A_94] : memref<10112x128xf32, #tpu.memory_space<vmem_shared>> -> memref<40x128xf32, #tpu.memory_space<vmem_shared>>
      %dma_start3A_96 = arith.constant 0 : i32
      %dma_start3A_97 = tpu.memref_slice %arg14[%add3A_37, %dma_start3A_96] : memref<10112x128xf32, #tpu.memory_space<vmem_shared>> -> memref<40x128xf32, #tpu.memory_space<vmem_shared>>
      %dma_start3A_98 = arith.constant 0 : i32
      %dma_start3A_99 = arith.constant 0 : i32
      %dma_start3A_100 = tpu.memref_slice %arg12[%dma_start3A_98, %dma_start3A_99] : memref<40x128xf32, #tpu.memory_space<vmem>> -> memref<40x128xf32, #tpu.memory_space<vmem>>
      tpu.enqueue_dma source(%dma_start3A_100 : memref<40x128xf32, #tpu.memory_space<vmem>>) target(%dma_start3A_97 : memref<40x128xf32, #tpu.memory_space<vmem_shared>>) target_semaphore(%run_scoped3A : memref<!tpu.dma_semaphore, #tpu.memory_space<semaphore_mem>>)
      %dma_wait3A_101 = arith.constant 0 : i32
      %dma_wait3A_102 = arith.constant 0 : i32
      %dma_wait3A_103 = tpu.memref_slice %arg12[%dma_wait3A_101, %dma_wait3A_102] : memref<40x128xf32, #tpu.memory_space<vmem>> -> memref<40x128xf32, #tpu.memory_space<vmem>>
      %dma_wait3A_104 = arith.constant 0 : i32
      %dma_wait3A_105 = tpu.memref_slice %arg14[%add3A_37, %dma_wait3A_104] : memref<10112x128xf32, #tpu.memory_space<vmem_shared>> -> memref<40x128xf32, #tpu.memory_space<vmem_shared>>
      %dma_wait3A_106 = arith.constant 0 : i32
      %dma_wait3A_107 = tpu.memref_slice %arg14[%add3A_37, %dma_wait3A_106] : memref<10112x128xf32, #tpu.memory_space<vmem_shared>> -> memref<40x128xf32, #tpu.memory_space<vmem_shared>>
      %dma_wait3A_108 = arith.constant 0 : i32
      %dma_wait3A_109 = arith.constant 0 : i32
      %dma_wait3A_110 = tpu.memref_slice %arg12[%dma_wait3A_108, %dma_wait3A_109] : memref<40x128xf32, #tpu.memory_space<vmem>> -> memref<40x128xf32, #tpu.memory_space<vmem>>
      tpu.wait_dma2 semaphore(%run_scoped3A : memref<!tpu.dma_semaphore, #tpu.memory_space<semaphore_mem>>) src(%dma_wait3A_110 : memref<40x128xf32, #tpu.memory_space<vmem>>) dst(%dma_wait3A_107 : memref<40x128xf32, #tpu.memory_space<vmem_shared>>)
      tpu.yield
    }) : () -> ()
    %add3A_38 = arith.constant 560 : i32
    %add3A_39 = arith.addi %mul3A_9, %add3A_38 : i32
    "tpu.region"() ({
      %run_scoped3A = tpu.sem_alloc : memref<!tpu.dma_semaphore, #tpu.memory_space<semaphore_mem>>
      %dma_start3A_91 = arith.constant 0 : i32
      %dma_start3A_92 = arith.constant 0 : i32
      %dma_start3A_93 = tpu.memref_slice %arg12[%dma_start3A_91, %dma_start3A_92] : memref<40x128xf32, #tpu.memory_space<vmem>> -> memref<40x128xf32, #tpu.memory_space<vmem>>
      %dma_start3A_94 = arith.constant 0 : i32
      %dma_start3A_95 = tpu.memref_slice %arg14[%add3A_39, %dma_start3A_94] : memref<10112x128xf32, #tpu.memory_space<vmem_shared>> -> memref<40x128xf32, #tpu.memory_space<vmem_shared>>
      %dma_start3A_96 = arith.constant 0 : i32
      %dma_start3A_97 = tpu.memref_slice %arg14[%add3A_39, %dma_start3A_96] : memref<10112x128xf32, #tpu.memory_space<vmem_shared>> -> memref<40x128xf32, #tpu.memory_space<vmem_shared>>
      %dma_start3A_98 = arith.constant 0 : i32
      %dma_start3A_99 = arith.constant 0 : i32
      %dma_start3A_100 = tpu.memref_slice %arg12[%dma_start3A_98, %dma_start3A_99] : memref<40x128xf32, #tpu.memory_space<vmem>> -> memref<40x128xf32, #tpu.memory_space<vmem>>
      tpu.enqueue_dma source(%dma_start3A_100 : memref<40x128xf32, #tpu.memory_space<vmem>>) target(%dma_start3A_97 : memref<40x128xf32, #tpu.memory_space<vmem_shared>>) target_semaphore(%run_scoped3A : memref<!tpu.dma_semaphore, #tpu.memory_space<semaphore_mem>>)
      %dma_wait3A_101 = arith.constant 0 : i32
      %dma_wait3A_102 = arith.constant 0 : i32
      %dma_wait3A_103 = tpu.memref_slice %arg12[%dma_wait3A_101, %dma_wait3A_102] : memref<40x128xf32, #tpu.memory_space<vmem>> -> memref<40x128xf32, #tpu.memory_space<vmem>>
      %dma_wait3A_104 = arith.constant 0 : i32
      %dma_wait3A_105 = tpu.memref_slice %arg14[%add3A_39, %dma_wait3A_104] : memref<10112x128xf32, #tpu.memory_space<vmem_shared>> -> memref<40x128xf32, #tpu.memory_space<vmem_shared>>
      %dma_wait3A_106 = arith.constant 0 : i32
      %dma_wait3A_107 = tpu.memref_slice %arg14[%add3A_39, %dma_wait3A_106] : memref<10112x128xf32, #tpu.memory_space<vmem_shared>> -> memref<40x128xf32, #tpu.memory_space<vmem_shared>>
      %dma_wait3A_108 = arith.constant 0 : i32
      %dma_wait3A_109 = arith.constant 0 : i32
      %dma_wait3A_110 = tpu.memref_slice %arg12[%dma_wait3A_108, %dma_wait3A_109] : memref<40x128xf32, #tpu.memory_space<vmem>> -> memref<40x128xf32, #tpu.memory_space<vmem>>
      tpu.wait_dma2 semaphore(%run_scoped3A : memref<!tpu.dma_semaphore, #tpu.memory_space<semaphore_mem>>) src(%dma_wait3A_110 : memref<40x128xf32, #tpu.memory_space<vmem>>) dst(%dma_wait3A_107 : memref<40x128xf32, #tpu.memory_space<vmem_shared>>)
      tpu.yield
    }) : () -> ()
    %add3A_40 = arith.constant 600 : i32
    %add3A_41 = arith.addi %mul3A_9, %add3A_40 : i32
    "tpu.region"() ({
      %run_scoped3A = tpu.sem_alloc : memref<!tpu.dma_semaphore, #tpu.memory_space<semaphore_mem>>
      %dma_start3A_91 = arith.constant 0 : i32
      %dma_start3A_92 = arith.constant 0 : i32
      %dma_start3A_93 = tpu.memref_slice %arg12[%dma_start3A_91, %dma_start3A_92] : memref<40x128xf32, #tpu.memory_space<vmem>> -> memref<32x128xf32, #tpu.memory_space<vmem>>
      %dma_start3A_94 = arith.constant 0 : i32
      %dma_start3A_95 = tpu.memref_slice %arg14[%add3A_41, %dma_start3A_94] : memref<10112x128xf32, #tpu.memory_space<vmem_shared>> -> memref<32x128xf32, #tpu.memory_space<vmem_shared>>
      %dma_start3A_96 = arith.constant 0 : i32
      %dma_start3A_97 = tpu.memref_slice %arg14[%add3A_41, %dma_start3A_96] : memref<10112x128xf32, #tpu.memory_space<vmem_shared>> -> memref<32x128xf32, #tpu.memory_space<vmem_shared>>
      %dma_start3A_98 = arith.constant 0 : i32
      %dma_start3A_99 = arith.constant 0 : i32
      %dma_start3A_100 = tpu.memref_slice %arg12[%dma_start3A_98, %dma_start3A_99] : memref<40x128xf32, #tpu.memory_space<vmem>> -> memref<32x128xf32, #tpu.memory_space<vmem>>
      tpu.enqueue_dma source(%dma_start3A_100 : memref<32x128xf32, #tpu.memory_space<vmem>>) target(%dma_start3A_97 : memref<32x128xf32, #tpu.memory_space<vmem_shared>>) target_semaphore(%run_scoped3A : memref<!tpu.dma_semaphore, #tpu.memory_space<semaphore_mem>>)
      %dma_wait3A_101 = arith.constant 0 : i32
      %dma_wait3A_102 = arith.constant 0 : i32
      %dma_wait3A_103 = tpu.memref_slice %arg12[%dma_wait3A_101, %dma_wait3A_102] : memref<40x128xf32, #tpu.memory_space<vmem>> -> memref<32x128xf32, #tpu.memory_space<vmem>>
      %dma_wait3A_104 = arith.constant 0 : i32
      %dma_wait3A_105 = tpu.memref_slice %arg14[%add3A_41, %dma_wait3A_104] : memref<10112x128xf32, #tpu.memory_space<vmem_shared>> -> memref<32x128xf32, #tpu.memory_space<vmem_shared>>
      %dma_wait3A_106 = arith.constant 0 : i32
      %dma_wait3A_107 = tpu.memref_slice %arg14[%add3A_41, %dma_wait3A_106] : memref<10112x128xf32, #tpu.memory_space<vmem_shared>> -> memref<32x128xf32, #tpu.memory_space<vmem_shared>>
      %dma_wait3A_108 = arith.constant 0 : i32
      %dma_wait3A_109 = arith.constant 0 : i32
      %dma_wait3A_110 = tpu.memref_slice %arg12[%dma_wait3A_108, %dma_wait3A_109] : memref<40x128xf32, #tpu.memory_space<vmem>> -> memref<32x128xf32, #tpu.memory_space<vmem>>
      tpu.wait_dma2 semaphore(%run_scoped3A : memref<!tpu.dma_semaphore, #tpu.memory_space<semaphore_mem>>) src(%dma_wait3A_110 : memref<32x128xf32, #tpu.memory_space<vmem>>) dst(%dma_wait3A_107 : memref<32x128xf32, #tpu.memory_space<vmem_shared>>)
      tpu.yield
    }) : () -> ()
    %barrier3A = arith.constant 0 : index
    tpu.barrier barrier_id(%barrier3A)
    %mul3A_42 = arith.constant 5000 : i32
    %mul3A_43 = arith.muli %add3A, %mul3A_42 : i32
    %add3A_44 = arith.constant 0 : i32
    %add3A_45 = arith.addi %mul3A_43, %add3A_44 : i32
    %mul3A_46 = arith.constant 5000 : i32
    %mul3A_47 = arith.muli %add3A, %mul3A_46 : i32
    %add3A_48 = arith.constant 0 : i32
    %add3A_49 = arith.addi %add3A_48, %mul3A_47 : i32
    %add3A_50 = arith.constant 0 : i32
    %add3A_51 = arith.addi %add3A_49, %add3A_50 : i32
    "tpu.region"() ({
      %run_scoped3A = tpu.sem_alloc : memref<!tpu.dma_semaphore, #tpu.memory_space<semaphore_mem>>
      %dma_start3A_91 = tpu.memref_slice %arg5[%add3A_51] : memref<320000xi32, #tpu.memory_space<hbm>> -> memref<5000xi32, #tpu.memory_space<hbm>>
      %dma_start3A_92 = tpu.memref_slice %arg5[%add3A_51] : memref<320000xi32, #tpu.memory_space<hbm>> -> memref<5000xi32, #tpu.memory_space<hbm>>
      tpu.enqueue_dma source(%dma_start3A_92 : memref<5000xi32, #tpu.memory_space<hbm>>) target(%arg7 : memref<5000xi32, #tpu.memory_space<vmem>>) target_semaphore(%run_scoped3A : memref<!tpu.dma_semaphore, #tpu.memory_space<semaphore_mem>>)
      %dma_wait3A_93 = tpu.memref_slice %arg5[%add3A_51] : memref<320000xi32, #tpu.memory_space<hbm>> -> memref<5000xi32, #tpu.memory_space<hbm>>
      %dma_wait3A_94 = tpu.memref_slice %arg5[%add3A_51] : memref<320000xi32, #tpu.memory_space<hbm>> -> memref<5000xi32, #tpu.memory_space<hbm>>
      tpu.wait_dma2 semaphore(%run_scoped3A : memref<!tpu.dma_semaphore, #tpu.memory_space<semaphore_mem>>) src(%dma_wait3A_94 : memref<5000xi32, #tpu.memory_space<hbm>>) dst(%arg7 : memref<5000xi32, #tpu.memory_space<vmem>>)
      tpu.yield
    }) : () -> ()
    %dma_start3A = arith.constant 0 : i32
    %dma_start3A_52 = tpu.memref_slice %arg7[%dma_start3A] : memref<5000xi32, #tpu.memory_space<vmem>> -> memref<40xi32, #tpu.memory_space<vmem>>
    %dma_start3A_53 = arith.constant 0 : i32
    %dma_start3A_54 = arith.constant 0 : i32
    %dma_start3A_55 = tpu.memref_slice %arg2[%dma_start3A_53, %dma_start3A_54] : memref<10000x128xf32, #tpu.memory_space<hbm>> -> memref<10000x128xf32, #tpu.memory_space<hbm>>
    tpu.enqueue_indirect_dma source(%dma_start3A_55 : memref<10000x128xf32, #tpu.memory_space<hbm>>) target(%arg12 : memref<40x128xf32, #tpu.memory_space<vmem>>) offsets(%dma_start3A_52 : memref<40xi32, #tpu.memory_space<vmem>>) semaphore(%arg15 : memref<!tpu.dma_semaphore, #tpu.memory_space<semaphore_mem>>)
    %add3A_56 = arith.constant 0 : i32
    %add3A_57 = arith.addi %add3A_45, %add3A_56 : i32
    %dma_start3A_58 = arith.constant 0 : i32
    %dma_start3A_59 = tpu.memref_slice %arg3[%add3A_57, %dma_start3A_58] : memref<160000x128xf32, #tpu.memory_space<hbm>> -> memref<40x128xf32, #tpu.memory_space<hbm>>
    %dma_start3A_60 = arith.constant 0 : i32
    %dma_start3A_61 = tpu.memref_slice %arg3[%add3A_57, %dma_start3A_60] : memref<160000x128xf32, #tpu.memory_space<hbm>> -> memref<40x128xf32, #tpu.memory_space<hbm>>
    tpu.enqueue_dma source(%dma_start3A_61 : memref<40x128xf32, #tpu.memory_space<hbm>>) target(%arg10 : memref<40x128xf32, #tpu.memory_space<vmem>>) target_semaphore(%arg17 : memref<!tpu.dma_semaphore, #tpu.memory_space<semaphore_mem>>)
    %add3A_62 = arith.constant 0 : i32
    %add3A_63 = arith.addi %add3A_51, %add3A_62 : i32
    %dma_start3A_64 = tpu.memref_slice %arg4[%add3A_63] : memref<320000xi32, #tpu.memory_space<hbm>> -> memref<40xi32, #tpu.memory_space<hbm>>
    %dma_start3A_65 = tpu.memref_slice %arg4[%add3A_63] : memref<320000xi32, #tpu.memory_space<hbm>> -> memref<40xi32, #tpu.memory_space<hbm>>
    tpu.enqueue_dma source(%dma_start3A_65 : memref<40xi32, #tpu.memory_space<hbm>>) target(%arg8 : memref<40xi32, #tpu.memory_space<vmem>>) target_semaphore(%arg19 : memref<!tpu.dma_semaphore, #tpu.memory_space<semaphore_mem>>)
    %scan3A_66 = arith.constant 0 : i32
    %scan3A_67 = arith.constant 0 : i32
    %scan3A_68 = arith.constant 62 : i32
    %scan3A_69 = arith.addi %scan3A_67, %scan3A_68 : i32
    %scan3A_70 = arith.constant 1 : i32
    %scan3A_71 = scf.for %scan3A_91 = %scan3A_67 to %scan3A_69 step %scan3A_70 iter_args(%scan3A_92 = %scan3A_66) -> (i32)  : i32 {
      %mul3A_93 = arith.constant 2 : i32
      %mul3A_94 = arith.muli %mul3A_93, %scan3A_91 : i32
      %add3A_95 = arith.constant 1 : i32
      %add3A_96 = arith.addi %mul3A_94, %add3A_95 : i32
      %mul3A_97 = arith.constant 40 : i32
      %mul3A_98 = arith.muli %add3A_96, %mul3A_97 : i32
      %dma_start3A_99 = tpu.memref_slice %arg7[%mul3A_98] : memref<5000xi32, #tpu.memory_space<vmem>> -> memref<40xi32, #tpu.memory_space<vmem>>
      %dma_start3A_100 = arith.constant 0 : i32
      %dma_start3A_101 = arith.constant 0 : i32
      %dma_start3A_102 = tpu.memref_slice %arg2[%dma_start3A_100, %dma_start3A_101] : memref<10000x128xf32, #tpu.memory_space<hbm>> -> memref<10000x128xf32, #tpu.memory_space<hbm>>
      tpu.enqueue_indirect_dma source(%dma_start3A_102 : memref<10000x128xf32, #tpu.memory_space<hbm>>) target(%arg13 : memref<40x128xf32, #tpu.memory_space<vmem>>) offsets(%dma_start3A_99 : memref<40xi32, #tpu.memory_space<vmem>>) semaphore(%arg16 : memref<!tpu.dma_semaphore, #tpu.memory_space<semaphore_mem>>)
      %mul3A_103 = arith.constant 40 : i32
      %mul3A_104 = arith.muli %add3A_96, %mul3A_103 : i32
      %add3A_105 = arith.addi %add3A_45, %mul3A_104 : i32
      %dma_start3A_106 = arith.constant 0 : i32
      %dma_start3A_107 = tpu.memref_slice %arg3[%add3A_105, %dma_start3A_106] : memref<160000x128xf32, #tpu.memory_space<hbm>> -> memref<40x128xf32, #tpu.memory_space<hbm>>
      %dma_start3A_108 = arith.constant 0 : i32
      %dma_start3A_109 = tpu.memref_slice %arg3[%add3A_105, %dma_start3A_108] : memref<160000x128xf32, #tpu.memory_space<hbm>> -> memref<40x128xf32, #tpu.memory_space<hbm>>
      tpu.enqueue_dma source(%dma_start3A_109 : memref<40x128xf32, #tpu.memory_space<hbm>>) target(%arg11 : memref<40x128xf32, #tpu.memory_space<vmem>>) target_semaphore(%arg18 : memref<!tpu.dma_semaphore, #tpu.memory_space<semaphore_mem>>)
      %mul3A_110 = arith.constant 40 : i32
      %mul3A_111 = arith.muli %add3A_96, %mul3A_110 : i32
      %add3A_112 = arith.addi %add3A_51, %mul3A_111 : i32
      %dma_start3A_113 = tpu.memref_slice %arg4[%add3A_112] : memref<320000xi32, #tpu.memory_space<hbm>> -> memref<40xi32, #tpu.memory_space<hbm>>
      %dma_start3A_114 = tpu.memref_slice %arg4[%add3A_112] : memref<320000xi32, #tpu.memory_space<hbm>> -> memref<40xi32, #tpu.memory_space<hbm>>
      tpu.enqueue_dma source(%dma_start3A_114 : memref<40xi32, #tpu.memory_space<hbm>>) target(%arg9 : memref<40xi32, #tpu.memory_space<vmem>>) target_semaphore(%arg20 : memref<!tpu.dma_semaphore, #tpu.memory_space<semaphore_mem>>)
      %dma_wait3A_115 = arith.constant 0 : i32
      %dma_wait3A_116 = arith.constant 0 : i32
      %dma_wait3A_117 = tpu.memref_slice %arg2[%dma_wait3A_115, %dma_wait3A_116] : memref<10000x128xf32, #tpu.memory_space<hbm>> -> memref<40x128xf32, #tpu.memory_space<hbm>>
      %dma_wait3A_118 = arith.constant 0 : i32
      %dma_wait3A_119 = arith.constant 0 : i32
      %dma_wait3A_120 = tpu.memref_slice %arg2[%dma_wait3A_118, %dma_wait3A_119] : memref<10000x128xf32, #tpu.memory_space<hbm>> -> memref<40x128xf32, #tpu.memory_space<hbm>>
      tpu.wait_dma2 semaphore(%arg15 : memref<!tpu.dma_semaphore, #tpu.memory_space<semaphore_mem>>) src(%dma_wait3A_120 : memref<40x128xf32, #tpu.memory_space<hbm>>) dst(%arg12 : memref<40x128xf32, #tpu.memory_space<vmem>>)
      %dma_wait3A_121 = arith.constant 0 : i32
      %dma_wait3A_122 = arith.constant 0 : i32
      %dma_wait3A_123 = tpu.memref_slice %arg3[%dma_wait3A_121, %dma_wait3A_122] : memref<160000x128xf32, #tpu.memory_space<hbm>> -> memref<40x128xf32, #tpu.memory_space<hbm>>
      %dma_wait3A_124 = arith.constant 0 : i32
      %dma_wait3A_125 = arith.constant 0 : i32
      %dma_wait3A_126 = tpu.memref_slice %arg3[%dma_wait3A_124, %dma_wait3A_125] : memref<160000x128xf32, #tpu.memory_space<hbm>> -> memref<40x128xf32, #tpu.memory_space<hbm>>
      tpu.wait_dma2 semaphore(%arg17 : memref<!tpu.dma_semaphore, #tpu.memory_space<semaphore_mem>>) src(%dma_wait3A_126 : memref<40x128xf32, #tpu.memory_space<hbm>>) dst(%arg10 : memref<40x128xf32, #tpu.memory_space<vmem>>)
      %dma_wait3A_127 = arith.constant 0 : i32
      %dma_wait3A_128 = tpu.memref_slice %arg4[%dma_wait3A_127] : memref<320000xi32, #tpu.memory_space<hbm>> -> memref<40xi32, #tpu.memory_space<hbm>>
      %dma_wait3A_129 = arith.constant 0 : i32
      %dma_wait3A_130 = tpu.memref_slice %arg4[%dma_wait3A_129] : memref<320000xi32, #tpu.memory_space<hbm>> -> memref<40xi32, #tpu.memory_space<hbm>>
      tpu.wait_dma2 semaphore(%arg19 : memref<!tpu.dma_semaphore, #tpu.memory_space<semaphore_mem>>) src(%dma_wait3A_130 : memref<40xi32, #tpu.memory_space<hbm>>) dst(%arg8 : memref<40xi32, #tpu.memory_space<vmem>>)
      %parallel_loop3A_131 = arith.constant 0 : i32
      %parallel_loop3A_132 = arith.constant 40 : i32
      %parallel_loop3A_133 = arith.constant 1 : i32
      scf.for %parallel_loop3A_174 = %parallel_loop3A_131 to %parallel_loop3A_132 step %parallel_loop3A_133  : i32 {
        %parallel_loop3A_175 = arith.index_cast %parallel_loop3A_174 : i32 to index
        %parallel_loop3A_176 = arith.constant 0 : index
        %parallel_loop3A_177 = tpu.vector_load %arg12[%parallel_loop3A_175, %parallel_loop3A_176] {strides = array<i32>} : memref<40x128xf32, #tpu.memory_space<vmem>>, vector<1x16xf32>,
        %parallel_loop3A_178 = vector.shape_cast %parallel_loop3A_177 : vector<1x16xf32> to vector<16xf32>
        %parallel_loop3A_179 = arith.index_cast %parallel_loop3A_174 : i32 to index
        %parallel_loop3A_180 = arith.constant 0 : index
        %parallel_loop3A_181 = tpu.vector_load %arg10[%parallel_loop3A_179, %parallel_loop3A_180] {strides = array<i32>} : memref<40x128xf32, #tpu.memory_space<vmem>>, vector<1x16xf32>,
        %parallel_loop3A_182 = vector.shape_cast %parallel_loop3A_181 : vector<1x16xf32> to vector<16xf32>
        %parallel_loop3A_183 = arith.mulf %parallel_loop3A_178, %parallel_loop3A_182 : vector<16xf32>
        %parallel_loop3A_184 = arith.index_cast %parallel_loop3A_174 : i32 to index
        %parallel_loop3A_185 = arith.constant 0 : index
        %parallel_loop3A_186 = tpu.vector_load %arg12[%parallel_loop3A_184, %parallel_loop3A_185] {strides = array<i32>} : memref<40x128xf32, #tpu.memory_space<vmem>>, vector<1x16xf32>,
        %parallel_loop3A_187 = vector.shape_cast %parallel_loop3A_186 : vector<1x16xf32> to vector<16xf32>
        %parallel_loop3A_188 = vector.shape_cast %parallel_loop3A_183 : vector<16xf32> to vector<1x16xf32>
        tpu.vector_store %arg12[%parallel_loop3A_184, %parallel_loop3A_185], %parallel_loop3A_188 {strides = array<i32>} : memref<40x128xf32, #tpu.memory_space<vmem>>, vector<1x16xf32>,
        %parallel_loop3A_189 = arith.index_cast %parallel_loop3A_174 : i32 to index
        %parallel_loop3A_190 = arith.constant 16 : index
        %parallel_loop3A_191 = tpu.vector_load %arg12[%parallel_loop3A_189, %parallel_loop3A_190] {strides = array<i32>} : memref<40x128xf32, #tpu.memory_space<vmem>>, vector<1x16xf32>,
        %parallel_loop3A_192 = vector.shape_cast %parallel_loop3A_191 : vector<1x16xf32> to vector<16xf32>
        %parallel_loop3A_193 = arith.index_cast %parallel_loop3A_174 : i32 to index
        %parallel_loop3A_194 = arith.constant 16 : index
        %parallel_loop3A_195 = tpu.vector_load %arg10[%parallel_loop3A_193, %parallel_loop3A_194] {strides = array<i32>} : memref<40x128xf32, #tpu.memory_space<vmem>>, vector<1x16xf32>,
        %parallel_loop3A_196 = vector.shape_cast %parallel_loop3A_195 : vector<1x16xf32> to vector<16xf32>
        %parallel_loop3A_197 = arith.mulf %parallel_loop3A_192, %parallel_loop3A_196 : vector<16xf32>
        %parallel_loop3A_198 = arith.index_cast %parallel_loop3A_174 : i32 to index
        %parallel_loop3A_199 = arith.constant 16 : index
        %parallel_loop3A_200 = tpu.vector_load %arg12[%parallel_loop3A_198, %parallel_loop3A_199] {strides = array<i32>} : memref<40x128xf32, #tpu.memory_space<vmem>>, vector<1x16xf32>,
        %parallel_loop3A_201 = vector.shape_cast %parallel_loop3A_200 : vector<1x16xf32> to vector<16xf32>
        %parallel_loop3A_202 = vector.shape_cast %parallel_loop3A_197 : vector<16xf32> to vector<1x16xf32>
        tpu.vector_store %arg12[%parallel_loop3A_198, %parallel_loop3A_199], %parallel_loop3A_202 {strides = array<i32>} : memref<40x128xf32, #tpu.memory_space<vmem>>, vector<1x16xf32>,
        %parallel_loop3A_203 = arith.index_cast %parallel_loop3A_174 : i32 to index
        %parallel_loop3A_204 = arith.constant 32 : index
        %parallel_loop3A_205 = tpu.vector_load %arg12[%parallel_loop3A_203, %parallel_loop3A_204] {strides = array<i32>} : memref<40x128xf32, #tpu.memory_space<vmem>>, vector<1x16xf32>,
        %parallel_loop3A_206 = vector.shape_cast %parallel_loop3A_205 : vector<1x16xf32> to vector<16xf32>
        %parallel_loop3A_207 = arith.index_cast %parallel_loop3A_174 : i32 to index
        %parallel_loop3A_208 = arith.constant 32 : index
        %parallel_loop3A_209 = tpu.vector_load %arg10[%parallel_loop3A_207, %parallel_loop3A_208] {strides = array<i32>} : memref<40x128xf32, #tpu.memory_space<vmem>>, vector<1x16xf32>,
        %parallel_loop3A_210 = vector.shape_cast %parallel_loop3A_209 : vector<1x16xf32> to vector<16xf32>
        %parallel_loop3A_211 = arith.mulf %parallel_loop3A_206, %parallel_loop3A_210 : vector<16xf32>
        %parallel_loop3A_212 = arith.index_cast %parallel_loop3A_174 : i32 to index
        %parallel_loop3A_213 = arith.constant 32 : index
        %parallel_loop3A_214 = tpu.vector_load %arg12[%parallel_loop3A_212, %parallel_loop3A_213] {strides = array<i32>} : memref<40x128xf32, #tpu.memory_space<vmem>>, vector<1x16xf32>,
        %parallel_loop3A_215 = vector.shape_cast %parallel_loop3A_214 : vector<1x16xf32> to vector<16xf32>
        %parallel_loop3A_216 = vector.shape_cast %parallel_loop3A_211 : vector<16xf32> to vector<1x16xf32>
        tpu.vector_store %arg12[%parallel_loop3A_212, %parallel_loop3A_213], %parallel_loop3A_216 {strides = array<i32>} : memref<40x128xf32, #tpu.memory_space<vmem>>, vector<1x16xf32>,
        %parallel_loop3A_217 = arith.index_cast %parallel_loop3A_174 : i32 to index
        %parallel_loop3A_218 = arith.constant 48 : index
        %parallel_loop3A_219 = tpu.vector_load %arg12[%parallel_loop3A_217, %parallel_loop3A_218] {strides = array<i32>} : memref<40x128xf32, #tpu.memory_space<vmem>>, vector<1x16xf32>,
        %parallel_loop3A_220 = vector.shape_cast %parallel_loop3A_219 : vector<1x16xf32> to vector<16xf32>
        %parallel_loop3A_221 = arith.index_cast %parallel_loop3A_174 : i32 to index
        %parallel_loop3A_222 = arith.constant 48 : index
        %parallel_loop3A_223 = tpu.vector_load %arg10[%parallel_loop3A_221, %parallel_loop3A_222] {strides = array<i32>} : memref<40x128xf32, #tpu.memory_space<vmem>>, vector<1x16xf32>,
        %parallel_loop3A_224 = vector.shape_cast %parallel_loop3A_223 : vector<1x16xf32> to vector<16xf32>
        %parallel_loop3A_225 = arith.mulf %parallel_loop3A_220, %parallel_loop3A_224 : vector<16xf32>
        %parallel_loop3A_226 = arith.index_cast %parallel_loop3A_174 : i32 to index
        %parallel_loop3A_227 = arith.constant 48 : index
        %parallel_loop3A_228 = tpu.vector_load %arg12[%parallel_loop3A_226, %parallel_loop3A_227] {strides = array<i32>} : memref<40x128xf32, #tpu.memory_space<vmem>>, vector<1x16xf32>,
        %parallel_loop3A_229 = vector.shape_cast %parallel_loop3A_228 : vector<1x16xf32> to vector<16xf32>
        %parallel_loop3A_230 = vector.shape_cast %parallel_loop3A_225 : vector<16xf32> to vector<1x16xf32>
        tpu.vector_store %arg12[%parallel_loop3A_226, %parallel_loop3A_227], %parallel_loop3A_230 {strides = array<i32>} : memref<40x128xf32, #tpu.memory_space<vmem>>, vector<1x16xf32>,
        %parallel_loop3A_231 = arith.index_cast %parallel_loop3A_174 : i32 to index
        %parallel_loop3A_232 = arith.constant 64 : index
        %parallel_loop3A_233 = tpu.vector_load %arg12[%parallel_loop3A_231, %parallel_loop3A_232] {strides = array<i32>} : memref<40x128xf32, #tpu.memory_space<vmem>>, vector<1x16xf32>,
        %parallel_loop3A_234 = vector.shape_cast %parallel_loop3A_233 : vector<1x16xf32> to vector<16xf32>
        %parallel_loop3A_235 = arith.index_cast %parallel_loop3A_174 : i32 to index
        %parallel_loop3A_236 = arith.constant 64 : index
        %parallel_loop3A_237 = tpu.vector_load %arg10[%parallel_loop3A_235, %parallel_loop3A_236] {strides = array<i32>} : memref<40x128xf32, #tpu.memory_space<vmem>>, vector<1x16xf32>,
        %parallel_loop3A_238 = vector.shape_cast %parallel_loop3A_237 : vector<1x16xf32> to vector<16xf32>
        %parallel_loop3A_239 = arith.mulf %parallel_loop3A_234, %parallel_loop3A_238 : vector<16xf32>
        %parallel_loop3A_240 = arith.index_cast %parallel_loop3A_174 : i32 to index
        %parallel_loop3A_241 = arith.constant 64 : index
        %parallel_loop3A_242 = tpu.vector_load %arg12[%parallel_loop3A_240, %parallel_loop3A_241] {strides = array<i32>} : memref<40x128xf32, #tpu.memory_space<vmem>>, vector<1x16xf32>,
        %parallel_loop3A_243 = vector.shape_cast %parallel_loop3A_242 : vector<1x16xf32> to vector<16xf32>
        %parallel_loop3A_244 = vector.shape_cast %parallel_loop3A_239 : vector<16xf32> to vector<1x16xf32>
        tpu.vector_store %arg12[%parallel_loop3A_240, %parallel_loop3A_241], %parallel_loop3A_244 {strides = array<i32>} : memref<40x128xf32, #tpu.memory_space<vmem>>, vector<1x16xf32>,
        %parallel_loop3A_245 = arith.index_cast %parallel_loop3A_174 : i32 to index
        %parallel_loop3A_246 = arith.constant 80 : index
        %parallel_loop3A_247 = tpu.vector_load %arg12[%parallel_loop3A_245, %parallel_loop3A_246] {strides = array<i32>} : memref<40x128xf32, #tpu.memory_space<vmem>>, vector<1x16xf32>,
        %parallel_loop3A_248 = vector.shape_cast %parallel_loop3A_247 : vector<1x16xf32> to vector<16xf32>
        %parallel_loop3A_249 = arith.index_cast %parallel_loop3A_174 : i32 to index
        %parallel_loop3A_250 = arith.constant 80 : index
        %parallel_loop3A_251 = tpu.vector_load %arg10[%parallel_loop3A_249, %parallel_loop3A_250] {strides = array<i32>} : memref<40x128xf32, #tpu.memory_space<vmem>>, vector<1x16xf32>,
        %parallel_loop3A_252 = vector.shape_cast %parallel_loop3A_251 : vector<1x16xf32> to vector<16xf32>
        %parallel_loop3A_253 = arith.mulf %parallel_loop3A_248, %parallel_loop3A_252 : vector<16xf32>
        %parallel_loop3A_254 = arith.index_cast %parallel_loop3A_174 : i32 to index
        %parallel_loop3A_255 = arith.constant 80 : index
        %parallel_loop3A_256 = tpu.vector_load %arg12[%parallel_loop3A_254, %parallel_loop3A_255] {strides = array<i32>} : memref<40x128xf32, #tpu.memory_space<vmem>>, vector<1x16xf32>,
        %parallel_loop3A_257 = vector.shape_cast %parallel_loop3A_256 : vector<1x16xf32> to vector<16xf32>
        %parallel_loop3A_258 = vector.shape_cast %parallel_loop3A_253 : vector<16xf32> to vector<1x16xf32>
        tpu.vector_store %arg12[%parallel_loop3A_254, %parallel_loop3A_255], %parallel_loop3A_258 {strides = array<i32>} : memref<40x128xf32, #tpu.memory_space<vmem>>, vector<1x16xf32>,
        %parallel_loop3A_259 = arith.index_cast %parallel_loop3A_174 : i32 to index
        %parallel_loop3A_260 = arith.constant 96 : index
        %parallel_loop3A_261 = tpu.vector_load %arg12[%parallel_loop3A_259, %parallel_loop3A_260] {strides = array<i32>} : memref<40x128xf32, #tpu.memory_space<vmem>>, vector<1x16xf32>,
        %parallel_loop3A_262 = vector.shape_cast %parallel_loop3A_261 : vector<1x16xf32> to vector<16xf32>
        %parallel_loop3A_263 = arith.index_cast %parallel_loop3A_174 : i32 to index
        %parallel_loop3A_264 = arith.constant 96 : index
        %parallel_loop3A_265 = tpu.vector_load %arg10[%parallel_loop3A_263, %parallel_loop3A_264] {strides = array<i32>} : memref<40x128xf32, #tpu.memory_space<vmem>>, vector<1x16xf32>,
        %parallel_loop3A_266 = vector.shape_cast %parallel_loop3A_265 : vector<1x16xf32> to vector<16xf32>
        %parallel_loop3A_267 = arith.mulf %parallel_loop3A_262, %parallel_loop3A_266 : vector<16xf32>
        %parallel_loop3A_268 = arith.index_cast %parallel_loop3A_174 : i32 to index
        %parallel_loop3A_269 = arith.constant 96 : index
        %parallel_loop3A_270 = tpu.vector_load %arg12[%parallel_loop3A_268, %parallel_loop3A_269] {strides = array<i32>} : memref<40x128xf32, #tpu.memory_space<vmem>>, vector<1x16xf32>,
        %parallel_loop3A_271 = vector.shape_cast %parallel_loop3A_270 : vector<1x16xf32> to vector<16xf32>
        %parallel_loop3A_272 = vector.shape_cast %parallel_loop3A_267 : vector<16xf32> to vector<1x16xf32>
        tpu.vector_store %arg12[%parallel_loop3A_268, %parallel_loop3A_269], %parallel_loop3A_272 {strides = array<i32>} : memref<40x128xf32, #tpu.memory_space<vmem>>, vector<1x16xf32>,
        %parallel_loop3A_273 = arith.index_cast %parallel_loop3A_174 : i32 to index
        %parallel_loop3A_274 = arith.constant 112 : index
        %parallel_loop3A_275 = tpu.vector_load %arg12[%parallel_loop3A_273, %parallel_loop3A_274] {strides = array<i32>} : memref<40x128xf32, #tpu.memory_space<vmem>>, vector<1x16xf32>,
        %parallel_loop3A_276 = vector.shape_cast %parallel_loop3A_275 : vector<1x16xf32> to vector<16xf32>
        %parallel_loop3A_277 = arith.index_cast %parallel_loop3A_174 : i32 to index
        %parallel_loop3A_278 = arith.constant 112 : index
        %parallel_loop3A_279 = tpu.vector_load %arg10[%parallel_loop3A_277, %parallel_loop3A_278] {strides = array<i32>} : memref<40x128xf32, #tpu.memory_space<vmem>>, vector<1x16xf32>,
        %parallel_loop3A_280 = vector.shape_cast %parallel_loop3A_279 : vector<1x16xf32> to vector<16xf32>
        %parallel_loop3A_281 = arith.mulf %parallel_loop3A_276, %parallel_loop3A_280 : vector<16xf32>
        %parallel_loop3A_282 = arith.index_cast %parallel_loop3A_174 : i32 to index
        %parallel_loop3A_283 = arith.constant 112 : index
        %parallel_loop3A_284 = tpu.vector_load %arg12[%parallel_loop3A_282, %parallel_loop3A_283] {strides = array<i32>} : memref<40x128xf32, #tpu.memory_space<vmem>>, vector<1x16xf32>,
        %parallel_loop3A_285 = vector.shape_cast %parallel_loop3A_284 : vector<1x16xf32> to vector<16xf32>
        %parallel_loop3A_286 = vector.shape_cast %parallel_loop3A_281 : vector<16xf32> to vector<1x16xf32>
        tpu.vector_store %arg12[%parallel_loop3A_282, %parallel_loop3A_283], %parallel_loop3A_286 {strides = array<i32>} : memref<40x128xf32, #tpu.memory_space<vmem>>, vector<1x16xf32>,
      } {sc.loop_unroll_factor = 4 : i64, sc.parallel_access}
      "tpu.region"() ({
        %run_scoped3A = tpu.sem_alloc : memref<!tpu.dma_semaphore, #tpu.memory_space<semaphore_mem>>
        %dma_start3A_174 = arith.constant 0 : i32
        %dma_start3A_175 = arith.constant 0 : i32
        %dma_start3A_176 = tpu.memref_slice %arg14[%dma_start3A_174, %dma_start3A_175] : memref<10112x128xf32, #tpu.memory_space<vmem_shared>> -> memref<10112x128xf32, #tpu.memory_space<vmem_shared>>
        tpu.enqueue_indirect_dma source(%arg12 : memref<40x128xf32, #tpu.memory_space<vmem>>) target(%dma_start3A_176 : memref<10112x128xf32, #tpu.memory_space<vmem_shared>>) offsets(%arg8 : memref<40xi32, #tpu.memory_space<vmem>>) semaphore(%run_scoped3A : memref<!tpu.dma_semaphore, #tpu.memory_space<semaphore_mem>>) {add = true}
        %dma_wait3A_177 = arith.constant 0 : i32
        %dma_wait3A_178 = arith.constant 0 : i32
        %dma_wait3A_179 = tpu.memref_slice %arg14[%dma_wait3A_177, %dma_wait3A_178] : memref<10112x128xf32, #tpu.memory_space<vmem_shared>> -> memref<10112x128xf32, #tpu.memory_space<vmem_shared>>
        tpu.wait_indirect_dma semaphore(%run_scoped3A : memref<!tpu.dma_semaphore, #tpu.memory_space<semaphore_mem>>) src(%arg12 : memref<40x128xf32, #tpu.memory_space<vmem>>) dst(%dma_wait3A_179 : memref<10112x128xf32, #tpu.memory_space<vmem_shared>>)
        tpu.yield
      }) : () -> ()
      %add3A_134 = arith.constant 2 : i32
      %add3A_135 = arith.addi %mul3A_94, %add3A_134 : i32
      %mul3A_136 = arith.constant 40 : i32
      %mul3A_137 = arith.muli %add3A_135, %mul3A_136 : i32
      %dma_start3A_138 = tpu.memref_slice %arg7[%mul3A_137] : memref<5000xi32, #tpu.memory_space<vmem>> -> memref<40xi32, #tpu.memory_space<vmem>>
      %dma_start3A_139 = arith.constant 0 : i32
      %dma_start3A_140 = arith.constant 0 : i32
      %dma_start3A_141 = tpu.memref_slice %arg2[%dma_start3A_139, %dma_start3A_140] : memref<10000x128xf32, #tpu.memory_space<hbm>> -> memref<10000x128xf32, #tpu.memory_space<hbm>>
      tpu.enqueue_indirect_dma source(%dma_start3A_141 : memref<10000x128xf32, #tpu.memory_space<hbm>>) target(%arg12 : memref<40x128xf32, #tpu.memory_space<vmem>>) offsets(%dma_start3A_138 : memref<40xi32, #tpu.memory_space<vmem>>) semaphore(%arg15 : memref<!tpu.dma_semaphore, #tpu.memory_space<semaphore_mem>>)
      %mul3A_142 = arith.constant 40 : i32
      %mul3A_143 = arith.muli %add3A_135, %mul3A_142 : i32
      %add3A_144 = arith.addi %add3A_45, %mul3A_143 : i32
      %dma_start3A_145 = arith.constant 0 : i32
      %dma_start3A_146 = tpu.memref_slice %arg3[%add3A_144, %dma_start3A_145] : memref<160000x128xf32, #tpu.memory_space<hbm>> -> memref<40x128xf32, #tpu.memory_space<hbm>>
      %dma_start3A_147 = arith.constant 0 : i32
      %dma_start3A_148 = tpu.memref_slice %arg3[%add3A_144, %dma_start3A_147] : memref<160000x128xf32, #tpu.memory_space<hbm>> -> memref<40x128xf32, #tpu.memory_space<hbm>>
      tpu.enqueue_dma source(%dma_start3A_148 : memref<40x128xf32, #tpu.memory_space<hbm>>) target(%arg10 : memref<40x128xf32, #tpu.memory_space<vmem>>) target_semaphore(%arg17 : memref<!tpu.dma_semaphore, #tpu.memory_space<semaphore_mem>>)
      %mul3A_149 = arith.constant 40 : i32
      %mul3A_150 = arith.muli %add3A_135, %mul3A_149 : i32
      %add3A_151 = arith.addi %add3A_51, %mul3A_150 : i32
      %dma_start3A_152 = tpu.memref_slice %arg4[%add3A_151] : memref<320000xi32, #tpu.memory_space<hbm>> -> memref<40xi32, #tpu.memory_space<hbm>>
      %dma_start3A_153 = tpu.memref_slice %arg4[%add3A_151] : memref<320000xi32, #tpu.memory_space<hbm>> -> memref<40xi32, #tpu.memory_space<hbm>>
      tpu.enqueue_dma source(%dma_start3A_153 : memref<40xi32, #tpu.memory_space<hbm>>) target(%arg8 : memref<40xi32, #tpu.memory_space<vmem>>) target_semaphore(%arg19 : memref<!tpu.dma_semaphore, #tpu.memory_space<semaphore_mem>>)
      %dma_wait3A_154 = arith.constant 0 : i32
      %dma_wait3A_155 = arith.constant 0 : i32
      %dma_wait3A_156 = tpu.memref_slice %arg2[%dma_wait3A_154, %dma_wait3A_155] : memref<10000x128xf32, #tpu.memory_space<hbm>> -> memref<40x128xf32, #tpu.memory_space<hbm>>
      %dma_wait3A_157 = arith.constant 0 : i32
      %dma_wait3A_158 = arith.constant 0 : i32
      %dma_wait3A_159 = tpu.memref_slice %arg2[%dma_wait3A_157, %dma_wait3A_158] : memref<10000x128xf32, #tpu.memory_space<hbm>> -> memref<40x128xf32, #tpu.memory_space<hbm>>
      tpu.wait_dma2 semaphore(%arg16 : memref<!tpu.dma_semaphore, #tpu.memory_space<semaphore_mem>>) src(%dma_wait3A_159 : memref<40x128xf32, #tpu.memory_space<hbm>>) dst(%arg13 : memref<40x128xf32, #tpu.memory_space<vmem>>)
      %dma_wait3A_160 = arith.constant 0 : i32
      %dma_wait3A_161 = arith.constant 0 : i32
      %dma_wait3A_162 = tpu.memref_slice %arg3[%dma_wait3A_160, %dma_wait3A_161] : memref<160000x128xf32, #tpu.memory_space<hbm>> -> memref<40x128xf32, #tpu.memory_space<hbm>>
      %dma_wait3A_163 = arith.constant 0 : i32
      %dma_wait3A_164 = arith.constant 0 : i32
      %dma_wait3A_165 = tpu.memref_slice %arg3[%dma_wait3A_163, %dma_wait3A_164] : memref<160000x128xf32, #tpu.memory_space<hbm>> -> memref<40x128xf32, #tpu.memory_space<hbm>>
      tpu.wait_dma2 semaphore(%arg18 : memref<!tpu.dma_semaphore, #tpu.memory_space<semaphore_mem>>) src(%dma_wait3A_165 : memref<40x128xf32, #tpu.memory_space<hbm>>) dst(%arg11 : memref<40x128xf32, #tpu.memory_space<vmem>>)
      %dma_wait3A_166 = arith.constant 0 : i32
      %dma_wait3A_167 = tpu.memref_slice %arg4[%dma_wait3A_166] : memref<320000xi32, #tpu.memory_space<hbm>> -> memref<40xi32, #tpu.memory_space<hbm>>
      %dma_wait3A_168 = arith.constant 0 : i32
      %dma_wait3A_169 = tpu.memref_slice %arg4[%dma_wait3A_168] : memref<320000xi32, #tpu.memory_space<hbm>> -> memref<40xi32, #tpu.memory_space<hbm>>
      tpu.wait_dma2 semaphore(%arg20 : memref<!tpu.dma_semaphore, #tpu.memory_space<semaphore_mem>>) src(%dma_wait3A_169 : memref<40xi32, #tpu.memory_space<hbm>>) dst(%arg9 : memref<40xi32, #tpu.memory_space<vmem>>)
      %parallel_loop3A_170 = arith.constant 0 : i32
      %parallel_loop3A_171 = arith.constant 40 : i32
      %parallel_loop3A_172 = arith.constant 1 : i32
      scf.for %parallel_loop3A_174 = %parallel_loop3A_170 to %parallel_loop3A_171 step %parallel_loop3A_172  : i32 {
        %parallel_loop3A_175 = arith.index_cast %parallel_loop3A_174 : i32 to index
        %parallel_loop3A_176 = arith.constant 0 : index
        %parallel_loop3A_177 = tpu.vector_load %arg13[%parallel_loop3A_175, %parallel_loop3A_176] {strides = array<i32>} : memref<40x128xf32, #tpu.memory_space<vmem>>, vector<1x16xf32>,
        %parallel_loop3A_178 = vector.shape_cast %parallel_loop3A_177 : vector<1x16xf32> to vector<16xf32>
        %parallel_loop3A_179 = arith.index_cast %parallel_loop3A_174 : i32 to index
        %parallel_loop3A_180 = arith.constant 0 : index
        %parallel_loop3A_181 = tpu.vector_load %arg11[%parallel_loop3A_179, %parallel_loop3A_180] {strides = array<i32>} : memref<40x128xf32, #tpu.memory_space<vmem>>, vector<1x16xf32>,
        %parallel_loop3A_182 = vector.shape_cast %parallel_loop3A_181 : vector<1x16xf32> to vector<16xf32>
        %parallel_loop3A_183 = arith.mulf %parallel_loop3A_178, %parallel_loop3A_182 : vector<16xf32>
        %parallel_loop3A_184 = arith.index_cast %parallel_loop3A_174 : i32 to index
        %parallel_loop3A_185 = arith.constant 0 : index
        %parallel_loop3A_186 = tpu.vector_load %arg13[%parallel_loop3A_184, %parallel_loop3A_185] {strides = array<i32>} : memref<40x128xf32, #tpu.memory_space<vmem>>, vector<1x16xf32>,
        %parallel_loop3A_187 = vector.shape_cast %parallel_loop3A_186 : vector<1x16xf32> to vector<16xf32>
        %parallel_loop3A_188 = vector.shape_cast %parallel_loop3A_183 : vector<16xf32> to vector<1x16xf32>
        tpu.vector_store %arg13[%parallel_loop3A_184, %parallel_loop3A_185], %parallel_loop3A_188 {strides = array<i32>} : memref<40x128xf32, #tpu.memory_space<vmem>>, vector<1x16xf32>,
        %parallel_loop3A_189 = arith.index_cast %parallel_loop3A_174 : i32 to index
        %parallel_loop3A_190 = arith.constant 16 : index
        %parallel_loop3A_191 = tpu.vector_load %arg13[%parallel_loop3A_189, %parallel_loop3A_190] {strides = array<i32>} : memref<40x128xf32, #tpu.memory_space<vmem>>, vector<1x16xf32>,
        %parallel_loop3A_192 = vector.shape_cast %parallel_loop3A_191 : vector<1x16xf32> to vector<16xf32>
        %parallel_loop3A_193 = arith.index_cast %parallel_loop3A_174 : i32 to index
        %parallel_loop3A_194 = arith.constant 16 : index
        %parallel_loop3A_195 = tpu.vector_load %arg11[%parallel_loop3A_193, %parallel_loop3A_194] {strides = array<i32>} : memref<40x128xf32, #tpu.memory_space<vmem>>, vector<1x16xf32>,
        %parallel_loop3A_196 = vector.shape_cast %parallel_loop3A_195 : vector<1x16xf32> to vector<16xf32>
        %parallel_loop3A_197 = arith.mulf %parallel_loop3A_192, %parallel_loop3A_196 : vector<16xf32>
        %parallel_loop3A_198 = arith.index_cast %parallel_loop3A_174 : i32 to index
        %parallel_loop3A_199 = arith.constant 16 : index
        %parallel_loop3A_200 = tpu.vector_load %arg13[%parallel_loop3A_198, %parallel_loop3A_199] {strides = array<i32>} : memref<40x128xf32, #tpu.memory_space<vmem>>, vector<1x16xf32>,
        %parallel_loop3A_201 = vector.shape_cast %parallel_loop3A_200 : vector<1x16xf32> to vector<16xf32>
        %parallel_loop3A_202 = vector.shape_cast %parallel_loop3A_197 : vector<16xf32> to vector<1x16xf32>
        tpu.vector_store %arg13[%parallel_loop3A_198, %parallel_loop3A_199], %parallel_loop3A_202 {strides = array<i32>} : memref<40x128xf32, #tpu.memory_space<vmem>>, vector<1x16xf32>,
        %parallel_loop3A_203 = arith.index_cast %parallel_loop3A_174 : i32 to index
        %parallel_loop3A_204 = arith.constant 32 : index
        %parallel_loop3A_205 = tpu.vector_load %arg13[%parallel_loop3A_203, %parallel_loop3A_204] {strides = array<i32>} : memref<40x128xf32, #tpu.memory_space<vmem>>, vector<1x16xf32>,
        %parallel_loop3A_206 = vector.shape_cast %parallel_loop3A_205 : vector<1x16xf32> to vector<16xf32>
        %parallel_loop3A_207 = arith.index_cast %parallel_loop3A_174 : i32 to index
        %parallel_loop3A_208 = arith.constant 32 : index
        %parallel_loop3A_209 = tpu.vector_load %arg11[%parallel_loop3A_207, %parallel_loop3A_208] {strides = array<i32>} : memref<40x128xf32, #tpu.memory_space<vmem>>, vector<1x16xf32>,
        %parallel_loop3A_210 = vector.shape_cast %parallel_loop3A_209 : vector<1x16xf32> to vector<16xf32>
        %parallel_loop3A_211 = arith.mulf %parallel_loop3A_206, %parallel_loop3A_210 : vector<16xf32>
        %parallel_loop3A_212 = arith.index_cast %parallel_loop3A_174 : i32 to index
        %parallel_loop3A_213 = arith.constant 32 : index
        %parallel_loop3A_214 = tpu.vector_load %arg13[%parallel_loop3A_212, %parallel_loop3A_213] {strides = array<i32>} : memref<40x128xf32, #tpu.memory_space<vmem>>, vector<1x16xf32>,
        %parallel_loop3A_215 = vector.shape_cast %parallel_loop3A_214 : vector<1x16xf32> to vector<16xf32>
        %parallel_loop3A_216 = vector.shape_cast %parallel_loop3A_211 : vector<16xf32> to vector<1x16xf32>
        tpu.vector_store %arg13[%parallel_loop3A_212, %parallel_loop3A_213], %parallel_loop3A_216 {strides = array<i32>} : memref<40x128xf32, #tpu.memory_space<vmem>>, vector<1x16xf32>,
        %parallel_loop3A_217 = arith.index_cast %parallel_loop3A_174 : i32 to index
        %parallel_loop3A_218 = arith.constant 48 : index
        %parallel_loop3A_219 = tpu.vector_load %arg13[%parallel_loop3A_217, %parallel_loop3A_218] {strides = array<i32>} : memref<40x128xf32, #tpu.memory_space<vmem>>, vector<1x16xf32>,
        %parallel_loop3A_220 = vector.shape_cast %parallel_loop3A_219 : vector<1x16xf32> to vector<16xf32>
        %parallel_loop3A_221 = arith.index_cast %parallel_loop3A_174 : i32 to index
        %parallel_loop3A_222 = arith.constant 48 : index
        %parallel_loop3A_223 = tpu.vector_load %arg11[%parallel_loop3A_221, %parallel_loop3A_222] {strides = array<i32>} : memref<40x128xf32, #tpu.memory_space<vmem>>, vector<1x16xf32>,
        %parallel_loop3A_224 = vector.shape_cast %parallel_loop3A_223 : vector<1x16xf32> to vector<16xf32>
        %parallel_loop3A_225 = arith.mulf %parallel_loop3A_220, %parallel_loop3A_224 : vector<16xf32>
        %parallel_loop3A_226 = arith.index_cast %parallel_loop3A_174 : i32 to index
        %parallel_loop3A_227 = arith.constant 48 : index
        %parallel_loop3A_228 = tpu.vector_load %arg13[%parallel_loop3A_226, %parallel_loop3A_227] {strides = array<i32>} : memref<40x128xf32, #tpu.memory_space<vmem>>, vector<1x16xf32>,
        %parallel_loop3A_229 = vector.shape_cast %parallel_loop3A_228 : vector<1x16xf32> to vector<16xf32>
        %parallel_loop3A_230 = vector.shape_cast %parallel_loop3A_225 : vector<16xf32> to vector<1x16xf32>
        tpu.vector_store %arg13[%parallel_loop3A_226, %parallel_loop3A_227], %parallel_loop3A_230 {strides = array<i32>} : memref<40x128xf32, #tpu.memory_space<vmem>>, vector<1x16xf32>,
        %parallel_loop3A_231 = arith.index_cast %parallel_loop3A_174 : i32 to index
        %parallel_loop3A_232 = arith.constant 64 : index
        %parallel_loop3A_233 = tpu.vector_load %arg13[%parallel_loop3A_231, %parallel_loop3A_232] {strides = array<i32>} : memref<40x128xf32, #tpu.memory_space<vmem>>, vector<1x16xf32>,
        %parallel_loop3A_234 = vector.shape_cast %parallel_loop3A_233 : vector<1x16xf32> to vector<16xf32>
        %parallel_loop3A_235 = arith.index_cast %parallel_loop3A_174 : i32 to index
        %parallel_loop3A_236 = arith.constant 64 : index
        %parallel_loop3A_237 = tpu.vector_load %arg11[%parallel_loop3A_235, %parallel_loop3A_236] {strides = array<i32>} : memref<40x128xf32, #tpu.memory_space<vmem>>, vector<1x16xf32>,
        %parallel_loop3A_238 = vector.shape_cast %parallel_loop3A_237 : vector<1x16xf32> to vector<16xf32>
        %parallel_loop3A_239 = arith.mulf %parallel_loop3A_234, %parallel_loop3A_238 : vector<16xf32>
        %parallel_loop3A_240 = arith.index_cast %parallel_loop3A_174 : i32 to index
        %parallel_loop3A_241 = arith.constant 64 : index
        %parallel_loop3A_242 = tpu.vector_load %arg13[%parallel_loop3A_240, %parallel_loop3A_241] {strides = array<i32>} : memref<40x128xf32, #tpu.memory_space<vmem>>, vector<1x16xf32>,
        %parallel_loop3A_243 = vector.shape_cast %parallel_loop3A_242 : vector<1x16xf32> to vector<16xf32>
        %parallel_loop3A_244 = vector.shape_cast %parallel_loop3A_239 : vector<16xf32> to vector<1x16xf32>
        tpu.vector_store %arg13[%parallel_loop3A_240, %parallel_loop3A_241], %parallel_loop3A_244 {strides = array<i32>} : memref<40x128xf32, #tpu.memory_space<vmem>>, vector<1x16xf32>,
        %parallel_loop3A_245 = arith.index_cast %parallel_loop3A_174 : i32 to index
        %parallel_loop3A_246 = arith.constant 80 : index
        %parallel_loop3A_247 = tpu.vector_load %arg13[%parallel_loop3A_245, %parallel_loop3A_246] {strides = array<i32>} : memref<40x128xf32, #tpu.memory_space<vmem>>, vector<1x16xf32>,
        %parallel_loop3A_248 = vector.shape_cast %parallel_loop3A_247 : vector<1x16xf32> to vector<16xf32>
        %parallel_loop3A_249 = arith.index_cast %parallel_loop3A_174 : i32 to index
        %parallel_loop3A_250 = arith.constant 80 : index
        %parallel_loop3A_251 = tpu.vector_load %arg11[%parallel_loop3A_249, %parallel_loop3A_250] {strides = array<i32>} : memref<40x128xf32, #tpu.memory_space<vmem>>, vector<1x16xf32>,
        %parallel_loop3A_252 = vector.shape_cast %parallel_loop3A_251 : vector<1x16xf32> to vector<16xf32>
        %parallel_loop3A_253 = arith.mulf %parallel_loop3A_248, %parallel_loop3A_252 : vector<16xf32>
        %parallel_loop3A_254 = arith.index_cast %parallel_loop3A_174 : i32 to index
        %parallel_loop3A_255 = arith.constant 80 : index
        %parallel_loop3A_256 = tpu.vector_load %arg13[%parallel_loop3A_254, %parallel_loop3A_255] {strides = array<i32>} : memref<40x128xf32, #tpu.memory_space<vmem>>, vector<1x16xf32>,
        %parallel_loop3A_257 = vector.shape_cast %parallel_loop3A_256 : vector<1x16xf32> to vector<16xf32>
        %parallel_loop3A_258 = vector.shape_cast %parallel_loop3A_253 : vector<16xf32> to vector<1x16xf32>
        tpu.vector_store %arg13[%parallel_loop3A_254, %parallel_loop3A_255], %parallel_loop3A_258 {strides = array<i32>} : memref<40x128xf32, #tpu.memory_space<vmem>>, vector<1x16xf32>,
        %parallel_loop3A_259 = arith.index_cast %parallel_loop3A_174 : i32 to index
        %parallel_loop3A_260 = arith.constant 96 : index
        %parallel_loop3A_261 = tpu.vector_load %arg13[%parallel_loop3A_259, %parallel_loop3A_260] {strides = array<i32>} : memref<40x128xf32, #tpu.memory_space<vmem>>, vector<1x16xf32>,
        %parallel_loop3A_262 = vector.shape_cast %parallel_loop3A_261 : vector<1x16xf32> to vector<16xf32>
        %parallel_loop3A_263 = arith.index_cast %parallel_loop3A_174 : i32 to index
        %parallel_loop3A_264 = arith.constant 96 : index
        %parallel_loop3A_265 = tpu.vector_load %arg11[%parallel_loop3A_263, %parallel_loop3A_264] {strides = array<i32>} : memref<40x128xf32, #tpu.memory_space<vmem>>, vector<1x16xf32>,
        %parallel_loop3A_266 = vector.shape_cast %parallel_loop3A_265 : vector<1x16xf32> to vector<16xf32>
        %parallel_loop3A_267 = arith.mulf %parallel_loop3A_262, %parallel_loop3A_266 : vector<16xf32>
        %parallel_loop3A_268 = arith.index_cast %parallel_loop3A_174 : i32 to index
        %parallel_loop3A_269 = arith.constant 96 : index
        %parallel_loop3A_270 = tpu.vector_load %arg13[%parallel_loop3A_268, %parallel_loop3A_269] {strides = array<i32>} : memref<40x128xf32, #tpu.memory_space<vmem>>, vector<1x16xf32>,
        %parallel_loop3A_271 = vector.shape_cast %parallel_loop3A_270 : vector<1x16xf32> to vector<16xf32>
        %parallel_loop3A_272 = vector.shape_cast %parallel_loop3A_267 : vector<16xf32> to vector<1x16xf32>
        tpu.vector_store %arg13[%parallel_loop3A_268, %parallel_loop3A_269], %parallel_loop3A_272 {strides = array<i32>} : memref<40x128xf32, #tpu.memory_space<vmem>>, vector<1x16xf32>,
        %parallel_loop3A_273 = arith.index_cast %parallel_loop3A_174 : i32 to index
        %parallel_loop3A_274 = arith.constant 112 : index
        %parallel_loop3A_275 = tpu.vector_load %arg13[%parallel_loop3A_273, %parallel_loop3A_274] {strides = array<i32>} : memref<40x128xf32, #tpu.memory_space<vmem>>, vector<1x16xf32>,
        %parallel_loop3A_276 = vector.shape_cast %parallel_loop3A_275 : vector<1x16xf32> to vector<16xf32>
        %parallel_loop3A_277 = arith.index_cast %parallel_loop3A_174 : i32 to index
        %parallel_loop3A_278 = arith.constant 112 : index
        %parallel_loop3A_279 = tpu.vector_load %arg11[%parallel_loop3A_277, %parallel_loop3A_278] {strides = array<i32>} : memref<40x128xf32, #tpu.memory_space<vmem>>, vector<1x16xf32>,
        %parallel_loop3A_280 = vector.shape_cast %parallel_loop3A_279 : vector<1x16xf32> to vector<16xf32>
        %parallel_loop3A_281 = arith.mulf %parallel_loop3A_276, %parallel_loop3A_280 : vector<16xf32>
        %parallel_loop3A_282 = arith.index_cast %parallel_loop3A_174 : i32 to index
        %parallel_loop3A_283 = arith.constant 112 : index
        %parallel_loop3A_284 = tpu.vector_load %arg13[%parallel_loop3A_282, %parallel_loop3A_283] {strides = array<i32>} : memref<40x128xf32, #tpu.memory_space<vmem>>, vector<1x16xf32>,
        %parallel_loop3A_285 = vector.shape_cast %parallel_loop3A_284 : vector<1x16xf32> to vector<16xf32>
        %parallel_loop3A_286 = vector.shape_cast %parallel_loop3A_281 : vector<16xf32> to vector<1x16xf32>
        tpu.vector_store %arg13[%parallel_loop3A_282, %parallel_loop3A_283], %parallel_loop3A_286 {strides = array<i32>} : memref<40x128xf32, #tpu.memory_space<vmem>>, vector<1x16xf32>,
      } {sc.loop_unroll_factor = 4 : i64, sc.parallel_access}
      "tpu.region"() ({
        %run_scoped3A = tpu.sem_alloc : memref<!tpu.dma_semaphore, #tpu.memory_space<semaphore_mem>>
        %dma_start3A_174 = arith.constant 0 : i32
        %dma_start3A_175 = arith.constant 0 : i32
        %dma_start3A_176 = tpu.memref_slice %arg14[%dma_start3A_174, %dma_start3A_175] : memref<10112x128xf32, #tpu.memory_space<vmem_shared>> -> memref<10112x128xf32, #tpu.memory_space<vmem_shared>>
        tpu.enqueue_indirect_dma source(%arg13 : memref<40x128xf32, #tpu.memory_space<vmem>>) target(%dma_start3A_176 : memref<10112x128xf32, #tpu.memory_space<vmem_shared>>) offsets(%arg9 : memref<40xi32, #tpu.memory_space<vmem>>) semaphore(%run_scoped3A : memref<!tpu.dma_semaphore, #tpu.memory_space<semaphore_mem>>) {add = true}
        %dma_wait3A_177 = arith.constant 0 : i32
        %dma_wait3A_178 = arith.constant 0 : i32
        %dma_wait3A_179 = tpu.memref_slice %arg14[%dma_wait3A_177, %dma_wait3A_178] : memref<10112x128xf32, #tpu.memory_space<vmem_shared>> -> memref<10112x128xf32, #tpu.memory_space<vmem_shared>>
        tpu.wait_indirect_dma semaphore(%run_scoped3A : memref<!tpu.dma_semaphore, #tpu.memory_space<semaphore_mem>>) src(%arg13 : memref<40x128xf32, #tpu.memory_space<vmem>>) dst(%dma_wait3A_179 : memref<10112x128xf32, #tpu.memory_space<vmem_shared>>)
        tpu.yield
      }) : () -> ()
      %scan3A_173 = arith.constant 0 : i32
      scf.yield %scan3A_173 : i32
    }
    %scan3A_72 = arith.constant 62 : i32
    %dma_wait3A = arith.constant 0 : i32
    %dma_wait3A_73 = arith.constant 0 : i32
    %dma_wait3A_74 = tpu.memref_slice %arg2[%dma_wait3A, %dma_wait3A_73] : memref<10000x128xf32, #tpu.memory_space<hbm>> -> memref<40x128xf32, #tpu.memory_space<hbm>>
    %dma_wait3A_75 = arith.constant 0 : i32
    %dma_wait3A_76 = arith.constant 0 : i32
    %dma_wait3A_77 = tpu.memref_slice %arg2[%dma_wait3A_75, %dma_wait3A_76] : memref<10000x128xf32, #tpu.memory_space<hbm>> -> memref<40x128xf32, #tpu.memory_space<hbm>>
    tpu.wait_dma2 semaphore(%arg15 : memref<!tpu.dma_semaphore, #tpu.memory_space<semaphore_mem>>) src(%dma_wait3A_77 : memref<40x128xf32, #tpu.memory_space<hbm>>) dst(%arg12 : memref<40x128xf32, #tpu.memory_space<vmem>>)
    %dma_wait3A_78 = arith.constant 0 : i32
    %dma_wait3A_79 = arith.constant 0 : i32
    %dma_wait3A_80 = tpu.memref_slice %arg3[%dma_wait3A_78, %dma_wait3A_79] : memref<160000x128xf32, #tpu.memory_space<hbm>> -> memref<40x128xf32, #tpu.memory_space<hbm>>
    %dma_wait3A_81 = arith.constant 0 : i32
    %dma_wait3A_82 = arith.constant 0 : i32
    %dma_wait3A_83 = tpu.memref_slice %arg3[%dma_wait3A_81, %dma_wait3A_82] : memref<160000x128xf32, #tpu.memory_space<hbm>> -> memref<40x128xf32, #tpu.memory_space<hbm>>
    tpu.wait_dma2 semaphore(%arg17 : memref<!tpu.dma_semaphore, #tpu.memory_space<semaphore_mem>>) src(%dma_wait3A_83 : memref<40x128xf32, #tpu.memory_space<hbm>>) dst(%arg10 : memref<40x128xf32, #tpu.memory_space<vmem>>)
    %dma_wait3A_84 = arith.constant 0 : i32
    %dma_wait3A_85 = tpu.memref_slice %arg4[%dma_wait3A_84] : memref<320000xi32, #tpu.memory_space<hbm>> -> memref<40xi32, #tpu.memory_space<hbm>>
    %dma_wait3A_86 = arith.constant 0 : i32
    %dma_wait3A_87 = tpu.memref_slice %arg4[%dma_wait3A_86] : memref<320000xi32, #tpu.memory_space<hbm>> -> memref<40xi32, #tpu.memory_space<hbm>>
    tpu.wait_dma2 semaphore(%arg19 : memref<!tpu.dma_semaphore, #tpu.memory_space<semaphore_mem>>) src(%dma_wait3A_87 : memref<40xi32, #tpu.memory_space<hbm>>) dst(%arg8 : memref<40xi32, #tpu.memory_space<vmem>>)
    %parallel_loop3A = arith.constant 0 : i32
    %parallel_loop3A_88 = arith.constant 40 : i32
    %parallel_loop3A_89 = arith.constant 1 : i32
    scf.for %parallel_loop3A_91 = %parallel_loop3A to %parallel_loop3A_88 step %parallel_loop3A_89  : i32 {
      %parallel_loop3A_92 = arith.index_cast %parallel_loop3A_91 : i32 to index
      %parallel_loop3A_93 = arith.constant 0 : index
      %parallel_loop3A_94 = tpu.vector_load %arg12[%parallel_loop3A_92, %parallel_loop3A_93] {strides = array<i32>} : memref<40x128xf32, #tpu.memory_space<vmem>>, vector<1x16xf32>,
      %parallel_loop3A_95 = vector.shape_cast %parallel_loop3A_94 : vector<1x16xf32> to vector<16xf32>
      %parallel_loop3A_96 = arith.index_cast %parallel_loop3A_91 : i32 to index
      %parallel_loop3A_97 = arith.constant 0 : index
      %parallel_loop3A_98 = tpu.vector_load %arg10[%parallel_loop3A_96, %parallel_loop3A_97] {strides = array<i32>} : memref<40x128xf32, #tpu.memory_space<vmem>>, vector<1x16xf32>,
      %parallel_loop3A_99 = vector.shape_cast %parallel_loop3A_98 : vector<1x16xf32> to vector<16xf32>
      %parallel_loop3A_100 = arith.mulf %parallel_loop3A_95, %parallel_loop3A_99 : vector<16xf32>
      %parallel_loop3A_101 = arith.index_cast %parallel_loop3A_91 : i32 to index
      %parallel_loop3A_102 = arith.constant 0 : index
      %parallel_loop3A_103 = tpu.vector_load %arg12[%parallel_loop3A_101, %parallel_loop3A_102] {strides = array<i32>} : memref<40x128xf32, #tpu.memory_space<vmem>>, vector<1x16xf32>,
      %parallel_loop3A_104 = vector.shape_cast %parallel_loop3A_103 : vector<1x16xf32> to vector<16xf32>
      %parallel_loop3A_105 = vector.shape_cast %parallel_loop3A_100 : vector<16xf32> to vector<1x16xf32>
      tpu.vector_store %arg12[%parallel_loop3A_101, %parallel_loop3A_102], %parallel_loop3A_105 {strides = array<i32>} : memref<40x128xf32, #tpu.memory_space<vmem>>, vector<1x16xf32>,
      %parallel_loop3A_106 = arith.index_cast %parallel_loop3A_91 : i32 to index
      %parallel_loop3A_107 = arith.constant 16 : index
      %parallel_loop3A_108 = tpu.vector_load %arg12[%parallel_loop3A_106, %parallel_loop3A_107] {strides = array<i32>} : memref<40x128xf32, #tpu.memory_space<vmem>>, vector<1x16xf32>,
      %parallel_loop3A_109 = vector.shape_cast %parallel_loop3A_108 : vector<1x16xf32> to vector<16xf32>
      %parallel_loop3A_110 = arith.index_cast %parallel_loop3A_91 : i32 to index
      %parallel_loop3A_111 = arith.constant 16 : index
      %parallel_loop3A_112 = tpu.vector_load %arg10[%parallel_loop3A_110, %parallel_loop3A_111] {strides = array<i32>} : memref<40x128xf32, #tpu.memory_space<vmem>>, vector<1x16xf32>,
      %parallel_loop3A_113 = vector.shape_cast %parallel_loop3A_112 : vector<1x16xf32> to vector<16xf32>
      %parallel_loop3A_114 = arith.mulf %parallel_loop3A_109, %parallel_loop3A_113 : vector<16xf32>
      %parallel_loop3A_115 = arith.index_cast %parallel_loop3A_91 : i32 to index
      %parallel_loop3A_116 = arith.constant 16 : index
      %parallel_loop3A_117 = tpu.vector_load %arg12[%parallel_loop3A_115, %parallel_loop3A_116] {strides = array<i32>} : memref<40x128xf32, #tpu.memory_space<vmem>>, vector<1x16xf32>,
      %parallel_loop3A_118 = vector.shape_cast %parallel_loop3A_117 : vector<1x16xf32> to vector<16xf32>
      %parallel_loop3A_119 = vector.shape_cast %parallel_loop3A_114 : vector<16xf32> to vector<1x16xf32>
      tpu.vector_store %arg12[%parallel_loop3A_115, %parallel_loop3A_116], %parallel_loop3A_119 {strides = array<i32>} : memref<40x128xf32, #tpu.memory_space<vmem>>, vector<1x16xf32>,
      %parallel_loop3A_120 = arith.index_cast %parallel_loop3A_91 : i32 to index
      %parallel_loop3A_121 = arith.constant 32 : index
      %parallel_loop3A_122 = tpu.vector_load %arg12[%parallel_loop3A_120, %parallel_loop3A_121] {strides = array<i32>} : memref<40x128xf32, #tpu.memory_space<vmem>>, vector<1x16xf32>,
      %parallel_loop3A_123 = vector.shape_cast %parallel_loop3A_122 : vector<1x16xf32> to vector<16xf32>
      %parallel_loop3A_124 = arith.index_cast %parallel_loop3A_91 : i32 to index
      %parallel_loop3A_125 = arith.constant 32 : index
      %parallel_loop3A_126 = tpu.vector_load %arg10[%parallel_loop3A_124, %parallel_loop3A_125] {strides = array<i32>} : memref<40x128xf32, #tpu.memory_space<vmem>>, vector<1x16xf32>,
      %parallel_loop3A_127 = vector.shape_cast %parallel_loop3A_126 : vector<1x16xf32> to vector<16xf32>
      %parallel_loop3A_128 = arith.mulf %parallel_loop3A_123, %parallel_loop3A_127 : vector<16xf32>
      %parallel_loop3A_129 = arith.index_cast %parallel_loop3A_91 : i32 to index
      %parallel_loop3A_130 = arith.constant 32 : index
      %parallel_loop3A_131 = tpu.vector_load %arg12[%parallel_loop3A_129, %parallel_loop3A_130] {strides = array<i32>} : memref<40x128xf32, #tpu.memory_space<vmem>>, vector<1x16xf32>,
      %parallel_loop3A_132 = vector.shape_cast %parallel_loop3A_131 : vector<1x16xf32> to vector<16xf32>
      %parallel_loop3A_133 = vector.shape_cast %parallel_loop3A_128 : vector<16xf32> to vector<1x16xf32>
      tpu.vector_store %arg12[%parallel_loop3A_129, %parallel_loop3A_130], %parallel_loop3A_133 {strides = array<i32>} : memref<40x128xf32, #tpu.memory_space<vmem>>, vector<1x16xf32>,
      %parallel_loop3A_134 = arith.index_cast %parallel_loop3A_91 : i32 to index
      %parallel_loop3A_135 = arith.constant 48 : index
      %parallel_loop3A_136 = tpu.vector_load %arg12[%parallel_loop3A_134, %parallel_loop3A_135] {strides = array<i32>} : memref<40x128xf32, #tpu.memory_space<vmem>>, vector<1x16xf32>,
      %parallel_loop3A_137 = vector.shape_cast %parallel_loop3A_136 : vector<1x16xf32> to vector<16xf32>
      %parallel_loop3A_138 = arith.index_cast %parallel_loop3A_91 : i32 to index
      %parallel_loop3A_139 = arith.constant 48 : index
      %parallel_loop3A_140 = tpu.vector_load %arg10[%parallel_loop3A_138, %parallel_loop3A_139] {strides = array<i32>} : memref<40x128xf32, #tpu.memory_space<vmem>>, vector<1x16xf32>,
      %parallel_loop3A_141 = vector.shape_cast %parallel_loop3A_140 : vector<1x16xf32> to vector<16xf32>
      %parallel_loop3A_142 = arith.mulf %parallel_loop3A_137, %parallel_loop3A_141 : vector<16xf32>
      %parallel_loop3A_143 = arith.index_cast %parallel_loop3A_91 : i32 to index
      %parallel_loop3A_144 = arith.constant 48 : index
      %parallel_loop3A_145 = tpu.vector_load %arg12[%parallel_loop3A_143, %parallel_loop3A_144] {strides = array<i32>} : memref<40x128xf32, #tpu.memory_space<vmem>>, vector<1x16xf32>,
      %parallel_loop3A_146 = vector.shape_cast %parallel_loop3A_145 : vector<1x16xf32> to vector<16xf32>
      %parallel_loop3A_147 = vector.shape_cast %parallel_loop3A_142 : vector<16xf32> to vector<1x16xf32>
      tpu.vector_store %arg12[%parallel_loop3A_143, %parallel_loop3A_144], %parallel_loop3A_147 {strides = array<i32>} : memref<40x128xf32, #tpu.memory_space<vmem>>, vector<1x16xf32>,
      %parallel_loop3A_148 = arith.index_cast %parallel_loop3A_91 : i32 to index
      %parallel_loop3A_149 = arith.constant 64 : index
      %parallel_loop3A_150 = tpu.vector_load %arg12[%parallel_loop3A_148, %parallel_loop3A_149] {strides = array<i32>} : memref<40x128xf32, #tpu.memory_space<vmem>>, vector<1x16xf32>,
      %parallel_loop3A_151 = vector.shape_cast %parallel_loop3A_150 : vector<1x16xf32> to vector<16xf32>
      %parallel_loop3A_152 = arith.index_cast %parallel_loop3A_91 : i32 to index
      %parallel_loop3A_153 = arith.constant 64 : index
      %parallel_loop3A_154 = tpu.vector_load %arg10[%parallel_loop3A_152, %parallel_loop3A_153] {strides = array<i32>} : memref<40x128xf32, #tpu.memory_space<vmem>>, vector<1x16xf32>,
      %parallel_loop3A_155 = vector.shape_cast %parallel_loop3A_154 : vector<1x16xf32> to vector<16xf32>
      %parallel_loop3A_156 = arith.mulf %parallel_loop3A_151, %parallel_loop3A_155 : vector<16xf32>
      %parallel_loop3A_157 = arith.index_cast %parallel_loop3A_91 : i32 to index
      %parallel_loop3A_158 = arith.constant 64 : index
      %parallel_loop3A_159 = tpu.vector_load %arg12[%parallel_loop3A_157, %parallel_loop3A_158] {strides = array<i32>} : memref<40x128xf32, #tpu.memory_space<vmem>>, vector<1x16xf32>,
      %parallel_loop3A_160 = vector.shape_cast %parallel_loop3A_159 : vector<1x16xf32> to vector<16xf32>
      %parallel_loop3A_161 = vector.shape_cast %parallel_loop3A_156 : vector<16xf32> to vector<1x16xf32>
      tpu.vector_store %arg12[%parallel_loop3A_157, %parallel_loop3A_158], %parallel_loop3A_161 {strides = array<i32>} : memref<40x128xf32, #tpu.memory_space<vmem>>, vector<1x16xf32>,
      %parallel_loop3A_162 = arith.index_cast %parallel_loop3A_91 : i32 to index
      %parallel_loop3A_163 = arith.constant 80 : index
      %parallel_loop3A_164 = tpu.vector_load %arg12[%parallel_loop3A_162, %parallel_loop3A_163] {strides = array<i32>} : memref<40x128xf32, #tpu.memory_space<vmem>>, vector<1x16xf32>,
      %parallel_loop3A_165 = vector.shape_cast %parallel_loop3A_164 : vector<1x16xf32> to vector<16xf32>
      %parallel_loop3A_166 = arith.index_cast %parallel_loop3A_91 : i32 to index
      %parallel_loop3A_167 = arith.constant 80 : index
      %parallel_loop3A_168 = tpu.vector_load %arg10[%parallel_loop3A_166, %parallel_loop3A_167] {strides = array<i32>} : memref<40x128xf32, #tpu.memory_space<vmem>>, vector<1x16xf32>,
      %parallel_loop3A_169 = vector.shape_cast %parallel_loop3A_168 : vector<1x16xf32> to vector<16xf32>
      %parallel_loop3A_170 = arith.mulf %parallel_loop3A_165, %parallel_loop3A_169 : vector<16xf32>
      %parallel_loop3A_171 = arith.index_cast %parallel_loop3A_91 : i32 to index
      %parallel_loop3A_172 = arith.constant 80 : index
      %parallel_loop3A_173 = tpu.vector_load %arg12[%parallel_loop3A_171, %parallel_loop3A_172] {strides = array<i32>} : memref<40x128xf32, #tpu.memory_space<vmem>>, vector<1x16xf32>,
      %parallel_loop3A_174 = vector.shape_cast %parallel_loop3A_173 : vector<1x16xf32> to vector<16xf32>
      %parallel_loop3A_175 = vector.shape_cast %parallel_loop3A_170 : vector<16xf32> to vector<1x16xf32>
      tpu.vector_store %arg12[%parallel_loop3A_171, %parallel_loop3A_172], %parallel_loop3A_175 {strides = array<i32>} : memref<40x128xf32, #tpu.memory_space<vmem>>, vector<1x16xf32>,
      %parallel_loop3A_176 = arith.index_cast %parallel_loop3A_91 : i32 to index
      %parallel_loop3A_177 = arith.constant 96 : index
      %parallel_loop3A_178 = tpu.vector_load %arg12[%parallel_loop3A_176, %parallel_loop3A_177] {strides = array<i32>} : memref<40x128xf32, #tpu.memory_space<vmem>>, vector<1x16xf32>,
      %parallel_loop3A_179 = vector.shape_cast %parallel_loop3A_178 : vector<1x16xf32> to vector<16xf32>
      %parallel_loop3A_180 = arith.index_cast %parallel_loop3A_91 : i32 to index
      %parallel_loop3A_181 = arith.constant 96 : index
      %parallel_loop3A_182 = tpu.vector_load %arg10[%parallel_loop3A_180, %parallel_loop3A_181] {strides = array<i32>} : memref<40x128xf32, #tpu.memory_space<vmem>>, vector<1x16xf32>,
      %parallel_loop3A_183 = vector.shape_cast %parallel_loop3A_182 : vector<1x16xf32> to vector<16xf32>
      %parallel_loop3A_184 = arith.mulf %parallel_loop3A_179, %parallel_loop3A_183 : vector<16xf32>
      %parallel_loop3A_185 = arith.index_cast %parallel_loop3A_91 : i32 to index
      %parallel_loop3A_186 = arith.constant 96 : index
      %parallel_loop3A_187 = tpu.vector_load %arg12[%parallel_loop3A_185, %parallel_loop3A_186] {strides = array<i32>} : memref<40x128xf32, #tpu.memory_space<vmem>>, vector<1x16xf32>,
      %parallel_loop3A_188 = vector.shape_cast %parallel_loop3A_187 : vector<1x16xf32> to vector<16xf32>
      %parallel_loop3A_189 = vector.shape_cast %parallel_loop3A_184 : vector<16xf32> to vector<1x16xf32>
      tpu.vector_store %arg12[%parallel_loop3A_185, %parallel_loop3A_186], %parallel_loop3A_189 {strides = array<i32>} : memref<40x128xf32, #tpu.memory_space<vmem>>, vector<1x16xf32>,
      %parallel_loop3A_190 = arith.index_cast %parallel_loop3A_91 : i32 to index
      %parallel_loop3A_191 = arith.constant 112 : index
      %parallel_loop3A_192 = tpu.vector_load %arg12[%parallel_loop3A_190, %parallel_loop3A_191] {strides = array<i32>} : memref<40x128xf32, #tpu.memory_space<vmem>>, vector<1x16xf32>,
      %parallel_loop3A_193 = vector.shape_cast %parallel_loop3A_192 : vector<1x16xf32> to vector<16xf32>
      %parallel_loop3A_194 = arith.index_cast %parallel_loop3A_91 : i32 to index
      %parallel_loop3A_195 = arith.constant 112 : index
      %parallel_loop3A_196 = tpu.vector_load %arg10[%parallel_loop3A_194, %parallel_loop3A_195] {strides = array<i32>} : memref<40x128xf32, #tpu.memory_space<vmem>>, vector<1x16xf32>,
      %parallel_loop3A_197 = vector.shape_cast %parallel_loop3A_196 : vector<1x16xf32> to vector<16xf32>
      %parallel_loop3A_198 = arith.mulf %parallel_loop3A_193, %parallel_loop3A_197 : vector<16xf32>
      %parallel_loop3A_199 = arith.index_cast %parallel_loop3A_91 : i32 to index
      %parallel_loop3A_200 = arith.constant 112 : index
      %parallel_loop3A_201 = tpu.vector_load %arg12[%parallel_loop3A_199, %parallel_loop3A_200] {strides = array<i32>} : memref<40x128xf32, #tpu.memory_space<vmem>>, vector<1x16xf32>,
      %parallel_loop3A_202 = vector.shape_cast %parallel_loop3A_201 : vector<1x16xf32> to vector<16xf32>
      %parallel_loop3A_203 = vector.shape_cast %parallel_loop3A_198 : vector<16xf32> to vector<1x16xf32>
      tpu.vector_store %arg12[%parallel_loop3A_199, %parallel_loop3A_200], %parallel_loop3A_203 {strides = array<i32>} : memref<40x128xf32, #tpu.memory_space<vmem>>, vector<1x16xf32>,
    } {sc.loop_unroll_factor = 4 : i64, sc.parallel_access}
    "tpu.region"() ({
      %run_scoped3A = tpu.sem_alloc : memref<!tpu.dma_semaphore, #tpu.memory_space<semaphore_mem>>
      %dma_start3A_91 = arith.constant 0 : i32
      %dma_start3A_92 = arith.constant 0 : i32
      %dma_start3A_93 = tpu.memref_slice %arg14[%dma_start3A_91, %dma_start3A_92] : memref<10112x128xf32, #tpu.memory_space<vmem_shared>> -> memref<10112x128xf32, #tpu.memory_space<vmem_shared>>
      tpu.enqueue_indirect_dma source(%arg12 : memref<40x128xf32, #tpu.memory_space<vmem>>) target(%dma_start3A_93 : memref<10112x128xf32, #tpu.memory_space<vmem_shared>>) offsets(%arg8 : memref<40xi32, #tpu.memory_space<vmem>>) semaphore(%run_scoped3A : memref<!tpu.dma_semaphore, #tpu.memory_space<semaphore_mem>>) {add = true}
      %dma_wait3A_94 = arith.constant 0 : i32
      %dma_wait3A_95 = arith.constant 0 : i32
      %dma_wait3A_96 = tpu.memref_slice %arg14[%dma_wait3A_94, %dma_wait3A_95] : memref<10112x128xf32, #tpu.memory_space<vmem_shared>> -> memref<10112x128xf32, #tpu.memory_space<vmem_shared>>
      tpu.wait_indirect_dma semaphore(%run_scoped3A : memref<!tpu.dma_semaphore, #tpu.memory_space<semaphore_mem>>) src(%arg12 : memref<40x128xf32, #tpu.memory_space<vmem>>) dst(%dma_wait3A_96 : memref<10112x128xf32, #tpu.memory_space<vmem_shared>>)
      tpu.yield
    }) : () -> ()
    %barrier3A_90 = arith.constant 0 : index
    tpu.barrier barrier_id(%barrier3A_90)
    "tpu.region"() ({
      %run_scoped3A = tpu.sem_alloc : memref<!tpu.dma_semaphore, #tpu.memory_space<semaphore_mem>>
      %dma_start3A_91 = arith.constant 0 : i32
      %dma_start3A_92 = tpu.memref_slice %arg6[%arg0, %mul3A_9, %dma_start3A_91] : memref<2x10112x128xf32, #tpu.memory_space<hbm>> -> memref<1x632x128xf32, #tpu.memory_space<hbm>>
      %dma_start3A_93 = tpu.memref_squeeze %dma_start3A_92 : memref<1x632x128xf32, #tpu.memory_space<hbm>> -> memref<632x128xf32, #tpu.memory_space<hbm>>
      %dma_start3A_94 = arith.constant 0 : i32
      %dma_start3A_95 = tpu.memref_slice %arg14[%mul3A_9, %dma_start3A_94] : memref<10112x128xf32, #tpu.memory_space<vmem_shared>> -> memref<632x128xf32, #tpu.memory_space<vmem_shared>>
      tpu.enqueue_dma source(%dma_start3A_95 : memref<632x128xf32, #tpu.memory_space<vmem_shared>>) target(%dma_start3A_93 : memref<632x128xf32, #tpu.memory_space<hbm>>) target_semaphore(%run_scoped3A : memref<!tpu.dma_semaphore, #tpu.memory_space<semaphore_mem>>)
      %dma_wait3A_96 = arith.constant 0 : i32
      %dma_wait3A_97 = tpu.memref_slice %arg6[%arg0, %mul3A_9, %dma_wait3A_96] : memref<2x10112x128xf32, #tpu.memory_space<hbm>> -> memref<1x632x128xf32, #tpu.memory_space<hbm>>
      %dma_wait3A_98 = tpu.memref_squeeze %dma_wait3A_97 : memref<1x632x128xf32, #tpu.memory_space<hbm>> -> memref<632x128xf32, #tpu.memory_space<hbm>>
      %dma_wait3A_99 = arith.constant 0 : i32
      %dma_wait3A_100 = tpu.memref_slice %arg14[%mul3A_9, %dma_wait3A_99] : memref<10112x128xf32, #tpu.memory_space<vmem_shared>> -> memref<632x128xf32, #tpu.memory_space<vmem_shared>>
      tpu.wait_dma2 semaphore(%run_scoped3A : memref<!tpu.dma_semaphore, #tpu.memory_space<semaphore_mem>>) src(%dma_wait3A_100 : memref<632x128xf32, #tpu.memory_space<vmem_shared>>) dst(%dma_wait3A_98 : memref<632x128xf32, #tpu.memory_space<hbm>>)
      tpu.yield
    }) : () -> ()
    return
  }
}

#map = affine_map<(d0, d1) -> (0, 0)>
#map1 = affine_map<(d0, d1) -> (0)>
#map2 = affine_map<(d0, d1) -> (0, 0, 0)>
module attributes {stable_mosaic.version = 14 : i64} {
  func.func @sc_kern(%arg0: i32, %arg1: i32, %arg2: memref<10000x128xf32, #tpu.memory_space<hbm>>, %arg3: memref<160000x128xf32, #tpu.memory_space<hbm>>, %arg4: memref<320000xi32, #tpu.memory_space<hbm>>, %arg5: memref<320000xi32, #tpu.memory_space<hbm>>, %arg6: memref<2x10112x128xf32, #tpu.memory_space<hbm>>, %arg7: memref<5000xi32, #tpu.memory_space<vmem>>, %arg8: memref<40xi32, #tpu.memory_space<vmem>>, %arg9: memref<40xi32, #tpu.memory_space<vmem>>, %arg10: memref<40x128xf32, #tpu.memory_space<vmem>>, %arg11: memref<40x128xf32, #tpu.memory_space<vmem>>, %arg12: memref<40x128xf32, #tpu.memory_space<vmem>>, %arg13: memref<40x128xf32, #tpu.memory_space<vmem>>, %arg14: memref<10112x128xf32, #tpu.memory_space<vmem_shared>>, %arg15: memref<!tpu.dma_semaphore, #tpu.memory_space<semaphore_mem>>, %arg16: memref<!tpu.dma_semaphore, #tpu.memory_space<semaphore_mem>>, %arg17: memref<!tpu.dma_semaphore, #tpu.memory_space<semaphore_mem>>, %arg18: memref<!tpu.dma_semaphore, #tpu.memory_space<semaphore_mem>>, %arg19: memref<!tpu.dma_semaphore, #tpu.memory_space<semaphore_mem>>, %arg20: memref<!tpu.dma_semaphore, #tpu.memory_space<semaphore_mem>>) attributes {dimension_semantics = [#tpu.dimension_semantics<core_parallel>, #tpu.dimension_semantics<subcore_parallel>], iteration_bounds = array<i64: 2, 16>, scalar_prefetch = 0 : i64, scratch_operands = 14 : i64, tpu.core_type = #tpu.core_type<sc_vector_subcore>, window_params = [{transform_indices = #map}, {transform_indices = #map}, {transform_indices = #map1}, {transform_indices = #map1}, {transform_indices = #map2}]} {
    %mul3A = arith.constant 2 : i32
    %mul3A_0 = arith.muli %arg1, %mul3A : i32
    %add3A = arith.addi %mul3A_0, %arg0 : i32
    %broadcast_in_dim3A = arith.constant 0.000000e+00 : f32
    %broadcast_in_dim3A_1 = vector.broadcast %broadcast_in_dim3A : f32 to vector<16xf32>
    %scan3A = arith.constant 0 : i32
    %scan3A_2 = arith.constant 0 : i32
    %scan3A_3 = arith.constant 40 : i32
    %scan3A_4 = arith.addi %scan3A_2, %scan3A_3 : i32
    %scan3A_5 = arith.constant 1 : i32
    %scan3A_6 = scf.for %scan3A_91 = %scan3A_2 to %scan3A_4 step %scan3A_5 iter_args(%scan3A_92 = %scan3A) -> (i32)  : i32 {
      %swap3A = arith.index_cast %scan3A_91 : i32 to index
      %swap3A_93 = arith.constant 0 : index
      %swap3A_94 = tpu.vector_load %arg12[%swap3A, %swap3A_93] {strides = array<i32>} : memref<40x128xf32, #tpu.memory_space<vmem>>, vector<1x16xf32>,
      %swap3A_95 = vector.shape_cast %swap3A_94 : vector<1x16xf32> to vector<16xf32>
      %swap3A_96 = vector.shape_cast %broadcast_in_dim3A_1 : vector<16xf32> to vector<1x16xf32>
      tpu.vector_store %arg12[%swap3A, %swap3A_93], %swap3A_96 {strides = array<i32>} : memref<40x128xf32, #tpu.memory_space<vmem>>, vector<1x16xf32>,
      %swap3A_97 = arith.index_cast %scan3A_91 : i32 to index
      %swap3A_98 = arith.constant 16 : index
      %swap3A_99 = tpu.vector_load %arg12[%swap3A_97, %swap3A_98] {strides = array<i32>} : memref<40x128xf32, #tpu.memory_space<vmem>>, vector<1x16xf32>,
      %swap3A_100 = vector.shape_cast %swap3A_99 : vector<1x16xf32> to vector<16xf32>
      %swap3A_101 = vector.shape_cast %broadcast_in_dim3A_1 : vector<16xf32> to vector<1x16xf32>
      tpu.vector_store %arg12[%swap3A_97, %swap3A_98], %swap3A_101 {strides = array<i32>} : memref<40x128xf32, #tpu.memory_space<vmem>>, vector<1x16xf32>,
      %swap3A_102 = arith.index_cast %scan3A_91 : i32 to index
      %swap3A_103 = arith.constant 32 : index
      %swap3A_104 = tpu.vector_load %arg12[%swap3A_102, %swap3A_103] {strides = array<i32>} : memref<40x128xf32, #tpu.memory_space<vmem>>, vector<1x16xf32>,
      %swap3A_105 = vector.shape_cast %swap3A_104 : vector<1x16xf32> to vector<16xf32>
      %swap3A_106 = vector.shape_cast %broadcast_in_dim3A_1 : vector<16xf32> to vector<1x16xf32>
      tpu.vector_store %arg12[%swap3A_102, %swap3A_103], %swap3A_106 {strides = array<i32>} : memref<40x128xf32, #tpu.memory_space<vmem>>, vector<1x16xf32>,
      %swap3A_107 = arith.index_cast %scan3A_91 : i32 to index
      %swap3A_108 = arith.constant 48 : index
      %swap3A_109 = tpu.vector_load %arg12[%swap3A_107, %swap3A_108] {strides = array<i32>} : memref<40x128xf32, #tpu.memory_space<vmem>>, vector<1x16xf32>,
      %swap3A_110 = vector.shape_cast %swap3A_109 : vector<1x16xf32> to vector<16xf32>
      %swap3A_111 = vector.shape_cast %broadcast_in_dim3A_1 : vector<16xf32> to vector<1x16xf32>
      tpu.vector_store %arg12[%swap3A_107, %swap3A_108], %swap3A_111 {strides = array<i32>} : memref<40x128xf32, #tpu.memory_space<vmem>>, vector<1x16xf32>,
      %swap3A_112 = arith.index_cast %scan3A_91 : i32 to index
      %swap3A_113 = arith.constant 64 : index
      %swap3A_114 = tpu.vector_load %arg12[%swap3A_112, %swap3A_113] {strides = array<i32>} : memref<40x128xf32, #tpu.memory_space<vmem>>, vector<1x16xf32>,
      %swap3A_115 = vector.shape_cast %swap3A_114 : vector<1x16xf32> to vector<16xf32>
      %swap3A_116 = vector.shape_cast %broadcast_in_dim3A_1 : vector<16xf32> to vector<1x16xf32>
      tpu.vector_store %arg12[%swap3A_112, %swap3A_113], %swap3A_116 {strides = array<i32>} : memref<40x128xf32, #tpu.memory_space<vmem>>, vector<1x16xf32>,
      %swap3A_117 = arith.index_cast %scan3A_91 : i32 to index
      %swap3A_118 = arith.constant 80 : index
      %swap3A_119 = tpu.vector_load %arg12[%swap3A_117, %swap3A_118] {strides = array<i32>} : memref<40x128xf32, #tpu.memory_space<vmem>>, vector<1x16xf32>,
      %swap3A_120 = vector.shape_cast %swap3A_119 : vector<1x16xf32> to vector<16xf32>
      %swap3A_121 = vector.shape_cast %broadcast_in_dim3A_1 : vector<16xf32> to vector<1x16xf32>
      tpu.vector_store %arg12[%swap3A_117, %swap3A_118], %swap3A_121 {strides = array<i32>} : memref<40x128xf32, #tpu.memory_space<vmem>>, vector<1x16xf32>,
      %swap3A_122 = arith.index_cast %scan3A_91 : i32 to index
      %swap3A_123 = arith.constant 96 : index
      %swap3A_124 = tpu.vector_load %arg12[%swap3A_122, %swap3A_123] {strides = array<i32>} : memref<40x128xf32, #tpu.memory_space<vmem>>, vector<1x16xf32>,
      %swap3A_125 = vector.shape_cast %swap3A_124 : vector<1x16xf32> to vector<16xf32>
      %swap3A_126 = vector.shape_cast %broadcast_in_dim3A_1 : vector<16xf32> to vector<1x16xf32>
      tpu.vector_store %arg12[%swap3A_122, %swap3A_123], %swap3A_126 {strides = array<i32>} : memref<40x128xf32, #tpu.memory_space<vmem>>, vector<1x16xf32>,
      %swap3A_127 = arith.index_cast %scan3A_91 : i32 to index
      %swap3A_128 = arith.constant 112 : index
      %swap3A_129 = tpu.vector_load %arg12[%swap3A_127, %swap3A_128] {strides = array<i32>} : memref<40x128xf32, #tpu.memory_space<vmem>>, vector<1x16xf32>,
      %swap3A_130 = vector.shape_cast %swap3A_129 : vector<1x16xf32> to vector<16xf32>
      %swap3A_131 = vector.shape_cast %broadcast_in_dim3A_1 : vector<16xf32> to vector<1x16xf32>
      tpu.vector_store %arg12[%swap3A_127, %swap3A_128], %swap3A_131 {strides = array<i32>} : memref<40x128xf32, #tpu.memory_space<vmem>>, vector<1x16xf32>,
      %scan3A_132 = arith.constant 0 : i32
      scf.yield %scan3A_132 : i32
    }
    %scan3A_7 = arith.constant 40 : i32
    %mul3A_8 = arith.constant 632 : i32
    %mul3A_9 = arith.muli %arg1, %mul3A_8 : i32
    %add3A_10 = arith.constant 0 : i32
    %add3A_11 = arith.addi %mul3A_9, %add3A_10 : i32
    "tpu.region"() ({
      %run_scoped3A = tpu.sem_alloc : memref<!tpu.dma_semaphore, #tpu.memory_space<semaphore_mem>>
      %dma_start3A_91 = arith.constant 0 : i32
      %dma_start3A_92 = arith.constant 0 : i32
      %dma_start3A_93 = tpu.memref_slice %arg12[%dma_start3A_91, %dma_start3A_92] : memref<40x128xf32, #tpu.memory_space<vmem>> -> memref<40x128xf32, #tpu.memory_space<vmem>>
      %dma_start3A_94 = arith.constant 0 : i32
      %dma_start3A_95 = tpu.memref_slice %arg14[%add3A_11, %dma_start3A_94] : memref<10112x128xf32, #tpu.memory_space<vmem_shared>> -> memref<40x128xf32, #tpu.memory_space<vmem_shared>>
      %dma_start3A_96 = arith.constant 0 : i32
      %dma_start3A_97 = tpu.memref_slice %arg14[%add3A_11, %dma_start3A_96] : memref<10112x128xf32, #tpu.memory_space<vmem_shared>> -> memref<40x128xf32, #tpu.memory_space<vmem_shared>>
      %dma_start3A_98 = arith.constant 0 : i32
      %dma_start3A_99 = arith.constant 0 : i32
      %dma_start3A_100 = tpu.memref_slice %arg12[%dma_start3A_98, %dma_start3A_99] : memref<40x128xf32, #tpu.memory_space<vmem>> -> memref<40x128xf32, #tpu.memory_space<vmem>>
      tpu.enqueue_dma source(%dma_start3A_100 : memref<40x128xf32, #tpu.memory_space<vmem>>) target(%dma_start3A_97 : memref<40x128xf32, #tpu.memory_space<vmem_shared>>) target_semaphore(%run_scoped3A : memref<!tpu.dma_semaphore, #tpu.memory_space<semaphore_mem>>)
      %dma_wait3A_101 = arith.constant 0 : i32
      %dma_wait3A_102 = arith.constant 0 : i32
      %dma_wait3A_103 = tpu.memref_slice %arg12[%dma_wait3A_101, %dma_wait3A_102] : memref<40x128xf32, #tpu.memory_space<vmem>> -> memref<40x128xf32, #tpu.memory_space<vmem>>
      %dma_wait3A_104 = arith.constant 0 : i32
      %dma_wait3A_105 = tpu.memref_slice %arg14[%add3A_11, %dma_wait3A_104] : memref<10112x128xf32, #tpu.memory_space<vmem_shared>> -> memref<40x128xf32, #tpu.memory_space<vmem_shared>>
      %dma_wait3A_106 = arith.constant 0 : i32
      %dma_wait3A_107 = tpu.memref_slice %arg14[%add3A_11, %dma_wait3A_106] : memref<10112x128xf32, #tpu.memory_space<vmem_shared>> -> memref<40x128xf32, #tpu.memory_space<vmem_shared>>
      %dma_wait3A_108 = arith.constant 0 : i32
      %dma_wait3A_109 = arith.constant 0 : i32
      %dma_wait3A_110 = tpu.memref_slice %arg12[%dma_wait3A_108, %dma_wait3A_109] : memref<40x128xf32, #tpu.memory_space<vmem>> -> memref<40x128xf32, #tpu.memory_space<vmem>>
      tpu.wait_dma2 semaphore(%run_scoped3A : memref<!tpu.dma_semaphore, #tpu.memory_space<semaphore_mem>>) src(%dma_wait3A_110 : memref<40x128xf32, #tpu.memory_space<vmem>>) dst(%dma_wait3A_107 : memref<40x128xf32, #tpu.memory_space<vmem_shared>>)
      tpu.yield
    }) : () -> ()
    %add3A_12 = arith.constant 40 : i32
    %add3A_13 = arith.addi %mul3A_9, %add3A_12 : i32
    "tpu.region"() ({
      %run_scoped3A = tpu.sem_alloc : memref<!tpu.dma_semaphore, #tpu.memory_space<semaphore_mem>>
      %dma_start3A_91 = arith.constant 0 : i32
      %dma_start3A_92 = arith.constant 0 : i32
      %dma_start3A_93 = tpu.memref_slice %arg12[%dma_start3A_91, %dma_start3A_92] : memref<40x128xf32, #tpu.memory_space<vmem>> -> memref<40x128xf32, #tpu.memory_space<vmem>>
      %dma_start3A_94 = arith.constant 0 : i32
      %dma_start3A_95 = tpu.memref_slice %arg14[%add3A_13, %dma_start3A_94] : memref<10112x128xf32, #tpu.memory_space<vmem_shared>> -> memref<40x128xf32, #tpu.memory_space<vmem_shared>>
      %dma_start3A_96 = arith.constant 0 : i32
      %dma_start3A_97 = tpu.memref_slice %arg14[%add3A_13, %dma_start3A_96] : memref<10112x128xf32, #tpu.memory_space<vmem_shared>> -> memref<40x128xf32, #tpu.memory_space<vmem_shared>>
      %dma_start3A_98 = arith.constant 0 : i32
      %dma_start3A_99 = arith.constant 0 : i32
      %dma_start3A_100 = tpu.memref_slice %arg12[%dma_start3A_98, %dma_start3A_99] : memref<40x128xf32, #tpu.memory_space<vmem>> -> memref<40x128xf32, #tpu.memory_space<vmem>>
      tpu.enqueue_dma source(%dma_start3A_100 : memref<40x128xf32, #tpu.memory_space<vmem>>) target(%dma_start3A_97 : memref<40x128xf32, #tpu.memory_space<vmem_shared>>) target_semaphore(%run_scoped3A : memref<!tpu.dma_semaphore, #tpu.memory_space<semaphore_mem>>)
      %dma_wait3A_101 = arith.constant 0 : i32
      %dma_wait3A_102 = arith.constant 0 : i32
      %dma_wait3A_103 = tpu.memref_slice %arg12[%dma_wait3A_101, %dma_wait3A_102] : memref<40x128xf32, #tpu.memory_space<vmem>> -> memref<40x128xf32, #tpu.memory_space<vmem>>
      %dma_wait3A_104 = arith.constant 0 : i32
      %dma_wait3A_105 = tpu.memref_slice %arg14[%add3A_13, %dma_wait3A_104] : memref<10112x128xf32, #tpu.memory_space<vmem_shared>> -> memref<40x128xf32, #tpu.memory_space<vmem_shared>>
      %dma_wait3A_106 = arith.constant 0 : i32
      %dma_wait3A_107 = tpu.memref_slice %arg14[%add3A_13, %dma_wait3A_106] : memref<10112x128xf32, #tpu.memory_space<vmem_shared>> -> memref<40x128xf32, #tpu.memory_space<vmem_shared>>
      %dma_wait3A_108 = arith.constant 0 : i32
      %dma_wait3A_109 = arith.constant 0 : i32
      %dma_wait3A_110 = tpu.memref_slice %arg12[%dma_wait3A_108, %dma_wait3A_109] : memref<40x128xf32, #tpu.memory_space<vmem>> -> memref<40x128xf32, #tpu.memory_space<vmem>>
      tpu.wait_dma2 semaphore(%run_scoped3A : memref<!tpu.dma_semaphore, #tpu.memory_space<semaphore_mem>>) src(%dma_wait3A_110 : memref<40x128xf32, #tpu.memory_space<vmem>>) dst(%dma_wait3A_107 : memref<40x128xf32, #tpu.memory_space<vmem_shared>>)
      tpu.yield
    }) : () -> ()
    %add3A_14 = arith.constant 80 : i32
    %add3A_15 = arith.addi %mul3A_9, %add3A_14 : i32
    "tpu.region"() ({
      %run_scoped3A = tpu.sem_alloc : memref<!tpu.dma_semaphore, #tpu.memory_space<semaphore_mem>>
      %dma_start3A_91 = arith.constant 0 : i32
      %dma_start3A_92 = arith.constant 0 : i32
      %dma_start3A_93 = tpu.memref_slice %arg12[%dma_start3A_91, %dma_start3A_92] : memref<40x128xf32, #tpu.memory_space<vmem>> -> memref<40x128xf32, #tpu.memory_space<vmem>>
      %dma_start3A_94 = arith.constant 0 : i32
      %dma_start3A_95 = tpu.memref_slice %arg14[%add3A_15, %dma_start3A_94] : memref<10112x128xf32, #tpu.memory_space<vmem_shared>> -> memref<40x128xf32, #tpu.memory_space<vmem_shared>>
      %dma_start3A_96 = arith.constant 0 : i32
      %dma_start3A_97 = tpu.memref_slice %arg14[%add3A_15, %dma_start3A_96] : memref<10112x128xf32, #tpu.memory_space<vmem_shared>> -> memref<40x128xf32, #tpu.memory_space<vmem_shared>>
      %dma_start3A_98 = arith.constant 0 : i32
      %dma_start3A_99 = arith.constant 0 : i32
      %dma_start3A_100 = tpu.memref_slice %arg12[%dma_start3A_98, %dma_start3A_99] : memref<40x128xf32, #tpu.memory_space<vmem>> -> memref<40x128xf32, #tpu.memory_space<vmem>>
      tpu.enqueue_dma source(%dma_start3A_100 : memref<40x128xf32, #tpu.memory_space<vmem>>) target(%dma_start3A_97 : memref<40x128xf32, #tpu.memory_space<vmem_shared>>) target_semaphore(%run_scoped3A : memref<!tpu.dma_semaphore, #tpu.memory_space<semaphore_mem>>)
      %dma_wait3A_101 = arith.constant 0 : i32
      %dma_wait3A_102 = arith.constant 0 : i32
      %dma_wait3A_103 = tpu.memref_slice %arg12[%dma_wait3A_101, %dma_wait3A_102] : memref<40x128xf32, #tpu.memory_space<vmem>> -> memref<40x128xf32, #tpu.memory_space<vmem>>
      %dma_wait3A_104 = arith.constant 0 : i32
      %dma_wait3A_105 = tpu.memref_slice %arg14[%add3A_15, %dma_wait3A_104] : memref<10112x128xf32, #tpu.memory_space<vmem_shared>> -> memref<40x128xf32, #tpu.memory_space<vmem_shared>>
      %dma_wait3A_106 = arith.constant 0 : i32
      %dma_wait3A_107 = tpu.memref_slice %arg14[%add3A_15, %dma_wait3A_106] : memref<10112x128xf32, #tpu.memory_space<vmem_shared>> -> memref<40x128xf32, #tpu.memory_space<vmem_shared>>
      %dma_wait3A_108 = arith.constant 0 : i32
      %dma_wait3A_109 = arith.constant 0 : i32
      %dma_wait3A_110 = tpu.memref_slice %arg12[%dma_wait3A_108, %dma_wait3A_109] : memref<40x128xf32, #tpu.memory_space<vmem>> -> memref<40x128xf32, #tpu.memory_space<vmem>>
      tpu.wait_dma2 semaphore(%run_scoped3A : memref<!tpu.dma_semaphore, #tpu.memory_space<semaphore_mem>>) src(%dma_wait3A_110 : memref<40x128xf32, #tpu.memory_space<vmem>>) dst(%dma_wait3A_107 : memref<40x128xf32, #tpu.memory_space<vmem_shared>>)
      tpu.yield
    }) : () -> ()
    %add3A_16 = arith.constant 120 : i32
    %add3A_17 = arith.addi %mul3A_9, %add3A_16 : i32
    "tpu.region"() ({
      %run_scoped3A = tpu.sem_alloc : memref<!tpu.dma_semaphore, #tpu.memory_space<semaphore_mem>>
      %dma_start3A_91 = arith.constant 0 : i32
      %dma_start3A_92 = arith.constant 0 : i32
      %dma_start3A_93 = tpu.memref_slice %arg12[%dma_start3A_91, %dma_start3A_92] : memref<40x128xf32, #tpu.memory_space<vmem>> -> memref<40x128xf32, #tpu.memory_space<vmem>>
      %dma_start3A_94 = arith.constant 0 : i32
      %dma_start3A_95 = tpu.memref_slice %arg14[%add3A_17, %dma_start3A_94] : memref<10112x128xf32, #tpu.memory_space<vmem_shared>> -> memref<40x128xf32, #tpu.memory_space<vmem_shared>>
      %dma_start3A_96 = arith.constant 0 : i32
      %dma_start3A_97 = tpu.memref_slice %arg14[%add3A_17, %dma_start3A_96] : memref<10112x128xf32, #tpu.memory_space<vmem_shared>> -> memref<40x128xf32, #tpu.memory_space<vmem_shared>>
      %dma_start3A_98 = arith.constant 0 : i32
      %dma_start3A_99 = arith.constant 0 : i32
      %dma_start3A_100 = tpu.memref_slice %arg12[%dma_start3A_98, %dma_start3A_99] : memref<40x128xf32, #tpu.memory_space<vmem>> -> memref<40x128xf32, #tpu.memory_space<vmem>>
      tpu.enqueue_dma source(%dma_start3A_100 : memref<40x128xf32, #tpu.memory_space<vmem>>) target(%dma_start3A_97 : memref<40x128xf32, #tpu.memory_space<vmem_shared>>) target_semaphore(%run_scoped3A : memref<!tpu.dma_semaphore, #tpu.memory_space<semaphore_mem>>)
      %dma_wait3A_101 = arith.constant 0 : i32
      %dma_wait3A_102 = arith.constant 0 : i32
      %dma_wait3A_103 = tpu.memref_slice %arg12[%dma_wait3A_101, %dma_wait3A_102] : memref<40x128xf32, #tpu.memory_space<vmem>> -> memref<40x128xf32, #tpu.memory_space<vmem>>
      %dma_wait3A_104 = arith.constant 0 : i32
      %dma_wait3A_105 = tpu.memref_slice %arg14[%add3A_17, %dma_wait3A_104] : memref<10112x128xf32, #tpu.memory_space<vmem_shared>> -> memref<40x128xf32, #tpu.memory_space<vmem_shared>>
      %dma_wait3A_106 = arith.constant 0 : i32
      %dma_wait3A_107 = tpu.memref_slice %arg14[%add3A_17, %dma_wait3A_106] : memref<10112x128xf32, #tpu.memory_space<vmem_shared>> -> memref<40x128xf32, #tpu.memory_space<vmem_shared>>
      %dma_wait3A_108 = arith.constant 0 : i32
      %dma_wait3A_109 = arith.constant 0 : i32
      %dma_wait3A_110 = tpu.memref_slice %arg12[%dma_wait3A_108, %dma_wait3A_109] : memref<40x128xf32, #tpu.memory_space<vmem>> -> memref<40x128xf32, #tpu.memory_space<vmem>>
      tpu.wait_dma2 semaphore(%run_scoped3A : memref<!tpu.dma_semaphore, #tpu.memory_space<semaphore_mem>>) src(%dma_wait3A_110 : memref<40x128xf32, #tpu.memory_space<vmem>>) dst(%dma_wait3A_107 : memref<40x128xf32, #tpu.memory_space<vmem_shared>>)
      tpu.yield
    }) : () -> ()
    %add3A_18 = arith.constant 160 : i32
    %add3A_19 = arith.addi %mul3A_9, %add3A_18 : i32
    "tpu.region"() ({
      %run_scoped3A = tpu.sem_alloc : memref<!tpu.dma_semaphore, #tpu.memory_space<semaphore_mem>>
      %dma_start3A_91 = arith.constant 0 : i32
      %dma_start3A_92 = arith.constant 0 : i32
      %dma_start3A_93 = tpu.memref_slice %arg12[%dma_start3A_91, %dma_start3A_92] : memref<40x128xf32, #tpu.memory_space<vmem>> -> memref<40x128xf32, #tpu.memory_space<vmem>>
      %dma_start3A_94 = arith.constant 0 : i32
      %dma_start3A_95 = tpu.memref_slice %arg14[%add3A_19, %dma_start3A_94] : memref<10112x128xf32, #tpu.memory_space<vmem_shared>> -> memref<40x128xf32, #tpu.memory_space<vmem_shared>>
      %dma_start3A_96 = arith.constant 0 : i32
      %dma_start3A_97 = tpu.memref_slice %arg14[%add3A_19, %dma_start3A_96] : memref<10112x128xf32, #tpu.memory_space<vmem_shared>> -> memref<40x128xf32, #tpu.memory_space<vmem_shared>>
      %dma_start3A_98 = arith.constant 0 : i32
      %dma_start3A_99 = arith.constant 0 : i32
      %dma_start3A_100 = tpu.memref_slice %arg12[%dma_start3A_98, %dma_start3A_99] : memref<40x128xf32, #tpu.memory_space<vmem>> -> memref<40x128xf32, #tpu.memory_space<vmem>>
      tpu.enqueue_dma source(%dma_start3A_100 : memref<40x128xf32, #tpu.memory_space<vmem>>) target(%dma_start3A_97 : memref<40x128xf32, #tpu.memory_space<vmem_shared>>) target_semaphore(%run_scoped3A : memref<!tpu.dma_semaphore, #tpu.memory_space<semaphore_mem>>)
      %dma_wait3A_101 = arith.constant 0 : i32
      %dma_wait3A_102 = arith.constant 0 : i32
      %dma_wait3A_103 = tpu.memref_slice %arg12[%dma_wait3A_101, %dma_wait3A_102] : memref<40x128xf32, #tpu.memory_space<vmem>> -> memref<40x128xf32, #tpu.memory_space<vmem>>
      %dma_wait3A_104 = arith.constant 0 : i32
      %dma_wait3A_105 = tpu.memref_slice %arg14[%add3A_19, %dma_wait3A_104] : memref<10112x128xf32, #tpu.memory_space<vmem_shared>> -> memref<40x128xf32, #tpu.memory_space<vmem_shared>>
      %dma_wait3A_106 = arith.constant 0 : i32
      %dma_wait3A_107 = tpu.memref_slice %arg14[%add3A_19, %dma_wait3A_106] : memref<10112x128xf32, #tpu.memory_space<vmem_shared>> -> memref<40x128xf32, #tpu.memory_space<vmem_shared>>
      %dma_wait3A_108 = arith.constant 0 : i32
      %dma_wait3A_109 = arith.constant 0 : i32
      %dma_wait3A_110 = tpu.memref_slice %arg12[%dma_wait3A_108, %dma_wait3A_109] : memref<40x128xf32, #tpu.memory_space<vmem>> -> memref<40x128xf32, #tpu.memory_space<vmem>>
      tpu.wait_dma2 semaphore(%run_scoped3A : memref<!tpu.dma_semaphore, #tpu.memory_space<semaphore_mem>>) src(%dma_wait3A_110 : memref<40x128xf32, #tpu.memory_space<vmem>>) dst(%dma_wait3A_107 : memref<40x128xf32, #tpu.memory_space<vmem_shared>>)
      tpu.yield
    }) : () -> ()
    %add3A_20 = arith.constant 200 : i32
    %add3A_21 = arith.addi %mul3A_9, %add3A_20 : i32
    "tpu.region"() ({
      %run_scoped3A = tpu.sem_alloc : memref<!tpu.dma_semaphore, #tpu.memory_space<semaphore_mem>>
      %dma_start3A_91 = arith.constant 0 : i32
      %dma_start3A_92 = arith.constant 0 : i32
      %dma_start3A_93 = tpu.memref_slice %arg12[%dma_start3A_91, %dma_start3A_92] : memref<40x128xf32, #tpu.memory_space<vmem>> -> memref<40x128xf32, #tpu.memory_space<vmem>>
      %dma_start3A_94 = arith.constant 0 : i32
      %dma_start3A_95 = tpu.memref_slice %arg14[%add3A_21, %dma_start3A_94] : memref<10112x128xf32, #tpu.memory_space<vmem_shared>> -> memref<40x128xf32, #tpu.memory_space<vmem_shared>>
      %dma_start3A_96 = arith.constant 0 : i32
      %dma_start3A_97 = tpu.memref_slice %arg14[%add3A_21, %dma_start3A_96] : memref<10112x128xf32, #tpu.memory_space<vmem_shared>> -> memref<40x128xf32, #tpu.memory_space<vmem_shared>>
      %dma_start3A_98 = arith.constant 0 : i32
      %dma_start3A_99 = arith.constant 0 : i32
      %dma_start3A_100 = tpu.memref_slice %arg12[%dma_start3A_98, %dma_start3A_99] : memref<40x128xf32, #tpu.memory_space<vmem>> -> memref<40x128xf32, #tpu.memory_space<vmem>>
      tpu.enqueue_dma source(%dma_start3A_100 : memref<40x128xf32, #tpu.memory_space<vmem>>) target(%dma_start3A_97 : memref<40x128xf32, #tpu.memory_space<vmem_shared>>) target_semaphore(%run_scoped3A : memref<!tpu.dma_semaphore, #tpu.memory_space<semaphore_mem>>)
      %dma_wait3A_101 = arith.constant 0 : i32
      %dma_wait3A_102 = arith.constant 0 : i32
      %dma_wait3A_103 = tpu.memref_slice %arg12[%dma_wait3A_101, %dma_wait3A_102] : memref<40x128xf32, #tpu.memory_space<vmem>> -> memref<40x128xf32, #tpu.memory_space<vmem>>
      %dma_wait3A_104 = arith.constant 0 : i32
      %dma_wait3A_105 = tpu.memref_slice %arg14[%add3A_21, %dma_wait3A_104] : memref<10112x128xf32, #tpu.memory_space<vmem_shared>> -> memref<40x128xf32, #tpu.memory_space<vmem_shared>>
      %dma_wait3A_106 = arith.constant 0 : i32
      %dma_wait3A_107 = tpu.memref_slice %arg14[%add3A_21, %dma_wait3A_106] : memref<10112x128xf32, #tpu.memory_space<vmem_shared>> -> memref<40x128xf32, #tpu.memory_space<vmem_shared>>
      %dma_wait3A_108 = arith.constant 0 : i32
      %dma_wait3A_109 = arith.constant 0 : i32
      %dma_wait3A_110 = tpu.memref_slice %arg12[%dma_wait3A_108, %dma_wait3A_109] : memref<40x128xf32, #tpu.memory_space<vmem>> -> memref<40x128xf32, #tpu.memory_space<vmem>>
      tpu.wait_dma2 semaphore(%run_scoped3A : memref<!tpu.dma_semaphore, #tpu.memory_space<semaphore_mem>>) src(%dma_wait3A_110 : memref<40x128xf32, #tpu.memory_space<vmem>>) dst(%dma_wait3A_107 : memref<40x128xf32, #tpu.memory_space<vmem_shared>>)
      tpu.yield
    }) : () -> ()
    %add3A_22 = arith.constant 240 : i32
    %add3A_23 = arith.addi %mul3A_9, %add3A_22 : i32
    "tpu.region"() ({
      %run_scoped3A = tpu.sem_alloc : memref<!tpu.dma_semaphore, #tpu.memory_space<semaphore_mem>>
      %dma_start3A_91 = arith.constant 0 : i32
      %dma_start3A_92 = arith.constant 0 : i32
      %dma_start3A_93 = tpu.memref_slice %arg12[%dma_start3A_91, %dma_start3A_92] : memref<40x128xf32, #tpu.memory_space<vmem>> -> memref<40x128xf32, #tpu.memory_space<vmem>>
      %dma_start3A_94 = arith.constant 0 : i32
      %dma_start3A_95 = tpu.memref_slice %arg14[%add3A_23, %dma_start3A_94] : memref<10112x128xf32, #tpu.memory_space<vmem_shared>> -> memref<40x128xf32, #tpu.memory_space<vmem_shared>>
      %dma_start3A_96 = arith.constant 0 : i32
      %dma_start3A_97 = tpu.memref_slice %arg14[%add3A_23, %dma_start3A_96] : memref<10112x128xf32, #tpu.memory_space<vmem_shared>> -> memref<40x128xf32, #tpu.memory_space<vmem_shared>>
      %dma_start3A_98 = arith.constant 0 : i32
      %dma_start3A_99 = arith.constant 0 : i32
      %dma_start3A_100 = tpu.memref_slice %arg12[%dma_start3A_98, %dma_start3A_99] : memref<40x128xf32, #tpu.memory_space<vmem>> -> memref<40x128xf32, #tpu.memory_space<vmem>>
      tpu.enqueue_dma source(%dma_start3A_100 : memref<40x128xf32, #tpu.memory_space<vmem>>) target(%dma_start3A_97 : memref<40x128xf32, #tpu.memory_space<vmem_shared>>) target_semaphore(%run_scoped3A : memref<!tpu.dma_semaphore, #tpu.memory_space<semaphore_mem>>)
      %dma_wait3A_101 = arith.constant 0 : i32
      %dma_wait3A_102 = arith.constant 0 : i32
      %dma_wait3A_103 = tpu.memref_slice %arg12[%dma_wait3A_101, %dma_wait3A_102] : memref<40x128xf32, #tpu.memory_space<vmem>> -> memref<40x128xf32, #tpu.memory_space<vmem>>
      %dma_wait3A_104 = arith.constant 0 : i32
      %dma_wait3A_105 = tpu.memref_slice %arg14[%add3A_23, %dma_wait3A_104] : memref<10112x128xf32, #tpu.memory_space<vmem_shared>> -> memref<40x128xf32, #tpu.memory_space<vmem_shared>>
      %dma_wait3A_106 = arith.constant 0 : i32
      %dma_wait3A_107 = tpu.memref_slice %arg14[%add3A_23, %dma_wait3A_106] : memref<10112x128xf32, #tpu.memory_space<vmem_shared>> -> memref<40x128xf32, #tpu.memory_space<vmem_shared>>
      %dma_wait3A_108 = arith.constant 0 : i32
      %dma_wait3A_109 = arith.constant 0 : i32
      %dma_wait3A_110 = tpu.memref_slice %arg12[%dma_wait3A_108, %dma_wait3A_109] : memref<40x128xf32, #tpu.memory_space<vmem>> -> memref<40x128xf32, #tpu.memory_space<vmem>>
      tpu.wait_dma2 semaphore(%run_scoped3A : memref<!tpu.dma_semaphore, #tpu.memory_space<semaphore_mem>>) src(%dma_wait3A_110 : memref<40x128xf32, #tpu.memory_space<vmem>>) dst(%dma_wait3A_107 : memref<40x128xf32, #tpu.memory_space<vmem_shared>>)
      tpu.yield
    }) : () -> ()
    %add3A_24 = arith.constant 280 : i32
    %add3A_25 = arith.addi %mul3A_9, %add3A_24 : i32
    "tpu.region"() ({
      %run_scoped3A = tpu.sem_alloc : memref<!tpu.dma_semaphore, #tpu.memory_space<semaphore_mem>>
      %dma_start3A_91 = arith.constant 0 : i32
      %dma_start3A_92 = arith.constant 0 : i32
      %dma_start3A_93 = tpu.memref_slice %arg12[%dma_start3A_91, %dma_start3A_92] : memref<40x128xf32, #tpu.memory_space<vmem>> -> memref<40x128xf32, #tpu.memory_space<vmem>>
      %dma_start3A_94 = arith.constant 0 : i32
      %dma_start3A_95 = tpu.memref_slice %arg14[%add3A_25, %dma_start3A_94] : memref<10112x128xf32, #tpu.memory_space<vmem_shared>> -> memref<40x128xf32, #tpu.memory_space<vmem_shared>>
      %dma_start3A_96 = arith.constant 0 : i32
      %dma_start3A_97 = tpu.memref_slice %arg14[%add3A_25, %dma_start3A_96] : memref<10112x128xf32, #tpu.memory_space<vmem_shared>> -> memref<40x128xf32, #tpu.memory_space<vmem_shared>>
      %dma_start3A_98 = arith.constant 0 : i32
      %dma_start3A_99 = arith.constant 0 : i32
      %dma_start3A_100 = tpu.memref_slice %arg12[%dma_start3A_98, %dma_start3A_99] : memref<40x128xf32, #tpu.memory_space<vmem>> -> memref<40x128xf32, #tpu.memory_space<vmem>>
      tpu.enqueue_dma source(%dma_start3A_100 : memref<40x128xf32, #tpu.memory_space<vmem>>) target(%dma_start3A_97 : memref<40x128xf32, #tpu.memory_space<vmem_shared>>) target_semaphore(%run_scoped3A : memref<!tpu.dma_semaphore, #tpu.memory_space<semaphore_mem>>)
      %dma_wait3A_101 = arith.constant 0 : i32
      %dma_wait3A_102 = arith.constant 0 : i32
      %dma_wait3A_103 = tpu.memref_slice %arg12[%dma_wait3A_101, %dma_wait3A_102] : memref<40x128xf32, #tpu.memory_space<vmem>> -> memref<40x128xf32, #tpu.memory_space<vmem>>
      %dma_wait3A_104 = arith.constant 0 : i32
      %dma_wait3A_105 = tpu.memref_slice %arg14[%add3A_25, %dma_wait3A_104] : memref<10112x128xf32, #tpu.memory_space<vmem_shared>> -> memref<40x128xf32, #tpu.memory_space<vmem_shared>>
      %dma_wait3A_106 = arith.constant 0 : i32
      %dma_wait3A_107 = tpu.memref_slice %arg14[%add3A_25, %dma_wait3A_106] : memref<10112x128xf32, #tpu.memory_space<vmem_shared>> -> memref<40x128xf32, #tpu.memory_space<vmem_shared>>
      %dma_wait3A_108 = arith.constant 0 : i32
      %dma_wait3A_109 = arith.constant 0 : i32
      %dma_wait3A_110 = tpu.memref_slice %arg12[%dma_wait3A_108, %dma_wait3A_109] : memref<40x128xf32, #tpu.memory_space<vmem>> -> memref<40x128xf32, #tpu.memory_space<vmem>>
      tpu.wait_dma2 semaphore(%run_scoped3A : memref<!tpu.dma_semaphore, #tpu.memory_space<semaphore_mem>>) src(%dma_wait3A_110 : memref<40x128xf32, #tpu.memory_space<vmem>>) dst(%dma_wait3A_107 : memref<40x128xf32, #tpu.memory_space<vmem_shared>>)
      tpu.yield
    }) : () -> ()
    %add3A_26 = arith.constant 320 : i32
    %add3A_27 = arith.addi %mul3A_9, %add3A_26 : i32
    "tpu.region"() ({
      %run_scoped3A = tpu.sem_alloc : memref<!tpu.dma_semaphore, #tpu.memory_space<semaphore_mem>>
      %dma_start3A_91 = arith.constant 0 : i32
      %dma_start3A_92 = arith.constant 0 : i32
      %dma_start3A_93 = tpu.memref_slice %arg12[%dma_start3A_91, %dma_start3A_92] : memref<40x128xf32, #tpu.memory_space<vmem>> -> memref<40x128xf32, #tpu.memory_space<vmem>>
      %dma_start3A_94 = arith.constant 0 : i32
      %dma_start3A_95 = tpu.memref_slice %arg14[%add3A_27, %dma_start3A_94] : memref<10112x128xf32, #tpu.memory_space<vmem_shared>> -> memref<40x128xf32, #tpu.memory_space<vmem_shared>>
      %dma_start3A_96 = arith.constant 0 : i32
      %dma_start3A_97 = tpu.memref_slice %arg14[%add3A_27, %dma_start3A_96] : memref<10112x128xf32, #tpu.memory_space<vmem_shared>> -> memref<40x128xf32, #tpu.memory_space<vmem_shared>>
      %dma_start3A_98 = arith.constant 0 : i32
      %dma_start3A_99 = arith.constant 0 : i32
      %dma_start3A_100 = tpu.memref_slice %arg12[%dma_start3A_98, %dma_start3A_99] : memref<40x128xf32, #tpu.memory_space<vmem>> -> memref<40x128xf32, #tpu.memory_space<vmem>>
      tpu.enqueue_dma source(%dma_start3A_100 : memref<40x128xf32, #tpu.memory_space<vmem>>) target(%dma_start3A_97 : memref<40x128xf32, #tpu.memory_space<vmem_shared>>) target_semaphore(%run_scoped3A : memref<!tpu.dma_semaphore, #tpu.memory_space<semaphore_mem>>)
      %dma_wait3A_101 = arith.constant 0 : i32
      %dma_wait3A_102 = arith.constant 0 : i32
      %dma_wait3A_103 = tpu.memref_slice %arg12[%dma_wait3A_101, %dma_wait3A_102] : memref<40x128xf32, #tpu.memory_space<vmem>> -> memref<40x128xf32, #tpu.memory_space<vmem>>
      %dma_wait3A_104 = arith.constant 0 : i32
      %dma_wait3A_105 = tpu.memref_slice %arg14[%add3A_27, %dma_wait3A_104] : memref<10112x128xf32, #tpu.memory_space<vmem_shared>> -> memref<40x128xf32, #tpu.memory_space<vmem_shared>>
      %dma_wait3A_106 = arith.constant 0 : i32
      %dma_wait3A_107 = tpu.memref_slice %arg14[%add3A_27, %dma_wait3A_106] : memref<10112x128xf32, #tpu.memory_space<vmem_shared>> -> memref<40x128xf32, #tpu.memory_space<vmem_shared>>
      %dma_wait3A_108 = arith.constant 0 : i32
      %dma_wait3A_109 = arith.constant 0 : i32
      %dma_wait3A_110 = tpu.memref_slice %arg12[%dma_wait3A_108, %dma_wait3A_109] : memref<40x128xf32, #tpu.memory_space<vmem>> -> memref<40x128xf32, #tpu.memory_space<vmem>>
      tpu.wait_dma2 semaphore(%run_scoped3A : memref<!tpu.dma_semaphore, #tpu.memory_space<semaphore_mem>>) src(%dma_wait3A_110 : memref<40x128xf32, #tpu.memory_space<vmem>>) dst(%dma_wait3A_107 : memref<40x128xf32, #tpu.memory_space<vmem_shared>>)
      tpu.yield
    }) : () -> ()
    %add3A_28 = arith.constant 360 : i32
    %add3A_29 = arith.addi %mul3A_9, %add3A_28 : i32
    "tpu.region"() ({
      %run_scoped3A = tpu.sem_alloc : memref<!tpu.dma_semaphore, #tpu.memory_space<semaphore_mem>>
      %dma_start3A_91 = arith.constant 0 : i32
      %dma_start3A_92 = arith.constant 0 : i32
      %dma_start3A_93 = tpu.memref_slice %arg12[%dma_start3A_91, %dma_start3A_92] : memref<40x128xf32, #tpu.memory_space<vmem>> -> memref<40x128xf32, #tpu.memory_space<vmem>>
      %dma_start3A_94 = arith.constant 0 : i32
      %dma_start3A_95 = tpu.memref_slice %arg14[%add3A_29, %dma_start3A_94] : memref<10112x128xf32, #tpu.memory_space<vmem_shared>> -> memref<40x128xf32, #tpu.memory_space<vmem_shared>>
      %dma_start3A_96 = arith.constant 0 : i32
      %dma_start3A_97 = tpu.memref_slice %arg14[%add3A_29, %dma_start3A_96] : memref<10112x128xf32, #tpu.memory_space<vmem_shared>> -> memref<40x128xf32, #tpu.memory_space<vmem_shared>>
      %dma_start3A_98 = arith.constant 0 : i32
      %dma_start3A_99 = arith.constant 0 : i32
      %dma_start3A_100 = tpu.memref_slice %arg12[%dma_start3A_98, %dma_start3A_99] : memref<40x128xf32, #tpu.memory_space<vmem>> -> memref<40x128xf32, #tpu.memory_space<vmem>>
      tpu.enqueue_dma source(%dma_start3A_100 : memref<40x128xf32, #tpu.memory_space<vmem>>) target(%dma_start3A_97 : memref<40x128xf32, #tpu.memory_space<vmem_shared>>) target_semaphore(%run_scoped3A : memref<!tpu.dma_semaphore, #tpu.memory_space<semaphore_mem>>)
      %dma_wait3A_101 = arith.constant 0 : i32
      %dma_wait3A_102 = arith.constant 0 : i32
      %dma_wait3A_103 = tpu.memref_slice %arg12[%dma_wait3A_101, %dma_wait3A_102] : memref<40x128xf32, #tpu.memory_space<vmem>> -> memref<40x128xf32, #tpu.memory_space<vmem>>
      %dma_wait3A_104 = arith.constant 0 : i32
      %dma_wait3A_105 = tpu.memref_slice %arg14[%add3A_29, %dma_wait3A_104] : memref<10112x128xf32, #tpu.memory_space<vmem_shared>> -> memref<40x128xf32, #tpu.memory_space<vmem_shared>>
      %dma_wait3A_106 = arith.constant 0 : i32
      %dma_wait3A_107 = tpu.memref_slice %arg14[%add3A_29, %dma_wait3A_106] : memref<10112x128xf32, #tpu.memory_space<vmem_shared>> -> memref<40x128xf32, #tpu.memory_space<vmem_shared>>
      %dma_wait3A_108 = arith.constant 0 : i32
      %dma_wait3A_109 = arith.constant 0 : i32
      %dma_wait3A_110 = tpu.memref_slice %arg12[%dma_wait3A_108, %dma_wait3A_109] : memref<40x128xf32, #tpu.memory_space<vmem>> -> memref<40x128xf32, #tpu.memory_space<vmem>>
      tpu.wait_dma2 semaphore(%run_scoped3A : memref<!tpu.dma_semaphore, #tpu.memory_space<semaphore_mem>>) src(%dma_wait3A_110 : memref<40x128xf32, #tpu.memory_space<vmem>>) dst(%dma_wait3A_107 : memref<40x128xf32, #tpu.memory_space<vmem_shared>>)
      tpu.yield
    }) : () -> ()
    %add3A_30 = arith.constant 400 : i32
    %add3A_31 = arith.addi %mul3A_9, %add3A_30 : i32
    "tpu.region"() ({
      %run_scoped3A = tpu.sem_alloc : memref<!tpu.dma_semaphore, #tpu.memory_space<semaphore_mem>>
      %dma_start3A_91 = arith.constant 0 : i32
      %dma_start3A_92 = arith.constant 0 : i32
      %dma_start3A_93 = tpu.memref_slice %arg12[%dma_start3A_91, %dma_start3A_92] : memref<40x128xf32, #tpu.memory_space<vmem>> -> memref<40x128xf32, #tpu.memory_space<vmem>>
      %dma_start3A_94 = arith.constant 0 : i32
      %dma_start3A_95 = tpu.memref_slice %arg14[%add3A_31, %dma_start3A_94] : memref<10112x128xf32, #tpu.memory_space<vmem_shared>> -> memref<40x128xf32, #tpu.memory_space<vmem_shared>>
      %dma_start3A_96 = arith.constant 0 : i32
      %dma_start3A_97 = tpu.memref_slice %arg14[%add3A_31, %dma_start3A_96] : memref<10112x128xf32, #tpu.memory_space<vmem_shared>> -> memref<40x128xf32, #tpu.memory_space<vmem_shared>>
      %dma_start3A_98 = arith.constant 0 : i32
      %dma_start3A_99 = arith.constant 0 : i32
      %dma_start3A_100 = tpu.memref_slice %arg12[%dma_start3A_98, %dma_start3A_99] : memref<40x128xf32, #tpu.memory_space<vmem>> -> memref<40x128xf32, #tpu.memory_space<vmem>>
      tpu.enqueue_dma source(%dma_start3A_100 : memref<40x128xf32, #tpu.memory_space<vmem>>) target(%dma_start3A_97 : memref<40x128xf32, #tpu.memory_space<vmem_shared>>) target_semaphore(%run_scoped3A : memref<!tpu.dma_semaphore, #tpu.memory_space<semaphore_mem>>)
      %dma_wait3A_101 = arith.constant 0 : i32
      %dma_wait3A_102 = arith.constant 0 : i32
      %dma_wait3A_103 = tpu.memref_slice %arg12[%dma_wait3A_101, %dma_wait3A_102] : memref<40x128xf32, #tpu.memory_space<vmem>> -> memref<40x128xf32, #tpu.memory_space<vmem>>
      %dma_wait3A_104 = arith.constant 0 : i32
      %dma_wait3A_105 = tpu.memref_slice %arg14[%add3A_31, %dma_wait3A_104] : memref<10112x128xf32, #tpu.memory_space<vmem_shared>> -> memref<40x128xf32, #tpu.memory_space<vmem_shared>>
      %dma_wait3A_106 = arith.constant 0 : i32
      %dma_wait3A_107 = tpu.memref_slice %arg14[%add3A_31, %dma_wait3A_106] : memref<10112x128xf32, #tpu.memory_space<vmem_shared>> -> memref<40x128xf32, #tpu.memory_space<vmem_shared>>
      %dma_wait3A_108 = arith.constant 0 : i32
      %dma_wait3A_109 = arith.constant 0 : i32
      %dma_wait3A_110 = tpu.memref_slice %arg12[%dma_wait3A_108, %dma_wait3A_109] : memref<40x128xf32, #tpu.memory_space<vmem>> -> memref<40x128xf32, #tpu.memory_space<vmem>>
      tpu.wait_dma2 semaphore(%run_scoped3A : memref<!tpu.dma_semaphore, #tpu.memory_space<semaphore_mem>>) src(%dma_wait3A_110 : memref<40x128xf32, #tpu.memory_space<vmem>>) dst(%dma_wait3A_107 : memref<40x128xf32, #tpu.memory_space<vmem_shared>>)
      tpu.yield
    }) : () -> ()
    %add3A_32 = arith.constant 440 : i32
    %add3A_33 = arith.addi %mul3A_9, %add3A_32 : i32
    "tpu.region"() ({
      %run_scoped3A = tpu.sem_alloc : memref<!tpu.dma_semaphore, #tpu.memory_space<semaphore_mem>>
      %dma_start3A_91 = arith.constant 0 : i32
      %dma_start3A_92 = arith.constant 0 : i32
      %dma_start3A_93 = tpu.memref_slice %arg12[%dma_start3A_91, %dma_start3A_92] : memref<40x128xf32, #tpu.memory_space<vmem>> -> memref<40x128xf32, #tpu.memory_space<vmem>>
      %dma_start3A_94 = arith.constant 0 : i32
      %dma_start3A_95 = tpu.memref_slice %arg14[%add3A_33, %dma_start3A_94] : memref<10112x128xf32, #tpu.memory_space<vmem_shared>> -> memref<40x128xf32, #tpu.memory_space<vmem_shared>>
      %dma_start3A_96 = arith.constant 0 : i32
      %dma_start3A_97 = tpu.memref_slice %arg14[%add3A_33, %dma_start3A_96] : memref<10112x128xf32, #tpu.memory_space<vmem_shared>> -> memref<40x128xf32, #tpu.memory_space<vmem_shared>>
      %dma_start3A_98 = arith.constant 0 : i32
      %dma_start3A_99 = arith.constant 0 : i32
      %dma_start3A_100 = tpu.memref_slice %arg12[%dma_start3A_98, %dma_start3A_99] : memref<40x128xf32, #tpu.memory_space<vmem>> -> memref<40x128xf32, #tpu.memory_space<vmem>>
      tpu.enqueue_dma source(%dma_start3A_100 : memref<40x128xf32, #tpu.memory_space<vmem>>) target(%dma_start3A_97 : memref<40x128xf32, #tpu.memory_space<vmem_shared>>) target_semaphore(%run_scoped3A : memref<!tpu.dma_semaphore, #tpu.memory_space<semaphore_mem>>)
      %dma_wait3A_101 = arith.constant 0 : i32
      %dma_wait3A_102 = arith.constant 0 : i32
      %dma_wait3A_103 = tpu.memref_slice %arg12[%dma_wait3A_101, %dma_wait3A_102] : memref<40x128xf32, #tpu.memory_space<vmem>> -> memref<40x128xf32, #tpu.memory_space<vmem>>
      %dma_wait3A_104 = arith.constant 0 : i32
      %dma_wait3A_105 = tpu.memref_slice %arg14[%add3A_33, %dma_wait3A_104] : memref<10112x128xf32, #tpu.memory_space<vmem_shared>> -> memref<40x128xf32, #tpu.memory_space<vmem_shared>>
      %dma_wait3A_106 = arith.constant 0 : i32
      %dma_wait3A_107 = tpu.memref_slice %arg14[%add3A_33, %dma_wait3A_106] : memref<10112x128xf32, #tpu.memory_space<vmem_shared>> -> memref<40x128xf32, #tpu.memory_space<vmem_shared>>
      %dma_wait3A_108 = arith.constant 0 : i32
      %dma_wait3A_109 = arith.constant 0 : i32
      %dma_wait3A_110 = tpu.memref_slice %arg12[%dma_wait3A_108, %dma_wait3A_109] : memref<40x128xf32, #tpu.memory_space<vmem>> -> memref<40x128xf32, #tpu.memory_space<vmem>>
      tpu.wait_dma2 semaphore(%run_scoped3A : memref<!tpu.dma_semaphore, #tpu.memory_space<semaphore_mem>>) src(%dma_wait3A_110 : memref<40x128xf32, #tpu.memory_space<vmem>>) dst(%dma_wait3A_107 : memref<40x128xf32, #tpu.memory_space<vmem_shared>>)
      tpu.yield
    }) : () -> ()
    %add3A_34 = arith.constant 480 : i32
    %add3A_35 = arith.addi %mul3A_9, %add3A_34 : i32
    "tpu.region"() ({
      %run_scoped3A = tpu.sem_alloc : memref<!tpu.dma_semaphore, #tpu.memory_space<semaphore_mem>>
      %dma_start3A_91 = arith.constant 0 : i32
      %dma_start3A_92 = arith.constant 0 : i32
      %dma_start3A_93 = tpu.memref_slice %arg12[%dma_start3A_91, %dma_start3A_92] : memref<40x128xf32, #tpu.memory_space<vmem>> -> memref<40x128xf32, #tpu.memory_space<vmem>>
      %dma_start3A_94 = arith.constant 0 : i32
      %dma_start3A_95 = tpu.memref_slice %arg14[%add3A_35, %dma_start3A_94] : memref<10112x128xf32, #tpu.memory_space<vmem_shared>> -> memref<40x128xf32, #tpu.memory_space<vmem_shared>>
      %dma_start3A_96 = arith.constant 0 : i32
      %dma_start3A_97 = tpu.memref_slice %arg14[%add3A_35, %dma_start3A_96] : memref<10112x128xf32, #tpu.memory_space<vmem_shared>> -> memref<40x128xf32, #tpu.memory_space<vmem_shared>>
      %dma_start3A_98 = arith.constant 0 : i32
      %dma_start3A_99 = arith.constant 0 : i32
      %dma_start3A_100 = tpu.memref_slice %arg12[%dma_start3A_98, %dma_start3A_99] : memref<40x128xf32, #tpu.memory_space<vmem>> -> memref<40x128xf32, #tpu.memory_space<vmem>>
      tpu.enqueue_dma source(%dma_start3A_100 : memref<40x128xf32, #tpu.memory_space<vmem>>) target(%dma_start3A_97 : memref<40x128xf32, #tpu.memory_space<vmem_shared>>) target_semaphore(%run_scoped3A : memref<!tpu.dma_semaphore, #tpu.memory_space<semaphore_mem>>)
      %dma_wait3A_101 = arith.constant 0 : i32
      %dma_wait3A_102 = arith.constant 0 : i32
      %dma_wait3A_103 = tpu.memref_slice %arg12[%dma_wait3A_101, %dma_wait3A_102] : memref<40x128xf32, #tpu.memory_space<vmem>> -> memref<40x128xf32, #tpu.memory_space<vmem>>
      %dma_wait3A_104 = arith.constant 0 : i32
      %dma_wait3A_105 = tpu.memref_slice %arg14[%add3A_35, %dma_wait3A_104] : memref<10112x128xf32, #tpu.memory_space<vmem_shared>> -> memref<40x128xf32, #tpu.memory_space<vmem_shared>>
      %dma_wait3A_106 = arith.constant 0 : i32
      %dma_wait3A_107 = tpu.memref_slice %arg14[%add3A_35, %dma_wait3A_106] : memref<10112x128xf32, #tpu.memory_space<vmem_shared>> -> memref<40x128xf32, #tpu.memory_space<vmem_shared>>
      %dma_wait3A_108 = arith.constant 0 : i32
      %dma_wait3A_109 = arith.constant 0 : i32
      %dma_wait3A_110 = tpu.memref_slice %arg12[%dma_wait3A_108, %dma_wait3A_109] : memref<40x128xf32, #tpu.memory_space<vmem>> -> memref<40x128xf32, #tpu.memory_space<vmem>>
      tpu.wait_dma2 semaphore(%run_scoped3A : memref<!tpu.dma_semaphore, #tpu.memory_space<semaphore_mem>>) src(%dma_wait3A_110 : memref<40x128xf32, #tpu.memory_space<vmem>>) dst(%dma_wait3A_107 : memref<40x128xf32, #tpu.memory_space<vmem_shared>>)
      tpu.yield
    }) : () -> ()
    %add3A_36 = arith.constant 520 : i32
    %add3A_37 = arith.addi %mul3A_9, %add3A_36 : i32
    "tpu.region"() ({
      %run_scoped3A = tpu.sem_alloc : memref<!tpu.dma_semaphore, #tpu.memory_space<semaphore_mem>>
      %dma_start3A_91 = arith.constant 0 : i32
      %dma_start3A_92 = arith.constant 0 : i32
      %dma_start3A_93 = tpu.memref_slice %arg12[%dma_start3A_91, %dma_start3A_92] : memref<40x128xf32, #tpu.memory_space<vmem>> -> memref<40x128xf32, #tpu.memory_space<vmem>>
      %dma_start3A_94 = arith.constant 0 : i32
      %dma_start3A_95 = tpu.memref_slice %arg14[%add3A_37, %dma_start3A_94] : memref<10112x128xf32, #tpu.memory_space<vmem_shared>> -> memref<40x128xf32, #tpu.memory_space<vmem_shared>>
      %dma_start3A_96 = arith.constant 0 : i32
      %dma_start3A_97 = tpu.memref_slice %arg14[%add3A_37, %dma_start3A_96] : memref<10112x128xf32, #tpu.memory_space<vmem_shared>> -> memref<40x128xf32, #tpu.memory_space<vmem_shared>>
      %dma_start3A_98 = arith.constant 0 : i32
      %dma_start3A_99 = arith.constant 0 : i32
      %dma_start3A_100 = tpu.memref_slice %arg12[%dma_start3A_98, %dma_start3A_99] : memref<40x128xf32, #tpu.memory_space<vmem>> -> memref<40x128xf32, #tpu.memory_space<vmem>>
      tpu.enqueue_dma source(%dma_start3A_100 : memref<40x128xf32, #tpu.memory_space<vmem>>) target(%dma_start3A_97 : memref<40x128xf32, #tpu.memory_space<vmem_shared>>) target_semaphore(%run_scoped3A : memref<!tpu.dma_semaphore, #tpu.memory_space<semaphore_mem>>)
      %dma_wait3A_101 = arith.constant 0 : i32
      %dma_wait3A_102 = arith.constant 0 : i32
      %dma_wait3A_103 = tpu.memref_slice %arg12[%dma_wait3A_101, %dma_wait3A_102] : memref<40x128xf32, #tpu.memory_space<vmem>> -> memref<40x128xf32, #tpu.memory_space<vmem>>
      %dma_wait3A_104 = arith.constant 0 : i32
      %dma_wait3A_105 = tpu.memref_slice %arg14[%add3A_37, %dma_wait3A_104] : memref<10112x128xf32, #tpu.memory_space<vmem_shared>> -> memref<40x128xf32, #tpu.memory_space<vmem_shared>>
      %dma_wait3A_106 = arith.constant 0 : i32
      %dma_wait3A_107 = tpu.memref_slice %arg14[%add3A_37, %dma_wait3A_106] : memref<10112x128xf32, #tpu.memory_space<vmem_shared>> -> memref<40x128xf32, #tpu.memory_space<vmem_shared>>
      %dma_wait3A_108 = arith.constant 0 : i32
      %dma_wait3A_109 = arith.constant 0 : i32
      %dma_wait3A_110 = tpu.memref_slice %arg12[%dma_wait3A_108, %dma_wait3A_109] : memref<40x128xf32, #tpu.memory_space<vmem>> -> memref<40x128xf32, #tpu.memory_space<vmem>>
      tpu.wait_dma2 semaphore(%run_scoped3A : memref<!tpu.dma_semaphore, #tpu.memory_space<semaphore_mem>>) src(%dma_wait3A_110 : memref<40x128xf32, #tpu.memory_space<vmem>>) dst(%dma_wait3A_107 : memref<40x128xf32, #tpu.memory_space<vmem_shared>>)
      tpu.yield
    }) : () -> ()
    %add3A_38 = arith.constant 560 : i32
    %add3A_39 = arith.addi %mul3A_9, %add3A_38 : i32
    "tpu.region"() ({
      %run_scoped3A = tpu.sem_alloc : memref<!tpu.dma_semaphore, #tpu.memory_space<semaphore_mem>>
      %dma_start3A_91 = arith.constant 0 : i32
      %dma_start3A_92 = arith.constant 0 : i32
      %dma_start3A_93 = tpu.memref_slice %arg12[%dma_start3A_91, %dma_start3A_92] : memref<40x128xf32, #tpu.memory_space<vmem>> -> memref<40x128xf32, #tpu.memory_space<vmem>>
      %dma_start3A_94 = arith.constant 0 : i32
      %dma_start3A_95 = tpu.memref_slice %arg14[%add3A_39, %dma_start3A_94] : memref<10112x128xf32, #tpu.memory_space<vmem_shared>> -> memref<40x128xf32, #tpu.memory_space<vmem_shared>>
      %dma_start3A_96 = arith.constant 0 : i32
      %dma_start3A_97 = tpu.memref_slice %arg14[%add3A_39, %dma_start3A_96] : memref<10112x128xf32, #tpu.memory_space<vmem_shared>> -> memref<40x128xf32, #tpu.memory_space<vmem_shared>>
      %dma_start3A_98 = arith.constant 0 : i32
      %dma_start3A_99 = arith.constant 0 : i32
      %dma_start3A_100 = tpu.memref_slice %arg12[%dma_start3A_98, %dma_start3A_99] : memref<40x128xf32, #tpu.memory_space<vmem>> -> memref<40x128xf32, #tpu.memory_space<vmem>>
      tpu.enqueue_dma source(%dma_start3A_100 : memref<40x128xf32, #tpu.memory_space<vmem>>) target(%dma_start3A_97 : memref<40x128xf32, #tpu.memory_space<vmem_shared>>) target_semaphore(%run_scoped3A : memref<!tpu.dma_semaphore, #tpu.memory_space<semaphore_mem>>)
      %dma_wait3A_101 = arith.constant 0 : i32
      %dma_wait3A_102 = arith.constant 0 : i32
      %dma_wait3A_103 = tpu.memref_slice %arg12[%dma_wait3A_101, %dma_wait3A_102] : memref<40x128xf32, #tpu.memory_space<vmem>> -> memref<40x128xf32, #tpu.memory_space<vmem>>
      %dma_wait3A_104 = arith.constant 0 : i32
      %dma_wait3A_105 = tpu.memref_slice %arg14[%add3A_39, %dma_wait3A_104] : memref<10112x128xf32, #tpu.memory_space<vmem_shared>> -> memref<40x128xf32, #tpu.memory_space<vmem_shared>>
      %dma_wait3A_106 = arith.constant 0 : i32
      %dma_wait3A_107 = tpu.memref_slice %arg14[%add3A_39, %dma_wait3A_106] : memref<10112x128xf32, #tpu.memory_space<vmem_shared>> -> memref<40x128xf32, #tpu.memory_space<vmem_shared>>
      %dma_wait3A_108 = arith.constant 0 : i32
      %dma_wait3A_109 = arith.constant 0 : i32
      %dma_wait3A_110 = tpu.memref_slice %arg12[%dma_wait3A_108, %dma_wait3A_109] : memref<40x128xf32, #tpu.memory_space<vmem>> -> memref<40x128xf32, #tpu.memory_space<vmem>>
      tpu.wait_dma2 semaphore(%run_scoped3A : memref<!tpu.dma_semaphore, #tpu.memory_space<semaphore_mem>>) src(%dma_wait3A_110 : memref<40x128xf32, #tpu.memory_space<vmem>>) dst(%dma_wait3A_107 : memref<40x128xf32, #tpu.memory_space<vmem_shared>>)
      tpu.yield
    }) : () -> ()
    %add3A_40 = arith.constant 600 : i32
    %add3A_41 = arith.addi %mul3A_9, %add3A_40 : i32
    "tpu.region"() ({
      %run_scoped3A = tpu.sem_alloc : memref<!tpu.dma_semaphore, #tpu.memory_space<semaphore_mem>>
      %dma_start3A_91 = arith.constant 0 : i32
      %dma_start3A_92 = arith.constant 0 : i32
      %dma_start3A_93 = tpu.memref_slice %arg12[%dma_start3A_91, %dma_start3A_92] : memref<40x128xf32, #tpu.memory_space<vmem>> -> memref<32x128xf32, #tpu.memory_space<vmem>>
      %dma_start3A_94 = arith.constant 0 : i32
      %dma_start3A_95 = tpu.memref_slice %arg14[%add3A_41, %dma_start3A_94] : memref<10112x128xf32, #tpu.memory_space<vmem_shared>> -> memref<32x128xf32, #tpu.memory_space<vmem_shared>>
      %dma_start3A_96 = arith.constant 0 : i32
      %dma_start3A_97 = tpu.memref_slice %arg14[%add3A_41, %dma_start3A_96] : memref<10112x128xf32, #tpu.memory_space<vmem_shared>> -> memref<32x128xf32, #tpu.memory_space<vmem_shared>>
      %dma_start3A_98 = arith.constant 0 : i32
      %dma_start3A_99 = arith.constant 0 : i32
      %dma_start3A_100 = tpu.memref_slice %arg12[%dma_start3A_98, %dma_start3A_99] : memref<40x128xf32, #tpu.memory_space<vmem>> -> memref<32x128xf32, #tpu.memory_space<vmem>>
      tpu.enqueue_dma source(%dma_start3A_100 : memref<32x128xf32, #tpu.memory_space<vmem>>) target(%dma_start3A_97 : memref<32x128xf32, #tpu.memory_space<vmem_shared>>) target_semaphore(%run_scoped3A : memref<!tpu.dma_semaphore, #tpu.memory_space<semaphore_mem>>)
      %dma_wait3A_101 = arith.constant 0 : i32
      %dma_wait3A_102 = arith.constant 0 : i32
      %dma_wait3A_103 = tpu.memref_slice %arg12[%dma_wait3A_101, %dma_wait3A_102] : memref<40x128xf32, #tpu.memory_space<vmem>> -> memref<32x128xf32, #tpu.memory_space<vmem>>
      %dma_wait3A_104 = arith.constant 0 : i32
      %dma_wait3A_105 = tpu.memref_slice %arg14[%add3A_41, %dma_wait3A_104] : memref<10112x128xf32, #tpu.memory_space<vmem_shared>> -> memref<32x128xf32, #tpu.memory_space<vmem_shared>>
      %dma_wait3A_106 = arith.constant 0 : i32
      %dma_wait3A_107 = tpu.memref_slice %arg14[%add3A_41, %dma_wait3A_106] : memref<10112x128xf32, #tpu.memory_space<vmem_shared>> -> memref<32x128xf32, #tpu.memory_space<vmem_shared>>
      %dma_wait3A_108 = arith.constant 0 : i32
      %dma_wait3A_109 = arith.constant 0 : i32
      %dma_wait3A_110 = tpu.memref_slice %arg12[%dma_wait3A_108, %dma_wait3A_109] : memref<40x128xf32, #tpu.memory_space<vmem>> -> memref<32x128xf32, #tpu.memory_space<vmem>>
      tpu.wait_dma2 semaphore(%run_scoped3A : memref<!tpu.dma_semaphore, #tpu.memory_space<semaphore_mem>>) src(%dma_wait3A_110 : memref<32x128xf32, #tpu.memory_space<vmem>>) dst(%dma_wait3A_107 : memref<32x128xf32, #tpu.memory_space<vmem_shared>>)
      tpu.yield
    }) : () -> ()
    %barrier3A = arith.constant 0 : index
    tpu.barrier barrier_id(%barrier3A)
    %mul3A_42 = arith.constant 5000 : i32
    %mul3A_43 = arith.muli %add3A, %mul3A_42 : i32
    %add3A_44 = arith.constant 0 : i32
    %add3A_45 = arith.addi %mul3A_43, %add3A_44 : i32
    %mul3A_46 = arith.constant 5000 : i32
    %mul3A_47 = arith.muli %add3A, %mul3A_46 : i32
    %add3A_48 = arith.constant 160000 : i32
    %add3A_49 = arith.addi %add3A_48, %mul3A_47 : i32
    %add3A_50 = arith.constant 0 : i32
    %add3A_51 = arith.addi %add3A_49, %add3A_50 : i32
    "tpu.region"() ({
      %run_scoped3A = tpu.sem_alloc : memref<!tpu.dma_semaphore, #tpu.memory_space<semaphore_mem>>
      %dma_start3A_91 = tpu.memref_slice %arg5[%add3A_51] : memref<320000xi32, #tpu.memory_space<hbm>> -> memref<5000xi32, #tpu.memory_space<hbm>>
      %dma_start3A_92 = tpu.memref_slice %arg5[%add3A_51] : memref<320000xi32, #tpu.memory_space<hbm>> -> memref<5000xi32, #tpu.memory_space<hbm>>
      tpu.enqueue_dma source(%dma_start3A_92 : memref<5000xi32, #tpu.memory_space<hbm>>) target(%arg7 : memref<5000xi32, #tpu.memory_space<vmem>>) target_semaphore(%run_scoped3A : memref<!tpu.dma_semaphore, #tpu.memory_space<semaphore_mem>>)
      %dma_wait3A_93 = tpu.memref_slice %arg5[%add3A_51] : memref<320000xi32, #tpu.memory_space<hbm>> -> memref<5000xi32, #tpu.memory_space<hbm>>
      %dma_wait3A_94 = tpu.memref_slice %arg5[%add3A_51] : memref<320000xi32, #tpu.memory_space<hbm>> -> memref<5000xi32, #tpu.memory_space<hbm>>
      tpu.wait_dma2 semaphore(%run_scoped3A : memref<!tpu.dma_semaphore, #tpu.memory_space<semaphore_mem>>) src(%dma_wait3A_94 : memref<5000xi32, #tpu.memory_space<hbm>>) dst(%arg7 : memref<5000xi32, #tpu.memory_space<vmem>>)
      tpu.yield
    }) : () -> ()
    %dma_start3A = arith.constant 0 : i32
    %dma_start3A_52 = tpu.memref_slice %arg7[%dma_start3A] : memref<5000xi32, #tpu.memory_space<vmem>> -> memref<40xi32, #tpu.memory_space<vmem>>
    %dma_start3A_53 = arith.constant 0 : i32
    %dma_start3A_54 = arith.constant 0 : i32
    %dma_start3A_55 = tpu.memref_slice %arg2[%dma_start3A_53, %dma_start3A_54] : memref<10000x128xf32, #tpu.memory_space<hbm>> -> memref<10000x128xf32, #tpu.memory_space<hbm>>
    tpu.enqueue_indirect_dma source(%dma_start3A_55 : memref<10000x128xf32, #tpu.memory_space<hbm>>) target(%arg12 : memref<40x128xf32, #tpu.memory_space<vmem>>) offsets(%dma_start3A_52 : memref<40xi32, #tpu.memory_space<vmem>>) semaphore(%arg15 : memref<!tpu.dma_semaphore, #tpu.memory_space<semaphore_mem>>)
    %add3A_56 = arith.constant 0 : i32
    %add3A_57 = arith.addi %add3A_45, %add3A_56 : i32
    %dma_start3A_58 = arith.constant 0 : i32
    %dma_start3A_59 = tpu.memref_slice %arg3[%add3A_57, %dma_start3A_58] : memref<160000x128xf32, #tpu.memory_space<hbm>> -> memref<40x128xf32, #tpu.memory_space<hbm>>
    %dma_start3A_60 = arith.constant 0 : i32
    %dma_start3A_61 = tpu.memref_slice %arg3[%add3A_57, %dma_start3A_60] : memref<160000x128xf32, #tpu.memory_space<hbm>> -> memref<40x128xf32, #tpu.memory_space<hbm>>
    tpu.enqueue_dma source(%dma_start3A_61 : memref<40x128xf32, #tpu.memory_space<hbm>>) target(%arg10 : memref<40x128xf32, #tpu.memory_space<vmem>>) target_semaphore(%arg17 : memref<!tpu.dma_semaphore, #tpu.memory_space<semaphore_mem>>)
    %add3A_62 = arith.constant 0 : i32
    %add3A_63 = arith.addi %add3A_51, %add3A_62 : i32
    %dma_start3A_64 = tpu.memref_slice %arg4[%add3A_63] : memref<320000xi32, #tpu.memory_space<hbm>> -> memref<40xi32, #tpu.memory_space<hbm>>
    %dma_start3A_65 = tpu.memref_slice %arg4[%add3A_63] : memref<320000xi32, #tpu.memory_space<hbm>> -> memref<40xi32, #tpu.memory_space<hbm>>
    tpu.enqueue_dma source(%dma_start3A_65 : memref<40xi32, #tpu.memory_space<hbm>>) target(%arg8 : memref<40xi32, #tpu.memory_space<vmem>>) target_semaphore(%arg19 : memref<!tpu.dma_semaphore, #tpu.memory_space<semaphore_mem>>)
    %scan3A_66 = arith.constant 0 : i32
    %scan3A_67 = arith.constant 0 : i32
    %scan3A_68 = arith.constant 62 : i32
    %scan3A_69 = arith.addi %scan3A_67, %scan3A_68 : i32
    %scan3A_70 = arith.constant 1 : i32
    %scan3A_71 = scf.for %scan3A_91 = %scan3A_67 to %scan3A_69 step %scan3A_70 iter_args(%scan3A_92 = %scan3A_66) -> (i32)  : i32 {
      %mul3A_93 = arith.constant 2 : i32
      %mul3A_94 = arith.muli %mul3A_93, %scan3A_91 : i32
      %add3A_95 = arith.constant 1 : i32
      %add3A_96 = arith.addi %mul3A_94, %add3A_95 : i32
      %mul3A_97 = arith.constant 40 : i32
      %mul3A_98 = arith.muli %add3A_96, %mul3A_97 : i32
      %dma_start3A_99 = tpu.memref_slice %arg7[%mul3A_98] : memref<5000xi32, #tpu.memory_space<vmem>> -> memref<40xi32, #tpu.memory_space<vmem>>
      %dma_start3A_100 = arith.constant 0 : i32
      %dma_start3A_101 = arith.constant 0 : i32
      %dma_start3A_102 = tpu.memref_slice %arg2[%dma_start3A_100, %dma_start3A_101] : memref<10000x128xf32, #tpu.memory_space<hbm>> -> memref<10000x128xf32, #tpu.memory_space<hbm>>
      tpu.enqueue_indirect_dma source(%dma_start3A_102 : memref<10000x128xf32, #tpu.memory_space<hbm>>) target(%arg13 : memref<40x128xf32, #tpu.memory_space<vmem>>) offsets(%dma_start3A_99 : memref<40xi32, #tpu.memory_space<vmem>>) semaphore(%arg16 : memref<!tpu.dma_semaphore, #tpu.memory_space<semaphore_mem>>)
      %mul3A_103 = arith.constant 40 : i32
      %mul3A_104 = arith.muli %add3A_96, %mul3A_103 : i32
      %add3A_105 = arith.addi %add3A_45, %mul3A_104 : i32
      %dma_start3A_106 = arith.constant 0 : i32
      %dma_start3A_107 = tpu.memref_slice %arg3[%add3A_105, %dma_start3A_106] : memref<160000x128xf32, #tpu.memory_space<hbm>> -> memref<40x128xf32, #tpu.memory_space<hbm>>
      %dma_start3A_108 = arith.constant 0 : i32
      %dma_start3A_109 = tpu.memref_slice %arg3[%add3A_105, %dma_start3A_108] : memref<160000x128xf32, #tpu.memory_space<hbm>> -> memref<40x128xf32, #tpu.memory_space<hbm>>
      tpu.enqueue_dma source(%dma_start3A_109 : memref<40x128xf32, #tpu.memory_space<hbm>>) target(%arg11 : memref<40x128xf32, #tpu.memory_space<vmem>>) target_semaphore(%arg18 : memref<!tpu.dma_semaphore, #tpu.memory_space<semaphore_mem>>)
      %mul3A_110 = arith.constant 40 : i32
      %mul3A_111 = arith.muli %add3A_96, %mul3A_110 : i32
      %add3A_112 = arith.addi %add3A_51, %mul3A_111 : i32
      %dma_start3A_113 = tpu.memref_slice %arg4[%add3A_112] : memref<320000xi32, #tpu.memory_space<hbm>> -> memref<40xi32, #tpu.memory_space<hbm>>
      %dma_start3A_114 = tpu.memref_slice %arg4[%add3A_112] : memref<320000xi32, #tpu.memory_space<hbm>> -> memref<40xi32, #tpu.memory_space<hbm>>
      tpu.enqueue_dma source(%dma_start3A_114 : memref<40xi32, #tpu.memory_space<hbm>>) target(%arg9 : memref<40xi32, #tpu.memory_space<vmem>>) target_semaphore(%arg20 : memref<!tpu.dma_semaphore, #tpu.memory_space<semaphore_mem>>)
      %dma_wait3A_115 = arith.constant 0 : i32
      %dma_wait3A_116 = arith.constant 0 : i32
      %dma_wait3A_117 = tpu.memref_slice %arg2[%dma_wait3A_115, %dma_wait3A_116] : memref<10000x128xf32, #tpu.memory_space<hbm>> -> memref<40x128xf32, #tpu.memory_space<hbm>>
      %dma_wait3A_118 = arith.constant 0 : i32
      %dma_wait3A_119 = arith.constant 0 : i32
      %dma_wait3A_120 = tpu.memref_slice %arg2[%dma_wait3A_118, %dma_wait3A_119] : memref<10000x128xf32, #tpu.memory_space<hbm>> -> memref<40x128xf32, #tpu.memory_space<hbm>>
      tpu.wait_dma2 semaphore(%arg15 : memref<!tpu.dma_semaphore, #tpu.memory_space<semaphore_mem>>) src(%dma_wait3A_120 : memref<40x128xf32, #tpu.memory_space<hbm>>) dst(%arg12 : memref<40x128xf32, #tpu.memory_space<vmem>>)
      %dma_wait3A_121 = arith.constant 0 : i32
      %dma_wait3A_122 = arith.constant 0 : i32
      %dma_wait3A_123 = tpu.memref_slice %arg3[%dma_wait3A_121, %dma_wait3A_122] : memref<160000x128xf32, #tpu.memory_space<hbm>> -> memref<40x128xf32, #tpu.memory_space<hbm>>
      %dma_wait3A_124 = arith.constant 0 : i32
      %dma_wait3A_125 = arith.constant 0 : i32
      %dma_wait3A_126 = tpu.memref_slice %arg3[%dma_wait3A_124, %dma_wait3A_125] : memref<160000x128xf32, #tpu.memory_space<hbm>> -> memref<40x128xf32, #tpu.memory_space<hbm>>
      tpu.wait_dma2 semaphore(%arg17 : memref<!tpu.dma_semaphore, #tpu.memory_space<semaphore_mem>>) src(%dma_wait3A_126 : memref<40x128xf32, #tpu.memory_space<hbm>>) dst(%arg10 : memref<40x128xf32, #tpu.memory_space<vmem>>)
      %dma_wait3A_127 = arith.constant 0 : i32
      %dma_wait3A_128 = tpu.memref_slice %arg4[%dma_wait3A_127] : memref<320000xi32, #tpu.memory_space<hbm>> -> memref<40xi32, #tpu.memory_space<hbm>>
      %dma_wait3A_129 = arith.constant 0 : i32
      %dma_wait3A_130 = tpu.memref_slice %arg4[%dma_wait3A_129] : memref<320000xi32, #tpu.memory_space<hbm>> -> memref<40xi32, #tpu.memory_space<hbm>>
      tpu.wait_dma2 semaphore(%arg19 : memref<!tpu.dma_semaphore, #tpu.memory_space<semaphore_mem>>) src(%dma_wait3A_130 : memref<40xi32, #tpu.memory_space<hbm>>) dst(%arg8 : memref<40xi32, #tpu.memory_space<vmem>>)
      %parallel_loop3A_131 = arith.constant 0 : i32
      %parallel_loop3A_132 = arith.constant 40 : i32
      %parallel_loop3A_133 = arith.constant 1 : i32
      scf.for %parallel_loop3A_174 = %parallel_loop3A_131 to %parallel_loop3A_132 step %parallel_loop3A_133  : i32 {
        %parallel_loop3A_175 = arith.index_cast %parallel_loop3A_174 : i32 to index
        %parallel_loop3A_176 = arith.constant 0 : index
        %parallel_loop3A_177 = tpu.vector_load %arg12[%parallel_loop3A_175, %parallel_loop3A_176] {strides = array<i32>} : memref<40x128xf32, #tpu.memory_space<vmem>>, vector<1x16xf32>,
        %parallel_loop3A_178 = vector.shape_cast %parallel_loop3A_177 : vector<1x16xf32> to vector<16xf32>
        %parallel_loop3A_179 = arith.index_cast %parallel_loop3A_174 : i32 to index
        %parallel_loop3A_180 = arith.constant 0 : index
        %parallel_loop3A_181 = tpu.vector_load %arg10[%parallel_loop3A_179, %parallel_loop3A_180] {strides = array<i32>} : memref<40x128xf32, #tpu.memory_space<vmem>>, vector<1x16xf32>,
        %parallel_loop3A_182 = vector.shape_cast %parallel_loop3A_181 : vector<1x16xf32> to vector<16xf32>
        %parallel_loop3A_183 = arith.mulf %parallel_loop3A_178, %parallel_loop3A_182 : vector<16xf32>
        %parallel_loop3A_184 = arith.index_cast %parallel_loop3A_174 : i32 to index
        %parallel_loop3A_185 = arith.constant 0 : index
        %parallel_loop3A_186 = tpu.vector_load %arg12[%parallel_loop3A_184, %parallel_loop3A_185] {strides = array<i32>} : memref<40x128xf32, #tpu.memory_space<vmem>>, vector<1x16xf32>,
        %parallel_loop3A_187 = vector.shape_cast %parallel_loop3A_186 : vector<1x16xf32> to vector<16xf32>
        %parallel_loop3A_188 = vector.shape_cast %parallel_loop3A_183 : vector<16xf32> to vector<1x16xf32>
        tpu.vector_store %arg12[%parallel_loop3A_184, %parallel_loop3A_185], %parallel_loop3A_188 {strides = array<i32>} : memref<40x128xf32, #tpu.memory_space<vmem>>, vector<1x16xf32>,
        %parallel_loop3A_189 = arith.index_cast %parallel_loop3A_174 : i32 to index
        %parallel_loop3A_190 = arith.constant 16 : index
        %parallel_loop3A_191 = tpu.vector_load %arg12[%parallel_loop3A_189, %parallel_loop3A_190] {strides = array<i32>} : memref<40x128xf32, #tpu.memory_space<vmem>>, vector<1x16xf32>,
        %parallel_loop3A_192 = vector.shape_cast %parallel_loop3A_191 : vector<1x16xf32> to vector<16xf32>
        %parallel_loop3A_193 = arith.index_cast %parallel_loop3A_174 : i32 to index
        %parallel_loop3A_194 = arith.constant 16 : index
        %parallel_loop3A_195 = tpu.vector_load %arg10[%parallel_loop3A_193, %parallel_loop3A_194] {strides = array<i32>} : memref<40x128xf32, #tpu.memory_space<vmem>>, vector<1x16xf32>,
        %parallel_loop3A_196 = vector.shape_cast %parallel_loop3A_195 : vector<1x16xf32> to vector<16xf32>
        %parallel_loop3A_197 = arith.mulf %parallel_loop3A_192, %parallel_loop3A_196 : vector<16xf32>
        %parallel_loop3A_198 = arith.index_cast %parallel_loop3A_174 : i32 to index
        %parallel_loop3A_199 = arith.constant 16 : index
        %parallel_loop3A_200 = tpu.vector_load %arg12[%parallel_loop3A_198, %parallel_loop3A_199] {strides = array<i32>} : memref<40x128xf32, #tpu.memory_space<vmem>>, vector<1x16xf32>,
        %parallel_loop3A_201 = vector.shape_cast %parallel_loop3A_200 : vector<1x16xf32> to vector<16xf32>
        %parallel_loop3A_202 = vector.shape_cast %parallel_loop3A_197 : vector<16xf32> to vector<1x16xf32>
        tpu.vector_store %arg12[%parallel_loop3A_198, %parallel_loop3A_199], %parallel_loop3A_202 {strides = array<i32>} : memref<40x128xf32, #tpu.memory_space<vmem>>, vector<1x16xf32>,
        %parallel_loop3A_203 = arith.index_cast %parallel_loop3A_174 : i32 to index
        %parallel_loop3A_204 = arith.constant 32 : index
        %parallel_loop3A_205 = tpu.vector_load %arg12[%parallel_loop3A_203, %parallel_loop3A_204] {strides = array<i32>} : memref<40x128xf32, #tpu.memory_space<vmem>>, vector<1x16xf32>,
        %parallel_loop3A_206 = vector.shape_cast %parallel_loop3A_205 : vector<1x16xf32> to vector<16xf32>
        %parallel_loop3A_207 = arith.index_cast %parallel_loop3A_174 : i32 to index
        %parallel_loop3A_208 = arith.constant 32 : index
        %parallel_loop3A_209 = tpu.vector_load %arg10[%parallel_loop3A_207, %parallel_loop3A_208] {strides = array<i32>} : memref<40x128xf32, #tpu.memory_space<vmem>>, vector<1x16xf32>,
        %parallel_loop3A_210 = vector.shape_cast %parallel_loop3A_209 : vector<1x16xf32> to vector<16xf32>
        %parallel_loop3A_211 = arith.mulf %parallel_loop3A_206, %parallel_loop3A_210 : vector<16xf32>
        %parallel_loop3A_212 = arith.index_cast %parallel_loop3A_174 : i32 to index
        %parallel_loop3A_213 = arith.constant 32 : index
        %parallel_loop3A_214 = tpu.vector_load %arg12[%parallel_loop3A_212, %parallel_loop3A_213] {strides = array<i32>} : memref<40x128xf32, #tpu.memory_space<vmem>>, vector<1x16xf32>,
        %parallel_loop3A_215 = vector.shape_cast %parallel_loop3A_214 : vector<1x16xf32> to vector<16xf32>
        %parallel_loop3A_216 = vector.shape_cast %parallel_loop3A_211 : vector<16xf32> to vector<1x16xf32>
        tpu.vector_store %arg12[%parallel_loop3A_212, %parallel_loop3A_213], %parallel_loop3A_216 {strides = array<i32>} : memref<40x128xf32, #tpu.memory_space<vmem>>, vector<1x16xf32>,
        %parallel_loop3A_217 = arith.index_cast %parallel_loop3A_174 : i32 to index
        %parallel_loop3A_218 = arith.constant 48 : index
        %parallel_loop3A_219 = tpu.vector_load %arg12[%parallel_loop3A_217, %parallel_loop3A_218] {strides = array<i32>} : memref<40x128xf32, #tpu.memory_space<vmem>>, vector<1x16xf32>,
        %parallel_loop3A_220 = vector.shape_cast %parallel_loop3A_219 : vector<1x16xf32> to vector<16xf32>
        %parallel_loop3A_221 = arith.index_cast %parallel_loop3A_174 : i32 to index
        %parallel_loop3A_222 = arith.constant 48 : index
        %parallel_loop3A_223 = tpu.vector_load %arg10[%parallel_loop3A_221, %parallel_loop3A_222] {strides = array<i32>} : memref<40x128xf32, #tpu.memory_space<vmem>>, vector<1x16xf32>,
        %parallel_loop3A_224 = vector.shape_cast %parallel_loop3A_223 : vector<1x16xf32> to vector<16xf32>
        %parallel_loop3A_225 = arith.mulf %parallel_loop3A_220, %parallel_loop3A_224 : vector<16xf32>
        %parallel_loop3A_226 = arith.index_cast %parallel_loop3A_174 : i32 to index
        %parallel_loop3A_227 = arith.constant 48 : index
        %parallel_loop3A_228 = tpu.vector_load %arg12[%parallel_loop3A_226, %parallel_loop3A_227] {strides = array<i32>} : memref<40x128xf32, #tpu.memory_space<vmem>>, vector<1x16xf32>,
        %parallel_loop3A_229 = vector.shape_cast %parallel_loop3A_228 : vector<1x16xf32> to vector<16xf32>
        %parallel_loop3A_230 = vector.shape_cast %parallel_loop3A_225 : vector<16xf32> to vector<1x16xf32>
        tpu.vector_store %arg12[%parallel_loop3A_226, %parallel_loop3A_227], %parallel_loop3A_230 {strides = array<i32>} : memref<40x128xf32, #tpu.memory_space<vmem>>, vector<1x16xf32>,
        %parallel_loop3A_231 = arith.index_cast %parallel_loop3A_174 : i32 to index
        %parallel_loop3A_232 = arith.constant 64 : index
        %parallel_loop3A_233 = tpu.vector_load %arg12[%parallel_loop3A_231, %parallel_loop3A_232] {strides = array<i32>} : memref<40x128xf32, #tpu.memory_space<vmem>>, vector<1x16xf32>,
        %parallel_loop3A_234 = vector.shape_cast %parallel_loop3A_233 : vector<1x16xf32> to vector<16xf32>
        %parallel_loop3A_235 = arith.index_cast %parallel_loop3A_174 : i32 to index
        %parallel_loop3A_236 = arith.constant 64 : index
        %parallel_loop3A_237 = tpu.vector_load %arg10[%parallel_loop3A_235, %parallel_loop3A_236] {strides = array<i32>} : memref<40x128xf32, #tpu.memory_space<vmem>>, vector<1x16xf32>,
        %parallel_loop3A_238 = vector.shape_cast %parallel_loop3A_237 : vector<1x16xf32> to vector<16xf32>
        %parallel_loop3A_239 = arith.mulf %parallel_loop3A_234, %parallel_loop3A_238 : vector<16xf32>
        %parallel_loop3A_240 = arith.index_cast %parallel_loop3A_174 : i32 to index
        %parallel_loop3A_241 = arith.constant 64 : index
        %parallel_loop3A_242 = tpu.vector_load %arg12[%parallel_loop3A_240, %parallel_loop3A_241] {strides = array<i32>} : memref<40x128xf32, #tpu.memory_space<vmem>>, vector<1x16xf32>,
        %parallel_loop3A_243 = vector.shape_cast %parallel_loop3A_242 : vector<1x16xf32> to vector<16xf32>
        %parallel_loop3A_244 = vector.shape_cast %parallel_loop3A_239 : vector<16xf32> to vector<1x16xf32>
        tpu.vector_store %arg12[%parallel_loop3A_240, %parallel_loop3A_241], %parallel_loop3A_244 {strides = array<i32>} : memref<40x128xf32, #tpu.memory_space<vmem>>, vector<1x16xf32>,
        %parallel_loop3A_245 = arith.index_cast %parallel_loop3A_174 : i32 to index
        %parallel_loop3A_246 = arith.constant 80 : index
        %parallel_loop3A_247 = tpu.vector_load %arg12[%parallel_loop3A_245, %parallel_loop3A_246] {strides = array<i32>} : memref<40x128xf32, #tpu.memory_space<vmem>>, vector<1x16xf32>,
        %parallel_loop3A_248 = vector.shape_cast %parallel_loop3A_247 : vector<1x16xf32> to vector<16xf32>
        %parallel_loop3A_249 = arith.index_cast %parallel_loop3A_174 : i32 to index
        %parallel_loop3A_250 = arith.constant 80 : index
        %parallel_loop3A_251 = tpu.vector_load %arg10[%parallel_loop3A_249, %parallel_loop3A_250] {strides = array<i32>} : memref<40x128xf32, #tpu.memory_space<vmem>>, vector<1x16xf32>,
        %parallel_loop3A_252 = vector.shape_cast %parallel_loop3A_251 : vector<1x16xf32> to vector<16xf32>
        %parallel_loop3A_253 = arith.mulf %parallel_loop3A_248, %parallel_loop3A_252 : vector<16xf32>
        %parallel_loop3A_254 = arith.index_cast %parallel_loop3A_174 : i32 to index
        %parallel_loop3A_255 = arith.constant 80 : index
        %parallel_loop3A_256 = tpu.vector_load %arg12[%parallel_loop3A_254, %parallel_loop3A_255] {strides = array<i32>} : memref<40x128xf32, #tpu.memory_space<vmem>>, vector<1x16xf32>,
        %parallel_loop3A_257 = vector.shape_cast %parallel_loop3A_256 : vector<1x16xf32> to vector<16xf32>
        %parallel_loop3A_258 = vector.shape_cast %parallel_loop3A_253 : vector<16xf32> to vector<1x16xf32>
        tpu.vector_store %arg12[%parallel_loop3A_254, %parallel_loop3A_255], %parallel_loop3A_258 {strides = array<i32>} : memref<40x128xf32, #tpu.memory_space<vmem>>, vector<1x16xf32>,
        %parallel_loop3A_259 = arith.index_cast %parallel_loop3A_174 : i32 to index
        %parallel_loop3A_260 = arith.constant 96 : index
        %parallel_loop3A_261 = tpu.vector_load %arg12[%parallel_loop3A_259, %parallel_loop3A_260] {strides = array<i32>} : memref<40x128xf32, #tpu.memory_space<vmem>>, vector<1x16xf32>,
        %parallel_loop3A_262 = vector.shape_cast %parallel_loop3A_261 : vector<1x16xf32> to vector<16xf32>
        %parallel_loop3A_263 = arith.index_cast %parallel_loop3A_174 : i32 to index
        %parallel_loop3A_264 = arith.constant 96 : index
        %parallel_loop3A_265 = tpu.vector_load %arg10[%parallel_loop3A_263, %parallel_loop3A_264] {strides = array<i32>} : memref<40x128xf32, #tpu.memory_space<vmem>>, vector<1x16xf32>,
        %parallel_loop3A_266 = vector.shape_cast %parallel_loop3A_265 : vector<1x16xf32> to vector<16xf32>
        %parallel_loop3A_267 = arith.mulf %parallel_loop3A_262, %parallel_loop3A_266 : vector<16xf32>
        %parallel_loop3A_268 = arith.index_cast %parallel_loop3A_174 : i32 to index
        %parallel_loop3A_269 = arith.constant 96 : index
        %parallel_loop3A_270 = tpu.vector_load %arg12[%parallel_loop3A_268, %parallel_loop3A_269] {strides = array<i32>} : memref<40x128xf32, #tpu.memory_space<vmem>>, vector<1x16xf32>,
        %parallel_loop3A_271 = vector.shape_cast %parallel_loop3A_270 : vector<1x16xf32> to vector<16xf32>
        %parallel_loop3A_272 = vector.shape_cast %parallel_loop3A_267 : vector<16xf32> to vector<1x16xf32>
        tpu.vector_store %arg12[%parallel_loop3A_268, %parallel_loop3A_269], %parallel_loop3A_272 {strides = array<i32>} : memref<40x128xf32, #tpu.memory_space<vmem>>, vector<1x16xf32>,
        %parallel_loop3A_273 = arith.index_cast %parallel_loop3A_174 : i32 to index
        %parallel_loop3A_274 = arith.constant 112 : index
        %parallel_loop3A_275 = tpu.vector_load %arg12[%parallel_loop3A_273, %parallel_loop3A_274] {strides = array<i32>} : memref<40x128xf32, #tpu.memory_space<vmem>>, vector<1x16xf32>,
        %parallel_loop3A_276 = vector.shape_cast %parallel_loop3A_275 : vector<1x16xf32> to vector<16xf32>
        %parallel_loop3A_277 = arith.index_cast %parallel_loop3A_174 : i32 to index
        %parallel_loop3A_278 = arith.constant 112 : index
        %parallel_loop3A_279 = tpu.vector_load %arg10[%parallel_loop3A_277, %parallel_loop3A_278] {strides = array<i32>} : memref<40x128xf32, #tpu.memory_space<vmem>>, vector<1x16xf32>,
        %parallel_loop3A_280 = vector.shape_cast %parallel_loop3A_279 : vector<1x16xf32> to vector<16xf32>
        %parallel_loop3A_281 = arith.mulf %parallel_loop3A_276, %parallel_loop3A_280 : vector<16xf32>
        %parallel_loop3A_282 = arith.index_cast %parallel_loop3A_174 : i32 to index
        %parallel_loop3A_283 = arith.constant 112 : index
        %parallel_loop3A_284 = tpu.vector_load %arg12[%parallel_loop3A_282, %parallel_loop3A_283] {strides = array<i32>} : memref<40x128xf32, #tpu.memory_space<vmem>>, vector<1x16xf32>,
        %parallel_loop3A_285 = vector.shape_cast %parallel_loop3A_284 : vector<1x16xf32> to vector<16xf32>
        %parallel_loop3A_286 = vector.shape_cast %parallel_loop3A_281 : vector<16xf32> to vector<1x16xf32>
        tpu.vector_store %arg12[%parallel_loop3A_282, %parallel_loop3A_283], %parallel_loop3A_286 {strides = array<i32>} : memref<40x128xf32, #tpu.memory_space<vmem>>, vector<1x16xf32>,
      } {sc.loop_unroll_factor = 4 : i64, sc.parallel_access}
      "tpu.region"() ({
        %run_scoped3A = tpu.sem_alloc : memref<!tpu.dma_semaphore, #tpu.memory_space<semaphore_mem>>
        %dma_start3A_174 = arith.constant 0 : i32
        %dma_start3A_175 = arith.constant 0 : i32
        %dma_start3A_176 = tpu.memref_slice %arg14[%dma_start3A_174, %dma_start3A_175] : memref<10112x128xf32, #tpu.memory_space<vmem_shared>> -> memref<10112x128xf32, #tpu.memory_space<vmem_shared>>
        tpu.enqueue_indirect_dma source(%arg12 : memref<40x128xf32, #tpu.memory_space<vmem>>) target(%dma_start3A_176 : memref<10112x128xf32, #tpu.memory_space<vmem_shared>>) offsets(%arg8 : memref<40xi32, #tpu.memory_space<vmem>>) semaphore(%run_scoped3A : memref<!tpu.dma_semaphore, #tpu.memory_space<semaphore_mem>>) {add = true}
        %dma_wait3A_177 = arith.constant 0 : i32
        %dma_wait3A_178 = arith.constant 0 : i32
        %dma_wait3A_179 = tpu.memref_slice %arg14[%dma_wait3A_177, %dma_wait3A_178] : memref<10112x128xf32, #tpu.memory_space<vmem_shared>> -> memref<10112x128xf32, #tpu.memory_space<vmem_shared>>
        tpu.wait_indirect_dma semaphore(%run_scoped3A : memref<!tpu.dma_semaphore, #tpu.memory_space<semaphore_mem>>) src(%arg12 : memref<40x128xf32, #tpu.memory_space<vmem>>) dst(%dma_wait3A_179 : memref<10112x128xf32, #tpu.memory_space<vmem_shared>>)
        tpu.yield
      }) : () -> ()
      %add3A_134 = arith.constant 2 : i32
      %add3A_135 = arith.addi %mul3A_94, %add3A_134 : i32
      %mul3A_136 = arith.constant 40 : i32
      %mul3A_137 = arith.muli %add3A_135, %mul3A_136 : i32
      %dma_start3A_138 = tpu.memref_slice %arg7[%mul3A_137] : memref<5000xi32, #tpu.memory_space<vmem>> -> memref<40xi32, #tpu.memory_space<vmem>>
      %dma_start3A_139 = arith.constant 0 : i32
      %dma_start3A_140 = arith.constant 0 : i32
      %dma_start3A_141 = tpu.memref_slice %arg2[%dma_start3A_139, %dma_start3A_140] : memref<10000x128xf32, #tpu.memory_space<hbm>> -> memref<10000x128xf32, #tpu.memory_space<hbm>>
      tpu.enqueue_indirect_dma source(%dma_start3A_141 : memref<10000x128xf32, #tpu.memory_space<hbm>>) target(%arg12 : memref<40x128xf32, #tpu.memory_space<vmem>>) offsets(%dma_start3A_138 : memref<40xi32, #tpu.memory_space<vmem>>) semaphore(%arg15 : memref<!tpu.dma_semaphore, #tpu.memory_space<semaphore_mem>>)
      %mul3A_142 = arith.constant 40 : i32
      %mul3A_143 = arith.muli %add3A_135, %mul3A_142 : i32
      %add3A_144 = arith.addi %add3A_45, %mul3A_143 : i32
      %dma_start3A_145 = arith.constant 0 : i32
      %dma_start3A_146 = tpu.memref_slice %arg3[%add3A_144, %dma_start3A_145] : memref<160000x128xf32, #tpu.memory_space<hbm>> -> memref<40x128xf32, #tpu.memory_space<hbm>>
      %dma_start3A_147 = arith.constant 0 : i32
      %dma_start3A_148 = tpu.memref_slice %arg3[%add3A_144, %dma_start3A_147] : memref<160000x128xf32, #tpu.memory_space<hbm>> -> memref<40x128xf32, #tpu.memory_space<hbm>>
      tpu.enqueue_dma source(%dma_start3A_148 : memref<40x128xf32, #tpu.memory_space<hbm>>) target(%arg10 : memref<40x128xf32, #tpu.memory_space<vmem>>) target_semaphore(%arg17 : memref<!tpu.dma_semaphore, #tpu.memory_space<semaphore_mem>>)
      %mul3A_149 = arith.constant 40 : i32
      %mul3A_150 = arith.muli %add3A_135, %mul3A_149 : i32
      %add3A_151 = arith.addi %add3A_51, %mul3A_150 : i32
      %dma_start3A_152 = tpu.memref_slice %arg4[%add3A_151] : memref<320000xi32, #tpu.memory_space<hbm>> -> memref<40xi32, #tpu.memory_space<hbm>>
      %dma_start3A_153 = tpu.memref_slice %arg4[%add3A_151] : memref<320000xi32, #tpu.memory_space<hbm>> -> memref<40xi32, #tpu.memory_space<hbm>>
      tpu.enqueue_dma source(%dma_start3A_153 : memref<40xi32, #tpu.memory_space<hbm>>) target(%arg8 : memref<40xi32, #tpu.memory_space<vmem>>) target_semaphore(%arg19 : memref<!tpu.dma_semaphore, #tpu.memory_space<semaphore_mem>>)
      %dma_wait3A_154 = arith.constant 0 : i32
      %dma_wait3A_155 = arith.constant 0 : i32
      %dma_wait3A_156 = tpu.memref_slice %arg2[%dma_wait3A_154, %dma_wait3A_155] : memref<10000x128xf32, #tpu.memory_space<hbm>> -> memref<40x128xf32, #tpu.memory_space<hbm>>
      %dma_wait3A_157 = arith.constant 0 : i32
      %dma_wait3A_158 = arith.constant 0 : i32
      %dma_wait3A_159 = tpu.memref_slice %arg2[%dma_wait3A_157, %dma_wait3A_158] : memref<10000x128xf32, #tpu.memory_space<hbm>> -> memref<40x128xf32, #tpu.memory_space<hbm>>
      tpu.wait_dma2 semaphore(%arg16 : memref<!tpu.dma_semaphore, #tpu.memory_space<semaphore_mem>>) src(%dma_wait3A_159 : memref<40x128xf32, #tpu.memory_space<hbm>>) dst(%arg13 : memref<40x128xf32, #tpu.memory_space<vmem>>)
      %dma_wait3A_160 = arith.constant 0 : i32
      %dma_wait3A_161 = arith.constant 0 : i32
      %dma_wait3A_162 = tpu.memref_slice %arg3[%dma_wait3A_160, %dma_wait3A_161] : memref<160000x128xf32, #tpu.memory_space<hbm>> -> memref<40x128xf32, #tpu.memory_space<hbm>>
      %dma_wait3A_163 = arith.constant 0 : i32
      %dma_wait3A_164 = arith.constant 0 : i32
      %dma_wait3A_165 = tpu.memref_slice %arg3[%dma_wait3A_163, %dma_wait3A_164] : memref<160000x128xf32, #tpu.memory_space<hbm>> -> memref<40x128xf32, #tpu.memory_space<hbm>>
      tpu.wait_dma2 semaphore(%arg18 : memref<!tpu.dma_semaphore, #tpu.memory_space<semaphore_mem>>) src(%dma_wait3A_165 : memref<40x128xf32, #tpu.memory_space<hbm>>) dst(%arg11 : memref<40x128xf32, #tpu.memory_space<vmem>>)
      %dma_wait3A_166 = arith.constant 0 : i32
      %dma_wait3A_167 = tpu.memref_slice %arg4[%dma_wait3A_166] : memref<320000xi32, #tpu.memory_space<hbm>> -> memref<40xi32, #tpu.memory_space<hbm>>
      %dma_wait3A_168 = arith.constant 0 : i32
      %dma_wait3A_169 = tpu.memref_slice %arg4[%dma_wait3A_168] : memref<320000xi32, #tpu.memory_space<hbm>> -> memref<40xi32, #tpu.memory_space<hbm>>
      tpu.wait_dma2 semaphore(%arg20 : memref<!tpu.dma_semaphore, #tpu.memory_space<semaphore_mem>>) src(%dma_wait3A_169 : memref<40xi32, #tpu.memory_space<hbm>>) dst(%arg9 : memref<40xi32, #tpu.memory_space<vmem>>)
      %parallel_loop3A_170 = arith.constant 0 : i32
      %parallel_loop3A_171 = arith.constant 40 : i32
      %parallel_loop3A_172 = arith.constant 1 : i32
      scf.for %parallel_loop3A_174 = %parallel_loop3A_170 to %parallel_loop3A_171 step %parallel_loop3A_172  : i32 {
        %parallel_loop3A_175 = arith.index_cast %parallel_loop3A_174 : i32 to index
        %parallel_loop3A_176 = arith.constant 0 : index
        %parallel_loop3A_177 = tpu.vector_load %arg13[%parallel_loop3A_175, %parallel_loop3A_176] {strides = array<i32>} : memref<40x128xf32, #tpu.memory_space<vmem>>, vector<1x16xf32>,
        %parallel_loop3A_178 = vector.shape_cast %parallel_loop3A_177 : vector<1x16xf32> to vector<16xf32>
        %parallel_loop3A_179 = arith.index_cast %parallel_loop3A_174 : i32 to index
        %parallel_loop3A_180 = arith.constant 0 : index
        %parallel_loop3A_181 = tpu.vector_load %arg11[%parallel_loop3A_179, %parallel_loop3A_180] {strides = array<i32>} : memref<40x128xf32, #tpu.memory_space<vmem>>, vector<1x16xf32>,
        %parallel_loop3A_182 = vector.shape_cast %parallel_loop3A_181 : vector<1x16xf32> to vector<16xf32>
        %parallel_loop3A_183 = arith.mulf %parallel_loop3A_178, %parallel_loop3A_182 : vector<16xf32>
        %parallel_loop3A_184 = arith.index_cast %parallel_loop3A_174 : i32 to index
        %parallel_loop3A_185 = arith.constant 0 : index
        %parallel_loop3A_186 = tpu.vector_load %arg13[%parallel_loop3A_184, %parallel_loop3A_185] {strides = array<i32>} : memref<40x128xf32, #tpu.memory_space<vmem>>, vector<1x16xf32>,
        %parallel_loop3A_187 = vector.shape_cast %parallel_loop3A_186 : vector<1x16xf32> to vector<16xf32>
        %parallel_loop3A_188 = vector.shape_cast %parallel_loop3A_183 : vector<16xf32> to vector<1x16xf32>
        tpu.vector_store %arg13[%parallel_loop3A_184, %parallel_loop3A_185], %parallel_loop3A_188 {strides = array<i32>} : memref<40x128xf32, #tpu.memory_space<vmem>>, vector<1x16xf32>,
        %parallel_loop3A_189 = arith.index_cast %parallel_loop3A_174 : i32 to index
        %parallel_loop3A_190 = arith.constant 16 : index
        %parallel_loop3A_191 = tpu.vector_load %arg13[%parallel_loop3A_189, %parallel_loop3A_190] {strides = array<i32>} : memref<40x128xf32, #tpu.memory_space<vmem>>, vector<1x16xf32>,
        %parallel_loop3A_192 = vector.shape_cast %parallel_loop3A_191 : vector<1x16xf32> to vector<16xf32>
        %parallel_loop3A_193 = arith.index_cast %parallel_loop3A_174 : i32 to index
        %parallel_loop3A_194 = arith.constant 16 : index
        %parallel_loop3A_195 = tpu.vector_load %arg11[%parallel_loop3A_193, %parallel_loop3A_194] {strides = array<i32>} : memref<40x128xf32, #tpu.memory_space<vmem>>, vector<1x16xf32>,
        %parallel_loop3A_196 = vector.shape_cast %parallel_loop3A_195 : vector<1x16xf32> to vector<16xf32>
        %parallel_loop3A_197 = arith.mulf %parallel_loop3A_192, %parallel_loop3A_196 : vector<16xf32>
        %parallel_loop3A_198 = arith.index_cast %parallel_loop3A_174 : i32 to index
        %parallel_loop3A_199 = arith.constant 16 : index
        %parallel_loop3A_200 = tpu.vector_load %arg13[%parallel_loop3A_198, %parallel_loop3A_199] {strides = array<i32>} : memref<40x128xf32, #tpu.memory_space<vmem>>, vector<1x16xf32>,
        %parallel_loop3A_201 = vector.shape_cast %parallel_loop3A_200 : vector<1x16xf32> to vector<16xf32>
        %parallel_loop3A_202 = vector.shape_cast %parallel_loop3A_197 : vector<16xf32> to vector<1x16xf32>
        tpu.vector_store %arg13[%parallel_loop3A_198, %parallel_loop3A_199], %parallel_loop3A_202 {strides = array<i32>} : memref<40x128xf32, #tpu.memory_space<vmem>>, vector<1x16xf32>,
        %parallel_loop3A_203 = arith.index_cast %parallel_loop3A_174 : i32 to index
        %parallel_loop3A_204 = arith.constant 32 : index
        %parallel_loop3A_205 = tpu.vector_load %arg13[%parallel_loop3A_203, %parallel_loop3A_204] {strides = array<i32>} : memref<40x128xf32, #tpu.memory_space<vmem>>, vector<1x16xf32>,
        %parallel_loop3A_206 = vector.shape_cast %parallel_loop3A_205 : vector<1x16xf32> to vector<16xf32>
        %parallel_loop3A_207 = arith.index_cast %parallel_loop3A_174 : i32 to index
        %parallel_loop3A_208 = arith.constant 32 : index
        %parallel_loop3A_209 = tpu.vector_load %arg11[%parallel_loop3A_207, %parallel_loop3A_208] {strides = array<i32>} : memref<40x128xf32, #tpu.memory_space<vmem>>, vector<1x16xf32>,
        %parallel_loop3A_210 = vector.shape_cast %parallel_loop3A_209 : vector<1x16xf32> to vector<16xf32>
        %parallel_loop3A_211 = arith.mulf %parallel_loop3A_206, %parallel_loop3A_210 : vector<16xf32>
        %parallel_loop3A_212 = arith.index_cast %parallel_loop3A_174 : i32 to index
        %parallel_loop3A_213 = arith.constant 32 : index
        %parallel_loop3A_214 = tpu.vector_load %arg13[%parallel_loop3A_212, %parallel_loop3A_213] {strides = array<i32>} : memref<40x128xf32, #tpu.memory_space<vmem>>, vector<1x16xf32>,
        %parallel_loop3A_215 = vector.shape_cast %parallel_loop3A_214 : vector<1x16xf32> to vector<16xf32>
        %parallel_loop3A_216 = vector.shape_cast %parallel_loop3A_211 : vector<16xf32> to vector<1x16xf32>
        tpu.vector_store %arg13[%parallel_loop3A_212, %parallel_loop3A_213], %parallel_loop3A_216 {strides = array<i32>} : memref<40x128xf32, #tpu.memory_space<vmem>>, vector<1x16xf32>,
        %parallel_loop3A_217 = arith.index_cast %parallel_loop3A_174 : i32 to index
        %parallel_loop3A_218 = arith.constant 48 : index
        %parallel_loop3A_219 = tpu.vector_load %arg13[%parallel_loop3A_217, %parallel_loop3A_218] {strides = array<i32>} : memref<40x128xf32, #tpu.memory_space<vmem>>, vector<1x16xf32>,
        %parallel_loop3A_220 = vector.shape_cast %parallel_loop3A_219 : vector<1x16xf32> to vector<16xf32>
        %parallel_loop3A_221 = arith.index_cast %parallel_loop3A_174 : i32 to index
        %parallel_loop3A_222 = arith.constant 48 : index
        %parallel_loop3A_223 = tpu.vector_load %arg11[%parallel_loop3A_221, %parallel_loop3A_222] {strides = array<i32>} : memref<40x128xf32, #tpu.memory_space<vmem>>, vector<1x16xf32>,
        %parallel_loop3A_224 = vector.shape_cast %parallel_loop3A_223 : vector<1x16xf32> to vector<16xf32>
        %parallel_loop3A_225 = arith.mulf %parallel_loop3A_220, %parallel_loop3A_224 : vector<16xf32>
        %parallel_loop3A_226 = arith.index_cast %parallel_loop3A_174 : i32 to index
        %parallel_loop3A_227 = arith.constant 48 : index
        %parallel_loop3A_228 = tpu.vector_load %arg13[%parallel_loop3A_226, %parallel_loop3A_227] {strides = array<i32>} : memref<40x128xf32, #tpu.memory_space<vmem>>, vector<1x16xf32>,
        %parallel_loop3A_229 = vector.shape_cast %parallel_loop3A_228 : vector<1x16xf32> to vector<16xf32>
        %parallel_loop3A_230 = vector.shape_cast %parallel_loop3A_225 : vector<16xf32> to vector<1x16xf32>
        tpu.vector_store %arg13[%parallel_loop3A_226, %parallel_loop3A_227], %parallel_loop3A_230 {strides = array<i32>} : memref<40x128xf32, #tpu.memory_space<vmem>>, vector<1x16xf32>,
        %parallel_loop3A_231 = arith.index_cast %parallel_loop3A_174 : i32 to index
        %parallel_loop3A_232 = arith.constant 64 : index
        %parallel_loop3A_233 = tpu.vector_load %arg13[%parallel_loop3A_231, %parallel_loop3A_232] {strides = array<i32>} : memref<40x128xf32, #tpu.memory_space<vmem>>, vector<1x16xf32>,
        %parallel_loop3A_234 = vector.shape_cast %parallel_loop3A_233 : vector<1x16xf32> to vector<16xf32>
        %parallel_loop3A_235 = arith.index_cast %parallel_loop3A_174 : i32 to index
        %parallel_loop3A_236 = arith.constant 64 : index
        %parallel_loop3A_237 = tpu.vector_load %arg11[%parallel_loop3A_235, %parallel_loop3A_236] {strides = array<i32>} : memref<40x128xf32, #tpu.memory_space<vmem>>, vector<1x16xf32>,
        %parallel_loop3A_238 = vector.shape_cast %parallel_loop3A_237 : vector<1x16xf32> to vector<16xf32>
        %parallel_loop3A_239 = arith.mulf %parallel_loop3A_234, %parallel_loop3A_238 : vector<16xf32>
        %parallel_loop3A_240 = arith.index_cast %parallel_loop3A_174 : i32 to index
        %parallel_loop3A_241 = arith.constant 64 : index
        %parallel_loop3A_242 = tpu.vector_load %arg13[%parallel_loop3A_240, %parallel_loop3A_241] {strides = array<i32>} : memref<40x128xf32, #tpu.memory_space<vmem>>, vector<1x16xf32>,
        %parallel_loop3A_243 = vector.shape_cast %parallel_loop3A_242 : vector<1x16xf32> to vector<16xf32>
        %parallel_loop3A_244 = vector.shape_cast %parallel_loop3A_239 : vector<16xf32> to vector<1x16xf32>
        tpu.vector_store %arg13[%parallel_loop3A_240, %parallel_loop3A_241], %parallel_loop3A_244 {strides = array<i32>} : memref<40x128xf32, #tpu.memory_space<vmem>>, vector<1x16xf32>,
        %parallel_loop3A_245 = arith.index_cast %parallel_loop3A_174 : i32 to index
        %parallel_loop3A_246 = arith.constant 80 : index
        %parallel_loop3A_247 = tpu.vector_load %arg13[%parallel_loop3A_245, %parallel_loop3A_246] {strides = array<i32>} : memref<40x128xf32, #tpu.memory_space<vmem>>, vector<1x16xf32>,
        %parallel_loop3A_248 = vector.shape_cast %parallel_loop3A_247 : vector<1x16xf32> to vector<16xf32>
        %parallel_loop3A_249 = arith.index_cast %parallel_loop3A_174 : i32 to index
        %parallel_loop3A_250 = arith.constant 80 : index
        %parallel_loop3A_251 = tpu.vector_load %arg11[%parallel_loop3A_249, %parallel_loop3A_250] {strides = array<i32>} : memref<40x128xf32, #tpu.memory_space<vmem>>, vector<1x16xf32>,
        %parallel_loop3A_252 = vector.shape_cast %parallel_loop3A_251 : vector<1x16xf32> to vector<16xf32>
        %parallel_loop3A_253 = arith.mulf %parallel_loop3A_248, %parallel_loop3A_252 : vector<16xf32>
        %parallel_loop3A_254 = arith.index_cast %parallel_loop3A_174 : i32 to index
        %parallel_loop3A_255 = arith.constant 80 : index
        %parallel_loop3A_256 = tpu.vector_load %arg13[%parallel_loop3A_254, %parallel_loop3A_255] {strides = array<i32>} : memref<40x128xf32, #tpu.memory_space<vmem>>, vector<1x16xf32>,
        %parallel_loop3A_257 = vector.shape_cast %parallel_loop3A_256 : vector<1x16xf32> to vector<16xf32>
        %parallel_loop3A_258 = vector.shape_cast %parallel_loop3A_253 : vector<16xf32> to vector<1x16xf32>
        tpu.vector_store %arg13[%parallel_loop3A_254, %parallel_loop3A_255], %parallel_loop3A_258 {strides = array<i32>} : memref<40x128xf32, #tpu.memory_space<vmem>>, vector<1x16xf32>,
        %parallel_loop3A_259 = arith.index_cast %parallel_loop3A_174 : i32 to index
        %parallel_loop3A_260 = arith.constant 96 : index
        %parallel_loop3A_261 = tpu.vector_load %arg13[%parallel_loop3A_259, %parallel_loop3A_260] {strides = array<i32>} : memref<40x128xf32, #tpu.memory_space<vmem>>, vector<1x16xf32>,
        %parallel_loop3A_262 = vector.shape_cast %parallel_loop3A_261 : vector<1x16xf32> to vector<16xf32>
        %parallel_loop3A_263 = arith.index_cast %parallel_loop3A_174 : i32 to index
        %parallel_loop3A_264 = arith.constant 96 : index
        %parallel_loop3A_265 = tpu.vector_load %arg11[%parallel_loop3A_263, %parallel_loop3A_264] {strides = array<i32>} : memref<40x128xf32, #tpu.memory_space<vmem>>, vector<1x16xf32>,
        %parallel_loop3A_266 = vector.shape_cast %parallel_loop3A_265 : vector<1x16xf32> to vector<16xf32>
        %parallel_loop3A_267 = arith.mulf %parallel_loop3A_262, %parallel_loop3A_266 : vector<16xf32>
        %parallel_loop3A_268 = arith.index_cast %parallel_loop3A_174 : i32 to index
        %parallel_loop3A_269 = arith.constant 96 : index
        %parallel_loop3A_270 = tpu.vector_load %arg13[%parallel_loop3A_268, %parallel_loop3A_269] {strides = array<i32>} : memref<40x128xf32, #tpu.memory_space<vmem>>, vector<1x16xf32>,
        %parallel_loop3A_271 = vector.shape_cast %parallel_loop3A_270 : vector<1x16xf32> to vector<16xf32>
        %parallel_loop3A_272 = vector.shape_cast %parallel_loop3A_267 : vector<16xf32> to vector<1x16xf32>
        tpu.vector_store %arg13[%parallel_loop3A_268, %parallel_loop3A_269], %parallel_loop3A_272 {strides = array<i32>} : memref<40x128xf32, #tpu.memory_space<vmem>>, vector<1x16xf32>,
        %parallel_loop3A_273 = arith.index_cast %parallel_loop3A_174 : i32 to index
        %parallel_loop3A_274 = arith.constant 112 : index
        %parallel_loop3A_275 = tpu.vector_load %arg13[%parallel_loop3A_273, %parallel_loop3A_274] {strides = array<i32>} : memref<40x128xf32, #tpu.memory_space<vmem>>, vector<1x16xf32>,
        %parallel_loop3A_276 = vector.shape_cast %parallel_loop3A_275 : vector<1x16xf32> to vector<16xf32>
        %parallel_loop3A_277 = arith.index_cast %parallel_loop3A_174 : i32 to index
        %parallel_loop3A_278 = arith.constant 112 : index
        %parallel_loop3A_279 = tpu.vector_load %arg11[%parallel_loop3A_277, %parallel_loop3A_278] {strides = array<i32>} : memref<40x128xf32, #tpu.memory_space<vmem>>, vector<1x16xf32>,
        %parallel_loop3A_280 = vector.shape_cast %parallel_loop3A_279 : vector<1x16xf32> to vector<16xf32>
        %parallel_loop3A_281 = arith.mulf %parallel_loop3A_276, %parallel_loop3A_280 : vector<16xf32>
        %parallel_loop3A_282 = arith.index_cast %parallel_loop3A_174 : i32 to index
        %parallel_loop3A_283 = arith.constant 112 : index
        %parallel_loop3A_284 = tpu.vector_load %arg13[%parallel_loop3A_282, %parallel_loop3A_283] {strides = array<i32>} : memref<40x128xf32, #tpu.memory_space<vmem>>, vector<1x16xf32>,
        %parallel_loop3A_285 = vector.shape_cast %parallel_loop3A_284 : vector<1x16xf32> to vector<16xf32>
        %parallel_loop3A_286 = vector.shape_cast %parallel_loop3A_281 : vector<16xf32> to vector<1x16xf32>
        tpu.vector_store %arg13[%parallel_loop3A_282, %parallel_loop3A_283], %parallel_loop3A_286 {strides = array<i32>} : memref<40x128xf32, #tpu.memory_space<vmem>>, vector<1x16xf32>,
      } {sc.loop_unroll_factor = 4 : i64, sc.parallel_access}
      "tpu.region"() ({
        %run_scoped3A = tpu.sem_alloc : memref<!tpu.dma_semaphore, #tpu.memory_space<semaphore_mem>>
        %dma_start3A_174 = arith.constant 0 : i32
        %dma_start3A_175 = arith.constant 0 : i32
        %dma_start3A_176 = tpu.memref_slice %arg14[%dma_start3A_174, %dma_start3A_175] : memref<10112x128xf32, #tpu.memory_space<vmem_shared>> -> memref<10112x128xf32, #tpu.memory_space<vmem_shared>>
        tpu.enqueue_indirect_dma source(%arg13 : memref<40x128xf32, #tpu.memory_space<vmem>>) target(%dma_start3A_176 : memref<10112x128xf32, #tpu.memory_space<vmem_shared>>) offsets(%arg9 : memref<40xi32, #tpu.memory_space<vmem>>) semaphore(%run_scoped3A : memref<!tpu.dma_semaphore, #tpu.memory_space<semaphore_mem>>) {add = true}
        %dma_wait3A_177 = arith.constant 0 : i32
        %dma_wait3A_178 = arith.constant 0 : i32
        %dma_wait3A_179 = tpu.memref_slice %arg14[%dma_wait3A_177, %dma_wait3A_178] : memref<10112x128xf32, #tpu.memory_space<vmem_shared>> -> memref<10112x128xf32, #tpu.memory_space<vmem_shared>>
        tpu.wait_indirect_dma semaphore(%run_scoped3A : memref<!tpu.dma_semaphore, #tpu.memory_space<semaphore_mem>>) src(%arg13 : memref<40x128xf32, #tpu.memory_space<vmem>>) dst(%dma_wait3A_179 : memref<10112x128xf32, #tpu.memory_space<vmem_shared>>)
        tpu.yield
      }) : () -> ()
      %scan3A_173 = arith.constant 0 : i32
      scf.yield %scan3A_173 : i32
    }
    %scan3A_72 = arith.constant 62 : i32
    %dma_wait3A = arith.constant 0 : i32
    %dma_wait3A_73 = arith.constant 0 : i32
    %dma_wait3A_74 = tpu.memref_slice %arg2[%dma_wait3A, %dma_wait3A_73] : memref<10000x128xf32, #tpu.memory_space<hbm>> -> memref<40x128xf32, #tpu.memory_space<hbm>>
    %dma_wait3A_75 = arith.constant 0 : i32
    %dma_wait3A_76 = arith.constant 0 : i32
    %dma_wait3A_77 = tpu.memref_slice %arg2[%dma_wait3A_75, %dma_wait3A_76] : memref<10000x128xf32, #tpu.memory_space<hbm>> -> memref<40x128xf32, #tpu.memory_space<hbm>>
    tpu.wait_dma2 semaphore(%arg15 : memref<!tpu.dma_semaphore, #tpu.memory_space<semaphore_mem>>) src(%dma_wait3A_77 : memref<40x128xf32, #tpu.memory_space<hbm>>) dst(%arg12 : memref<40x128xf32, #tpu.memory_space<vmem>>)
    %dma_wait3A_78 = arith.constant 0 : i32
    %dma_wait3A_79 = arith.constant 0 : i32
    %dma_wait3A_80 = tpu.memref_slice %arg3[%dma_wait3A_78, %dma_wait3A_79] : memref<160000x128xf32, #tpu.memory_space<hbm>> -> memref<40x128xf32, #tpu.memory_space<hbm>>
    %dma_wait3A_81 = arith.constant 0 : i32
    %dma_wait3A_82 = arith.constant 0 : i32
    %dma_wait3A_83 = tpu.memref_slice %arg3[%dma_wait3A_81, %dma_wait3A_82] : memref<160000x128xf32, #tpu.memory_space<hbm>> -> memref<40x128xf32, #tpu.memory_space<hbm>>
    tpu.wait_dma2 semaphore(%arg17 : memref<!tpu.dma_semaphore, #tpu.memory_space<semaphore_mem>>) src(%dma_wait3A_83 : memref<40x128xf32, #tpu.memory_space<hbm>>) dst(%arg10 : memref<40x128xf32, #tpu.memory_space<vmem>>)
    %dma_wait3A_84 = arith.constant 0 : i32
    %dma_wait3A_85 = tpu.memref_slice %arg4[%dma_wait3A_84] : memref<320000xi32, #tpu.memory_space<hbm>> -> memref<40xi32, #tpu.memory_space<hbm>>
    %dma_wait3A_86 = arith.constant 0 : i32
    %dma_wait3A_87 = tpu.memref_slice %arg4[%dma_wait3A_86] : memref<320000xi32, #tpu.memory_space<hbm>> -> memref<40xi32, #tpu.memory_space<hbm>>
    tpu.wait_dma2 semaphore(%arg19 : memref<!tpu.dma_semaphore, #tpu.memory_space<semaphore_mem>>) src(%dma_wait3A_87 : memref<40xi32, #tpu.memory_space<hbm>>) dst(%arg8 : memref<40xi32, #tpu.memory_space<vmem>>)
    %parallel_loop3A = arith.constant 0 : i32
    %parallel_loop3A_88 = arith.constant 40 : i32
    %parallel_loop3A_89 = arith.constant 1 : i32
    scf.for %parallel_loop3A_91 = %parallel_loop3A to %parallel_loop3A_88 step %parallel_loop3A_89  : i32 {
      %parallel_loop3A_92 = arith.index_cast %parallel_loop3A_91 : i32 to index
      %parallel_loop3A_93 = arith.constant 0 : index
      %parallel_loop3A_94 = tpu.vector_load %arg12[%parallel_loop3A_92, %parallel_loop3A_93] {strides = array<i32>} : memref<40x128xf32, #tpu.memory_space<vmem>>, vector<1x16xf32>,
      %parallel_loop3A_95 = vector.shape_cast %parallel_loop3A_94 : vector<1x16xf32> to vector<16xf32>
      %parallel_loop3A_96 = arith.index_cast %parallel_loop3A_91 : i32 to index
      %parallel_loop3A_97 = arith.constant 0 : index
      %parallel_loop3A_98 = tpu.vector_load %arg10[%parallel_loop3A_96, %parallel_loop3A_97] {strides = array<i32>} : memref<40x128xf32, #tpu.memory_space<vmem>>, vector<1x16xf32>,
      %parallel_loop3A_99 = vector.shape_cast %parallel_loop3A_98 : vector<1x16xf32> to vector<16xf32>
      %parallel_loop3A_100 = arith.mulf %parallel_loop3A_95, %parallel_loop3A_99 : vector<16xf32>
      %parallel_loop3A_101 = arith.index_cast %parallel_loop3A_91 : i32 to index
      %parallel_loop3A_102 = arith.constant 0 : index
      %parallel_loop3A_103 = tpu.vector_load %arg12[%parallel_loop3A_101, %parallel_loop3A_102] {strides = array<i32>} : memref<40x128xf32, #tpu.memory_space<vmem>>, vector<1x16xf32>,
      %parallel_loop3A_104 = vector.shape_cast %parallel_loop3A_103 : vector<1x16xf32> to vector<16xf32>
      %parallel_loop3A_105 = vector.shape_cast %parallel_loop3A_100 : vector<16xf32> to vector<1x16xf32>
      tpu.vector_store %arg12[%parallel_loop3A_101, %parallel_loop3A_102], %parallel_loop3A_105 {strides = array<i32>} : memref<40x128xf32, #tpu.memory_space<vmem>>, vector<1x16xf32>,
      %parallel_loop3A_106 = arith.index_cast %parallel_loop3A_91 : i32 to index
      %parallel_loop3A_107 = arith.constant 16 : index
      %parallel_loop3A_108 = tpu.vector_load %arg12[%parallel_loop3A_106, %parallel_loop3A_107] {strides = array<i32>} : memref<40x128xf32, #tpu.memory_space<vmem>>, vector<1x16xf32>,
      %parallel_loop3A_109 = vector.shape_cast %parallel_loop3A_108 : vector<1x16xf32> to vector<16xf32>
      %parallel_loop3A_110 = arith.index_cast %parallel_loop3A_91 : i32 to index
      %parallel_loop3A_111 = arith.constant 16 : index
      %parallel_loop3A_112 = tpu.vector_load %arg10[%parallel_loop3A_110, %parallel_loop3A_111] {strides = array<i32>} : memref<40x128xf32, #tpu.memory_space<vmem>>, vector<1x16xf32>,
      %parallel_loop3A_113 = vector.shape_cast %parallel_loop3A_112 : vector<1x16xf32> to vector<16xf32>
      %parallel_loop3A_114 = arith.mulf %parallel_loop3A_109, %parallel_loop3A_113 : vector<16xf32>
      %parallel_loop3A_115 = arith.index_cast %parallel_loop3A_91 : i32 to index
      %parallel_loop3A_116 = arith.constant 16 : index
      %parallel_loop3A_117 = tpu.vector_load %arg12[%parallel_loop3A_115, %parallel_loop3A_116] {strides = array<i32>} : memref<40x128xf32, #tpu.memory_space<vmem>>, vector<1x16xf32>,
      %parallel_loop3A_118 = vector.shape_cast %parallel_loop3A_117 : vector<1x16xf32> to vector<16xf32>
      %parallel_loop3A_119 = vector.shape_cast %parallel_loop3A_114 : vector<16xf32> to vector<1x16xf32>
      tpu.vector_store %arg12[%parallel_loop3A_115, %parallel_loop3A_116], %parallel_loop3A_119 {strides = array<i32>} : memref<40x128xf32, #tpu.memory_space<vmem>>, vector<1x16xf32>,
      %parallel_loop3A_120 = arith.index_cast %parallel_loop3A_91 : i32 to index
      %parallel_loop3A_121 = arith.constant 32 : index
      %parallel_loop3A_122 = tpu.vector_load %arg12[%parallel_loop3A_120, %parallel_loop3A_121] {strides = array<i32>} : memref<40x128xf32, #tpu.memory_space<vmem>>, vector<1x16xf32>,
      %parallel_loop3A_123 = vector.shape_cast %parallel_loop3A_122 : vector<1x16xf32> to vector<16xf32>
      %parallel_loop3A_124 = arith.index_cast %parallel_loop3A_91 : i32 to index
      %parallel_loop3A_125 = arith.constant 32 : index
      %parallel_loop3A_126 = tpu.vector_load %arg10[%parallel_loop3A_124, %parallel_loop3A_125] {strides = array<i32>} : memref<40x128xf32, #tpu.memory_space<vmem>>, vector<1x16xf32>,
      %parallel_loop3A_127 = vector.shape_cast %parallel_loop3A_126 : vector<1x16xf32> to vector<16xf32>
      %parallel_loop3A_128 = arith.mulf %parallel_loop3A_123, %parallel_loop3A_127 : vector<16xf32>
      %parallel_loop3A_129 = arith.index_cast %parallel_loop3A_91 : i32 to index
      %parallel_loop3A_130 = arith.constant 32 : index
      %parallel_loop3A_131 = tpu.vector_load %arg12[%parallel_loop3A_129, %parallel_loop3A_130] {strides = array<i32>} : memref<40x128xf32, #tpu.memory_space<vmem>>, vector<1x16xf32>,
      %parallel_loop3A_132 = vector.shape_cast %parallel_loop3A_131 : vector<1x16xf32> to vector<16xf32>
      %parallel_loop3A_133 = vector.shape_cast %parallel_loop3A_128 : vector<16xf32> to vector<1x16xf32>
      tpu.vector_store %arg12[%parallel_loop3A_129, %parallel_loop3A_130], %parallel_loop3A_133 {strides = array<i32>} : memref<40x128xf32, #tpu.memory_space<vmem>>, vector<1x16xf32>,
      %parallel_loop3A_134 = arith.index_cast %parallel_loop3A_91 : i32 to index
      %parallel_loop3A_135 = arith.constant 48 : index
      %parallel_loop3A_136 = tpu.vector_load %arg12[%parallel_loop3A_134, %parallel_loop3A_135] {strides = array<i32>} : memref<40x128xf32, #tpu.memory_space<vmem>>, vector<1x16xf32>,
      %parallel_loop3A_137 = vector.shape_cast %parallel_loop3A_136 : vector<1x16xf32> to vector<16xf32>
      %parallel_loop3A_138 = arith.index_cast %parallel_loop3A_91 : i32 to index
      %parallel_loop3A_139 = arith.constant 48 : index
      %parallel_loop3A_140 = tpu.vector_load %arg10[%parallel_loop3A_138, %parallel_loop3A_139] {strides = array<i32>} : memref<40x128xf32, #tpu.memory_space<vmem>>, vector<1x16xf32>,
      %parallel_loop3A_141 = vector.shape_cast %parallel_loop3A_140 : vector<1x16xf32> to vector<16xf32>
      %parallel_loop3A_142 = arith.mulf %parallel_loop3A_137, %parallel_loop3A_141 : vector<16xf32>
      %parallel_loop3A_143 = arith.index_cast %parallel_loop3A_91 : i32 to index
      %parallel_loop3A_144 = arith.constant 48 : index
      %parallel_loop3A_145 = tpu.vector_load %arg12[%parallel_loop3A_143, %parallel_loop3A_144] {strides = array<i32>} : memref<40x128xf32, #tpu.memory_space<vmem>>, vector<1x16xf32>,
      %parallel_loop3A_146 = vector.shape_cast %parallel_loop3A_145 : vector<1x16xf32> to vector<16xf32>
      %parallel_loop3A_147 = vector.shape_cast %parallel_loop3A_142 : vector<16xf32> to vector<1x16xf32>
      tpu.vector_store %arg12[%parallel_loop3A_143, %parallel_loop3A_144], %parallel_loop3A_147 {strides = array<i32>} : memref<40x128xf32, #tpu.memory_space<vmem>>, vector<1x16xf32>,
      %parallel_loop3A_148 = arith.index_cast %parallel_loop3A_91 : i32 to index
      %parallel_loop3A_149 = arith.constant 64 : index
      %parallel_loop3A_150 = tpu.vector_load %arg12[%parallel_loop3A_148, %parallel_loop3A_149] {strides = array<i32>} : memref<40x128xf32, #tpu.memory_space<vmem>>, vector<1x16xf32>,
      %parallel_loop3A_151 = vector.shape_cast %parallel_loop3A_150 : vector<1x16xf32> to vector<16xf32>
      %parallel_loop3A_152 = arith.index_cast %parallel_loop3A_91 : i32 to index
      %parallel_loop3A_153 = arith.constant 64 : index
      %parallel_loop3A_154 = tpu.vector_load %arg10[%parallel_loop3A_152, %parallel_loop3A_153] {strides = array<i32>} : memref<40x128xf32, #tpu.memory_space<vmem>>, vector<1x16xf32>,
      %parallel_loop3A_155 = vector.shape_cast %parallel_loop3A_154 : vector<1x16xf32> to vector<16xf32>
      %parallel_loop3A_156 = arith.mulf %parallel_loop3A_151, %parallel_loop3A_155 : vector<16xf32>
      %parallel_loop3A_157 = arith.index_cast %parallel_loop3A_91 : i32 to index
      %parallel_loop3A_158 = arith.constant 64 : index
      %parallel_loop3A_159 = tpu.vector_load %arg12[%parallel_loop3A_157, %parallel_loop3A_158] {strides = array<i32>} : memref<40x128xf32, #tpu.memory_space<vmem>>, vector<1x16xf32>,
      %parallel_loop3A_160 = vector.shape_cast %parallel_loop3A_159 : vector<1x16xf32> to vector<16xf32>
      %parallel_loop3A_161 = vector.shape_cast %parallel_loop3A_156 : vector<16xf32> to vector<1x16xf32>
      tpu.vector_store %arg12[%parallel_loop3A_157, %parallel_loop3A_158], %parallel_loop3A_161 {strides = array<i32>} : memref<40x128xf32, #tpu.memory_space<vmem>>, vector<1x16xf32>,
      %parallel_loop3A_162 = arith.index_cast %parallel_loop3A_91 : i32 to index
      %parallel_loop3A_163 = arith.constant 80 : index
      %parallel_loop3A_164 = tpu.vector_load %arg12[%parallel_loop3A_162, %parallel_loop3A_163] {strides = array<i32>} : memref<40x128xf32, #tpu.memory_space<vmem>>, vector<1x16xf32>,
      %parallel_loop3A_165 = vector.shape_cast %parallel_loop3A_164 : vector<1x16xf32> to vector<16xf32>
      %parallel_loop3A_166 = arith.index_cast %parallel_loop3A_91 : i32 to index
      %parallel_loop3A_167 = arith.constant 80 : index
      %parallel_loop3A_168 = tpu.vector_load %arg10[%parallel_loop3A_166, %parallel_loop3A_167] {strides = array<i32>} : memref<40x128xf32, #tpu.memory_space<vmem>>, vector<1x16xf32>,
      %parallel_loop3A_169 = vector.shape_cast %parallel_loop3A_168 : vector<1x16xf32> to vector<16xf32>
      %parallel_loop3A_170 = arith.mulf %parallel_loop3A_165, %parallel_loop3A_169 : vector<16xf32>
      %parallel_loop3A_171 = arith.index_cast %parallel_loop3A_91 : i32 to index
      %parallel_loop3A_172 = arith.constant 80 : index
      %parallel_loop3A_173 = tpu.vector_load %arg12[%parallel_loop3A_171, %parallel_loop3A_172] {strides = array<i32>} : memref<40x128xf32, #tpu.memory_space<vmem>>, vector<1x16xf32>,
      %parallel_loop3A_174 = vector.shape_cast %parallel_loop3A_173 : vector<1x16xf32> to vector<16xf32>
      %parallel_loop3A_175 = vector.shape_cast %parallel_loop3A_170 : vector<16xf32> to vector<1x16xf32>
      tpu.vector_store %arg12[%parallel_loop3A_171, %parallel_loop3A_172], %parallel_loop3A_175 {strides = array<i32>} : memref<40x128xf32, #tpu.memory_space<vmem>>, vector<1x16xf32>,
      %parallel_loop3A_176 = arith.index_cast %parallel_loop3A_91 : i32 to index
      %parallel_loop3A_177 = arith.constant 96 : index
      %parallel_loop3A_178 = tpu.vector_load %arg12[%parallel_loop3A_176, %parallel_loop3A_177] {strides = array<i32>} : memref<40x128xf32, #tpu.memory_space<vmem>>, vector<1x16xf32>,
      %parallel_loop3A_179 = vector.shape_cast %parallel_loop3A_178 : vector<1x16xf32> to vector<16xf32>
      %parallel_loop3A_180 = arith.index_cast %parallel_loop3A_91 : i32 to index
      %parallel_loop3A_181 = arith.constant 96 : index
      %parallel_loop3A_182 = tpu.vector_load %arg10[%parallel_loop3A_180, %parallel_loop3A_181] {strides = array<i32>} : memref<40x128xf32, #tpu.memory_space<vmem>>, vector<1x16xf32>,
      %parallel_loop3A_183 = vector.shape_cast %parallel_loop3A_182 : vector<1x16xf32> to vector<16xf32>
      %parallel_loop3A_184 = arith.mulf %parallel_loop3A_179, %parallel_loop3A_183 : vector<16xf32>
      %parallel_loop3A_185 = arith.index_cast %parallel_loop3A_91 : i32 to index
      %parallel_loop3A_186 = arith.constant 96 : index
      %parallel_loop3A_187 = tpu.vector_load %arg12[%parallel_loop3A_185, %parallel_loop3A_186] {strides = array<i32>} : memref<40x128xf32, #tpu.memory_space<vmem>>, vector<1x16xf32>,
      %parallel_loop3A_188 = vector.shape_cast %parallel_loop3A_187 : vector<1x16xf32> to vector<16xf32>
      %parallel_loop3A_189 = vector.shape_cast %parallel_loop3A_184 : vector<16xf32> to vector<1x16xf32>
      tpu.vector_store %arg12[%parallel_loop3A_185, %parallel_loop3A_186], %parallel_loop3A_189 {strides = array<i32>} : memref<40x128xf32, #tpu.memory_space<vmem>>, vector<1x16xf32>,
      %parallel_loop3A_190 = arith.index_cast %parallel_loop3A_91 : i32 to index
      %parallel_loop3A_191 = arith.constant 112 : index
      %parallel_loop3A_192 = tpu.vector_load %arg12[%parallel_loop3A_190, %parallel_loop3A_191] {strides = array<i32>} : memref<40x128xf32, #tpu.memory_space<vmem>>, vector<1x16xf32>,
      %parallel_loop3A_193 = vector.shape_cast %parallel_loop3A_192 : vector<1x16xf32> to vector<16xf32>
      %parallel_loop3A_194 = arith.index_cast %parallel_loop3A_91 : i32 to index
      %parallel_loop3A_195 = arith.constant 112 : index
      %parallel_loop3A_196 = tpu.vector_load %arg10[%parallel_loop3A_194, %parallel_loop3A_195] {strides = array<i32>} : memref<40x128xf32, #tpu.memory_space<vmem>>, vector<1x16xf32>,
      %parallel_loop3A_197 = vector.shape_cast %parallel_loop3A_196 : vector<1x16xf32> to vector<16xf32>
      %parallel_loop3A_198 = arith.mulf %parallel_loop3A_193, %parallel_loop3A_197 : vector<16xf32>
      %parallel_loop3A_199 = arith.index_cast %parallel_loop3A_91 : i32 to index
      %parallel_loop3A_200 = arith.constant 112 : index
      %parallel_loop3A_201 = tpu.vector_load %arg12[%parallel_loop3A_199, %parallel_loop3A_200] {strides = array<i32>} : memref<40x128xf32, #tpu.memory_space<vmem>>, vector<1x16xf32>,
      %parallel_loop3A_202 = vector.shape_cast %parallel_loop3A_201 : vector<1x16xf32> to vector<16xf32>
      %parallel_loop3A_203 = vector.shape_cast %parallel_loop3A_198 : vector<16xf32> to vector<1x16xf32>
      tpu.vector_store %arg12[%parallel_loop3A_199, %parallel_loop3A_200], %parallel_loop3A_203 {strides = array<i32>} : memref<40x128xf32, #tpu.memory_space<vmem>>, vector<1x16xf32>,
    } {sc.loop_unroll_factor = 4 : i64, sc.parallel_access}
    "tpu.region"() ({
      %run_scoped3A = tpu.sem_alloc : memref<!tpu.dma_semaphore, #tpu.memory_space<semaphore_mem>>
      %dma_start3A_91 = arith.constant 0 : i32
      %dma_start3A_92 = arith.constant 0 : i32
      %dma_start3A_93 = tpu.memref_slice %arg14[%dma_start3A_91, %dma_start3A_92] : memref<10112x128xf32, #tpu.memory_space<vmem_shared>> -> memref<10112x128xf32, #tpu.memory_space<vmem_shared>>
      tpu.enqueue_indirect_dma source(%arg12 : memref<40x128xf32, #tpu.memory_space<vmem>>) target(%dma_start3A_93 : memref<10112x128xf32, #tpu.memory_space<vmem_shared>>) offsets(%arg8 : memref<40xi32, #tpu.memory_space<vmem>>) semaphore(%run_scoped3A : memref<!tpu.dma_semaphore, #tpu.memory_space<semaphore_mem>>) {add = true}
      %dma_wait3A_94 = arith.constant 0 : i32
      %dma_wait3A_95 = arith.constant 0 : i32
      %dma_wait3A_96 = tpu.memref_slice %arg14[%dma_wait3A_94, %dma_wait3A_95] : memref<10112x128xf32, #tpu.memory_space<vmem_shared>> -> memref<10112x128xf32, #tpu.memory_space<vmem_shared>>
      tpu.wait_indirect_dma semaphore(%run_scoped3A : memref<!tpu.dma_semaphore, #tpu.memory_space<semaphore_mem>>) src(%arg12 : memref<40x128xf32, #tpu.memory_space<vmem>>) dst(%dma_wait3A_96 : memref<10112x128xf32, #tpu.memory_space<vmem_shared>>)
      tpu.yield
    }) : () -> ()
    %barrier3A_90 = arith.constant 0 : index
    tpu.barrier barrier_id(%barrier3A_90)
    "tpu.region"() ({
      %run_scoped3A = tpu.sem_alloc : memref<!tpu.dma_semaphore, #tpu.memory_space<semaphore_mem>>
      %dma_start3A_91 = arith.constant 0 : i32
      %dma_start3A_92 = tpu.memref_slice %arg6[%arg0, %mul3A_9, %dma_start3A_91] : memref<2x10112x128xf32, #tpu.memory_space<hbm>> -> memref<1x632x128xf32, #tpu.memory_space<hbm>>
      %dma_start3A_93 = tpu.memref_squeeze %dma_start3A_92 : memref<1x632x128xf32, #tpu.memory_space<hbm>> -> memref<632x128xf32, #tpu.memory_space<hbm>>
      %dma_start3A_94 = arith.constant 0 : i32
      %dma_start3A_95 = tpu.memref_slice %arg14[%mul3A_9, %dma_start3A_94] : memref<10112x128xf32, #tpu.memory_space<vmem_shared>> -> memref<632x128xf32, #tpu.memory_space<vmem_shared>>
      tpu.enqueue_dma source(%dma_start3A_95 : memref<632x128xf32, #tpu.memory_space<vmem_shared>>) target(%dma_start3A_93 : memref<632x128xf32, #tpu.memory_space<hbm>>) target_semaphore(%run_scoped3A : memref<!tpu.dma_semaphore, #tpu.memory_space<semaphore_mem>>)
      %dma_wait3A_96 = arith.constant 0 : i32
      %dma_wait3A_97 = tpu.memref_slice %arg6[%arg0, %mul3A_9, %dma_wait3A_96] : memref<2x10112x128xf32, #tpu.memory_space<hbm>> -> memref<1x632x128xf32, #tpu.memory_space<hbm>>
      %dma_wait3A_98 = tpu.memref_squeeze %dma_wait3A_97 : memref<1x632x128xf32, #tpu.memory_space<hbm>> -> memref<632x128xf32, #tpu.memory_space<hbm>>
      %dma_wait3A_99 = arith.constant 0 : i32
      %dma_wait3A_100 = tpu.memref_slice %arg14[%mul3A_9, %dma_wait3A_99] : memref<10112x128xf32, #tpu.memory_space<vmem_shared>> -> memref<632x128xf32, #tpu.memory_space<vmem_shared>>
      tpu.wait_dma2 semaphore(%run_scoped3A : memref<!tpu.dma_semaphore, #tpu.memory_space<semaphore_mem>>) src(%dma_wait3A_100 : memref<632x128xf32, #tpu.memory_space<vmem_shared>>) dst(%dma_wait3A_98 : memref<632x128xf32, #tpu.memory_space<hbm>>)
      tpu.yield
    }) : () -> ()
    return
  }
}

module attributes {stable_mosaic.version = 14 : i64} {
  func.func @_filter_body(%arg0: i32, %arg1: memref<50x3200xf32, #tpu.memory_space<vmem>>, %arg2: memref<1x1x3200xf32, #tpu.memory_space<vmem>>, %arg3: memref<50x128xf32, #tpu.memory_space<vmem>>, %arg4: memref<1x128xf32, #tpu.memory_space<vmem>>, %arg5: memref<128x128xf32, #tpu.memory_space<vmem>>, %arg6: memref<1x128xf32, #tpu.memory_space<vmem>>, %arg7: memref<3200x128xf32, #tpu.memory_space<vmem>>) attributes {dimension_semantics = [#tpu.dimension_semantics<arbitrary>], iteration_bounds = array<i64: 50>, scalar_prefetch = 0 : i64, scratch_operands = 0 : i64, tpu.core_type = #tpu.core_type<tc>, window_params = [{transform_indices = @transform_0, window_bounds = array<i64: 50, 3200>}, {transform_indices = @transform_1, window_bounds = array<i64: 1, 1, 3200>}, {pipeline_mode = #tpu.pipeline_mode<synchronous>, transform_indices = @transform_2, window_bounds = array<i64: 50, 128>}, {pipeline_mode = #tpu.pipeline_mode<synchronous>, transform_indices = @transform_3, window_bounds = array<i64: 1, 128>}, {pipeline_mode = #tpu.pipeline_mode<synchronous>, transform_indices = @transform_4, window_bounds = array<i64: 128, 128>}, {pipeline_mode = #tpu.pipeline_mode<synchronous>, transform_indices = @transform_5, window_bounds = array<i64: 1, 128>}, {transform_indices = @transform_6, window_bounds = array<i64: 3200, 128>}]} {
    %get3A = arith.constant 0 : index
    %get3A_0 = arith.constant 0 : index
    %get3A_1 = vector.load %arg1[%get3A, %get3A_0] : memref<50x3200xf32, #tpu.memory_space<vmem>>, vector<50x3200xf32>
    %get3A_2 = arith.constant 0 : index
    %get3A_3 = arith.constant 0 : index
    %get3A_4 = vector.load %arg3[%get3A_2, %get3A_3] : memref<50x128xf32, #tpu.memory_space<vmem>>, vector<50x128xf32>
    %dot_general3A = arith.constant dense<0.000000e+00> : vector<3200x128xf32>
    %dot_general3A_5 = tpu.matmul %get3A_1, %get3A_4, %dot_general3A {dimension_numbers = #tpu.dot_dimension_numbers<[0], [0], [1], [1], [0, 1, 1, 1], [], []>, transpose_lhs_hint = false} : vector<50x3200xf32>, vector<50x128xf32>, vector<3200x128xf32> -> vector<3200x128xf32>
    %get3A_6 = arith.constant 0 : index
    %get3A_7 = arith.constant 0 : index
    %get3A_8 = vector.load %arg4[%get3A_6, %get3A_7] : memref<1x128xf32, #tpu.memory_space<vmem>>, vector<1x128xf32>
    %add3A = vector.broadcast %get3A_8 : vector<1x128xf32> to vector<3200x128xf32>
    %add3A_9 = arith.addf %dot_general3A_5, %add3A : vector<3200x128xf32>
    %custom_jvp_call3A = arith.constant 0.000000e+00 : f32
    %max3A = vector.broadcast %custom_jvp_call3A : f32 to vector<3200x128xf32>
    %max3A_10 = arith.maximumf %add3A_9, %max3A : vector<3200x128xf32>
    %sub3A = vector.broadcast %custom_jvp_call3A : f32 to vector<3200x128xf32>
    %sub3A_11 = arith.subf %add3A_9, %sub3A : vector<3200x128xf32>
    %ne3A = arith.cmpf one, %sub3A_11, %sub3A_11 : vector<3200x128xf32>
    %add3A_12 = vector.broadcast %custom_jvp_call3A : f32 to vector<3200x128xf32>
    %add3A_13 = arith.addf %add3A_9, %add3A_12 : vector<3200x128xf32>
    %abs3A = math.absf %sub3A_11 : vector<3200x128xf32>
    %neg3A = arith.constant 0.000000e+00 : f32
    %neg3A_14 = vector.broadcast %neg3A : f32 to vector<3200x128xf32>
    %neg3A_15 = arith.subf %neg3A_14, %abs3A : vector<3200x128xf32>
    %exp3A = math.exp %neg3A_15 : vector<3200x128xf32>
    %log1p3A = math.log1p %exp3A : vector<3200x128xf32>
    %add3A_16 = arith.addf %max3A_10, %log1p3A : vector<3200x128xf32>
    %select_n3A = arith.select %ne3A, %add3A_13, %add3A_16 : vector<3200x128xi1>, vector<3200x128xf32>
    %sub3A_17 = arith.constant 0.693147182 : f32
    %sub3A_18 = vector.broadcast %sub3A_17 : f32 to vector<3200x128xf32>
    %sub3A_19 = arith.subf %select_n3A, %sub3A_18 : vector<3200x128xf32>
    %get3A_20 = arith.constant 0 : index
    %get3A_21 = arith.constant 0 : index
    %get3A_22 = vector.load %arg5[%get3A_20, %get3A_21] : memref<128x128xf32, #tpu.memory_space<vmem>>, vector<128x128xf32>
    %dot_general3A_23 = arith.constant dense<0.000000e+00> : vector<3200x128xf32>
    %dot_general3A_24 = tpu.matmul %sub3A_19, %get3A_22, %dot_general3A_23 {dimension_numbers = #tpu.dot_dimension_numbers<[1], [0], [0], [1], [0, 0, 1, 1], [], []>, transpose_lhs_hint = false} : vector<3200x128xf32>, vector<128x128xf32>, vector<3200x128xf32> -> vector<3200x128xf32>
    %get3A_25 = arith.constant 0 : index
    %get3A_26 = arith.constant 0 : index
    %get3A_27 = arith.constant 0 : index
    %get3A_28 = vector.load %arg2[%get3A_25, %get3A_26, %get3A_27] : memref<1x1x3200xf32, #tpu.memory_space<vmem>>, vector<1x1x3200xf32>
    %get3A_29 = vector.shape_cast %get3A_28 : vector<1x1x3200xf32> to vector<1x3200xf32>
    %transpose3A = tpu.transpose %get3A_29, [1, 0] : vector<1x3200xf32> -> vector<3200x1xf32>
    %get3A_30 = arith.constant 0 : index
    %get3A_31 = arith.constant 0 : index
    %get3A_32 = vector.load %arg6[%get3A_30, %get3A_31] : memref<1x128xf32, #tpu.memory_space<vmem>>, vector<1x128xf32>
    %add3A_33 = vector.broadcast %get3A_32 : vector<1x128xf32> to vector<3200x128xf32>
    %add3A_34 = arith.addf %dot_general3A_24, %add3A_33 : vector<3200x128xf32>
    %mul3A = vector.broadcast %transpose3A : vector<3200x1xf32> to vector<3200x128xf32>
    %mul3A_35 = arith.mulf %add3A_34, %mul3A : vector<3200x128xf32>
    %swap3A = arith.constant 0 : index
    %swap3A_36 = arith.constant 0 : index
    %swap3A_37 = vector.load %arg7[%swap3A, %swap3A_36] : memref<3200x128xf32, #tpu.memory_space<vmem>>, vector<3200x128xf32>
    tpu.vector_store %arg7[%swap3A, %swap3A_36], %mul3A_35 {strides = array<i32>} : memref<3200x128xf32, #tpu.memory_space<vmem>>, vector<3200x128xf32>,
    return
  }
  func.func @transform_0(%arg0: i32) -> (i32, i32) {
    %add3A = arith.constant 0 : i32
    %add3A_0 = arith.addi %arg0, %add3A : i32
    %c0_i32 = arith.constant 0 : i32
    %c0_i32_1 = arith.constant 0 : i32
    return %c0_i32, %add3A_0 : i32, i32
  }
  func.func @transform_1(%arg0: i32) -> (i32, i32, i32) {
    %add3A = arith.constant 0 : i32
    %add3A_0 = arith.addi %arg0, %add3A : i32
    %c0_i32 = arith.constant 0 : i32
    %c0_i32_1 = arith.constant 0 : i32
    %c0_i32_2 = arith.constant 0 : i32
    return %add3A_0, %c0_i32, %c0_i32_1 : i32, i32, i32
  }
  func.func @transform_2(%arg0: i32) -> (i32, i32) {
    %c0_i32 = arith.constant 0 : i32
    %c0_i32_0 = arith.constant 0 : i32
    %c0_i32_1 = arith.constant 0 : i32
    return %c0_i32, %c0_i32_0 : i32, i32
  }
  func.func @transform_3(%arg0: i32) -> (i32, i32) {
    %c0_i32 = arith.constant 0 : i32
    %c0_i32_0 = arith.constant 0 : i32
    %c0_i32_1 = arith.constant 0 : i32
    return %c0_i32, %c0_i32_0 : i32, i32
  }
  func.func @transform_4(%arg0: i32) -> (i32, i32) {
    %c0_i32 = arith.constant 0 : i32
    %c0_i32_0 = arith.constant 0 : i32
    %c0_i32_1 = arith.constant 0 : i32
    return %c0_i32, %c0_i32_0 : i32, i32
  }
  func.func @transform_5(%arg0: i32) -> (i32, i32) {
    %c0_i32 = arith.constant 0 : i32
    %c0_i32_0 = arith.constant 0 : i32
    %c0_i32_1 = arith.constant 0 : i32
    return %c0_i32, %c0_i32_0 : i32, i32
  }
  func.func @transform_6(%arg0: i32) -> (i32, i32) {
    %c0_i32 = arith.constant 0 : i32
    %c0_i32_0 = arith.constant 0 : i32
    return %arg0, %c0_i32 : i32, i32
  }
}

module attributes {stable_mosaic.version = 14 : i64} {
  func.func @_filter_body(%arg0: i32, %arg1: memref<50x3200xf32, #tpu.memory_space<vmem>>, %arg2: memref<1x1x3200xf32, #tpu.memory_space<vmem>>, %arg3: memref<50x128xf32, #tpu.memory_space<vmem>>, %arg4: memref<1x128xf32, #tpu.memory_space<vmem>>, %arg5: memref<128x128xf32, #tpu.memory_space<vmem>>, %arg6: memref<1x128xf32, #tpu.memory_space<vmem>>, %arg7: memref<3200x128xf32, #tpu.memory_space<vmem>>) attributes {dimension_semantics = [#tpu.dimension_semantics<arbitrary>], iteration_bounds = array<i64: 50>, scalar_prefetch = 0 : i64, scratch_operands = 0 : i64, tpu.core_type = #tpu.core_type<tc>, window_params = [{transform_indices = @transform_0, window_bounds = array<i64: 50, 3200>}, {transform_indices = @transform_1, window_bounds = array<i64: 1, 1, 3200>}, {pipeline_mode = #tpu.pipeline_mode<synchronous>, transform_indices = @transform_2, window_bounds = array<i64: 50, 128>}, {pipeline_mode = #tpu.pipeline_mode<synchronous>, transform_indices = @transform_3, window_bounds = array<i64: 1, 128>}, {pipeline_mode = #tpu.pipeline_mode<synchronous>, transform_indices = @transform_4, window_bounds = array<i64: 128, 128>}, {pipeline_mode = #tpu.pipeline_mode<synchronous>, transform_indices = @transform_5, window_bounds = array<i64: 1, 128>}, {transform_indices = @transform_6, window_bounds = array<i64: 3200, 128>}]} {
    %get3A = arith.constant 0 : index
    %get3A_0 = arith.constant 0 : index
    %get3A_1 = vector.load %arg1[%get3A, %get3A_0] : memref<50x3200xf32, #tpu.memory_space<vmem>>, vector<50x3200xf32>
    %get3A_2 = arith.constant 0 : index
    %get3A_3 = arith.constant 0 : index
    %get3A_4 = vector.load %arg3[%get3A_2, %get3A_3] : memref<50x128xf32, #tpu.memory_space<vmem>>, vector<50x128xf32>
    %dot_general3A = arith.constant dense<0.000000e+00> : vector<3200x128xf32>
    %dot_general3A_5 = tpu.matmul %get3A_1, %get3A_4, %dot_general3A {dimension_numbers = #tpu.dot_dimension_numbers<[0], [0], [1], [1], [0, 1, 1, 1], [], []>, transpose_lhs_hint = false} : vector<50x3200xf32>, vector<50x128xf32>, vector<3200x128xf32> -> vector<3200x128xf32>
    %get3A_6 = arith.constant 0 : index
    %get3A_7 = arith.constant 0 : index
    %get3A_8 = vector.load %arg4[%get3A_6, %get3A_7] : memref<1x128xf32, #tpu.memory_space<vmem>>, vector<1x128xf32>
    %add3A = vector.broadcast %get3A_8 : vector<1x128xf32> to vector<3200x128xf32>
    %add3A_9 = arith.addf %dot_general3A_5, %add3A : vector<3200x128xf32>
    %custom_jvp_call3A = arith.constant 0.000000e+00 : f32
    %max3A = vector.broadcast %custom_jvp_call3A : f32 to vector<3200x128xf32>
    %max3A_10 = arith.maximumf %add3A_9, %max3A : vector<3200x128xf32>
    %sub3A = vector.broadcast %custom_jvp_call3A : f32 to vector<3200x128xf32>
    %sub3A_11 = arith.subf %add3A_9, %sub3A : vector<3200x128xf32>
    %ne3A = arith.cmpf one, %sub3A_11, %sub3A_11 : vector<3200x128xf32>
    %add3A_12 = vector.broadcast %custom_jvp_call3A : f32 to vector<3200x128xf32>
    %add3A_13 = arith.addf %add3A_9, %add3A_12 : vector<3200x128xf32>
    %abs3A = math.absf %sub3A_11 : vector<3200x128xf32>
    %neg3A = arith.constant 0.000000e+00 : f32
    %neg3A_14 = vector.broadcast %neg3A : f32 to vector<3200x128xf32>
    %neg3A_15 = arith.subf %neg3A_14, %abs3A : vector<3200x128xf32>
    %exp3A = math.exp %neg3A_15 : vector<3200x128xf32>
    %log1p3A = math.log1p %exp3A : vector<3200x128xf32>
    %add3A_16 = arith.addf %max3A_10, %log1p3A : vector<3200x128xf32>
    %select_n3A = arith.select %ne3A, %add3A_13, %add3A_16 : vector<3200x128xi1>, vector<3200x128xf32>
    %sub3A_17 = arith.constant 0.693147182 : f32
    %sub3A_18 = vector.broadcast %sub3A_17 : f32 to vector<3200x128xf32>
    %sub3A_19 = arith.subf %select_n3A, %sub3A_18 : vector<3200x128xf32>
    %get3A_20 = arith.constant 0 : index
    %get3A_21 = arith.constant 0 : index
    %get3A_22 = vector.load %arg5[%get3A_20, %get3A_21] : memref<128x128xf32, #tpu.memory_space<vmem>>, vector<128x128xf32>
    %dot_general3A_23 = arith.constant dense<0.000000e+00> : vector<3200x128xf32>
    %dot_general3A_24 = tpu.matmul %sub3A_19, %get3A_22, %dot_general3A_23 {dimension_numbers = #tpu.dot_dimension_numbers<[1], [0], [0], [1], [0, 0, 1, 1], [], []>, transpose_lhs_hint = false} : vector<3200x128xf32>, vector<128x128xf32>, vector<3200x128xf32> -> vector<3200x128xf32>
    %get3A_25 = arith.constant 0 : index
    %get3A_26 = arith.constant 0 : index
    %get3A_27 = arith.constant 0 : index
    %get3A_28 = vector.load %arg2[%get3A_25, %get3A_26, %get3A_27] : memref<1x1x3200xf32, #tpu.memory_space<vmem>>, vector<1x1x3200xf32>
    %get3A_29 = vector.shape_cast %get3A_28 : vector<1x1x3200xf32> to vector<1x3200xf32>
    %transpose3A = tpu.transpose %get3A_29, [1, 0] : vector<1x3200xf32> -> vector<3200x1xf32>
    %get3A_30 = arith.constant 0 : index
    %get3A_31 = arith.constant 0 : index
    %get3A_32 = vector.load %arg6[%get3A_30, %get3A_31] : memref<1x128xf32, #tpu.memory_space<vmem>>, vector<1x128xf32>
    %add3A_33 = vector.broadcast %get3A_32 : vector<1x128xf32> to vector<3200x128xf32>
    %add3A_34 = arith.addf %dot_general3A_24, %add3A_33 : vector<3200x128xf32>
    %mul3A = vector.broadcast %transpose3A : vector<3200x1xf32> to vector<3200x128xf32>
    %mul3A_35 = arith.mulf %add3A_34, %mul3A : vector<3200x128xf32>
    %swap3A = arith.constant 0 : index
    %swap3A_36 = arith.constant 0 : index
    %swap3A_37 = vector.load %arg7[%swap3A, %swap3A_36] : memref<3200x128xf32, #tpu.memory_space<vmem>>, vector<3200x128xf32>
    tpu.vector_store %arg7[%swap3A, %swap3A_36], %mul3A_35 {strides = array<i32>} : memref<3200x128xf32, #tpu.memory_space<vmem>>, vector<3200x128xf32>,
    return
  }
  func.func @transform_0(%arg0: i32) -> (i32, i32) {
    %add3A = arith.constant 50 : i32
    %add3A_0 = arith.addi %arg0, %add3A : i32
    %c0_i32 = arith.constant 0 : i32
    %c0_i32_1 = arith.constant 0 : i32
    return %c0_i32, %add3A_0 : i32, i32
  }
  func.func @transform_1(%arg0: i32) -> (i32, i32, i32) {
    %add3A = arith.constant 50 : i32
    %add3A_0 = arith.addi %arg0, %add3A : i32
    %c0_i32 = arith.constant 0 : i32
    %c0_i32_1 = arith.constant 0 : i32
    %c0_i32_2 = arith.constant 0 : i32
    return %add3A_0, %c0_i32, %c0_i32_1 : i32, i32, i32
  }
  func.func @transform_2(%arg0: i32) -> (i32, i32) {
    %c0_i32 = arith.constant 0 : i32
    %c0_i32_0 = arith.constant 0 : i32
    %c0_i32_1 = arith.constant 0 : i32
    return %c0_i32, %c0_i32_0 : i32, i32
  }
  func.func @transform_3(%arg0: i32) -> (i32, i32) {
    %c0_i32 = arith.constant 0 : i32
    %c0_i32_0 = arith.constant 0 : i32
    %c0_i32_1 = arith.constant 0 : i32
    return %c0_i32, %c0_i32_0 : i32, i32
  }
  func.func @transform_4(%arg0: i32) -> (i32, i32) {
    %c0_i32 = arith.constant 0 : i32
    %c0_i32_0 = arith.constant 0 : i32
    %c0_i32_1 = arith.constant 0 : i32
    return %c0_i32, %c0_i32_0 : i32, i32
  }
  func.func @transform_5(%arg0: i32) -> (i32, i32) {
    %c0_i32 = arith.constant 0 : i32
    %c0_i32_0 = arith.constant 0 : i32
    %c0_i32_1 = arith.constant 0 : i32
    return %c0_i32, %c0_i32_0 : i32, i32
  }
  func.func @transform_6(%arg0: i32) -> (i32, i32) {
    %c0_i32 = arith.constant 0 : i32
    %c0_i32_0 = arith.constant 0 : i32
    return %arg0, %c0_i32 : i32, i32
  }
}

module attributes {stable_mosaic.version = 14 : i64} {
  func.func @_h_body(%arg0: i32, %arg1: memref<1000x128xf32, #tpu.memory_space<vmem>>, %arg2: memref<128x128xf32, #tpu.memory_space<vmem>>, %arg3: memref<1000x128xf32, #tpu.memory_space<vmem>>) attributes {dimension_semantics = [#tpu.dimension_semantics<arbitrary>], iteration_bounds = array<i64: 10>, scalar_prefetch = 0 : i64, scratch_operands = 0 : i64, tpu.core_type = #tpu.core_type<tc>, window_params = [{transform_indices = @transform_0, window_bounds = array<i64: 1000, 128>}, {pipeline_mode = #tpu.pipeline_mode<synchronous>, transform_indices = @transform_1, window_bounds = array<i64: 128, 128>}, {transform_indices = @transform_2, window_bounds = array<i64: 1000, 128>}]} {
    %get3A = arith.constant 0 : index
    %get3A_0 = arith.constant 0 : index
    %get3A_1 = vector.load %arg1[%get3A, %get3A_0] : memref<1000x128xf32, #tpu.memory_space<vmem>>, vector<1000x128xf32>
    %get3A_2 = arith.constant 0 : index
    %get3A_3 = arith.constant 0 : index
    %get3A_4 = vector.load %arg2[%get3A_2, %get3A_3] : memref<128x128xf32, #tpu.memory_space<vmem>>, vector<128x128xf32>
    %dot_general3A = arith.constant dense<0.000000e+00> : vector<1000x128xf32>
    %dot_general3A_5 = tpu.matmul %get3A_1, %get3A_4, %dot_general3A {dimension_numbers = #tpu.dot_dimension_numbers<[1], [0], [0], [1], [0, 0, 1, 1], [], []>, transpose_lhs_hint = false} : vector<1000x128xf32>, vector<128x128xf32>, vector<1000x128xf32> -> vector<1000x128xf32>
    %swap3A = arith.constant 0 : index
    %swap3A_6 = arith.constant 0 : index
    %swap3A_7 = vector.load %arg3[%swap3A, %swap3A_6] : memref<1000x128xf32, #tpu.memory_space<vmem>>, vector<1000x128xf32>
    tpu.vector_store %arg3[%swap3A, %swap3A_6], %dot_general3A_5 {strides = array<i32>} : memref<1000x128xf32, #tpu.memory_space<vmem>>, vector<1000x128xf32>,
    return
  }
  func.func @transform_0(%arg0: i32) -> (i32, i32) {
    %c0_i32 = arith.constant 0 : i32
    %c0_i32_0 = arith.constant 0 : i32
    return %arg0, %c0_i32 : i32, i32
  }
  func.func @transform_1(%arg0: i32) -> (i32, i32) {
    %c0_i32 = arith.constant 0 : i32
    %c0_i32_0 = arith.constant 0 : i32
    %c0_i32_1 = arith.constant 0 : i32
    return %c0_i32, %c0_i32_0 : i32, i32
  }
  func.func @transform_2(%arg0: i32) -> (i32, i32) {
    %c0_i32 = arith.constant 0 : i32
    %c0_i32_0 = arith.constant 0 : i32
    return %arg0, %c0_i32 : i32, i32
  }
}

module attributes {stable_mosaic.version = 14 : i64} {
  func.func @_out_body(%arg0: i32, %arg1: memref<2x1000x128xf32, #tpu.memory_space<vmem>>, %arg2: memref<2x1000x128xf32, #tpu.memory_space<vmem>>, %arg3: memref<128x128xf32, #tpu.memory_space<vmem>>, %arg4: memref<1x128xf32, #tpu.memory_space<vmem>>, %arg5: memref<128x128xf32, #tpu.memory_space<vmem>>, %arg6: memref<1x128xf32, #tpu.memory_space<vmem>>, %arg7: memref<1000x128xf32, #tpu.memory_space<vmem>>) attributes {dimension_semantics = [#tpu.dimension_semantics<arbitrary>], iteration_bounds = array<i64: 10>, scalar_prefetch = 0 : i64, scratch_operands = 0 : i64, tpu.core_type = #tpu.core_type<tc>, window_params = [{transform_indices = @transform_0, window_bounds = array<i64: 2, 1000, 128>}, {transform_indices = @transform_1, window_bounds = array<i64: 2, 1000, 128>}, {pipeline_mode = #tpu.pipeline_mode<synchronous>, transform_indices = @transform_2, window_bounds = array<i64: 128, 128>}, {pipeline_mode = #tpu.pipeline_mode<synchronous>, transform_indices = @transform_3, window_bounds = array<i64: 1, 128>}, {pipeline_mode = #tpu.pipeline_mode<synchronous>, transform_indices = @transform_4, window_bounds = array<i64: 128, 128>}, {pipeline_mode = #tpu.pipeline_mode<synchronous>, transform_indices = @transform_5, window_bounds = array<i64: 1, 128>}, {transform_indices = @transform_6, window_bounds = array<i64: 1000, 128>}]} {
    %get3A = arith.constant 0 : index
    %get3A_0 = arith.constant 0 : index
    %get3A_1 = arith.constant 0 : index
    %get3A_2 = vector.load %arg1[%get3A, %get3A_0, %get3A_1] : memref<2x1000x128xf32, #tpu.memory_space<vmem>>, vector<1x1000x128xf32>
    %get3A_3 = vector.shape_cast %get3A_2 : vector<1x1000x128xf32> to vector<1000x128xf32>
    %get3A_4 = arith.constant 1 : index
    %get3A_5 = arith.constant 0 : index
    %get3A_6 = arith.constant 0 : index
    %get3A_7 = vector.load %arg1[%get3A_4, %get3A_5, %get3A_6] : memref<2x1000x128xf32, #tpu.memory_space<vmem>>, vector<1x1000x128xf32>
    %get3A_8 = vector.shape_cast %get3A_7 : vector<1x1000x128xf32> to vector<1000x128xf32>
    %add3A = arith.addf %get3A_3, %get3A_8 : vector<1000x128xf32>
    %get3A_9 = arith.constant 0 : index
    %get3A_10 = arith.constant 0 : index
    %get3A_11 = arith.constant 0 : index
    %get3A_12 = vector.load %arg2[%get3A_9, %get3A_10, %get3A_11] : memref<2x1000x128xf32, #tpu.memory_space<vmem>>, vector<1x1000x128xf32>
    %get3A_13 = vector.shape_cast %get3A_12 : vector<1x1000x128xf32> to vector<1000x128xf32>
    %get3A_14 = arith.constant 1 : index
    %get3A_15 = arith.constant 0 : index
    %get3A_16 = arith.constant 0 : index
    %get3A_17 = vector.load %arg2[%get3A_14, %get3A_15, %get3A_16] : memref<2x1000x128xf32, #tpu.memory_space<vmem>>, vector<1x1000x128xf32>
    %get3A_18 = vector.shape_cast %get3A_17 : vector<1x1000x128xf32> to vector<1000x128xf32>
    %add3A_19 = arith.addf %get3A_13, %get3A_18 : vector<1000x128xf32>
    %add3A_20 = arith.addf %add3A, %add3A_19 : vector<1000x128xf32>
    %get3A_21 = arith.constant 0 : index
    %get3A_22 = arith.constant 0 : index
    %get3A_23 = vector.load %arg3[%get3A_21, %get3A_22] : memref<128x128xf32, #tpu.memory_space<vmem>>, vector<128x128xf32>
    %dot_general3A = arith.constant dense<0.000000e+00> : vector<1000x128xf32>
    %dot_general3A_24 = tpu.matmul %add3A_20, %get3A_23, %dot_general3A {dimension_numbers = #tpu.dot_dimension_numbers<[1], [0], [0], [1], [0, 0, 1, 1], [], []>, transpose_lhs_hint = false} : vector<1000x128xf32>, vector<128x128xf32>, vector<1000x128xf32> -> vector<1000x128xf32>
    %get3A_25 = arith.constant 0 : index
    %get3A_26 = arith.constant 0 : index
    %get3A_27 = vector.load %arg4[%get3A_25, %get3A_26] : memref<1x128xf32, #tpu.memory_space<vmem>>, vector<1x128xf32>
    %add3A_28 = vector.broadcast %get3A_27 : vector<1x128xf32> to vector<1000x128xf32>
    %add3A_29 = arith.addf %dot_general3A_24, %add3A_28 : vector<1000x128xf32>
    %custom_jvp_call3A = arith.constant 0.000000e+00 : f32
    %max3A = vector.broadcast %custom_jvp_call3A : f32 to vector<1000x128xf32>
    %max3A_30 = arith.maximumf %add3A_29, %max3A : vector<1000x128xf32>
    %sub3A = vector.broadcast %custom_jvp_call3A : f32 to vector<1000x128xf32>
    %sub3A_31 = arith.subf %add3A_29, %sub3A : vector<1000x128xf32>
    %ne3A = arith.cmpf one, %sub3A_31, %sub3A_31 : vector<1000x128xf32>
    %add3A_32 = vector.broadcast %custom_jvp_call3A : f32 to vector<1000x128xf32>
    %add3A_33 = arith.addf %add3A_29, %add3A_32 : vector<1000x128xf32>
    %abs3A = math.absf %sub3A_31 : vector<1000x128xf32>
    %neg3A = arith.constant 0.000000e+00 : f32
    %neg3A_34 = vector.broadcast %neg3A : f32 to vector<1000x128xf32>
    %neg3A_35 = arith.subf %neg3A_34, %abs3A : vector<1000x128xf32>
    %exp3A = math.exp %neg3A_35 : vector<1000x128xf32>
    %log1p3A = math.log1p %exp3A : vector<1000x128xf32>
    %add3A_36 = arith.addf %max3A_30, %log1p3A : vector<1000x128xf32>
    %select_n3A = arith.select %ne3A, %add3A_33, %add3A_36 : vector<1000x128xi1>, vector<1000x128xf32>
    %sub3A_37 = arith.constant 0.693147182 : f32
    %sub3A_38 = vector.broadcast %sub3A_37 : f32 to vector<1000x128xf32>
    %sub3A_39 = arith.subf %select_n3A, %sub3A_38 : vector<1000x128xf32>
    %get3A_40 = arith.constant 0 : index
    %get3A_41 = arith.constant 0 : index
    %get3A_42 = vector.load %arg5[%get3A_40, %get3A_41] : memref<128x128xf32, #tpu.memory_space<vmem>>, vector<128x128xf32>
    %dot_general3A_43 = arith.constant dense<0.000000e+00> : vector<1000x128xf32>
    %dot_general3A_44 = tpu.matmul %sub3A_39, %get3A_42, %dot_general3A_43 {dimension_numbers = #tpu.dot_dimension_numbers<[1], [0], [0], [1], [0, 0, 1, 1], [], []>, transpose_lhs_hint = false} : vector<1000x128xf32>, vector<128x128xf32>, vector<1000x128xf32> -> vector<1000x128xf32>
    %get3A_45 = arith.constant 0 : index
    %get3A_46 = arith.constant 0 : index
    %get3A_47 = vector.load %arg6[%get3A_45, %get3A_46] : memref<1x128xf32, #tpu.memory_space<vmem>>, vector<1x128xf32>
    %add3A_48 = vector.broadcast %get3A_47 : vector<1x128xf32> to vector<1000x128xf32>
    %add3A_49 = arith.addf %dot_general3A_44, %add3A_48 : vector<1000x128xf32>
    %swap3A = arith.constant 0 : index
    %swap3A_50 = arith.constant 0 : index
    %swap3A_51 = vector.load %arg7[%swap3A, %swap3A_50] : memref<1000x128xf32, #tpu.memory_space<vmem>>, vector<1000x128xf32>
    tpu.vector_store %arg7[%swap3A, %swap3A_50], %add3A_49 {strides = array<i32>} : memref<1000x128xf32, #tpu.memory_space<vmem>>, vector<1000x128xf32>,
    return
  }
  func.func @transform_0(%arg0: i32) -> (i32, i32, i32) {
    %c0_i32 = arith.constant 0 : i32
    %c0_i32_0 = arith.constant 0 : i32
    %c0_i32_1 = arith.constant 0 : i32
    return %c0_i32, %arg0, %c0_i32_0 : i32, i32, i32
  }
  func.func @transform_1(%arg0: i32) -> (i32, i32, i32) {
    %c0_i32 = arith.constant 0 : i32
    %c0_i32_0 = arith.constant 0 : i32
    %c0_i32_1 = arith.constant 0 : i32
    return %c0_i32, %arg0, %c0_i32_0 : i32, i32, i32
  }
  func.func @transform_2(%arg0: i32) -> (i32, i32) {
    %c0_i32 = arith.constant 0 : i32
    %c0_i32_0 = arith.constant 0 : i32
    %c0_i32_1 = arith.constant 0 : i32
    return %c0_i32, %c0_i32_0 : i32, i32
  }
  func.func @transform_3(%arg0: i32) -> (i32, i32) {
    %c0_i32 = arith.constant 0 : i32
    %c0_i32_0 = arith.constant 0 : i32
    %c0_i32_1 = arith.constant 0 : i32
    return %c0_i32, %c0_i32_0 : i32, i32
  }
  func.func @transform_4(%arg0: i32) -> (i32, i32) {
    %c0_i32 = arith.constant 0 : i32
    %c0_i32_0 = arith.constant 0 : i32
    %c0_i32_1 = arith.constant 0 : i32
    return %c0_i32, %c0_i32_0 : i32, i32
  }
  func.func @transform_5(%arg0: i32) -> (i32, i32) {
    %c0_i32 = arith.constant 0 : i32
    %c0_i32_0 = arith.constant 0 : i32
    %c0_i32_1 = arith.constant 0 : i32
    return %c0_i32, %c0_i32_0 : i32, i32
  }
  func.func @transform_6(%arg0: i32) -> (i32, i32) {
    %c0_i32 = arith.constant 0 : i32
    %c0_i32_0 = arith.constant 0 : i32
    return %arg0, %c0_i32 : i32, i32
  }
}

</mosaic_0001>

<sc_bundles>
// kernel: kernel.11.cloned.1.call-start
scs
__scs_entry_jumppad:
0x0: {  	(pc) =	sbr.rel $0x88, $3  }
0x1: {  	(tag) =	ssettag $0x0;
	lr =	simm.s32 $0x1  }
0x2: {  	[smem:$0x3F93] =	sst lr;
	_ =	strace $0xD0000000  }
0x3: {  	_ = 	snop  }
0x4: {  	_ = 	snop  }
0x5: {  	_ = 	snop  }
0x6: {  	_ = 	snop  }
0x7: {  	_ = 	snop  }
__scs_overlays_trampoline_lowered:
0x8: {  	[smem:$0x3FA2] =	sst s0  }
0x9: {  	[smem:$0x3FA3] =	sst s1  }
0xa: {  	[smem:$0x3FA4] =	sst s2  }
0xb: {  	[smem:$0x3FA5] =	sst s3  }
0xc: {  	[smem:$0x3FA6] =	sst s4  }
0xd: {  	[smem:$0x3FA7] =	sst s5  }
0xe: {  	[smem:$0x3FA8] =	sst s6  }
0xf: {  	[smem:$0x3FA9] =	sst s7  }
0x10: {  	[smem:$0x3FAA] =	sst s8  }
0x11: {  	[smem:$0x3FAB] =	sst s9;
	s0 =	simm.s32 @!p0 $0x0  }
0x12: {  	s1 =	sld [smem:$0x3F91];
	s0 =	simm.s32 @p0 $0x1  }
0x13: {  	[smem:$0x3FAC] =	sst s0;
	s0 =	simm.s32 @!p1 $0x0  }
0x14: {  	s2 =	sld [smem:$0x3F90];
	s0 =	simm.s32 @p1 $0x1  }
0x15: {  	[smem:$0x3FAD] =	sst s0;
	s0 =	simm.s32 @!p2 $0x0  }
0x16: {  	s3 =	sld [smem:$0x3FDB];
	s0 =	simm.s32 @p2 $0x1  }
0x17: {  	s4 =	simm.s32 $0x1BF5;
	[smem:$0x3FAF] =	sst s0  }
0x18: {  	s0 =	sld [smem:$0x3F92];
	_ =	swait.ge [sflag:s4], $0x0  }
0x19: {  	s7 =	sld [smem:$0x3F93]  }
0x1a: {  	s8 =	sadd.s32 $0xFFFFE003, lr  }
0x1b: {  	s9 =	sadd.s32 $0xFFFFFEF7, lr;
	s5 =	simm.s32 $0xFFFFFFFF;
	p2 =	slt.u32 s8, $0xFFFFF086  }
0x1c: {  	p1 =	slt.u32 s9, $0xF7A;
	s5 =	simm.s32 @!p2 $0x0  }
0x1d: {  	s5 =	simm.s32 @p1 $0x1;
	p0 =	seq.s32 s7, s2  }
0x1e: {  	s7 =	smul.u32 @!p0 $0xF7A, s2;
	p2 =	seq.s32 @!p0 s5, $0x0  }
0x1f: {  	s9 =	smul.u32 $0xF7A, s1;
	s8 =	simm.s32 @!p0 $0x1BF5;
	p2 =	por !p2, p0  }
0x20: {  	[sflag:s8] =	ssyncset.s32 @!p0 $0xFFFFF086;
	s6 =	sadd.s32 @!p0 s3, s7;
	s7 =	simm.s32 @!p0 $0x108  }
0x21: {  	s3 =	sadd.s32 s3, s9;
	s6 =	sadd.s32 @!p0 $0x88, s6;
	s7 =	simm.s32 @p2 $0x1082  }
0x22: {  	[simem:s7], [sflag:s8] =	dma.local @!p0 [hbm:s6], $0xF7A  }
0x23: {  	s9 =	sor.u32 $0xD0000000, s2;
	s6 =	simm.s32 $0x108;
	_ =	swait.ge @!p0 [sflag:s8], $0x0  }
0x24: {  	s3 =	sadd.s32 $0x88, s3;
	s6 =	simm.s32 @!p1 $0x1082;
	[sflag:s4] =	ssyncset.s32 $0xFFFFF086  }
0x25: {  	[simem:s6], [sflag:s4] =	dma.local [hbm:s3], $0xF7A  }
0x26: {  	[smem:$0x3F93] =	sst s1;
	(tag) =	ssettag s2;
	_ =	strace s9  }
0x27: {  	s1 =	sld [smem:$0x3FA3]  }
0x28: {  	s2 =	sld [smem:$0x3FA4]  }
0x29: {  	s4 =	sld [smem:$0x3FA6]  }
0x2a: {  	p0 =	seq.s32 s5, $0x0;
	s5 =	sld [smem:$0x3FA7]  }
0x2b: {  	s6 =	sld [smem:$0x3FA8]  }
0x2c: {  	s7 =	sld [smem:$0x3FA9]  }
0x2d: {  	s3 =	simm.s32 $0x108;
	s8 =	sld [smem:$0x3FAA]  }
0x2e: {  	s3 =	simm.s32 @!p0 $0x1082;
	s9 =	sld [smem:$0x3FAB]  }
0x2f: {  	lr =	sadd.s32 s0, s3;
	s0 =	sld [smem:$0x3FA2]  }
0x30: {  	s3 =	sld [smem:$0x3FA5]  }
0x31: {  	[smem:$0x3FAE] =	sst s10  }
0x32: {  	s10 =	sld [smem:$0x3FAC];
	_ =	sdelay $0x3  }
0x33: {  	p0 =	seq.s32 s10, $0x1;
	s10 =	sld [smem:$0x3FAE];
	_ =	sdelay $0x3  }
0x34: {  	[smem:$0x3FAE] =	sst s10  }
0x35: {  	s10 =	sld [smem:$0x3FAD];
	_ =	sdelay $0x3  }
0x36: {  	p1 =	seq.s32 s10, $0x1;
	s10 =	sld [smem:$0x3FAE];
	_ =	sdelay $0x3  }
0x37: {  	[smem:$0x3FAE] =	sst s10  }
0x38: {  	s10 =	sld [smem:$0x3FAF]  }
0x39: {  	_ = 	snop;
	(pc) =	sbr.ind lr, $3  }
0x3a: {  	_ = 	snop  }
0x3b: {  	_ = 	snop  }
0x3c: {  	p2 =	seq.s32 s10, $0x1;
	s10 =	sld [smem:$0x3FAE]  }
0x3d: {  	_ =	shalt  }
0x3e: {  	_ =	shalt  }
0x3f: {  	_ =	shalt  }
0x40: {  	_ =	shalt  }
0x41: {  	_ =	shalt  }
0x42: {  	_ =	shalt  }
0x43: {  	_ =	shalt  }
0x44: {  	_ =	shalt  }
0x45: {  	_ =	shalt  }
0x46: {  	_ =	shalt  }
0x47: {  	_ =	shalt  }
0x48: {  	_ =	shalt  }
0x49: {  	_ =	shalt  }
0x4a: {  	_ =	shalt  }
0x4b: {  	_ =	shalt  }
0x4c: {  	_ =	shalt  }
0x4d: {  	_ =	shalt  }
0x4e: {  	_ =	shalt  }
0x4f: {  	_ =	shalt  }
0x50: {  	_ =	shalt  }
0x51: {  	_ =	shalt  }
0x52: {  	_ =	shalt  }
0x53: {  	_ =	shalt  }
0x54: {  	_ =	shalt  }
0x55: {  	_ =	shalt  }
0x56: {  	_ =	shalt  }
0x57: {  	_ =	shalt  }
0x58: {  	_ =	shalt  }
0x59: {  	_ =	shalt  }
0x5a: {  	_ =	shalt  }
0x5b: {  	_ =	shalt  }
0x5c: {  	_ =	shalt  }
0x5d: {  	_ =	shalt  }
0x5e: {  	_ =	shalt  }
0x5f: {  	_ =	shalt  }
0x60: {  	_ =	shalt  }
0x61: {  	_ =	shalt  }
0x62: {  	_ =	shalt  }
0x63: {  	_ =	shalt  }
0x64: {  	_ =	shalt  }
0x65: {  	_ =	shalt  }
0x66: {  	_ =	shalt  }
0x67: {  	_ =	shalt  }
0x68: {  	_ =	shalt  }
0x69: {  	_ =	shalt  }
0x6a: {  	_ =	shalt  }
0x6b: {  	_ =	shalt  }
0x6c: {  	_ =	shalt  }
0x6d: {  	_ =	shalt  }
0x6e: {  	_ =	shalt  }
0x6f: {  	_ =	shalt  }
0x70: {  	_ =	shalt  }
0x71: {  	_ =	shalt  }
0x72: {  	_ =	shalt  }
0x73: {  	_ =	shalt  }
0x74: {  	_ =	shalt  }
0x75: {  	_ =	shalt  }
0x76: {  	_ =	shalt  }
0x77: {  	_ =	shalt  }
0x78: {  	_ =	shalt  }
0x79: {  	_ =	shalt  }
0x7a: {  	_ =	shalt  }
0x7b: {  	_ =	shalt  }
0x7c: {  	_ =	shalt  }
0x7d: {  	_ =	shalt  }
0x7e: {  	_ =	shalt  }
0x7f: {  	_ =	shalt  }
0x80: {  	_ =	shalt  }
0x81: {  	_ =	shalt  }
0x82: {  	_ =	shalt  }
0x83: {  	_ =	shalt  }
0x84: {  	_ =	shalt  }
0x85: {  	_ =	shalt  }
0x86: {  	_ =	shalt  }
0x87: {  	_ =	shalt  }
.Lfunc_end0:
.L_simem_size_0:
called_computation.1_lowered:
.L_overlay_start_0:
0x88: {  	s2 =	sld [smem:$0x3FD9]  }
0x89: {  	s3 =	sld [smem:$0x3FFE];
	_ =	sdelay $0x1  }
0x8a: {  	s1 =	srdreg.scid  }
0x8b: {  	s0 =	sand.u32 $0x1, s1  }
0x8c: {  	s17 =	sshll.u32 s0, $0xA;
	s2 =	sadd.s32 s3, s2  }
0x8d: {  	s2 =	sadd.s32 s2, s17  }
0x8e: {  	[smem:$0x3FBA] =	sst s2  }
0x8f: {  	_ = 	snop  }
0x90: {  	s2 =	sld [smem:$0x3FC7]  }
0x91: {  	s18 =	sld [smem:$0x3FC6]  }
0x92: {  	s4 =	sld [smem:$0x3FD0];
	(tm) =	ssettm $0x1  }
0x93: {  	s5 =	sld [smem:$0x3FFB];
	_ =	sdelay $0x3  }
0x94: {  	_ =	strace s5  }
0x95: {  	s5 =	sld [smem:$0x3FFC];
	_ =	sdelay $0x3  }
0x96: {  	_ =	strace s5  }
0x97: {  	s5 =	sld [smem:$0x3FFD];
	_ =	sdelay $0x3  }
0x98: {  	_ =	strace s5  }
0x99: {  	_ =	strace $0x8FFFFFFF  }
0x9a: {  	s19 =	sld [smem:$0x3FDB];
	_ =	sdelay $0x1  }
0x9b: {  	s6 =	simm.s32 $_scs_section_size  }
0x9c: {  	s7 =	simm.s32 $_size__tile_overlayer_lowered;
	s8 =	simm.s32 $_tile_overlayer_lowered  }
0x9d: {  	s22 =	simm.s32 $0x1BFF;
	s21 =	sshll.u32 s8, $0x1;
	s5 =	sadd.s32 s6, s19  }
0x9e: {  	s9 =	simm.s32 $0x0;
	s20 =	sshll.u32 s7, $0x1;
	s7 =	sadd.s32 s21, s5  }
0x9f: {  	[timem:s9], [sflag:s22] =	dma.local [hbm:s7], s20  }
0xa0: {  	_ =	swait.ge [sflag:s22], s20  }
0xa1: {  	s6 =	ssub.s32 $0x0, s20;
	[sflag:s22] =	ssyncset.done $0x0  }
0xa2: {  	[sflag:s22] =	ssyncadd.s32 s6;
	_ =	sdelay $0x1  }
0xa3: {  	s23 =	simm.s32 $0x1B8B  }
0xa4: {  	_ =	swait.ge [sflag:s23], $0x1  }
0xa5: {  	[sflag:s23] =	ssyncset.done $0x0  }
0xa6: {  	s25 =	simm.s32 $0x1B8E;
	s24 =	sld [smem:$0x3FFE];
	[sflag:s23] =	ssyncadd.s32 $0xFFFFFFFF  }
0xa7: {  	s26 =	simm.s32 $execute0_lowered;
	[smem:$0x3FD2] =	sst s25  }
0xa8: {  	s7 =	sshll.u32 s26, $0x1;
	_ =	strace $0x80000046;
	[dreg:$0x1] =	wrdreg $0xFFFFFFFF  }
0xa9: {  	s28 =	simm.s32 $_size_execute0_lowered;
	s5 =	sadd.s32 s5, s7;
	[dreg:$0x0] =	wrdreg $0x0  }
0xaa: {  	s7 =	sshll.u32 s28, $0x1;
	[dreg:$0x2] =	wrdreg s5  }
0xab: {  	[dreg:$0x3] =	wrdreg s7  }
0xac: {  	[dreg:$0x4] =	wrdreg $0xC0  }
0xad: {  	_ =	task [dreg:s9], $0x5FFFF  }
0xae: {  	[dreg:$0x1] =	wrdreg $0xFFFFFFFF  }
0xaf: {  	[dreg:$0x0] =	wrdreg $0x60  }
0xb0: {  	[dreg:$0x2] =	wrdreg s4  }
0xb1: {  	[dreg:$0x3] =	wrdreg s24  }
0xb2: {  	[dreg:$0x4] =	wrdreg s2  }
0xb3: {  	[dreg:$0x5] =	wrdreg s18  }
0xb4: {  	[dreg:$0x6] =	wrdreg $0x65000  }
0xb5: {  	[dreg:$0x7] =	wrdreg $0xA  }
0xb6: {  	_ =	task.clear_ibuf [dreg:s9], $0x8FFFF;
	_ =	strace $0x90000046  }
0xb7: {  	s29 =	simm.s32 $0xA;
	_ =	strace $0x80000048  }
0xb8: {  	_ =	swait.ge [sflag:s29], $0x1  }
0xb9: {  	[sflag:s29] =	ssyncadd.s32 $0xFFFFFFFF  }
0xba: {  	_ =	strace $0x90000048  }
0xbb: {  	_ =	sfence  }
0xbc: {  	s30 =	sld [smem:$0x0];
	_ =	sdelay $0x2  }
0xbd: {  	s31 =	sshll.u32 s1, $0xD;
	s1 =	sshrl.u32 s1, $0x2  }
0xbe: {  	s3 =	sand.u32 $0x4000, s31;
	s1 =	sadd.s32 s1, s30  }
0xbf: {  	s0 =	sor.u32 s3, s0;
	s1 =	sshll.u32 s1, $0x11  }
0xc0: {  	s0 =	sor.u32 s1, s0  }
0xc1: {  	s0 =	sadd.s32 $0x8F2B, s0  }
0xc2: {  	[sflag:s0] =	ssyncadd.remote.s32 $0x1  }
0xc3: {  	_ =	sfence.sel $0xFFFF  }
0xc4: {  	[dreg:$0x0] =	wrdreg $0xFFFFFFFF;
	(pc) =	sbr.abs _section_cstart, $3  }
0xc5: {  	[dreg:$0x1] =	wrdreg $0xFFFFFFFF  }
0xc6: {  	_ =	task.clear_ibuf [dreg:s9], $0x2FFFF;
	_ =	strace $0x9FFFFFFF  }
0xc7: {  	(tm) =	ssettm $0x7FFFFFFF  }
tec
execute0_lowered:
.L_overlay_start_1:
0x0: {  	(tag) =	ssettag $0x1  }
0x1: {  	s0 =	rddreg [dreg:$0x0]  }
0x2: {  	s1 =	rddreg [dreg:$0x1]  }
0x3: {  	s2 =	rddreg [dreg:$0x2];
	s11 =	stileid.u32  }
0x4: {  	s3 =	srdreg.scid;
	s7 =	smul.u32 $0x13C00, s11  }
0x5: {  	s8 =	rddreg [dreg:$0x3];
	s3 =	sand.u32 $0x1, s3;
	s9 =	smul.u32 $0x4F000, s11  }
0x6: {  	s4 =	rddreg [dreg:$0x4];
	s5 =	simm.s32 $0x0;
	s6 =	smul.u32 $0x13C000, s3  }
0x7: {  	[smem:$0x7FF] =	sst s5;
	s12 =	ssub.s32 $0x2, s3  }
0x8: {  	s10 =	sshrl.u32 s12, $0x1;
	s9 =	sshrl.u32 s9, $0x2;
	s6 =	sadd.s32 s7, s6  }
0x9: {  	s10 =	ssub.s32 s12, s10;
	s7 =	sshrl.u32 s6, $0x3;
	s6 =	sadd.s32 $0x2200, s1  }
0xa: {  	s25 =	smax.u32 s10, $0x1;
	s1 =	sadd.s32 s7, s1;
	s7 =	sadd.s32 s9, s4  }
0xb: {  	_ =	strace $0x80000047;
	[dreg:$0x15] =	wrdreg s25;
	s9 =	sadd.s32 $0x1400, s7  }
0xc: {  	s13 =	sadd.s32 $0x2800, s7;
	[dreg:$0x6] =	wrdreg s9  }
0xd: {  	s14 =	sadd.s32 $0x3C00, s7;
	[dreg:$0x7] =	wrdreg s13  }
0xe: {  	s15 =	sadd.s32 $0x5000, s7;
	[dreg:$0x8] =	wrdreg s14  }
0xf: {  	s16 =	sadd.s32 $0x6400, s7;
	[dreg:$0x9] =	wrdreg s15  }
0x10: {  	s31 =	simm.s32 $0x3D00;
	s17 =	sadd.s32 $0x7800, s7;
	[dreg:$0xa] =	wrdreg s16  }
0x11: {  	s11 =	sshll.u32 s11, $0x1;
	s18 =	sadd.s32 $0x8C00, s7;
	[dreg:$0xb] =	wrdreg s17  }
0x12: {  	s3 =	sor.u32 s3, s11;
	s19 =	sadd.s32 $0xA000, s7;
	[dreg:$0xc] =	wrdreg s18  }
0x13: {  	s11 =	simm.s32 $0x2900;
	s20 =	sadd.s32 $0xB400, s7;
	[dreg:$0xd] =	wrdreg s19  }
0x14: {  	s12 =	simm.s32 $0x1480;
	s21 =	sadd.s32 $0xC800, s7;
	[dreg:$0xe] =	wrdreg s20  }
0x15: {  	s10 =	simm.s32 $0x5100;
	s22 =	sadd.s32 $0xDC00, s7;
	[dreg:$0xf] =	wrdreg s21  }
0x16: {  	s1 =	sadd.s32 $0x273200, s1;
	s26 =	sadd.s32 $0xF000, s7;
	[dreg:$0x10] =	wrdreg s22  }
0x17: {  	s28 =	sadd.s32 $0x10400, s7;
	s29 =	sadd.s32 $0x11800, s7;
	[dreg:$0x14] =	wrdreg s1  }
0x18: {  	s30 =	sadd.s32 $0x12C00, s7;
	s13 =	smul.u32 $0x1388, s3;
	[dreg:$0x16] =	wrdreg s26  }
0x19: {  	s3 =	smul.u32 $0x13880, s3;
	[dreg:$0x17] =	wrdreg s28;
	s1 =	simm.s32 $0x28  }
0x1a: {  	s9 =	simm.s32 $0x1400;
	s14 =	simm.s32 $0x1;
	s15 =	simm.s32 $0x3  }
0x1b: {  	s16 =	simm.s32 $0x5;
	s17 =	simm.s32 $0x2;
	s18 =	sadd.s32 $0x27100, s13  }
0x1c: {  	s19 =	simm.s32 $0x4;
	s3 =	sadd.s32 s6, s3;
	s23 =	sshrl.u32 s18, $0x3  }
0x1d: {  	s20 =	simm.s32 $0x6;
	[dreg:$0x12] =	wrdreg s3;
	s8 =	sadd.s32 s8, s23  }
0x1e: {  	s21 =	simm.s32 $0x0;
	s24 =	sadd.s32 s2, s23;
	[dreg:$0x11] =	wrdreg s8  }
0x1f: {  	v0 =	vimm.f32 $0.0e+00;
	s3 =	simm.s32 $0x7;
	[dreg:$0x13] =	wrdreg s24;
	s8 =	simm.s32 $0x1500  }
.LBB2_1:
0x20: {  	s22 =	simm.s32 $0x0;
	s23 =	simm.s32 $0x200  }
.LBB2_2:
0x21: {  	p0 =	sne.s32 s23, $0x4E00;
	[tilespmem:s22+$0x3D70] =	vst v0  }
0x22: {  	[tilespmem:s22+$0x3D00] =	vst v0  }
0x23: {  	[tilespmem:s22+$0x3D10] =	vst v0  }
.Ltmp0:
0x24: {  	[tilespmem:s22+$0x3D20] =	vst v0;
	(pc) =	sbr.rel @p0 .LBB2_2-.Ltmp0, $4  }
0x25: {  	[tilespmem:s22+$0x3D30] =	vst v0  }
0x26: {  	[tilespmem:s22+$0x3D40] =	vst v0  }
0x27: {  	[tilespmem:s22+$0x3D50] =	vst v0  }
0x28: {  	[tilespmem:s22+$0x3D60] =	vst v0;
	s22 =	sshra.s32 s23, $0x2;
	s23 =	sadd.s32 $0x200, s23  }
0x29: {  	[tilespmem:s22+$0x3D70] =	vst v0  }
0x2a: {  	[tilespmem:s22+$0x3D00] =	vst v0  }
0x2b: {  	[tilespmem:s22+$0x3D10] =	vst v0  }
0x2c: {  	[tilespmem:s22+$0x3D20] =	vst v0  }
0x2d: {  	[tilespmem:s22+$0x3D30] =	vst v0  }
0x2e: {  	[tilespmem:s22+$0x3D40] =	vst v0  }
0x2f: {  	[tilespmem:s22+$0x3D50] =	vst v0  }
0x30: {  	[tilespmem:s22+$0x3D60] =	vst v0  }
0x31: {  	[spmem:s7] =	stream.linear.scatter [tilespmem:s31], [sflag:$0x7], $0x1400, $0x38;
	[tilespmem:$0x1A100] =	vst v63  }
0x32: {  	_ =	swait.ge [sflag:s3], $0x1400  }
0x33: {  	[sflag:s3] =	ssyncset.done $0x0  }
0x34: {  	s23 =	rddreg [dreg:$0x6];
	[sflag:s3] =	ssyncadd.s32 $0xFFFFEC00  }
0x35: {  	[spmem:s23] =	stream.linear.scatter [tilespmem:s31], [sflag:$0x7], $0x1400, $0x38;
	[tilespmem:$0x1A100] =	vst v63  }
0x36: {  	_ =	swait.ge [sflag:s3], $0x1400  }
0x37: {  	[sflag:s3] =	ssyncset.done $0x0  }
0x38: {  	s24 =	rddreg [dreg:$0x7];
	[sflag:s3] =	ssyncadd.s32 $0xFFFFEC00  }
0x39: {  	[spmem:s24] =	stream.linear.scatter [tilespmem:s31], [sflag:$0x7], $0x1400, $0x38;
	[tilespmem:$0x1A100] =	vst v63  }
0x3a: {  	_ =	swait.ge [sflag:s3], $0x1400  }
0x3b: {  	[sflag:s3] =	ssyncset.done $0x0  }
0x3c: {  	s25 =	rddreg [dreg:$0x8];
	[sflag:s3] =	ssyncadd.s32 $0xFFFFEC00  }
0x3d: {  	[spmem:s25] =	stream.linear.scatter [tilespmem:s31], [sflag:$0x7], $0x1400, $0x38;
	[tilespmem:$0x1A100] =	vst v63  }
0x3e: {  	_ =	swait.ge [sflag:s3], $0x1400  }
0x3f: {  	[sflag:s3] =	ssyncset.done $0x0  }
0x40: {  	s26 =	rddreg [dreg:$0x9];
	[sflag:s3] =	ssyncadd.s32 $0xFFFFEC00  }
0x41: {  	[spmem:s26] =	stream.linear.scatter [tilespmem:s31], [sflag:$0x7], $0x1400, $0x38;
	[tilespmem:$0x1A100] =	vst v63  }
0x42: {  	_ =	swait.ge [sflag:s3], $0x1400  }
0x43: {  	[sflag:s3] =	ssyncset.done $0x0  }
0x44: {  	s28 =	rddreg [dreg:$0xa];
	[sflag:s3] =	ssyncadd.s32 $0xFFFFEC00  }
0x45: {  	[spmem:s28] =	stream.linear.scatter [tilespmem:s31], [sflag:$0x7], $0x1400, $0x38;
	[tilespmem:$0x1A100] =	vst v63  }
0x46: {  	_ =	swait.ge [sflag:s3], $0x1400  }
0x47: {  	[sflag:s3] =	ssyncset.done $0x0  }
0x48: {  	s23 =	rddreg [dreg:$0xb];
	[sflag:s3] =	ssyncadd.s32 $0xFFFFEC00  }
0x49: {  	[spmem:s23] =	stream.linear.scatter [tilespmem:s31], [sflag:$0x7], $0x1400, $0x38;
	[tilespmem:$0x1A100] =	vst v63  }
0x4a: {  	_ =	swait.ge [sflag:s3], $0x1400  }
0x4b: {  	[sflag:s3] =	ssyncset.done $0x0  }
0x4c: {  	s24 =	rddreg [dreg:$0xc];
	[sflag:s3] =	ssyncadd.s32 $0xFFFFEC00  }
0x4d: {  	[spmem:s24] =	stream.linear.scatter [tilespmem:s31], [sflag:$0x7], $0x1400, $0x38;
	[tilespmem:$0x1A100] =	vst v63  }
0x4e: {  	_ =	swait.ge [sflag:s3], $0x1400  }
0x4f: {  	[sflag:s3] =	ssyncset.done $0x0  }
0x50: {  	s25 =	rddreg [dreg:$0xd];
	[sflag:s3] =	ssyncadd.s32 $0xFFFFEC00  }
0x51: {  	[spmem:s25] =	stream.linear.scatter [tilespmem:s31], [sflag:$0x7], $0x1400, $0x38;
	[tilespmem:$0x1A100] =	vst v63  }
0x52: {  	_ =	swait.ge [sflag:s3], $0x1400  }
0x53: {  	[sflag:s3] =	ssyncset.done $0x0  }
0x54: {  	s26 =	rddreg [dreg:$0xe];
	[sflag:s3] =	ssyncadd.s32 $0xFFFFEC00  }
0x55: {  	[spmem:s26] =	stream.linear.scatter [tilespmem:s31], [sflag:$0x7], $0x1400, $0x38;
	[tilespmem:$0x1A100] =	vst v63  }
0x56: {  	_ =	swait.ge [sflag:s3], $0x1400  }
0x57: {  	[sflag:s3] =	ssyncset.done $0x0  }
0x58: {  	s28 =	rddreg [dreg:$0xf];
	[sflag:s3] =	ssyncadd.s32 $0xFFFFEC00  }
0x59: {  	[spmem:s28] =	stream.linear.scatter [tilespmem:s31], [sflag:$0x7], $0x1400, $0x38;
	[tilespmem:$0x1A100] =	vst v63  }
0x5a: {  	_ =	swait.ge [sflag:s3], $0x1400  }
0x5b: {  	[sflag:s3] =	ssyncset.done $0x0  }
0x5c: {  	s23 =	rddreg [dreg:$0x10];
	[sflag:s3] =	ssyncadd.s32 $0xFFFFEC00  }
0x5d: {  	[spmem:s23] =	stream.linear.scatter [tilespmem:s31], [sflag:$0x7], $0x1400, $0x38;
	[tilespmem:$0x1A100] =	vst v63  }
0x5e: {  	_ =	swait.ge [sflag:s3], $0x1400  }
0x5f: {  	[sflag:s3] =	ssyncset.done $0x0  }
0x60: {  	s24 =	rddreg [dreg:$0x16];
	[sflag:s3] =	ssyncadd.s32 $0xFFFFEC00  }
0x61: {  	[spmem:s24] =	stream.linear.scatter [tilespmem:s31], [sflag:$0x7], $0x1400, $0x38;
	[tilespmem:$0x1A100] =	vst v63  }
0x62: {  	_ =	swait.ge [sflag:s3], $0x1400  }
0x63: {  	[sflag:s3] =	ssyncset.done $0x0  }
0x64: {  	s25 =	rddreg [dreg:$0x17];
	[sflag:s3] =	ssyncadd.s32 $0xFFFFEC00  }
0x65: {  	[spmem:s25] =	stream.linear.scatter [tilespmem:s31], [sflag:$0x7], $0x1400, $0x38;
	[tilespmem:$0x1A100] =	vst v63  }
0x66: {  	_ =	swait.ge [sflag:s3], $0x1400  }
0x67: {  	[sflag:s3] =	ssyncset.done $0x0  }
0x68: {  	[sflag:s3] =	ssyncadd.s32 $0xFFFFEC00  }
0x69: {  	[spmem:s29] =	stream.linear.scatter [tilespmem:s31], [sflag:$0x7], $0x1400, $0x38;
	[tilespmem:$0x1A100] =	vst v63  }
0x6a: {  	_ =	swait.ge [sflag:s3], $0x1400  }
0x6b: {  	[sflag:s3] =	ssyncset.done $0x0  }
0x6c: {  	[sflag:s3] =	ssyncadd.s32 $0xFFFFEC00  }
0x6d: {  	[spmem:s30] =	stream.linear.scatter [tilespmem:s31], [sflag:$0x7], $0x1000, $0x38;
	[tilespmem:$0x1A100] =	vst v63  }
0x6e: {  	_ =	swait.ge [sflag:s3], $0x1000  }
0x6f: {  	[sflag:s3] =	ssyncset.done $0x0  }
0x70: {  	[sflag:s3] =	ssyncadd.s32 $0xFFFFF000  }
0x71: {  	[bflag:$0x0] =	sbarrier.arrive $0xFFFF  }
0x72: {  	s22 =	simm.s32 $0x0;
	s23 =	rddreg [dreg:$0x11]  }
0x73: {  	[tilespmem:s22], [sflag:$0x7] =	stream.linear.gather [hbm4b:s23+s22], $0x1388, $0x38;
	[tilespmem:$0x1A100] =	vst v63  }
0x74: {  	_ =	swait.ge [sflag:s3], $0x1388  }
0x75: {  	[sflag:s3] =	ssyncset.done $0x0  }
0x76: {  	[sflag:s3] =	ssyncadd.s32 $0xFFFFEC78  }
0x77: {  	[tilespmem:s31], [sflag:$0x1] =	stream.indirect.gather [hbm4b:s0+s1], $0x80, s22, s1, $0xb8;
	[tilespmem:$0x1A100] =	vst v63  }
0x78: {  	s26 =	rddreg [dreg:$0x12]  }
0x79: {  	[tilespmem:s8], [sflag:$0x3] =	stream.linear.gather [hbm4b:s26+s22], $0x1400, $0x38;
	[tilespmem:$0x1A100] =	vst v63  }
0x7a: {  	s28 =	rddreg [dreg:$0x13]  }
0x7b: {  	[tilespmem:s9], [sflag:$0x5] =	stream.linear.gather [hbm4b:s28+s22], $0x28, $0x38;
	[tilespmem:$0x1A100] =	vst v63  }
.LBB2_4:
0x7c: {  	s23 =	smul.u32 $0x50, s22;
	_ =	sdelay $0x1  }
0x7d: {  	s24 =	sadd.s32 $0x28, s23  }
0x7e: {  	[tilespmem:s10], [sflag:$0x2] =	stream.indirect.gather [hbm4b:s0+s1], $0x80, s24, s1, $0xb8;
	[tilespmem:$0x1A100] =	vst v63  }
0x7f: {  	s25 =	sadd.s32 s13, s24  }
0x80: {  	s24 =	sadd.s32 s18, s24;
	s25 =	sshll.u32 s25, $0x4  }
0x81: {  	s24 =	sshrl.u32 s24, $0x3;
	s25 =	sadd.s32 s6, s25  }
0x82: {  	[tilespmem:s11], [sflag:$0x4] =	stream.linear.gather [hbm4b:s25+s5], $0x1400, $0x38;
	[tilespmem:$0x1A100] =	vst v63  }
0x83: {  	s24 =	sadd.s32 s2, s24  }
0x84: {  	[tilespmem:s12], [sflag:$0x6] =	stream.linear.gather [hbm4b:s24+s5], $0x28, $0x38;
	[tilespmem:$0x1A100] =	vst v63  }
0x85: {  	_ =	swait.ge [sflag:s14], $0x1400  }
0x86: {  	[sflag:s14] =	ssyncset.done $0x0  }
0x87: {  	[sflag:s14] =	ssyncadd.s32 $0xFFFFEC00  }
0x88: {  	_ =	swait.ge [sflag:s15], $0x1400  }
0x89: {  	[sflag:s15] =	ssyncset.done $0x0  }
0x8a: {  	[sflag:s15] =	ssyncadd.s32 $0xFFFFEC00  }
0x8b: {  	_ =	swait.ge [sflag:s16], $0x28  }
0x8c: {  	[sflag:s16] =	ssyncset.done $0x0  }
0x8d: {  	s24 =	simm.s32 $0x3E00;
	[sflag:s16] =	ssyncadd.s32 $0xFFFFFFD8  }
0x8e: {  	s25 =	simm.s32 $0x1600;
	v1 =	vld [tilespmem:s24+$0x80]  }
0x8f: {  	v2 =	vld [tilespmem:s25+$0x80]  }
0x90: {  	v3 =	vld [tilespmem:s24+$0xFFFFFF80]  }
0x91: {  	v4 =	vld [tilespmem:s25+$0xFFFFFF80]  }
0x92: {  	v5 =	vld [tilespmem:s24+$0x0]  }
0x93: {  	v6 =	vld [tilespmem:s25+$0x0]  }
0x94: {  	v7 =	vld [tilespmem:s24+$0xFFFFFF00];
	v1 =	vmul.f32 v2, v1  }
0x95: {  	v2 =	vld [tilespmem:s25+$0xFFFFFF00]  }
0x96: {  	[tilespmem:s24+$0x80] =	vst v1;
	v1 =	vld [tilespmem:s24+$0x90]  }
0x97: {  	v3 =	vmul.f32 v4, v3;
	v4 =	vld [tilespmem:s25+$0x90]  }
0x98: {  	v8 =	vld [tilespmem:s24+$0xFFFFFF10]  }
0x99: {  	[tilespmem:s24+$0xFFFFFF80] =	vst v3;
	v3 =	vmul.f32 v6, v5;
	v5 =	vld [tilespmem:s24+$0xFFFFFF90]  }
0x9a: {  	v6 =	vld [tilespmem:s25+$0xFFFFFF90];
	v2 =	vmul.f32 v2, v7  }
0x9b: {  	[tilespmem:s24+$0x0] =	vst v3;
	v3 =	vld [tilespmem:s24+$0x10]  }
0x9c: {  	v7 =	vld [tilespmem:s25+$0x10];
	[tilespmem:s24+$0xFFFFFF00] =	vst v2;
	v1 =	vmul.f32 v4, v1  }
0x9d: {  	v2 =	vld [tilespmem:s25+$0xFFFFFF10]  }
0x9e: {  	[tilespmem:s24+$0x90] =	vst v1;
	v1 =	vld [tilespmem:s24+$0xA0]  }
0x9f: {  	v4 =	vmul.f32 v6, v5;
	v5 =	vld [tilespmem:s25+$0xA0]  }
0xa0: {  	v6 =	vld [tilespmem:s24+$0xFFFFFF20]  }
0xa1: {  	[tilespmem:s24+$0xFFFFFF90] =	vst v4;
	v3 =	vmul.f32 v7, v3;
	v4 =	vld [tilespmem:s24+$0xFFFFFFA0]  }
0xa2: {  	v7 =	vld [tilespmem:s25+$0xFFFFFFA0];
	v2 =	vmul.f32 v2, v8  }
0xa3: {  	[tilespmem:s24+$0x10] =	vst v3;
	v3 =	vld [tilespmem:s24+$0x20]  }
0xa4: {  	v8 =	vld [tilespmem:s25+$0x20];
	[tilespmem:s24+$0xFFFFFF10] =	vst v2;
	v1 =	vmul.f32 v5, v1  }
0xa5: {  	v2 =	vld [tilespmem:s25+$0xFFFFFF20]  }
0xa6: {  	[tilespmem:s24+$0xA0] =	vst v1;
	v1 =	vld [tilespmem:s24+$0xB0]  }
0xa7: {  	v4 =	vmul.f32 v7, v4;
	v5 =	vld [tilespmem:s25+$0xB0]  }
0xa8: {  	v7 =	vld [tilespmem:s24+$0xFFFFFF30]  }
0xa9: {  	[tilespmem:s24+$0xFFFFFFA0] =	vst v4;
	v3 =	vmul.f32 v8, v3;
	v4 =	vld [tilespmem:s24+$0xFFFFFFB0]  }
0xaa: {  	v8 =	vld [tilespmem:s25+$0xFFFFFFB0];
	v2 =	vmul.f32 v2, v6  }
0xab: {  	[tilespmem:s24+$0x20] =	vst v3;
	v3 =	vld [tilespmem:s24+$0x30]  }
0xac: {  	v6 =	vld [tilespmem:s25+$0x30];
	[tilespmem:s24+$0xFFFFFF20] =	vst v2;
	v1 =	vmul.f32 v5, v1  }
0xad: {  	v2 =	vld [tilespmem:s25+$0xFFFFFF30]  }
0xae: {  	[tilespmem:s24+$0xB0] =	vst v1;
	v1 =	vld [tilespmem:s24+$0xC0]  }
0xaf: {  	v4 =	vmul.f32 v8, v4;
	v5 =	vld [tilespmem:s25+$0xC0]  }
0xb0: {  	v8 =	vld [tilespmem:s24+$0xFFFFFF40]  }
0xb1: {  	[tilespmem:s24+$0xFFFFFFB0] =	vst v4;
	v3 =	vmul.f32 v6, v3;
	v4 =	vld [tilespmem:s24+$0xFFFFFFC0]  }
0xb2: {  	v6 =	vld [tilespmem:s25+$0xFFFFFFC0];
	v2 =	vmul.f32 v2, v7  }
0xb3: {  	[tilespmem:s24+$0x30] =	vst v3;
	v3 =	vld [tilespmem:s24+$0x40]  }
0xb4: {  	v7 =	vld [tilespmem:s25+$0x40];
	[tilespmem:s24+$0xFFFFFF30] =	vst v2;
	v1 =	vmul.f32 v5, v1  }
0xb5: {  	v2 =	vld [tilespmem:s25+$0xFFFFFF40]  }
0xb6: {  	[tilespmem:s24+$0xC0] =	vst v1;
	v1 =	vld [tilespmem:s24+$0xD0]  }
0xb7: {  	v4 =	vmul.f32 v6, v4;
	v5 =	vld [tilespmem:s25+$0xD0]  }
0xb8: {  	v6 =	vld [tilespmem:s24+$0xFFFFFF50]  }
0xb9: {  	[tilespmem:s24+$0xFFFFFFC0] =	vst v4;
	v3 =	vmul.f32 v7, v3;
	v4 =	vld [tilespmem:s24+$0xFFFFFFD0]  }
0xba: {  	v7 =	vld [tilespmem:s25+$0xFFFFFFD0];
	v2 =	vmul.f32 v2, v8  }
0xbb: {  	[tilespmem:s24+$0x40] =	vst v3;
	v3 =	vld [tilespmem:s24+$0x50]  }
0xbc: {  	v8 =	vld [tilespmem:s25+$0x50];
	[tilespmem:s24+$0xFFFFFF40] =	vst v2;
	v1 =	vmul.f32 v5, v1  }
0xbd: {  	v2 =	vld [tilespmem:s25+$0xFFFFFF50]  }
0xbe: {  	[tilespmem:s24+$0xD0] =	vst v1;
	v1 =	vld [tilespmem:s24+$0xE0]  }
0xbf: {  	v4 =	vmul.f32 v7, v4;
	v5 =	vld [tilespmem:s25+$0xE0]  }
0xc0: {  	v7 =	vld [tilespmem:s24+$0xFFFFFF60]  }
0xc1: {  	[tilespmem:s24+$0xFFFFFFD0] =	vst v4;
	v3 =	vmul.f32 v8, v3;
	v4 =	vld [tilespmem:s24+$0xFFFFFFE0]  }
0xc2: {  	v8 =	vld [tilespmem:s25+$0xFFFFFFE0];
	v2 =	vmul.f32 v2, v6  }
0xc3: {  	[tilespmem:s24+$0x50] =	vst v3;
	v3 =	vld [tilespmem:s24+$0x60]  }
0xc4: {  	v6 =	vld [tilespmem:s25+$0x60];
	[tilespmem:s24+$0xFFFFFF50] =	vst v2;
	v1 =	vmul.f32 v5, v1  }
0xc5: {  	v5 =	vld [tilespmem:s25+$0xFFFFFF60]  }
0xc6: {  	v9 =	vld [tilespmem:s24+$0xF0];
	[tilespmem:s24+$0xE0] =	vst v1  }
0xc7: {  	v2 =	vmul.f32 v8, v4;
	v8 =	vld [tilespmem:s25+$0xF0]  }
0xc8: {  	v1 =	vld [tilespmem:s24+$0xFFFFFF70]  }
0xc9: {  	[tilespmem:s24+$0xFFFFFFE0] =	vst v2;
	v3 =	vmul.f32 v6, v3;
	v2 =	vld [tilespmem:s24+$0xFFFFFFF0]  }
0xca: {  	v4 =	vld [tilespmem:s25+$0xFFFFFFF0];
	v5 =	vmul.f32 v5, v7  }
0xcb: {  	[tilespmem:s24+$0x60] =	vst v3;
	v3 =	vld [tilespmem:s24+$0x70]  }
0xcc: {  	[tilespmem:s24+$0xFFFFFF60] =	vst v5;
	v5 =	vld [tilespmem:s25+$0x70];
	v7 =	vmul.f32 v8, v9  }
0xcd: {  	s26 =	simm.s32 $0x0;
	s28 =	simm.s32 $0x4000;
	v6 =	vld [tilespmem:s25+$0xFFFFFF70]  }
.LBB2_5:
0xce: {  	v8 =	vld [tilespmem:s28+$0x80];
	[tilespmem:s24+$0xF0] =	vst v7;
	s25 =	sadd.s32 $0x200, s25  }
0xcf: {  	s26 =	sadd.s32 $0x4, s26;
	v7 =	vld [tilespmem:s25+$0x80];
	v2 =	vmul.f32 v4, v2  }
0xd0: {  	p0 =	slt.u32 s26, $0x24;
	v4 =	vld [tilespmem:s25+$0xFFFFFF00]  }
0xd1: {  	v9 =	vld [tilespmem:s28+$0xFFFFFF80];
	[tilespmem:s24+$0xFFFFFFF0] =	vst v2;
	v2 =	vmul.f32 v5, v3  }
0xd2: {  	v3 =	vld [tilespmem:s25+$0xFFFFFF80];
	v1 =	vmul.f32 v6, v1  }
0xd3: {  	v5 =	vld [tilespmem:s28+$0x0];
	[tilespmem:s24+$0x70] =	vst v2  }
0xd4: {  	v2 =	vld [tilespmem:s25+$0x0];
	v6 =	vmul.f32 v7, v8;
	[tilespmem:s24+$0xFFFFFF70] =	vst v1;
	s24 =	smov.u32 s28  }
0xd5: {  	v1 =	vld [tilespmem:s28+$0xFFFFFF00]  }
0xd6: {  	[tilespmem:s28+$0x80] =	vst v6;
	v6 =	vld [tilespmem:s28+$0x90]  }
0xd7: {  	v3 =	vmul.f32 v3, v9;
	v7 =	vld [tilespmem:s25+$0x90]  }
0xd8: {  	v8 =	vld [tilespmem:s28+$0xFFFFFF10]  }
0xd9: {  	[tilespmem:s28+$0xFFFFFF80] =	vst v3;
	v3 =	vld [tilespmem:s28+$0xFFFFFF90];
	v2 =	vmul.f32 v2, v5  }
0xda: {  	v1 =	vmul.f32 v4, v1;
	v4 =	vld [tilespmem:s25+$0xFFFFFF90]  }
0xdb: {  	[tilespmem:s28+$0x0] =	vst v2;
	v2 =	vld [tilespmem:s28+$0x10]  }
0xdc: {  	[tilespmem:s28+$0xFFFFFF00] =	vst v1;
	v1 =	vld [tilespmem:s25+$0x10];
	v5 =	vmul.f32 v7, v6  }
0xdd: {  	v6 =	vld [tilespmem:s25+$0xFFFFFF10]  }
0xde: {  	[tilespmem:s28+$0x90] =	vst v5;
	v5 =	vld [tilespmem:s28+$0xA0]  }
0xdf: {  	v3 =	vmul.f32 v4, v3;
	v4 =	vld [tilespmem:s25+$0xA0]  }
0xe0: {  	v7 =	vld [tilespmem:s28+$0xFFFFFF20]  }
0xe1: {  	[tilespmem:s28+$0xFFFFFF90] =	vst v3;
	v3 =	vld [tilespmem:s28+$0xFFFFFFA0];
	v1 =	vmul.f32 v1, v2  }
0xe2: {  	v2 =	vmul.f32 v6, v8;
	v6 =	vld [tilespmem:s25+$0xFFFFFFA0]  }
0xe3: {  	[tilespmem:s28+$0x10] =	vst v1;
	v1 =	vld [tilespmem:s28+$0x20]  }
0xe4: {  	[tilespmem:s28+$0xFFFFFF10] =	vst v2;
	v2 =	vld [tilespmem:s25+$0x20];
	v4 =	vmul.f32 v4, v5  }
0xe5: {  	v5 =	vld [tilespmem:s25+$0xFFFFFF20]  }
0xe6: {  	[tilespmem:s28+$0xA0] =	vst v4;
	v4 =	vld [tilespmem:s28+$0xB0]  }
0xe7: {  	v3 =	vmul.f32 v6, v3;
	v6 =	vld [tilespmem:s25+$0xB0]  }
0xe8: {  	v8 =	vld [tilespmem:s28+$0xFFFFFF30]  }
0xe9: {  	[tilespmem:s28+$0xFFFFFFA0] =	vst v3;
	v3 =	vld [tilespmem:s28+$0xFFFFFFB0];
	v1 =	vmul.f32 v2, v1  }
0xea: {  	v2 =	vmul.f32 v5, v7;
	v5 =	vld [tilespmem:s25+$0xFFFFFFB0]  }
0xeb: {  	[tilespmem:s28+$0x20] =	vst v1;
	v1 =	vld [tilespmem:s28+$0x30]  }
0xec: {  	[tilespmem:s28+$0xFFFFFF20] =	vst v2;
	v2 =	vld [tilespmem:s25+$0x30];
	v4 =	vmul.f32 v6, v4  }
0xed: {  	v6 =	vld [tilespmem:s25+$0xFFFFFF30]  }
0xee: {  	[tilespmem:s28+$0xB0] =	vst v4;
	v4 =	vld [tilespmem:s28+$0xC0]  }
0xef: {  	v3 =	vmul.f32 v5, v3;
	v5 =	vld [tilespmem:s25+$0xC0]  }
0xf0: {  	v7 =	vld [tilespmem:s28+$0xFFFFFF40]  }
0xf1: {  	[tilespmem:s28+$0xFFFFFFB0] =	vst v3;
	v3 =	vld [tilespmem:s28+$0xFFFFFFC0];
	v1 =	vmul.f32 v2, v1  }
0xf2: {  	v2 =	vmul.f32 v6, v8;
	v6 =	vld [tilespmem:s25+$0xFFFFFFC0]  }
0xf3: {  	[tilespmem:s28+$0x30] =	vst v1;
	v1 =	vld [tilespmem:s28+$0x40]  }
0xf4: {  	[tilespmem:s28+$0xFFFFFF30] =	vst v2;
	v2 =	vld [tilespmem:s25+$0x40];
	v4 =	vmul.f32 v5, v4  }
0xf5: {  	v5 =	vld [tilespmem:s25+$0xFFFFFF40]  }
0xf6: {  	[tilespmem:s28+$0xC0] =	vst v4;
	v4 =	vld [tilespmem:s28+$0xD0]  }
0xf7: {  	v3 =	vmul.f32 v6, v3;
	v6 =	vld [tilespmem:s25+$0xD0]  }
0xf8: {  	v8 =	vld [tilespmem:s28+$0xFFFFFF50]  }
0xf9: {  	[tilespmem:s28+$0xFFFFFFC0] =	vst v3;
	v3 =	vld [tilespmem:s28+$0xFFFFFFD0];
	v1 =	vmul.f32 v2, v1  }
0xfa: {  	v2 =	vmul.f32 v5, v7;
	v5 =	vld [tilespmem:s25+$0xFFFFFFD0]  }
0xfb: {  	[tilespmem:s28+$0x40] =	vst v1;
	v1 =	vld [tilespmem:s28+$0x50]  }
0xfc: {  	[tilespmem:s28+$0xFFFFFF40] =	vst v2;
	v2 =	vld [tilespmem:s25+$0x50];
	v4 =	vmul.f32 v6, v4  }
0xfd: {  	v6 =	vld [tilespmem:s25+$0xFFFFFF50]  }
0xfe: {  	[tilespmem:s28+$0xD0] =	vst v4;
	v4 =	vld [tilespmem:s28+$0xE0]  }
0xff: {  	v3 =	vmul.f32 v5, v3;
	v5 =	vld [tilespmem:s25+$0xE0]  }
0x100: {  	v7 =	vld [tilespmem:s28+$0xFFFFFF60]  }
0x101: {  	[tilespmem:s28+$0xFFFFFFD0] =	vst v3;
	v3 =	vld [tilespmem:s28+$0xFFFFFFE0];
	v1 =	vmul.f32 v2, v1  }
0x102: {  	v2 =	vmul.f32 v6, v8;
	v6 =	vld [tilespmem:s25+$0xFFFFFFE0]  }
0x103: {  	[tilespmem:s28+$0x50] =	vst v1;
	v8 =	vld [tilespmem:s28+$0x60]  }
0x104: {  	[tilespmem:s28+$0xFFFFFF50] =	vst v2;
	v9 =	vld [tilespmem:s25+$0x60];
	v1 =	vmul.f32 v5, v4  }
0x105: {  	v4 =	vld [tilespmem:s25+$0xFFFFFF60]  }
0x106: {  	[tilespmem:s28+$0xE0] =	vst v1;
	v10 =	vld [tilespmem:s28+$0xF0]  }
0x107: {  	v2 =	vmul.f32 v6, v3;
	v6 =	vld [tilespmem:s25+$0xF0]  }
0x108: {  	v1 =	vld [tilespmem:s28+$0xFFFFFF70]  }
.Ltmp1:
0x109: {  	[tilespmem:s28+$0xFFFFFFE0] =	vst v2;
	v2 =	vld [tilespmem:s28+$0xFFFFFFF0];
	v3 =	vmul.f32 v9, v8;
	(pc) =	sbr.rel @p0 .LBB2_5-.Ltmp1, $4  }
0x10a: {  	v5 =	vmul.f32 v4, v7;
	v4 =	vld [tilespmem:s25+$0xFFFFFFF0]  }
0x10b: {  	[tilespmem:s28+$0x60] =	vst v3;
	v3 =	vld [tilespmem:s28+$0x70]  }
0x10c: {  	[tilespmem:s28+$0xFFFFFF60] =	vst v5;
	v5 =	vld [tilespmem:s25+$0x70];
	v7 =	vmul.f32 v6, v10  }
0x10d: {  	s28 =	sadd.s32 $0x200, s28;
	v6 =	vld [tilespmem:s25+$0xFFFFFF70]  }
0x10e: {  	_ =	sdelay $0x1  }
0x10f: {  	v2 =	vmul.f32 v4, v2  }
0x110: {  	[tilespmem:s24+$0xF0] =	vst v7;
	v3 =	vmul.f32 v5, v3  }
0x111: {  	[tilespmem:s24+$0xFFFFFFF0] =	vst v2;
	v1 =	vmul.f32 v6, v1  }
0x112: {  	[tilespmem:s24+$0x70] =	vst v3  }
0x113: {  	[tilespmem:s24+$0xFFFFFF70] =	vst v1  }
0x114: {  	[spmem:s4] =	stream.indirect.scatter.add.f32 [tilespmem:s31], [sflag:$0x7], $0x80, s9, s1, $0xb8;
	[tilespmem:$0x1A100] =	vst v63  }
0x115: {  	_ =	swait.ge [sflag:s3], $0x1400  }
0x116: {  	s23 =	sadd.s32 $0x50, s23;
	[sflag:s3] =	ssyncset.done $0x0  }
0x117: {  	s28 =	sadd.s32 s13, s23;
	[sflag:s3] =	ssyncadd.s32 $0xFFFFEC00  }
0x118: {  	[tilespmem:s31], [sflag:$0x1] =	stream.indirect.gather [hbm4b:s0+s1], $0x80, s23, s1, $0xb8;
	[tilespmem:$0x1A100] =	vst v63  }
0x119: {  	s24 =	sshll.u32 s28, $0x4;
	s23 =	sadd.s32 s18, s23  }
0x11a: {  	s24 =	sadd.s32 s6, s24;
	s23 =	sshrl.u32 s23, $0x3  }
0x11b: {  	[tilespmem:s8], [sflag:$0x3] =	stream.linear.gather [hbm4b:s24+s5], $0x1400, $0x38;
	[tilespmem:$0x1A100] =	vst v63  }
0x11c: {  	s23 =	sadd.s32 s2, s23  }
0x11d: {  	[tilespmem:s9], [sflag:$0x5] =	stream.linear.gather [hbm4b:s23+s5], $0x28, $0x38;
	[tilespmem:$0x1A100] =	vst v63  }
0x11e: {  	_ =	swait.ge [sflag:s17], $0x1400  }
0x11f: {  	[sflag:s17] =	ssyncset.done $0x0  }
0x120: {  	[sflag:s17] =	ssyncadd.s32 $0xFFFFEC00  }
0x121: {  	_ =	swait.ge [sflag:s19], $0x1400  }
0x122: {  	[sflag:s19] =	ssyncset.done $0x0  }
0x123: {  	[sflag:s19] =	ssyncadd.s32 $0xFFFFEC00  }
0x124: {  	_ =	swait.ge [sflag:s20], $0x28  }
0x125: {  	[sflag:s20] =	ssyncset.done $0x0  }
0x126: {  	s23 =	simm.s32 $0x5200;
	[sflag:s20] =	ssyncadd.s32 $0xFFFFFFD8  }
0x127: {  	s24 =	simm.s32 $0x2A00;
	v1 =	vld [tilespmem:s23+$0x80]  }
0x128: {  	v2 =	vld [tilespmem:s24+$0x80]  }
0x129: {  	v3 =	vld [tilespmem:s23+$0xFFFFFF80]  }
0x12a: {  	v4 =	vld [tilespmem:s24+$0xFFFFFF80]  }
0x12b: {  	v5 =	vld [tilespmem:s23+$0x0]  }
0x12c: {  	v6 =	vld [tilespmem:s24+$0x0]  }
0x12d: {  	v7 =	vld [tilespmem:s23+$0xFFFFFF00];
	v1 =	vmul.f32 v2, v1  }
0x12e: {  	v2 =	vld [tilespmem:s24+$0xFFFFFF00]  }
0x12f: {  	[tilespmem:s23+$0x80] =	vst v1;
	v1 =	vld [tilespmem:s23+$0x90]  }
0x130: {  	v3 =	vmul.f32 v4, v3;
	v4 =	vld [tilespmem:s24+$0x90]  }
0x131: {  	v8 =	vld [tilespmem:s23+$0xFFFFFF10]  }
0x132: {  	[tilespmem:s23+$0xFFFFFF80] =	vst v3;
	v3 =	vmul.f32 v6, v5;
	v5 =	vld [tilespmem:s23+$0xFFFFFF90]  }
0x133: {  	v6 =	vld [tilespmem:s24+$0xFFFFFF90];
	v2 =	vmul.f32 v2, v7  }
0x134: {  	[tilespmem:s23+$0x0] =	vst v3;
	v3 =	vld [tilespmem:s23+$0x10]  }
0x135: {  	v7 =	vld [tilespmem:s24+$0x10];
	[tilespmem:s23+$0xFFFFFF00] =	vst v2;
	v1 =	vmul.f32 v4, v1  }
0x136: {  	v2 =	vld [tilespmem:s24+$0xFFFFFF10]  }
0x137: {  	[tilespmem:s23+$0x90] =	vst v1;
	v1 =	vld [tilespmem:s23+$0xA0]  }
0x138: {  	v4 =	vmul.f32 v6, v5;
	v5 =	vld [tilespmem:s24+$0xA0]  }
0x139: {  	v6 =	vld [tilespmem:s23+$0xFFFFFF20]  }
0x13a: {  	[tilespmem:s23+$0xFFFFFF90] =	vst v4;
	v3 =	vmul.f32 v7, v3;
	v4 =	vld [tilespmem:s23+$0xFFFFFFA0]  }
0x13b: {  	v7 =	vld [tilespmem:s24+$0xFFFFFFA0];
	v2 =	vmul.f32 v2, v8  }
0x13c: {  	[tilespmem:s23+$0x10] =	vst v3;
	v3 =	vld [tilespmem:s23+$0x20]  }
0x13d: {  	v8 =	vld [tilespmem:s24+$0x20];
	[tilespmem:s23+$0xFFFFFF10] =	vst v2;
	v1 =	vmul.f32 v5, v1  }
0x13e: {  	v2 =	vld [tilespmem:s24+$0xFFFFFF20]  }
0x13f: {  	[tilespmem:s23+$0xA0] =	vst v1;
	v1 =	vld [tilespmem:s23+$0xB0]  }
0x140: {  	v4 =	vmul.f32 v7, v4;
	v5 =	vld [tilespmem:s24+$0xB0]  }
0x141: {  	v7 =	vld [tilespmem:s23+$0xFFFFFF30]  }
0x142: {  	[tilespmem:s23+$0xFFFFFFA0] =	vst v4;
	v3 =	vmul.f32 v8, v3;
	v4 =	vld [tilespmem:s23+$0xFFFFFFB0]  }
0x143: {  	v8 =	vld [tilespmem:s24+$0xFFFFFFB0];
	v2 =	vmul.f32 v2, v6  }
0x144: {  	[tilespmem:s23+$0x20] =	vst v3;
	v3 =	vld [tilespmem:s23+$0x30]  }
0x145: {  	v6 =	vld [tilespmem:s24+$0x30];
	[tilespmem:s23+$0xFFFFFF20] =	vst v2;
	v1 =	vmul.f32 v5, v1  }
0x146: {  	v2 =	vld [tilespmem:s24+$0xFFFFFF30]  }
0x147: {  	[tilespmem:s23+$0xB0] =	vst v1;
	v1 =	vld [tilespmem:s23+$0xC0]  }
0x148: {  	v4 =	vmul.f32 v8, v4;
	v5 =	vld [tilespmem:s24+$0xC0]  }
0x149: {  	v8 =	vld [tilespmem:s23+$0xFFFFFF40]  }
0x14a: {  	[tilespmem:s23+$0xFFFFFFB0] =	vst v4;
	v3 =	vmul.f32 v6, v3;
	v4 =	vld [tilespmem:s23+$0xFFFFFFC0]  }
0x14b: {  	v6 =	vld [tilespmem:s24+$0xFFFFFFC0];
	v2 =	vmul.f32 v2, v7  }
0x14c: {  	[tilespmem:s23+$0x30] =	vst v3;
	v3 =	vld [tilespmem:s23+$0x40]  }
0x14d: {  	v7 =	vld [tilespmem:s24+$0x40];
	[tilespmem:s23+$0xFFFFFF30] =	vst v2;
	v1 =	vmul.f32 v5, v1  }
0x14e: {  	v2 =	vld [tilespmem:s24+$0xFFFFFF40]  }
0x14f: {  	[tilespmem:s23+$0xC0] =	vst v1;
	v1 =	vld [tilespmem:s23+$0xD0]  }
0x150: {  	v4 =	vmul.f32 v6, v4;
	v5 =	vld [tilespmem:s24+$0xD0]  }
0x151: {  	v6 =	vld [tilespmem:s23+$0xFFFFFF50]  }
0x152: {  	[tilespmem:s23+$0xFFFFFFC0] =	vst v4;
	v3 =	vmul.f32 v7, v3;
	v4 =	vld [tilespmem:s23+$0xFFFFFFD0]  }
0x153: {  	v7 =	vld [tilespmem:s24+$0xFFFFFFD0];
	v2 =	vmul.f32 v2, v8  }
0x154: {  	[tilespmem:s23+$0x40] =	vst v3;
	v3 =	vld [tilespmem:s23+$0x50]  }
0x155: {  	v8 =	vld [tilespmem:s24+$0x50];
	[tilespmem:s23+$0xFFFFFF40] =	vst v2;
	v1 =	vmul.f32 v5, v1  }
0x156: {  	v2 =	vld [tilespmem:s24+$0xFFFFFF50]  }
0x157: {  	[tilespmem:s23+$0xD0] =	vst v1;
	v1 =	vld [tilespmem:s23+$0xE0]  }
0x158: {  	v4 =	vmul.f32 v7, v4;
	v5 =	vld [tilespmem:s24+$0xE0]  }
0x159: {  	v7 =	vld [tilespmem:s23+$0xFFFFFF60]  }
0x15a: {  	[tilespmem:s23+$0xFFFFFFD0] =	vst v4;
	v3 =	vmul.f32 v8, v3;
	v4 =	vld [tilespmem:s23+$0xFFFFFFE0]  }
0x15b: {  	v8 =	vld [tilespmem:s24+$0xFFFFFFE0];
	v2 =	vmul.f32 v2, v6  }
0x15c: {  	[tilespmem:s23+$0x50] =	vst v3;
	v3 =	vld [tilespmem:s23+$0x60]  }
0x15d: {  	v6 =	vld [tilespmem:s24+$0x60];
	[tilespmem:s23+$0xFFFFFF50] =	vst v2;
	v1 =	vmul.f32 v5, v1  }
0x15e: {  	v5 =	vld [tilespmem:s24+$0xFFFFFF60]  }
0x15f: {  	v9 =	vld [tilespmem:s23+$0xF0];
	[tilespmem:s23+$0xE0] =	vst v1  }
0x160: {  	v2 =	vmul.f32 v8, v4;
	v8 =	vld [tilespmem:s24+$0xF0]  }
0x161: {  	v1 =	vld [tilespmem:s23+$0xFFFFFF70]  }
0x162: {  	[tilespmem:s23+$0xFFFFFFE0] =	vst v2;
	v3 =	vmul.f32 v6, v3;
	v2 =	vld [tilespmem:s23+$0xFFFFFFF0]  }
0x163: {  	v4 =	vld [tilespmem:s24+$0xFFFFFFF0];
	v5 =	vmul.f32 v5, v7  }
0x164: {  	[tilespmem:s23+$0x60] =	vst v3;
	v3 =	vld [tilespmem:s23+$0x70]  }
0x165: {  	[tilespmem:s23+$0xFFFFFF60] =	vst v5;
	v5 =	vld [tilespmem:s24+$0x70];
	v7 =	vmul.f32 v8, v9  }
0x166: {  	s25 =	simm.s32 $0x0;
	s26 =	simm.s32 $0x5400;
	v6 =	vld [tilespmem:s24+$0xFFFFFF70]  }
.LBB2_7:
0x167: {  	v8 =	vld [tilespmem:s26+$0x80];
	[tilespmem:s23+$0xF0] =	vst v7;
	s24 =	sadd.s32 $0x200, s24  }
0x168: {  	s25 =	sadd.s32 $0x4, s25;
	v7 =	vld [tilespmem:s24+$0x80];
	v2 =	vmul.f32 v4, v2  }
0x169: {  	p0 =	slt.u32 s25, $0x24;
	v4 =	vld [tilespmem:s24+$0xFFFFFF00]  }
0x16a: {  	v9 =	vld [tilespmem:s26+$0xFFFFFF80];
	[tilespmem:s23+$0xFFFFFFF0] =	vst v2;
	v2 =	vmul.f32 v5, v3  }
0x16b: {  	v3 =	vld [tilespmem:s24+$0xFFFFFF80];
	v1 =	vmul.f32 v6, v1  }
0x16c: {  	v5 =	vld [tilespmem:s26+$0x0];
	[tilespmem:s23+$0x70] =	vst v2  }
0x16d: {  	v2 =	vld [tilespmem:s24+$0x0];
	v6 =	vmul.f32 v7, v8;
	[tilespmem:s23+$0xFFFFFF70] =	vst v1;
	s23 =	smov.u32 s26  }
0x16e: {  	v1 =	vld [tilespmem:s26+$0xFFFFFF00]  }
0x16f: {  	[tilespmem:s26+$0x80] =	vst v6;
	v6 =	vld [tilespmem:s26+$0x90]  }
0x170: {  	v3 =	vmul.f32 v3, v9;
	v7 =	vld [tilespmem:s24+$0x90]  }
0x171: {  	v8 =	vld [tilespmem:s26+$0xFFFFFF10]  }
0x172: {  	[tilespmem:s26+$0xFFFFFF80] =	vst v3;
	v3 =	vld [tilespmem:s26+$0xFFFFFF90];
	v2 =	vmul.f32 v2, v5  }
0x173: {  	v1 =	vmul.f32 v4, v1;
	v4 =	vld [tilespmem:s24+$0xFFFFFF90]  }
0x174: {  	[tilespmem:s26+$0x0] =	vst v2;
	v2 =	vld [tilespmem:s26+$0x10]  }
0x175: {  	[tilespmem:s26+$0xFFFFFF00] =	vst v1;
	v1 =	vld [tilespmem:s24+$0x10];
	v5 =	vmul.f32 v7, v6  }
0x176: {  	v6 =	vld [tilespmem:s24+$0xFFFFFF10]  }
0x177: {  	[tilespmem:s26+$0x90] =	vst v5;
	v5 =	vld [tilespmem:s26+$0xA0]  }
0x178: {  	v3 =	vmul.f32 v4, v3;
	v4 =	vld [tilespmem:s24+$0xA0]  }
0x179: {  	v7 =	vld [tilespmem:s26+$0xFFFFFF20]  }
0x17a: {  	[tilespmem:s26+$0xFFFFFF90] =	vst v3;
	v3 =	vld [tilespmem:s26+$0xFFFFFFA0];
	v1 =	vmul.f32 v1, v2  }
0x17b: {  	v2 =	vmul.f32 v6, v8;
	v6 =	vld [tilespmem:s24+$0xFFFFFFA0]  }
0x17c: {  	[tilespmem:s26+$0x10] =	vst v1;
	v1 =	vld [tilespmem:s26+$0x20]  }
0x17d: {  	[tilespmem:s26+$0xFFFFFF10] =	vst v2;
	v2 =	vld [tilespmem:s24+$0x20];
	v4 =	vmul.f32 v4, v5  }
0x17e: {  	v5 =	vld [tilespmem:s24+$0xFFFFFF20]  }
0x17f: {  	[tilespmem:s26+$0xA0] =	vst v4;
	v4 =	vld [tilespmem:s26+$0xB0]  }
0x180: {  	v3 =	vmul.f32 v6, v3;
	v6 =	vld [tilespmem:s24+$0xB0]  }
0x181: {  	v8 =	vld [tilespmem:s26+$0xFFFFFF30]  }
0x182: {  	[tilespmem:s26+$0xFFFFFFA0] =	vst v3;
	v3 =	vld [tilespmem:s26+$0xFFFFFFB0];
	v1 =	vmul.f32 v2, v1  }
0x183: {  	v2 =	vmul.f32 v5, v7;
	v5 =	vld [tilespmem:s24+$0xFFFFFFB0]  }
0x184: {  	[tilespmem:s26+$0x20] =	vst v1;
	v1 =	vld [tilespmem:s26+$0x30]  }
0x185: {  	[tilespmem:s26+$0xFFFFFF20] =	vst v2;
	v2 =	vld [tilespmem:s24+$0x30];
	v4 =	vmul.f32 v6, v4  }
0x186: {  	v6 =	vld [tilespmem:s24+$0xFFFFFF30]  }
0x187: {  	[tilespmem:s26+$0xB0] =	vst v4;
	v4 =	vld [tilespmem:s26+$0xC0]  }
0x188: {  	v3 =	vmul.f32 v5, v3;
	v5 =	vld [tilespmem:s24+$0xC0]  }
0x189: {  	v7 =	vld [tilespmem:s26+$0xFFFFFF40]  }
0x18a: {  	[tilespmem:s26+$0xFFFFFFB0] =	vst v3;
	v3 =	vld [tilespmem:s26+$0xFFFFFFC0];
	v1 =	vmul.f32 v2, v1  }
0x18b: {  	v2 =	vmul.f32 v6, v8;
	v6 =	vld [tilespmem:s24+$0xFFFFFFC0]  }
0x18c: {  	[tilespmem:s26+$0x30] =	vst v1;
	v1 =	vld [tilespmem:s26+$0x40]  }
0x18d: {  	[tilespmem:s26+$0xFFFFFF30] =	vst v2;
	v2 =	vld [tilespmem:s24+$0x40];
	v4 =	vmul.f32 v5, v4  }
0x18e: {  	v5 =	vld [tilespmem:s24+$0xFFFFFF40]  }
0x18f: {  	[tilespmem:s26+$0xC0] =	vst v4;
	v4 =	vld [tilespmem:s26+$0xD0]  }
0x190: {  	v3 =	vmul.f32 v6, v3;
	v6 =	vld [tilespmem:s24+$0xD0]  }
0x191: {  	v8 =	vld [tilespmem:s26+$0xFFFFFF50]  }
0x192: {  	[tilespmem:s26+$0xFFFFFFC0] =	vst v3;
	v3 =	vld [tilespmem:s26+$0xFFFFFFD0];
	v1 =	vmul.f32 v2, v1  }
0x193: {  	v2 =	vmul.f32 v5, v7;
	v5 =	vld [tilespmem:s24+$0xFFFFFFD0]  }
0x194: {  	[tilespmem:s26+$0x40] =	vst v1;
	v1 =	vld [tilespmem:s26+$0x50]  }
0x195: {  	[tilespmem:s26+$0xFFFFFF40] =	vst v2;
	v2 =	vld [tilespmem:s24+$0x50];
	v4 =	vmul.f32 v6, v4  }
0x196: {  	v6 =	vld [tilespmem:s24+$0xFFFFFF50]  }
0x197: {  	[tilespmem:s26+$0xD0] =	vst v4;
	v4 =	vld [tilespmem:s26+$0xE0]  }
0x198: {  	v3 =	vmul.f32 v5, v3;
	v5 =	vld [tilespmem:s24+$0xE0]  }
0x199: {  	v7 =	vld [tilespmem:s26+$0xFFFFFF60]  }
0x19a: {  	[tilespmem:s26+$0xFFFFFFD0] =	vst v3;
	v3 =	vld [tilespmem:s26+$0xFFFFFFE0];
	v1 =	vmul.f32 v2, v1  }
0x19b: {  	v2 =	vmul.f32 v6, v8;
	v6 =	vld [tilespmem:s24+$0xFFFFFFE0]  }
0x19c: {  	[tilespmem:s26+$0x50] =	vst v1;
	v8 =	vld [tilespmem:s26+$0x60]  }
0x19d: {  	[tilespmem:s26+$0xFFFFFF50] =	vst v2;
	v9 =	vld [tilespmem:s24+$0x60];
	v1 =	vmul.f32 v5, v4  }
0x19e: {  	v4 =	vld [tilespmem:s24+$0xFFFFFF60]  }
0x19f: {  	[tilespmem:s26+$0xE0] =	vst v1;
	v10 =	vld [tilespmem:s26+$0xF0]  }
0x1a0: {  	v2 =	vmul.f32 v6, v3;
	v6 =	vld [tilespmem:s24+$0xF0]  }
0x1a1: {  	v1 =	vld [tilespmem:s26+$0xFFFFFF70]  }
.Ltmp2:
0x1a2: {  	[tilespmem:s26+$0xFFFFFFE0] =	vst v2;
	v2 =	vld [tilespmem:s26+$0xFFFFFFF0];
	v3 =	vmul.f32 v9, v8;
	(pc) =	sbr.rel @p0 .LBB2_7-.Ltmp2, $4  }
0x1a3: {  	v5 =	vmul.f32 v4, v7;
	v4 =	vld [tilespmem:s24+$0xFFFFFFF0]  }
0x1a4: {  	[tilespmem:s26+$0x60] =	vst v3;
	v3 =	vld [tilespmem:s26+$0x70]  }
0x1a5: {  	[tilespmem:s26+$0xFFFFFF60] =	vst v5;
	v5 =	vld [tilespmem:s24+$0x70];
	v7 =	vmul.f32 v6, v10  }
0x1a6: {  	s26 =	sadd.s32 $0x200, s26;
	v6 =	vld [tilespmem:s24+$0xFFFFFF70]  }
0x1a7: {  	_ =	sdelay $0x1  }
0x1a8: {  	v2 =	vmul.f32 v4, v2  }
0x1a9: {  	[tilespmem:s23+$0xF0] =	vst v7;
	v3 =	vmul.f32 v5, v3  }
0x1aa: {  	s22 =	sadd.s32 $0x1, s22;
	[tilespmem:s23+$0xFFFFFFF0] =	vst v2;
	v1 =	vmul.f32 v6, v1  }
0x1ab: {  	p0 =	sne.s32 s22, $0x3E;
	[tilespmem:s23+$0x70] =	vst v3  }
.Ltmp3:
0x1ac: {  	[tilespmem:s23+$0xFFFFFF70] =	vst v1;
	(pc) =	sbr.rel @p0 .LBB2_4-.Ltmp3, $4  }
0x1ad: {  	[spmem:s4] =	stream.indirect.scatter.add.f32 [tilespmem:s10], [sflag:$0x7], $0x80, s12, s1, $0xb8;
	[tilespmem:$0x1A100] =	vst v63  }
0x1ae: {  	_ =	swait.ge [sflag:s3], $0x1400  }
0x1af: {  	[sflag:s3] =	ssyncset.done $0x0  }
0x1b0: {  	[sflag:s3] =	ssyncadd.s32 $0xFFFFEC00  }
0x1b1: {  	_ =	swait.ge [sflag:s14], $0x1400  }
0x1b2: {  	[sflag:s14] =	ssyncset.done $0x0  }
0x1b3: {  	[sflag:s14] =	ssyncadd.s32 $0xFFFFEC00  }
0x1b4: {  	_ =	swait.ge [sflag:s15], $0x1400  }
0x1b5: {  	[sflag:s15] =	ssyncset.done $0x0  }
0x1b6: {  	[sflag:s15] =	ssyncadd.s32 $0xFFFFEC00  }
0x1b7: {  	_ =	swait.ge [sflag:s16], $0x28  }
0x1b8: {  	[sflag:s16] =	ssyncset.done $0x0  }
0x1b9: {  	s22 =	simm.s32 $0x3E00;
	[sflag:s16] =	ssyncadd.s32 $0xFFFFFFD8  }
0x1ba: {  	s23 =	simm.s32 $0x1600;
	v1 =	vld [tilespmem:s22+$0x80]  }
0x1bb: {  	v2 =	vld [tilespmem:s23+$0x80]  }
0x1bc: {  	v3 =	vld [tilespmem:s22+$0xFFFFFF80]  }
0x1bd: {  	v4 =	vld [tilespmem:s23+$0xFFFFFF80]  }
0x1be: {  	v5 =	vld [tilespmem:s22+$0x0]  }
0x1bf: {  	v6 =	vld [tilespmem:s23+$0x0]  }
0x1c0: {  	v7 =	vld [tilespmem:s22+$0xFFFFFF00];
	v1 =	vmul.f32 v2, v1  }
0x1c1: {  	v2 =	vld [tilespmem:s23+$0xFFFFFF00]  }
0x1c2: {  	[tilespmem:s22+$0x80] =	vst v1;
	v1 =	vld [tilespmem:s22+$0x90]  }
0x1c3: {  	v3 =	vmul.f32 v4, v3;
	v4 =	vld [tilespmem:s23+$0x90]  }
0x1c4: {  	v8 =	vld [tilespmem:s22+$0xFFFFFF10]  }
0x1c5: {  	[tilespmem:s22+$0xFFFFFF80] =	vst v3;
	v3 =	vmul.f32 v6, v5;
	v5 =	vld [tilespmem:s22+$0xFFFFFF90]  }
0x1c6: {  	v6 =	vld [tilespmem:s23+$0xFFFFFF90];
	v2 =	vmul.f32 v2, v7  }
0x1c7: {  	[tilespmem:s22+$0x0] =	vst v3;
	v3 =	vld [tilespmem:s22+$0x10]  }
0x1c8: {  	v7 =	vld [tilespmem:s23+$0x10];
	[tilespmem:s22+$0xFFFFFF00] =	vst v2;
	v1 =	vmul.f32 v4, v1  }
0x1c9: {  	v2 =	vld [tilespmem:s23+$0xFFFFFF10]  }
0x1ca: {  	[tilespmem:s22+$0x90] =	vst v1;
	v1 =	vld [tilespmem:s22+$0xA0]  }
0x1cb: {  	v4 =	vmul.f32 v6, v5;
	v5 =	vld [tilespmem:s23+$0xA0]  }
0x1cc: {  	v6 =	vld [tilespmem:s22+$0xFFFFFF20]  }
0x1cd: {  	[tilespmem:s22+$0xFFFFFF90] =	vst v4;
	v3 =	vmul.f32 v7, v3;
	v4 =	vld [tilespmem:s22+$0xFFFFFFA0]  }
0x1ce: {  	v7 =	vld [tilespmem:s23+$0xFFFFFFA0];
	v2 =	vmul.f32 v2, v8  }
0x1cf: {  	[tilespmem:s22+$0x10] =	vst v3;
	v3 =	vld [tilespmem:s22+$0x20]  }
0x1d0: {  	v8 =	vld [tilespmem:s23+$0x20];
	[tilespmem:s22+$0xFFFFFF10] =	vst v2;
	v1 =	vmul.f32 v5, v1  }
0x1d1: {  	v2 =	vld [tilespmem:s23+$0xFFFFFF20]  }
0x1d2: {  	[tilespmem:s22+$0xA0] =	vst v1;
	v1 =	vld [tilespmem:s22+$0xB0]  }
0x1d3: {  	v4 =	vmul.f32 v7, v4;
	v5 =	vld [tilespmem:s23+$0xB0]  }
0x1d4: {  	v7 =	vld [tilespmem:s22+$0xFFFFFF30]  }
0x1d5: {  	[tilespmem:s22+$0xFFFFFFA0] =	vst v4;
	v3 =	vmul.f32 v8, v3;
	v4 =	vld [tilespmem:s22+$0xFFFFFFB0]  }
0x1d6: {  	v8 =	vld [tilespmem:s23+$0xFFFFFFB0];
	v2 =	vmul.f32 v2, v6  }
0x1d7: {  	[tilespmem:s22+$0x20] =	vst v3;
	v3 =	vld [tilespmem:s22+$0x30]  }
0x1d8: {  	v6 =	vld [tilespmem:s23+$0x30];
	[tilespmem:s22+$0xFFFFFF20] =	vst v2;
	v1 =	vmul.f32 v5, v1  }
0x1d9: {  	v2 =	vld [tilespmem:s23+$0xFFFFFF30]  }
0x1da: {  	[tilespmem:s22+$0xB0] =	vst v1;
	v1 =	vld [tilespmem:s22+$0xC0]  }
0x1db: {  	v4 =	vmul.f32 v8, v4;
	v5 =	vld [tilespmem:s23+$0xC0]  }
0x1dc: {  	v8 =	vld [tilespmem:s22+$0xFFFFFF40]  }
0x1dd: {  	[tilespmem:s22+$0xFFFFFFB0] =	vst v4;
	v3 =	vmul.f32 v6, v3;
	v4 =	vld [tilespmem:s22+$0xFFFFFFC0]  }
0x1de: {  	v6 =	vld [tilespmem:s23+$0xFFFFFFC0];
	v2 =	vmul.f32 v2, v7  }
0x1df: {  	[tilespmem:s22+$0x30] =	vst v3;
	v3 =	vld [tilespmem:s22+$0x40]  }
0x1e0: {  	v7 =	vld [tilespmem:s23+$0x40];
	[tilespmem:s22+$0xFFFFFF30] =	vst v2;
	v1 =	vmul.f32 v5, v1  }
0x1e1: {  	v2 =	vld [tilespmem:s23+$0xFFFFFF40]  }
0x1e2: {  	[tilespmem:s22+$0xC0] =	vst v1;
	v1 =	vld [tilespmem:s22+$0xD0]  }
0x1e3: {  	v4 =	vmul.f32 v6, v4;
	v5 =	vld [tilespmem:s23+$0xD0]  }
0x1e4: {  	v6 =	vld [tilespmem:s22+$0xFFFFFF50]  }
0x1e5: {  	[tilespmem:s22+$0xFFFFFFC0] =	vst v4;
	v3 =	vmul.f32 v7, v3;
	v4 =	vld [tilespmem:s22+$0xFFFFFFD0]  }
0x1e6: {  	v7 =	vld [tilespmem:s23+$0xFFFFFFD0];
	v2 =	vmul.f32 v2, v8  }
0x1e7: {  	[tilespmem:s22+$0x40] =	vst v3;
	v3 =	vld [tilespmem:s22+$0x50]  }
0x1e8: {  	v8 =	vld [tilespmem:s23+$0x50];
	[tilespmem:s22+$0xFFFFFF40] =	vst v2;
	v1 =	vmul.f32 v5, v1  }
0x1e9: {  	v2 =	vld [tilespmem:s23+$0xFFFFFF50]  }
0x1ea: {  	[tilespmem:s22+$0xD0] =	vst v1;
	v1 =	vld [tilespmem:s22+$0xE0]  }
0x1eb: {  	v4 =	vmul.f32 v7, v4;
	v5 =	vld [tilespmem:s23+$0xE0]  }
0x1ec: {  	v7 =	vld [tilespmem:s22+$0xFFFFFF60]  }
0x1ed: {  	[tilespmem:s22+$0xFFFFFFD0] =	vst v4;
	v3 =	vmul.f32 v8, v3;
	v4 =	vld [tilespmem:s22+$0xFFFFFFE0]  }
0x1ee: {  	v8 =	vld [tilespmem:s23+$0xFFFFFFE0];
	v2 =	vmul.f32 v2, v6  }
0x1ef: {  	[tilespmem:s22+$0x50] =	vst v3;
	v3 =	vld [tilespmem:s22+$0x60]  }
0x1f0: {  	v6 =	vld [tilespmem:s23+$0x60];
	[tilespmem:s22+$0xFFFFFF50] =	vst v2;
	v1 =	vmul.f32 v5, v1  }
0x1f1: {  	v5 =	vld [tilespmem:s23+$0xFFFFFF60]  }
0x1f2: {  	v9 =	vld [tilespmem:s22+$0xF0];
	[tilespmem:s22+$0xE0] =	vst v1  }
0x1f3: {  	v2 =	vmul.f32 v8, v4;
	v8 =	vld [tilespmem:s23+$0xF0]  }
0x1f4: {  	v1 =	vld [tilespmem:s22+$0xFFFFFF70]  }
0x1f5: {  	[tilespmem:s22+$0xFFFFFFE0] =	vst v2;
	v3 =	vmul.f32 v6, v3;
	v2 =	vld [tilespmem:s22+$0xFFFFFFF0]  }
0x1f6: {  	v4 =	vld [tilespmem:s23+$0xFFFFFFF0];
	v5 =	vmul.f32 v5, v7  }
0x1f7: {  	[tilespmem:s22+$0x60] =	vst v3;
	v3 =	vld [tilespmem:s22+$0x70]  }
0x1f8: {  	[tilespmem:s22+$0xFFFFFF60] =	vst v5;
	v5 =	vld [tilespmem:s23+$0x70];
	v7 =	vmul.f32 v8, v9  }
0x1f9: {  	s24 =	simm.s32 $0x0;
	s25 =	simm.s32 $0x4000;
	v6 =	vld [tilespmem:s23+$0xFFFFFF70]  }
.LBB2_10:
0x1fa: {  	v8 =	vld [tilespmem:s25+$0x80];
	[tilespmem:s22+$0xF0] =	vst v7;
	s23 =	sadd.s32 $0x200, s23  }
0x1fb: {  	s24 =	sadd.s32 $0x4, s24;
	v7 =	vld [tilespmem:s23+$0x80];
	v2 =	vmul.f32 v4, v2  }
0x1fc: {  	p0 =	slt.u32 s24, $0x24;
	v4 =	vld [tilespmem:s23+$0xFFFFFF00]  }
0x1fd: {  	v9 =	vld [tilespmem:s25+$0xFFFFFF80];
	[tilespmem:s22+$0xFFFFFFF0] =	vst v2;
	v2 =	vmul.f32 v5, v3  }
0x1fe: {  	v3 =	vld [tilespmem:s23+$0xFFFFFF80];
	v1 =	vmul.f32 v6, v1  }
0x1ff: {  	v5 =	vld [tilespmem:s25+$0x0];
	[tilespmem:s22+$0x70] =	vst v2  }
0x200: {  	v2 =	vld [tilespmem:s23+$0x0];
	v6 =	vmul.f32 v7, v8;
	[tilespmem:s22+$0xFFFFFF70] =	vst v1;
	s22 =	smov.u32 s25  }
0x201: {  	v1 =	vld [tilespmem:s25+$0xFFFFFF00]  }
0x202: {  	[tilespmem:s25+$0x80] =	vst v6;
	v6 =	vld [tilespmem:s25+$0x90]  }
0x203: {  	v3 =	vmul.f32 v3, v9;
	v7 =	vld [tilespmem:s23+$0x90]  }
0x204: {  	v8 =	vld [tilespmem:s25+$0xFFFFFF10]  }
0x205: {  	[tilespmem:s25+$0xFFFFFF80] =	vst v3;
	v3 =	vld [tilespmem:s25+$0xFFFFFF90];
	v2 =	vmul.f32 v2, v5  }
0x206: {  	v1 =	vmul.f32 v4, v1;
	v4 =	vld [tilespmem:s23+$0xFFFFFF90]  }
0x207: {  	[tilespmem:s25+$0x0] =	vst v2;
	v2 =	vld [tilespmem:s25+$0x10]  }
0x208: {  	[tilespmem:s25+$0xFFFFFF00] =	vst v1;
	v1 =	vld [tilespmem:s23+$0x10];
	v5 =	vmul.f32 v7, v6  }
0x209: {  	v6 =	vld [tilespmem:s23+$0xFFFFFF10]  }
0x20a: {  	[tilespmem:s25+$0x90] =	vst v5;
	v5 =	vld [tilespmem:s25+$0xA0]  }
0x20b: {  	v3 =	vmul.f32 v4, v3;
	v4 =	vld [tilespmem:s23+$0xA0]  }
0x20c: {  	v7 =	vld [tilespmem:s25+$0xFFFFFF20]  }
0x20d: {  	[tilespmem:s25+$0xFFFFFF90] =	vst v3;
	v3 =	vld [tilespmem:s25+$0xFFFFFFA0];
	v1 =	vmul.f32 v1, v2  }
0x20e: {  	v2 =	vmul.f32 v6, v8;
	v6 =	vld [tilespmem:s23+$0xFFFFFFA0]  }
0x20f: {  	[tilespmem:s25+$0x10] =	vst v1;
	v1 =	vld [tilespmem:s25+$0x20]  }
0x210: {  	[tilespmem:s25+$0xFFFFFF10] =	vst v2;
	v2 =	vld [tilespmem:s23+$0x20];
	v4 =	vmul.f32 v4, v5  }
0x211: {  	v5 =	vld [tilespmem:s23+$0xFFFFFF20]  }
0x212: {  	[tilespmem:s25+$0xA0] =	vst v4;
	v4 =	vld [tilespmem:s25+$0xB0]  }
0x213: {  	v3 =	vmul.f32 v6, v3;
	v6 =	vld [tilespmem:s23+$0xB0]  }
0x214: {  	v8 =	vld [tilespmem:s25+$0xFFFFFF30]  }
0x215: {  	[tilespmem:s25+$0xFFFFFFA0] =	vst v3;
	v3 =	vld [tilespmem:s25+$0xFFFFFFB0];
	v1 =	vmul.f32 v2, v1  }
0x216: {  	v2 =	vmul.f32 v5, v7;
	v5 =	vld [tilespmem:s23+$0xFFFFFFB0]  }
0x217: {  	[tilespmem:s25+$0x20] =	vst v1;
	v1 =	vld [tilespmem:s25+$0x30]  }
0x218: {  	[tilespmem:s25+$0xFFFFFF20] =	vst v2;
	v2 =	vld [tilespmem:s23+$0x30];
	v4 =	vmul.f32 v6, v4  }
0x219: {  	v6 =	vld [tilespmem:s23+$0xFFFFFF30]  }
0x21a: {  	[tilespmem:s25+$0xB0] =	vst v4;
	v4 =	vld [tilespmem:s25+$0xC0]  }
0x21b: {  	v3 =	vmul.f32 v5, v3;
	v5 =	vld [tilespmem:s23+$0xC0]  }
0x21c: {  	v7 =	vld [tilespmem:s25+$0xFFFFFF40]  }
0x21d: {  	[tilespmem:s25+$0xFFFFFFB0] =	vst v3;
	v3 =	vld [tilespmem:s25+$0xFFFFFFC0];
	v1 =	vmul.f32 v2, v1  }
0x21e: {  	v2 =	vmul.f32 v6, v8;
	v6 =	vld [tilespmem:s23+$0xFFFFFFC0]  }
0x21f: {  	[tilespmem:s25+$0x30] =	vst v1;
	v1 =	vld [tilespmem:s25+$0x40]  }
0x220: {  	[tilespmem:s25+$0xFFFFFF30] =	vst v2;
	v2 =	vld [tilespmem:s23+$0x40];
	v4 =	vmul.f32 v5, v4  }
0x221: {  	v5 =	vld [tilespmem:s23+$0xFFFFFF40]  }
0x222: {  	[tilespmem:s25+$0xC0] =	vst v4;
	v4 =	vld [tilespmem:s25+$0xD0]  }
0x223: {  	v3 =	vmul.f32 v6, v3;
	v6 =	vld [tilespmem:s23+$0xD0]  }
0x224: {  	v8 =	vld [tilespmem:s25+$0xFFFFFF50]  }
0x225: {  	[tilespmem:s25+$0xFFFFFFC0] =	vst v3;
	v3 =	vld [tilespmem:s25+$0xFFFFFFD0];
	v1 =	vmul.f32 v2, v1  }
0x226: {  	v2 =	vmul.f32 v5, v7;
	v5 =	vld [tilespmem:s23+$0xFFFFFFD0]  }
0x227: {  	[tilespmem:s25+$0x40] =	vst v1;
	v1 =	vld [tilespmem:s25+$0x50]  }
0x228: {  	[tilespmem:s25+$0xFFFFFF40] =	vst v2;
	v2 =	vld [tilespmem:s23+$0x50];
	v4 =	vmul.f32 v6, v4  }
0x229: {  	v6 =	vld [tilespmem:s23+$0xFFFFFF50]  }
0x22a: {  	[tilespmem:s25+$0xD0] =	vst v4;
	v4 =	vld [tilespmem:s25+$0xE0]  }
0x22b: {  	v3 =	vmul.f32 v5, v3;
	v5 =	vld [tilespmem:s23+$0xE0]  }
0x22c: {  	v7 =	vld [tilespmem:s25+$0xFFFFFF60]  }
0x22d: {  	[tilespmem:s25+$0xFFFFFFD0] =	vst v3;
	v3 =	vld [tilespmem:s25+$0xFFFFFFE0];
	v1 =	vmul.f32 v2, v1  }
0x22e: {  	v2 =	vmul.f32 v6, v8;
	v6 =	vld [tilespmem:s23+$0xFFFFFFE0]  }
0x22f: {  	[tilespmem:s25+$0x50] =	vst v1;
	v8 =	vld [tilespmem:s25+$0x60]  }
0x230: {  	[tilespmem:s25+$0xFFFFFF50] =	vst v2;
	v9 =	vld [tilespmem:s23+$0x60];
	v1 =	vmul.f32 v5, v4  }
0x231: {  	v4 =	vld [tilespmem:s23+$0xFFFFFF60]  }
0x232: {  	[tilespmem:s25+$0xE0] =	vst v1;
	v10 =	vld [tilespmem:s25+$0xF0]  }
0x233: {  	v2 =	vmul.f32 v6, v3;
	v6 =	vld [tilespmem:s23+$0xF0]  }
0x234: {  	v1 =	vld [tilespmem:s25+$0xFFFFFF70]  }
.Ltmp4:
0x235: {  	[tilespmem:s25+$0xFFFFFFE0] =	vst v2;
	v2 =	vld [tilespmem:s25+$0xFFFFFFF0];
	v3 =	vmul.f32 v9, v8;
	(pc) =	sbr.rel @p0 .LBB2_10-.Ltmp4, $4  }
0x236: {  	v5 =	vmul.f32 v4, v7;
	v4 =	vld [tilespmem:s23+$0xFFFFFFF0]  }
0x237: {  	[tilespmem:s25+$0x60] =	vst v3;
	v3 =	vld [tilespmem:s25+$0x70]  }
0x238: {  	[tilespmem:s25+$0xFFFFFF60] =	vst v5;
	v5 =	vld [tilespmem:s23+$0x70];
	v7 =	vmul.f32 v6, v10  }
0x239: {  	s25 =	sadd.s32 $0x200, s25;
	v6 =	vld [tilespmem:s23+$0xFFFFFF70]  }
0x23a: {  	_ =	sdelay $0x1  }
0x23b: {  	v2 =	vmul.f32 v4, v2  }
0x23c: {  	[tilespmem:s22+$0xF0] =	vst v7;
	v3 =	vmul.f32 v5, v3  }
0x23d: {  	[tilespmem:s22+$0xFFFFFFF0] =	vst v2;
	v1 =	vmul.f32 v6, v1  }
0x23e: {  	[tilespmem:s22+$0x70] =	vst v3  }
0x23f: {  	[tilespmem:s22+$0xFFFFFF70] =	vst v1  }
0x240: {  	[spmem:s4] =	stream.indirect.scatter.add.f32 [tilespmem:s31], [sflag:$0x7], $0x80, s9, s1, $0xb8;
	[tilespmem:$0x1A100] =	vst v63  }
0x241: {  	_ =	swait.ge [sflag:s3], $0x1400  }
0x242: {  	[sflag:s3] =	ssyncset.done $0x0  }
0x243: {  	s26 =	stileid.u32;
	[sflag:s3] =	ssyncadd.s32 $0xFFFFEC00  }
0x244: {  	s22 =	sshll.u32 s26, $0x6;
	[bflag:$0x0] =	sbarrier.arrive $0xFFFF  }
0x245: {  	s23 =	sshrl.u32 s7, $0x3;
	s22 =	sor.u32 $0x1C07, s22;
	s24 =	rddreg [dreg:$0x14]  }
0x246: {  	[hbm:s24], [sflag:s22] =	dma.local [spmem:s23], $0x2780  }
0x247: {  	_ =	swait.ge [sflag:s3], $0x2780  }
0x248: {  	s21 =	sadd.s32 $0x1, s21;
	s28 =	rddreg [dreg:$0x15]  }
0x249: {  	p0 =	sne.s32 s21, s28  }
.Ltmp5:
0x24a: {  	_ = 	snop;
	(pc) =	sbr.rel @p0 .LBB2_1-.Ltmp5, $3  }
0x24b: {  	_ =	sdelay $0x1  }
0x24c: {  	[sflag:s3] =	ssyncset.done $0x0  }
0x24d: {  	[sflag:s3] =	ssyncadd.s32 $0xFFFFD880  }
0x24e: {  	_ =	sfence.sel $0x180000  }
0x24f: {  	[bflag:$0x0] =	sbarrier.arrive $0xFFFF  }
0x250: {  	_ =	strace $0x90000047  }
0x251: {  	s0 =	stileid.u32;
	[bflag:$0x2] =	sbarrier.arrive $0xFFFF  }
0x252: {  	p0 =	sne.s32 s0, $0x0;
	s0 =	rddreg [dreg:$0x5]  }
0x253: {  	s0 =	sadd.s32 @!p0 $0x100000, s0  }
0x254: {  	[sflag:s0] =	ssyncadd.tile.s32 @!p0 $0x1;
	_ =	shalt  }
.Lfunc_end2:
_tile_overlayer_lowered:
.L_overlay_start_2:
0x255: {  	(tag) =	ssettag $0x2  }
0x256: {  	s0 =	rddreg [dreg:$0x0];
	s2 =	stileid.u32  }
0x257: {  	s1 =	rddreg [dreg:$0x1];
	p0 =	sne.s32 s2, $0x0  }
0x258: {  	s3 =	rddreg [dreg:$0x2];
	[bflag:$0x3] =	sbarrier.arrive $0xFFFF;
	s2 =	simm.s32 @!p0 $0x1C07  }
0x259: {  	[timem:s3], [sflag:s2] =	dma.local @!p0 [hbm:s0], s1  }
0x25a: {  	s0 =	simm.s32 @!p0 $0x7  }
0x25b: {  	_ =	swait.ge @!p0 [sflag:s0], s1  }
0x25c: {  	s1 =	ssub.s32 @!p0 $0x0, s1;
	[sflag:s0] =	ssyncset.done @!p0 $0x0  }
0x25d: {  	[sflag:s0] =	ssyncadd.s32 @!p0 s1  }
0x25e: {  	[bflag:$0x3] =	sbarrier.arrive $0xFFFF  }
0x25f: {  	_ =	shalt  }

// kernel: kernel.8.cloned.1.call-start
scs
__scs_entry_jumppad:
0x0: {  	(pc) =	sbr.rel $0x88, $3  }
0x1: {  	(tag) =	ssettag $0x0;
	lr =	simm.s32 $0x1  }
0x2: {  	[smem:$0x3F93] =	sst lr;
	_ =	strace $0xD0000000  }
0x3: {  	_ = 	snop  }
0x4: {  	_ = 	snop  }
0x5: {  	_ = 	snop  }
0x6: {  	_ = 	snop  }
0x7: {  	_ = 	snop  }
__scs_overlays_trampoline_lowered:
0x8: {  	[smem:$0x3FA2] =	sst s0  }
0x9: {  	[smem:$0x3FA3] =	sst s1  }
0xa: {  	[smem:$0x3FA4] =	sst s2  }
0xb: {  	[smem:$0x3FA5] =	sst s3  }
0xc: {  	[smem:$0x3FA6] =	sst s4  }
0xd: {  	[smem:$0x3FA7] =	sst s5  }
0xe: {  	[smem:$0x3FA8] =	sst s6  }
0xf: {  	[smem:$0x3FA9] =	sst s7  }
0x10: {  	[smem:$0x3FAA] =	sst s8  }
0x11: {  	[smem:$0x3FAB] =	sst s9;
	s0 =	simm.s32 @!p0 $0x0  }
0x12: {  	s1 =	sld [smem:$0x3F91];
	s0 =	simm.s32 @p0 $0x1  }
0x13: {  	[smem:$0x3FAC] =	sst s0;
	s0 =	simm.s32 @!p1 $0x0  }
0x14: {  	s2 =	sld [smem:$0x3F90];
	s0 =	simm.s32 @p1 $0x1  }
0x15: {  	[smem:$0x3FAD] =	sst s0;
	s0 =	simm.s32 @!p2 $0x0  }
0x16: {  	s3 =	sld [smem:$0x3FDB];
	s0 =	simm.s32 @p2 $0x1  }
0x17: {  	s4 =	simm.s32 $0x1BF5;
	[smem:$0x3FAF] =	sst s0  }
0x18: {  	s0 =	sld [smem:$0x3F92];
	_ =	swait.ge [sflag:s4], $0x0  }
0x19: {  	s7 =	sld [smem:$0x3F93]  }
0x1a: {  	s8 =	sadd.s32 $0xFFFFE003, lr  }
0x1b: {  	s9 =	sadd.s32 $0xFFFFFEF7, lr;
	s5 =	simm.s32 $0xFFFFFFFF;
	p2 =	slt.u32 s8, $0xFFFFF086  }
0x1c: {  	p1 =	slt.u32 s9, $0xF7A;
	s5 =	simm.s32 @!p2 $0x0  }
0x1d: {  	s5 =	simm.s32 @p1 $0x1;
	p0 =	seq.s32 s7, s2  }
0x1e: {  	s7 =	smul.u32 @!p0 $0xF7A, s2;
	p2 =	seq.s32 @!p0 s5, $0x0  }
0x1f: {  	s9 =	smul.u32 $0xF7A, s1;
	s8 =	simm.s32 @!p0 $0x1BF5;
	p2 =	por !p2, p0  }
0x20: {  	[sflag:s8] =	ssyncset.s32 @!p0 $0xFFFFF086;
	s6 =	sadd.s32 @!p0 s3, s7;
	s7 =	simm.s32 @!p0 $0x108  }
0x21: {  	s3 =	sadd.s32 s3, s9;
	s6 =	sadd.s32 @!p0 $0x88, s6;
	s7 =	simm.s32 @p2 $0x1082  }
0x22: {  	[simem:s7], [sflag:s8] =	dma.local @!p0 [hbm:s6], $0xF7A  }
0x23: {  	s9 =	sor.u32 $0xD0000000, s2;
	s6 =	simm.s32 $0x108;
	_ =	swait.ge @!p0 [sflag:s8], $0x0  }
0x24: {  	s3 =	sadd.s32 $0x88, s3;
	s6 =	simm.s32 @!p1 $0x1082;
	[sflag:s4] =	ssyncset.s32 $0xFFFFF086  }
0x25: {  	[simem:s6], [sflag:s4] =	dma.local [hbm:s3], $0xF7A  }
0x26: {  	[smem:$0x3F93] =	sst s1;
	(tag) =	ssettag s2;
	_ =	strace s9  }
0x27: {  	s1 =	sld [smem:$0x3FA3]  }
0x28: {  	s2 =	sld [smem:$0x3FA4]  }
0x29: {  	s4 =	sld [smem:$0x3FA6]  }
0x2a: {  	p0 =	seq.s32 s5, $0x0;
	s5 =	sld [smem:$0x3FA7]  }
0x2b: {  	s6 =	sld [smem:$0x3FA8]  }
0x2c: {  	s7 =	sld [smem:$0x3FA9]  }
0x2d: {  	s3 =	simm.s32 $0x108;
	s8 =	sld [smem:$0x3FAA]  }
0x2e: {  	s3 =	simm.s32 @!p0 $0x1082;
	s9 =	sld [smem:$0x3FAB]  }
0x2f: {  	lr =	sadd.s32 s0, s3;
	s0 =	sld [smem:$0x3FA2]  }
0x30: {  	s3 =	sld [smem:$0x3FA5]  }
0x31: {  	[smem:$0x3FAE] =	sst s10  }
0x32: {  	s10 =	sld [smem:$0x3FAC];
	_ =	sdelay $0x3  }
0x33: {  	p0 =	seq.s32 s10, $0x1;
	s10 =	sld [smem:$0x3FAE];
	_ =	sdelay $0x3  }
0x34: {  	[smem:$0x3FAE] =	sst s10  }
0x35: {  	s10 =	sld [smem:$0x3FAD];
	_ =	sdelay $0x3  }
0x36: {  	p1 =	seq.s32 s10, $0x1;
	s10 =	sld [smem:$0x3FAE];
	_ =	sdelay $0x3  }
0x37: {  	[smem:$0x3FAE] =	sst s10  }
0x38: {  	s10 =	sld [smem:$0x3FAF]  }
0x39: {  	_ = 	snop;
	(pc) =	sbr.ind lr, $3  }
0x3a: {  	_ = 	snop  }
0x3b: {  	_ = 	snop  }
0x3c: {  	p2 =	seq.s32 s10, $0x1;
	s10 =	sld [smem:$0x3FAE]  }
0x3d: {  	_ =	shalt  }
0x3e: {  	_ =	shalt  }
0x3f: {  	_ =	shalt  }
0x40: {  	_ =	shalt  }
0x41: {  	_ =	shalt  }
0x42: {  	_ =	shalt  }
0x43: {  	_ =	shalt  }
0x44: {  	_ =	shalt  }
0x45: {  	_ =	shalt  }
0x46: {  	_ =	shalt  }
0x47: {  	_ =	shalt  }
0x48: {  	_ =	shalt  }
0x49: {  	_ =	shalt  }
0x4a: {  	_ =	shalt  }
0x4b: {  	_ =	shalt  }
0x4c: {  	_ =	shalt  }
0x4d: {  	_ =	shalt  }
0x4e: {  	_ =	shalt  }
0x4f: {  	_ =	shalt  }
0x50: {  	_ =	shalt  }
0x51: {  	_ =	shalt  }
0x52: {  	_ =	shalt  }
0x53: {  	_ =	shalt  }
0x54: {  	_ =	shalt  }
0x55: {  	_ =	shalt  }
0x56: {  	_ =	shalt  }
0x57: {  	_ =	shalt  }
0x58: {  	_ =	shalt  }
0x59: {  	_ =	shalt  }
0x5a: {  	_ =	shalt  }
0x5b: {  	_ =	shalt  }
0x5c: {  	_ =	shalt  }
0x5d: {  	_ =	shalt  }
0x5e: {  	_ =	shalt  }
0x5f: {  	_ =	shalt  }
0x60: {  	_ =	shalt  }
0x61: {  	_ =	shalt  }
0x62: {  	_ =	shalt  }
0x63: {  	_ =	shalt  }
0x64: {  	_ =	shalt  }
0x65: {  	_ =	shalt  }
0x66: {  	_ =	shalt  }
0x67: {  	_ =	shalt  }
0x68: {  	_ =	shalt  }
0x69: {  	_ =	shalt  }
0x6a: {  	_ =	shalt  }
0x6b: {  	_ =	shalt  }
0x6c: {  	_ =	shalt  }
0x6d: {  	_ =	shalt  }
0x6e: {  	_ =	shalt  }
0x6f: {  	_ =	shalt  }
0x70: {  	_ =	shalt  }
0x71: {  	_ =	shalt  }
0x72: {  	_ =	shalt  }
0x73: {  	_ =	shalt  }
0x74: {  	_ =	shalt  }
0x75: {  	_ =	shalt  }
0x76: {  	_ =	shalt  }
0x77: {  	_ =	shalt  }
0x78: {  	_ =	shalt  }
0x79: {  	_ =	shalt  }
0x7a: {  	_ =	shalt  }
0x7b: {  	_ =	shalt  }
0x7c: {  	_ =	shalt  }
0x7d: {  	_ =	shalt  }
0x7e: {  	_ =	shalt  }
0x7f: {  	_ =	shalt  }
0x80: {  	_ =	shalt  }
0x81: {  	_ =	shalt  }
0x82: {  	_ =	shalt  }
0x83: {  	_ =	shalt  }
0x84: {  	_ =	shalt  }
0x85: {  	_ =	shalt  }
0x86: {  	_ =	shalt  }
0x87: {  	_ =	shalt  }
.Lfunc_end0:
.L_simem_size_0:
called_computation_lowered:
.L_overlay_start_0:
0x88: {  	s2 =	sld [smem:$0x3FD9]  }
0x89: {  	s3 =	sld [smem:$0x3FFE];
	_ =	sdelay $0x1  }
0x8a: {  	s1 =	srdreg.scid  }
0x8b: {  	s0 =	sand.u32 $0x1, s1  }
0x8c: {  	s17 =	sshll.u32 s0, $0xA;
	s2 =	sadd.s32 s3, s2  }
0x8d: {  	s2 =	sadd.s32 s2, s17  }
0x8e: {  	[smem:$0x3FBA] =	sst s2  }
0x8f: {  	_ = 	snop  }
0x90: {  	s18 =	sld [smem:$0x3FC7]  }
0x91: {  	s4 =	sld [smem:$0x3FC6]  }
0x92: {  	s5 =	sld [smem:$0x3FD0];
	(tm) =	ssettm $0x1  }
0x93: {  	s19 =	sld [smem:$0x3FFB];
	_ =	sdelay $0x3  }
0x94: {  	_ =	strace s19  }
0x95: {  	s2 =	sld [smem:$0x3FFC];
	_ =	sdelay $0x3  }
0x96: {  	_ =	strace s2  }
0x97: {  	s2 =	sld [smem:$0x3FFD];
	_ =	sdelay $0x3  }
0x98: {  	_ =	strace s2  }
0x99: {  	_ =	strace $0x8FFFFFFF  }
0x9a: {  	s20 =	sld [smem:$0x3FDB];
	_ =	sdelay $0x1  }
0x9b: {  	s6 =	simm.s32 $_scs_section_size  }
0x9c: {  	s7 =	simm.s32 $_size__tile_overlayer_lowered;
	s8 =	simm.s32 $_tile_overlayer_lowered  }
0x9d: {  	s9 =	simm.s32 $0x1BFF;
	s21 =	sshll.u32 s8, $0x1;
	s6 =	sadd.s32 s6, s20  }
0x9e: {  	s22 =	simm.s32 $0x0;
	s7 =	sshll.u32 s7, $0x1;
	s8 =	sadd.s32 s21, s6  }
0x9f: {  	[timem:s22], [sflag:s9] =	dma.local [hbm:s8], s7  }
0xa0: {  	_ =	swait.ge [sflag:s9], s7  }
0xa1: {  	s7 =	ssub.s32 $0x0, s7;
	[sflag:s9] =	ssyncset.done $0x0  }
0xa2: {  	[sflag:s9] =	ssyncadd.s32 s7;
	_ =	sdelay $0x1  }
0xa3: {  	s23 =	simm.s32 $0x1B8B  }
0xa4: {  	_ =	swait.ge [sflag:s23], $0x1  }
0xa5: {  	[sflag:s23] =	ssyncset.done $0x0  }
0xa6: {  	[sflag:s23] =	ssyncadd.s32 $0xFFFFFFFF  }
0xa7: {  	s7 =	sld [smem:$0x0]  }
0xa8: {  	s8 =	sand.u32 $0xFFFFFFFE, s1  }
0xa9: {  	p0 =	sne.s32 s1, s8  }
0xaa: {  	s8 =	sshll.u32 @p0 s8, $0xE  }
0xab: {  	s8 =	sadd.s32 @p0 $0x11B8D, s8;
	s9 =	sshll.u32 @p0 s7, $0x11  }
0xac: {  	s8 =	sor.u32 @p0 s9, s8  }
0xad: {  	[sflag:s8] =	ssyncadd.remote.s32 @p0 $0x1;
	_ =	sdelay $0x1  }
0xae: {  	s8 =	simm.s32 @p0 $0x1B8D  }
0xaf: {  	_ =	swait.eq @p0 [sflag:s8], $0x1  }
0xb0: {  	[sflag:s8] =	ssyncadd.s32 @p0 $0xFFFFFFFF  }
0xb1: {  	s9 =	sshll.u32 @!p0 s1, $0xE  }
0xb2: {  	s9 =	sor.u32 @!p0 $0x4000, s9;
	s8 =	simm.s32 @!p0 $0x1B8D  }
0xb3: {  	s7 =	sshll.u32 @!p0 s7, $0x11;
	s9 =	sadd.s32 @!p0 $0x11B8D, s9;
	_ =	swait.eq @!p0 [sflag:s8], $0x1  }
0xb4: {  	s7 =	sor.u32 @!p0 s7, s9;
	[sflag:s8] =	ssyncadd.s32 @!p0 $0xFFFFFFFF  }
0xb5: {  	s25 =	simm.s32 $0x1B8E;
	s24 =	sld [smem:$0x3FFE];
	[sflag:s7] =	ssyncadd.remote.s32 @!p0 $0x1  }
0xb6: {  	s26 =	simm.s32 $execute0_lowered;
	[smem:$0x3FD2] =	sst s25  }
0xb7: {  	s8 =	sshll.u32 s26, $0x1;
	_ =	strace $0x80000049;
	[dreg:$0x1] =	wrdreg $0xFFFFFFFF  }
0xb8: {  	s28 =	simm.s32 $_size_execute0_lowered;
	s6 =	sadd.s32 s6, s8;
	[dreg:$0x0] =	wrdreg $0x0  }
0xb9: {  	s8 =	sshll.u32 s28, $0x1;
	[dreg:$0x2] =	wrdreg s6  }
0xba: {  	[dreg:$0x3] =	wrdreg s8  }
0xbb: {  	[dreg:$0x4] =	wrdreg $0xC0  }
0xbc: {  	_ =	task [dreg:s22], $0x5FFFF  }
0xbd: {  	[dreg:$0x1] =	wrdreg $0xFFFFFFFF  }
0xbe: {  	[dreg:$0x0] =	wrdreg $0x60  }
0xbf: {  	[dreg:$0x2] =	wrdreg s5  }
0xc0: {  	[dreg:$0x3] =	wrdreg s24  }
0xc1: {  	[dreg:$0x4] =	wrdreg s18  }
0xc2: {  	[dreg:$0x5] =	wrdreg s4  }
0xc3: {  	[dreg:$0x6] =	wrdreg $0x65000  }
0xc4: {  	[dreg:$0x7] =	wrdreg $0x9  }
0xc5: {  	_ =	task.clear_ibuf [dreg:s22], $0x8FFFF;
	_ =	strace $0x90000049  }
0xc6: {  	s29 =	simm.s32 $0x9;
	_ =	strace $0x8000004B  }
0xc7: {  	_ =	swait.ge [sflag:s29], $0x1  }
0xc8: {  	[sflag:s29] =	ssyncadd.s32 $0xFFFFFFFF  }
0xc9: {  	_ =	strace $0x9000004B  }
0xca: {  	_ =	sfence  }
0xcb: {  	s30 =	sld [smem:$0x0];
	_ =	sdelay $0x2  }
0xcc: {  	s31 =	sshll.u32 s1, $0xD;
	s1 =	sshrl.u32 s1, $0x2  }
0xcd: {  	s4 =	sand.u32 $0x4000, s31;
	s1 =	sadd.s32 s1, s30  }
0xce: {  	s0 =	sor.u32 s4, s0;
	s1 =	sshll.u32 s1, $0x11  }
0xcf: {  	s0 =	sor.u32 s1, s0  }
0xd0: {  	s0 =	sadd.s32 $0x8F2B, s0  }
0xd1: {  	[sflag:s0] =	ssyncadd.remote.s32 $0x1  }
0xd2: {  	_ =	sfence.sel $0xFFFF  }
0xd3: {  	[dreg:$0x0] =	wrdreg $0xFFFFFFFF;
	(pc) =	sbr.abs _section_cstart, $3  }
0xd4: {  	[dreg:$0x1] =	wrdreg $0xFFFFFFFF  }
0xd5: {  	_ =	task.clear_ibuf [dreg:s22], $0x2FFFF;
	_ =	strace $0x9FFFFFFF  }
0xd6: {  	(tm) =	ssettm $0x7FFFFFFF  }
0xd7: {  	_ =	shalt  }
tec
execute0_lowered:
.L_overlay_start_1:
0x0: {  	(tag) =	ssettag $0x1  }
0x1: {  	s0 =	rddreg [dreg:$0x0]  }
0x2: {  	s2 =	rddreg [dreg:$0x1]  }
0x3: {  	s1 =	rddreg [dreg:$0x2];
	s11 =	stileid.u32  }
0x4: {  	s5 =	srdreg.scid;
	s7 =	smul.u32 $0x13C00, s11  }
0x5: {  	s3 =	rddreg [dreg:$0x3];
	s8 =	sand.u32 $0x1, s5;
	s9 =	smul.u32 $0x4F000, s11  }
0x6: {  	s4 =	rddreg [dreg:$0x4];
	s5 =	simm.s32 $0x0;
	s6 =	smul.u32 $0x13C000, s8  }
0x7: {  	[smem:$0x7FF] =	sst s5;
	s10 =	ssub.s32 $0x2, s8  }
0x8: {  	s26 =	sshrl.u32 s10, $0x1;
	s9 =	sshrl.u32 s9, $0x2;
	s7 =	sadd.s32 s7, s6  }
0x9: {  	s6 =	sadd.s32 $0x2C2200, s2;
	s10 =	ssub.s32 s10, s26;
	s7 =	sshrl.u32 s7, $0x3  }
0xa: {  	s26 =	smax.u32 s10, $0x1;
	s2 =	sadd.s32 s7, s2;
	s7 =	sadd.s32 s9, s4  }
0xb: {  	_ =	strace $0x8000004A;
	[dreg:$0x16] =	wrdreg s26;
	s9 =	sadd.s32 $0x1400, s7  }
0xc: {  	s12 =	sadd.s32 $0x2800, s7;
	[dreg:$0x6] =	wrdreg s9  }
0xd: {  	s13 =	sadd.s32 $0x3C00, s7;
	[dreg:$0x7] =	wrdreg s12  }
0xe: {  	s14 =	sadd.s32 $0x5000, s7;
	[dreg:$0x8] =	wrdreg s13  }
0xf: {  	s30 =	simm.s32 $0x3D00;
	s15 =	sadd.s32 $0x6400, s7;
	[dreg:$0x9] =	wrdreg s14  }
0x10: {  	s31 =	simm.s32 $0x7;
	s16 =	sadd.s32 $0x7800, s7;
	[dreg:$0xa] =	wrdreg s15  }
0x11: {  	s11 =	sshll.u32 s11, $0x1;
	s17 =	sadd.s32 $0x8C00, s7;
	[dreg:$0xb] =	wrdreg s16  }
0x12: {  	s8 =	sor.u32 s8, s11;
	s18 =	sadd.s32 $0xA000, s7;
	[dreg:$0xc] =	wrdreg s17  }
0x13: {  	s11 =	simm.s32 $0x1480;
	s19 =	sadd.s32 $0xB400, s7;
	[dreg:$0xd] =	wrdreg s18  }
0x14: {  	s10 =	simm.s32 $0x2900;
	s20 =	sadd.s32 $0xC800, s7;
	[dreg:$0xe] =	wrdreg s19  }
0x15: {  	s21 =	sadd.s32 $0xDC00, s7;
	s23 =	sadd.s32 $0xF000, s7;
	[dreg:$0xf] =	wrdreg s20  }
0x16: {  	s2 =	sadd.s32 $0x533200, s2;
	s26 =	sadd.s32 $0x10400, s7;
	[dreg:$0x10] =	wrdreg s21  }
0x17: {  	s28 =	sadd.s32 $0x11800, s7;
	s15 =	smul.u32 $0x1388, s8;
	[dreg:$0x11] =	wrdreg s23  }
0x18: {  	s29 =	sadd.s32 $0x12C00, s7;
	s8 =	smul.u32 $0x13880, s8;
	[dreg:$0x15] =	wrdreg s2  }
0x19: {  	s2 =	simm.s32 $0x28;
	s9 =	simm.s32 $0x5100;
	s12 =	simm.s32 $0x1  }
0x1a: {  	s13 =	simm.s32 $0x3;
	s14 =	simm.s32 $0x5;
	s16 =	simm.s32 $0x2  }
0x1b: {  	s17 =	simm.s32 $0x4;
	s22 =	sshrl.u32 s15, $0x3;
	s24 =	sadd.s32 s6, s8  }
0x1c: {  	s18 =	simm.s32 $0x6;
	s3 =	sadd.s32 s3, s22;
	[dreg:$0x13] =	wrdreg s24  }
0x1d: {  	s19 =	simm.s32 $0x0;
	s25 =	sadd.s32 s1, s22;
	[dreg:$0x12] =	wrdreg s3  }
0x1e: {  	v0 =	vimm.f32 $0.0e+00;
	s8 =	simm.s32 $0x1400;
	[dreg:$0x14] =	wrdreg s25;
	s3 =	simm.s32 $0x1500  }
.LBB2_1:
0x1f: {  	s20 =	simm.s32 $0x0;
	s21 =	simm.s32 $0x200  }
.LBB2_2:
0x20: {  	p0 =	sne.s32 s21, $0x4E00;
	[tilespmem:s20+$0x3D70] =	vst v0  }
0x21: {  	[tilespmem:s20+$0x3D00] =	vst v0  }
0x22: {  	[tilespmem:s20+$0x3D10] =	vst v0  }
.Ltmp0:
0x23: {  	[tilespmem:s20+$0x3D20] =	vst v0;
	(pc) =	sbr.rel @p0 .LBB2_2-.Ltmp0, $4  }
0x24: {  	[tilespmem:s20+$0x3D30] =	vst v0  }
0x25: {  	[tilespmem:s20+$0x3D40] =	vst v0  }
0x26: {  	[tilespmem:s20+$0x3D50] =	vst v0  }
0x27: {  	[tilespmem:s20+$0x3D60] =	vst v0;
	s20 =	sshra.s32 s21, $0x2;
	s21 =	sadd.s32 $0x200, s21  }
0x28: {  	[tilespmem:s20+$0x3D70] =	vst v0  }
0x29: {  	[tilespmem:s20+$0x3D00] =	vst v0  }
0x2a: {  	[tilespmem:s20+$0x3D10] =	vst v0  }
0x2b: {  	[tilespmem:s20+$0x3D20] =	vst v0  }
0x2c: {  	[tilespmem:s20+$0x3D30] =	vst v0  }
0x2d: {  	[tilespmem:s20+$0x3D40] =	vst v0  }
0x2e: {  	[tilespmem:s20+$0x3D50] =	vst v0  }
0x2f: {  	[tilespmem:s20+$0x3D60] =	vst v0  }
0x30: {  	[spmem:s7] =	stream.linear.scatter [tilespmem:s30], [sflag:$0x7], $0x1400, $0x38;
	[tilespmem:$0x1A100] =	vst v63  }
0x31: {  	_ =	swait.ge [sflag:s31], $0x1400  }
0x32: {  	[sflag:s31] =	ssyncset.done $0x0  }
0x33: {  	s22 =	rddreg [dreg:$0x6];
	[sflag:s31] =	ssyncadd.s32 $0xFFFFEC00  }
0x34: {  	[spmem:s22] =	stream.linear.scatter [tilespmem:s30], [sflag:$0x7], $0x1400, $0x38;
	[tilespmem:$0x1A100] =	vst v63  }
0x35: {  	_ =	swait.ge [sflag:s31], $0x1400  }
0x36: {  	[sflag:s31] =	ssyncset.done $0x0  }
0x37: {  	s23 =	rddreg [dreg:$0x7];
	[sflag:s31] =	ssyncadd.s32 $0xFFFFEC00  }
0x38: {  	[spmem:s23] =	stream.linear.scatter [tilespmem:s30], [sflag:$0x7], $0x1400, $0x38;
	[tilespmem:$0x1A100] =	vst v63  }
0x39: {  	_ =	swait.ge [sflag:s31], $0x1400  }
0x3a: {  	[sflag:s31] =	ssyncset.done $0x0  }
0x3b: {  	s24 =	rddreg [dreg:$0x8];
	[sflag:s31] =	ssyncadd.s32 $0xFFFFEC00  }
0x3c: {  	[spmem:s24] =	stream.linear.scatter [tilespmem:s30], [sflag:$0x7], $0x1400, $0x38;
	[tilespmem:$0x1A100] =	vst v63  }
0x3d: {  	_ =	swait.ge [sflag:s31], $0x1400  }
0x3e: {  	[sflag:s31] =	ssyncset.done $0x0  }
0x3f: {  	s25 =	rddreg [dreg:$0x9];
	[sflag:s31] =	ssyncadd.s32 $0xFFFFEC00  }
0x40: {  	[spmem:s25] =	stream.linear.scatter [tilespmem:s30], [sflag:$0x7], $0x1400, $0x38;
	[tilespmem:$0x1A100] =	vst v63  }
0x41: {  	_ =	swait.ge [sflag:s31], $0x1400  }
0x42: {  	[sflag:s31] =	ssyncset.done $0x0  }
0x43: {  	s21 =	rddreg [dreg:$0xa];
	[sflag:s31] =	ssyncadd.s32 $0xFFFFEC00  }
0x44: {  	[spmem:s21] =	stream.linear.scatter [tilespmem:s30], [sflag:$0x7], $0x1400, $0x38;
	[tilespmem:$0x1A100] =	vst v63  }
0x45: {  	_ =	swait.ge [sflag:s31], $0x1400  }
0x46: {  	[sflag:s31] =	ssyncset.done $0x0  }
0x47: {  	s22 =	rddreg [dreg:$0xb];
	[sflag:s31] =	ssyncadd.s32 $0xFFFFEC00  }
0x48: {  	[spmem:s22] =	stream.linear.scatter [tilespmem:s30], [sflag:$0x7], $0x1400, $0x38;
	[tilespmem:$0x1A100] =	vst v63  }
0x49: {  	_ =	swait.ge [sflag:s31], $0x1400  }
0x4a: {  	[sflag:s31] =	ssyncset.done $0x0  }
0x4b: {  	s23 =	rddreg [dreg:$0xc];
	[sflag:s31] =	ssyncadd.s32 $0xFFFFEC00  }
0x4c: {  	[spmem:s23] =	stream.linear.scatter [tilespmem:s30], [sflag:$0x7], $0x1400, $0x38;
	[tilespmem:$0x1A100] =	vst v63  }
0x4d: {  	_ =	swait.ge [sflag:s31], $0x1400  }
0x4e: {  	[sflag:s31] =	ssyncset.done $0x0  }
0x4f: {  	s24 =	rddreg [dreg:$0xd];
	[sflag:s31] =	ssyncadd.s32 $0xFFFFEC00  }
0x50: {  	[spmem:s24] =	stream.linear.scatter [tilespmem:s30], [sflag:$0x7], $0x1400, $0x38;
	[tilespmem:$0x1A100] =	vst v63  }
0x51: {  	_ =	swait.ge [sflag:s31], $0x1400  }
0x52: {  	[sflag:s31] =	ssyncset.done $0x0  }
0x53: {  	s25 =	rddreg [dreg:$0xe];
	[sflag:s31] =	ssyncadd.s32 $0xFFFFEC00  }
0x54: {  	[spmem:s25] =	stream.linear.scatter [tilespmem:s30], [sflag:$0x7], $0x1400, $0x38;
	[tilespmem:$0x1A100] =	vst v63  }
0x55: {  	_ =	swait.ge [sflag:s31], $0x1400  }
0x56: {  	[sflag:s31] =	ssyncset.done $0x0  }
0x57: {  	s21 =	rddreg [dreg:$0xf];
	[sflag:s31] =	ssyncadd.s32 $0xFFFFEC00  }
0x58: {  	[spmem:s21] =	stream.linear.scatter [tilespmem:s30], [sflag:$0x7], $0x1400, $0x38;
	[tilespmem:$0x1A100] =	vst v63  }
0x59: {  	_ =	swait.ge [sflag:s31], $0x1400  }
0x5a: {  	[sflag:s31] =	ssyncset.done $0x0  }
0x5b: {  	s22 =	rddreg [dreg:$0x10];
	[sflag:s31] =	ssyncadd.s32 $0xFFFFEC00  }
0x5c: {  	[spmem:s22] =	stream.linear.scatter [tilespmem:s30], [sflag:$0x7], $0x1400, $0x38;
	[tilespmem:$0x1A100] =	vst v63  }
0x5d: {  	_ =	swait.ge [sflag:s31], $0x1400  }
0x5e: {  	[sflag:s31] =	ssyncset.done $0x0  }
0x5f: {  	s23 =	rddreg [dreg:$0x11];
	[sflag:s31] =	ssyncadd.s32 $0xFFFFEC00  }
0x60: {  	[spmem:s23] =	stream.linear.scatter [tilespmem:s30], [sflag:$0x7], $0x1400, $0x38;
	[tilespmem:$0x1A100] =	vst v63  }
0x61: {  	_ =	swait.ge [sflag:s31], $0x1400  }
0x62: {  	[sflag:s31] =	ssyncset.done $0x0  }
0x63: {  	[sflag:s31] =	ssyncadd.s32 $0xFFFFEC00  }
0x64: {  	[spmem:s26] =	stream.linear.scatter [tilespmem:s30], [sflag:$0x7], $0x1400, $0x38;
	[tilespmem:$0x1A100] =	vst v63  }
0x65: {  	_ =	swait.ge [sflag:s31], $0x1400  }
0x66: {  	[sflag:s31] =	ssyncset.done $0x0  }
0x67: {  	[sflag:s31] =	ssyncadd.s32 $0xFFFFEC00  }
0x68: {  	[spmem:s28] =	stream.linear.scatter [tilespmem:s30], [sflag:$0x7], $0x1400, $0x38;
	[tilespmem:$0x1A100] =	vst v63  }
0x69: {  	_ =	swait.ge [sflag:s31], $0x1400  }
0x6a: {  	[sflag:s31] =	ssyncset.done $0x0  }
0x6b: {  	[sflag:s31] =	ssyncadd.s32 $0xFFFFEC00  }
0x6c: {  	[spmem:s29] =	stream.linear.scatter [tilespmem:s30], [sflag:$0x7], $0x1000, $0x38;
	[tilespmem:$0x1A100] =	vst v63  }
0x6d: {  	_ =	swait.ge [sflag:s31], $0x1000  }
0x6e: {  	[sflag:s31] =	ssyncset.done $0x0  }
0x6f: {  	[sflag:s31] =	ssyncadd.s32 $0xFFFFF000  }
0x70: {  	[bflag:$0x0] =	sbarrier.arrive $0xFFFF  }
0x71: {  	s20 =	simm.s32 $0x0;
	s21 =	rddreg [dreg:$0x12]  }
0x72: {  	[tilespmem:s20], [sflag:$0x7] =	stream.linear.gather [hbm4b:s21+s20], $0x1388, $0x38;
	[tilespmem:$0x1A100] =	vst v63  }
0x73: {  	_ =	swait.ge [sflag:s31], $0x1388  }
0x74: {  	[sflag:s31] =	ssyncset.done $0x0  }
0x75: {  	[sflag:s31] =	ssyncadd.s32 $0xFFFFEC78  }
0x76: {  	[tilespmem:s30], [sflag:$0x1] =	stream.indirect.gather [hbm4b:s0+s2], $0x80, s20, s2, $0xb8;
	[tilespmem:$0x1A100] =	vst v63  }
0x77: {  	s24 =	rddreg [dreg:$0x13]  }
0x78: {  	[tilespmem:s3], [sflag:$0x3] =	stream.linear.gather [hbm4b:s24+s20], $0x1400, $0x38;
	[tilespmem:$0x1A100] =	vst v63  }
0x79: {  	s25 =	rddreg [dreg:$0x14]  }
0x7a: {  	[tilespmem:s8], [sflag:$0x5] =	stream.linear.gather [hbm4b:s25+s20], $0x28, $0x38;
	[tilespmem:$0x1A100] =	vst v63  }
.LBB2_4:
0x7b: {  	s21 =	smul.u32 $0x50, s20;
	_ =	sdelay $0x1  }
0x7c: {  	s22 =	sadd.s32 $0x28, s21  }
0x7d: {  	[tilespmem:s9], [sflag:$0x2] =	stream.indirect.gather [hbm4b:s0+s2], $0x80, s22, s2, $0xb8;
	[tilespmem:$0x1A100] =	vst v63  }
0x7e: {  	s22 =	sadd.s32 s15, s22  }
0x7f: {  	s23 =	sshll.u32 s22, $0x4  }
0x80: {  	s22 =	sshrl.u32 s22, $0x3;
	s23 =	sadd.s32 s6, s23  }
0x81: {  	[tilespmem:s10], [sflag:$0x4] =	stream.linear.gather [hbm4b:s23+s5], $0x1400, $0x38;
	[tilespmem:$0x1A100] =	vst v63  }
0x82: {  	s22 =	sadd.s32 s1, s22  }
0x83: {  	[tilespmem:s11], [sflag:$0x6] =	stream.linear.gather [hbm4b:s22+s5], $0x28, $0x38;
	[tilespmem:$0x1A100] =	vst v63  }
0x84: {  	_ =	swait.ge [sflag:s12], $0x1400  }
0x85: {  	[sflag:s12] =	ssyncset.done $0x0  }
0x86: {  	[sflag:s12] =	ssyncadd.s32 $0xFFFFEC00  }
0x87: {  	_ =	swait.ge [sflag:s13], $0x1400  }
0x88: {  	[sflag:s13] =	ssyncset.done $0x0  }
0x89: {  	[sflag:s13] =	ssyncadd.s32 $0xFFFFEC00  }
0x8a: {  	_ =	swait.ge [sflag:s14], $0x28  }
0x8b: {  	[sflag:s14] =	ssyncset.done $0x0  }
0x8c: {  	s22 =	simm.s32 $0x3E00;
	[sflag:s14] =	ssyncadd.s32 $0xFFFFFFD8  }
0x8d: {  	s23 =	simm.s32 $0x1600;
	v1 =	vld [tilespmem:s22+$0x80]  }
0x8e: {  	v2 =	vld [tilespmem:s23+$0x80]  }
0x8f: {  	v3 =	vld [tilespmem:s22+$0xFFFFFF80]  }
0x90: {  	v4 =	vld [tilespmem:s23+$0xFFFFFF80]  }
0x91: {  	v5 =	vld [tilespmem:s22+$0x0]  }
0x92: {  	v6 =	vld [tilespmem:s23+$0x0]  }
0x93: {  	v7 =	vld [tilespmem:s22+$0xFFFFFF00];
	v1 =	vmul.f32 v2, v1  }
0x94: {  	v2 =	vld [tilespmem:s23+$0xFFFFFF00]  }
0x95: {  	[tilespmem:s22+$0x80] =	vst v1;
	v1 =	vld [tilespmem:s22+$0x90]  }
0x96: {  	v3 =	vmul.f32 v4, v3;
	v4 =	vld [tilespmem:s23+$0x90]  }
0x97: {  	v8 =	vld [tilespmem:s22+$0xFFFFFF10]  }
0x98: {  	[tilespmem:s22+$0xFFFFFF80] =	vst v3;
	v3 =	vmul.f32 v6, v5;
	v5 =	vld [tilespmem:s22+$0xFFFFFF90]  }
0x99: {  	v6 =	vld [tilespmem:s23+$0xFFFFFF90];
	v2 =	vmul.f32 v2, v7  }
0x9a: {  	[tilespmem:s22+$0x0] =	vst v3;
	v3 =	vld [tilespmem:s22+$0x10]  }
0x9b: {  	v7 =	vld [tilespmem:s23+$0x10];
	[tilespmem:s22+$0xFFFFFF00] =	vst v2;
	v1 =	vmul.f32 v4, v1  }
0x9c: {  	v2 =	vld [tilespmem:s23+$0xFFFFFF10]  }
0x9d: {  	[tilespmem:s22+$0x90] =	vst v1;
	v1 =	vld [tilespmem:s22+$0xA0]  }
0x9e: {  	v4 =	vmul.f32 v6, v5;
	v5 =	vld [tilespmem:s23+$0xA0]  }
0x9f: {  	v6 =	vld [tilespmem:s22+$0xFFFFFF20]  }
0xa0: {  	[tilespmem:s22+$0xFFFFFF90] =	vst v4;
	v3 =	vmul.f32 v7, v3;
	v4 =	vld [tilespmem:s22+$0xFFFFFFA0]  }
0xa1: {  	v7 =	vld [tilespmem:s23+$0xFFFFFFA0];
	v2 =	vmul.f32 v2, v8  }
0xa2: {  	[tilespmem:s22+$0x10] =	vst v3;
	v3 =	vld [tilespmem:s22+$0x20]  }
0xa3: {  	v8 =	vld [tilespmem:s23+$0x20];
	[tilespmem:s22+$0xFFFFFF10] =	vst v2;
	v1 =	vmul.f32 v5, v1  }
0xa4: {  	v2 =	vld [tilespmem:s23+$0xFFFFFF20]  }
0xa5: {  	[tilespmem:s22+$0xA0] =	vst v1;
	v1 =	vld [tilespmem:s22+$0xB0]  }
0xa6: {  	v4 =	vmul.f32 v7, v4;
	v5 =	vld [tilespmem:s23+$0xB0]  }
0xa7: {  	v7 =	vld [tilespmem:s22+$0xFFFFFF30]  }
0xa8: {  	[tilespmem:s22+$0xFFFFFFA0] =	vst v4;
	v3 =	vmul.f32 v8, v3;
	v4 =	vld [tilespmem:s22+$0xFFFFFFB0]  }
0xa9: {  	v8 =	vld [tilespmem:s23+$0xFFFFFFB0];
	v2 =	vmul.f32 v2, v6  }
0xaa: {  	[tilespmem:s22+$0x20] =	vst v3;
	v3 =	vld [tilespmem:s22+$0x30]  }
0xab: {  	v6 =	vld [tilespmem:s23+$0x30];
	[tilespmem:s22+$0xFFFFFF20] =	vst v2;
	v1 =	vmul.f32 v5, v1  }
0xac: {  	v2 =	vld [tilespmem:s23+$0xFFFFFF30]  }
0xad: {  	[tilespmem:s22+$0xB0] =	vst v1;
	v1 =	vld [tilespmem:s22+$0xC0]  }
0xae: {  	v4 =	vmul.f32 v8, v4;
	v5 =	vld [tilespmem:s23+$0xC0]  }
0xaf: {  	v8 =	vld [tilespmem:s22+$0xFFFFFF40]  }
0xb0: {  	[tilespmem:s22+$0xFFFFFFB0] =	vst v4;
	v3 =	vmul.f32 v6, v3;
	v4 =	vld [tilespmem:s22+$0xFFFFFFC0]  }
0xb1: {  	v6 =	vld [tilespmem:s23+$0xFFFFFFC0];
	v2 =	vmul.f32 v2, v7  }
0xb2: {  	[tilespmem:s22+$0x30] =	vst v3;
	v3 =	vld [tilespmem:s22+$0x40]  }
0xb3: {  	v7 =	vld [tilespmem:s23+$0x40];
	[tilespmem:s22+$0xFFFFFF30] =	vst v2;
	v1 =	vmul.f32 v5, v1  }
0xb4: {  	v2 =	vld [tilespmem:s23+$0xFFFFFF40]  }
0xb5: {  	[tilespmem:s22+$0xC0] =	vst v1;
	v1 =	vld [tilespmem:s22+$0xD0]  }
0xb6: {  	v4 =	vmul.f32 v6, v4;
	v5 =	vld [tilespmem:s23+$0xD0]  }
0xb7: {  	v6 =	vld [tilespmem:s22+$0xFFFFFF50]  }
0xb8: {  	[tilespmem:s22+$0xFFFFFFC0] =	vst v4;
	v3 =	vmul.f32 v7, v3;
	v4 =	vld [tilespmem:s22+$0xFFFFFFD0]  }
0xb9: {  	v7 =	vld [tilespmem:s23+$0xFFFFFFD0];
	v2 =	vmul.f32 v2, v8  }
0xba: {  	[tilespmem:s22+$0x40] =	vst v3;
	v3 =	vld [tilespmem:s22+$0x50]  }
0xbb: {  	v8 =	vld [tilespmem:s23+$0x50];
	[tilespmem:s22+$0xFFFFFF40] =	vst v2;
	v1 =	vmul.f32 v5, v1  }
0xbc: {  	v2 =	vld [tilespmem:s23+$0xFFFFFF50]  }
0xbd: {  	[tilespmem:s22+$0xD0] =	vst v1;
	v1 =	vld [tilespmem:s22+$0xE0]  }
0xbe: {  	v4 =	vmul.f32 v7, v4;
	v5 =	vld [tilespmem:s23+$0xE0]  }
0xbf: {  	v7 =	vld [tilespmem:s22+$0xFFFFFF60]  }
0xc0: {  	[tilespmem:s22+$0xFFFFFFD0] =	vst v4;
	v3 =	vmul.f32 v8, v3;
	v4 =	vld [tilespmem:s22+$0xFFFFFFE0]  }
0xc1: {  	v8 =	vld [tilespmem:s23+$0xFFFFFFE0];
	v2 =	vmul.f32 v2, v6  }
0xc2: {  	[tilespmem:s22+$0x50] =	vst v3;
	v3 =	vld [tilespmem:s22+$0x60]  }
0xc3: {  	v6 =	vld [tilespmem:s23+$0x60];
	[tilespmem:s22+$0xFFFFFF50] =	vst v2;
	v1 =	vmul.f32 v5, v1  }
0xc4: {  	v5 =	vld [tilespmem:s23+$0xFFFFFF60]  }
0xc5: {  	v9 =	vld [tilespmem:s22+$0xF0];
	[tilespmem:s22+$0xE0] =	vst v1  }
0xc6: {  	v2 =	vmul.f32 v8, v4;
	v8 =	vld [tilespmem:s23+$0xF0]  }
0xc7: {  	v1 =	vld [tilespmem:s22+$0xFFFFFF70]  }
0xc8: {  	[tilespmem:s22+$0xFFFFFFE0] =	vst v2;
	v3 =	vmul.f32 v6, v3;
	v2 =	vld [tilespmem:s22+$0xFFFFFFF0]  }
0xc9: {  	v4 =	vld [tilespmem:s23+$0xFFFFFFF0];
	v5 =	vmul.f32 v5, v7  }
0xca: {  	[tilespmem:s22+$0x60] =	vst v3;
	v3 =	vld [tilespmem:s22+$0x70]  }
0xcb: {  	[tilespmem:s22+$0xFFFFFF60] =	vst v5;
	v5 =	vld [tilespmem:s23+$0x70];
	v7 =	vmul.f32 v8, v9  }
0xcc: {  	s24 =	simm.s32 $0x0;
	s25 =	simm.s32 $0x4000;
	v6 =	vld [tilespmem:s23+$0xFFFFFF70]  }
.LBB2_5:
0xcd: {  	v8 =	vld [tilespmem:s25+$0x80];
	[tilespmem:s22+$0xF0] =	vst v7;
	s23 =	sadd.s32 $0x200, s23  }
0xce: {  	s24 =	sadd.s32 $0x4, s24;
	v7 =	vld [tilespmem:s23+$0x80];
	v2 =	vmul.f32 v4, v2  }
0xcf: {  	p0 =	slt.u32 s24, $0x24;
	v4 =	vld [tilespmem:s23+$0xFFFFFF00]  }
0xd0: {  	v9 =	vld [tilespmem:s25+$0xFFFFFF80];
	[tilespmem:s22+$0xFFFFFFF0] =	vst v2;
	v2 =	vmul.f32 v5, v3  }
0xd1: {  	v3 =	vld [tilespmem:s23+$0xFFFFFF80];
	v1 =	vmul.f32 v6, v1  }
0xd2: {  	v5 =	vld [tilespmem:s25+$0x0];
	[tilespmem:s22+$0x70] =	vst v2  }
0xd3: {  	v2 =	vld [tilespmem:s23+$0x0];
	v6 =	vmul.f32 v7, v8;
	[tilespmem:s22+$0xFFFFFF70] =	vst v1;
	s22 =	smov.u32 s25  }
0xd4: {  	v1 =	vld [tilespmem:s25+$0xFFFFFF00]  }
0xd5: {  	[tilespmem:s25+$0x80] =	vst v6;
	v6 =	vld [tilespmem:s25+$0x90]  }
0xd6: {  	v3 =	vmul.f32 v3, v9;
	v7 =	vld [tilespmem:s23+$0x90]  }
0xd7: {  	v8 =	vld [tilespmem:s25+$0xFFFFFF10]  }
0xd8: {  	[tilespmem:s25+$0xFFFFFF80] =	vst v3;
	v3 =	vld [tilespmem:s25+$0xFFFFFF90];
	v2 =	vmul.f32 v2, v5  }
0xd9: {  	v1 =	vmul.f32 v4, v1;
	v4 =	vld [tilespmem:s23+$0xFFFFFF90]  }
0xda: {  	[tilespmem:s25+$0x0] =	vst v2;
	v2 =	vld [tilespmem:s25+$0x10]  }
0xdb: {  	[tilespmem:s25+$0xFFFFFF00] =	vst v1;
	v1 =	vld [tilespmem:s23+$0x10];
	v5 =	vmul.f32 v7, v6  }
0xdc: {  	v6 =	vld [tilespmem:s23+$0xFFFFFF10]  }
0xdd: {  	[tilespmem:s25+$0x90] =	vst v5;
	v5 =	vld [tilespmem:s25+$0xA0]  }
0xde: {  	v3 =	vmul.f32 v4, v3;
	v4 =	vld [tilespmem:s23+$0xA0]  }
0xdf: {  	v7 =	vld [tilespmem:s25+$0xFFFFFF20]  }
0xe0: {  	[tilespmem:s25+$0xFFFFFF90] =	vst v3;
	v3 =	vld [tilespmem:s25+$0xFFFFFFA0];
	v1 =	vmul.f32 v1, v2  }
0xe1: {  	v2 =	vmul.f32 v6, v8;
	v6 =	vld [tilespmem:s23+$0xFFFFFFA0]  }
0xe2: {  	[tilespmem:s25+$0x10] =	vst v1;
	v1 =	vld [tilespmem:s25+$0x20]  }
0xe3: {  	[tilespmem:s25+$0xFFFFFF10] =	vst v2;
	v2 =	vld [tilespmem:s23+$0x20];
	v4 =	vmul.f32 v4, v5  }
0xe4: {  	v5 =	vld [tilespmem:s23+$0xFFFFFF20]  }
0xe5: {  	[tilespmem:s25+$0xA0] =	vst v4;
	v4 =	vld [tilespmem:s25+$0xB0]  }
0xe6: {  	v3 =	vmul.f32 v6, v3;
	v6 =	vld [tilespmem:s23+$0xB0]  }
0xe7: {  	v8 =	vld [tilespmem:s25+$0xFFFFFF30]  }
0xe8: {  	[tilespmem:s25+$0xFFFFFFA0] =	vst v3;
	v3 =	vld [tilespmem:s25+$0xFFFFFFB0];
	v1 =	vmul.f32 v2, v1  }
0xe9: {  	v2 =	vmul.f32 v5, v7;
	v5 =	vld [tilespmem:s23+$0xFFFFFFB0]  }
0xea: {  	[tilespmem:s25+$0x20] =	vst v1;
	v1 =	vld [tilespmem:s25+$0x30]  }
0xeb: {  	[tilespmem:s25+$0xFFFFFF20] =	vst v2;
	v2 =	vld [tilespmem:s23+$0x30];
	v4 =	vmul.f32 v6, v4  }
0xec: {  	v6 =	vld [tilespmem:s23+$0xFFFFFF30]  }
0xed: {  	[tilespmem:s25+$0xB0] =	vst v4;
	v4 =	vld [tilespmem:s25+$0xC0]  }
0xee: {  	v3 =	vmul.f32 v5, v3;
	v5 =	vld [tilespmem:s23+$0xC0]  }
0xef: {  	v7 =	vld [tilespmem:s25+$0xFFFFFF40]  }
0xf0: {  	[tilespmem:s25+$0xFFFFFFB0] =	vst v3;
	v3 =	vld [tilespmem:s25+$0xFFFFFFC0];
	v1 =	vmul.f32 v2, v1  }
0xf1: {  	v2 =	vmul.f32 v6, v8;
	v6 =	vld [tilespmem:s23+$0xFFFFFFC0]  }
0xf2: {  	[tilespmem:s25+$0x30] =	vst v1;
	v1 =	vld [tilespmem:s25+$0x40]  }
0xf3: {  	[tilespmem:s25+$0xFFFFFF30] =	vst v2;
	v2 =	vld [tilespmem:s23+$0x40];
	v4 =	vmul.f32 v5, v4  }
0xf4: {  	v5 =	vld [tilespmem:s23+$0xFFFFFF40]  }
0xf5: {  	[tilespmem:s25+$0xC0] =	vst v4;
	v4 =	vld [tilespmem:s25+$0xD0]  }
0xf6: {  	v3 =	vmul.f32 v6, v3;
	v6 =	vld [tilespmem:s23+$0xD0]  }
0xf7: {  	v8 =	vld [tilespmem:s25+$0xFFFFFF50]  }
0xf8: {  	[tilespmem:s25+$0xFFFFFFC0] =	vst v3;
	v3 =	vld [tilespmem:s25+$0xFFFFFFD0];
	v1 =	vmul.f32 v2, v1  }
0xf9: {  	v2 =	vmul.f32 v5, v7;
	v5 =	vld [tilespmem:s23+$0xFFFFFFD0]  }
0xfa: {  	[tilespmem:s25+$0x40] =	vst v1;
	v1 =	vld [tilespmem:s25+$0x50]  }
0xfb: {  	[tilespmem:s25+$0xFFFFFF40] =	vst v2;
	v2 =	vld [tilespmem:s23+$0x50];
	v4 =	vmul.f32 v6, v4  }
0xfc: {  	v6 =	vld [tilespmem:s23+$0xFFFFFF50]  }
0xfd: {  	[tilespmem:s25+$0xD0] =	vst v4;
	v4 =	vld [tilespmem:s25+$0xE0]  }
0xfe: {  	v3 =	vmul.f32 v5, v3;
	v5 =	vld [tilespmem:s23+$0xE0]  }
0xff: {  	v7 =	vld [tilespmem:s25+$0xFFFFFF60]  }
0x100: {  	[tilespmem:s25+$0xFFFFFFD0] =	vst v3;
	v3 =	vld [tilespmem:s25+$0xFFFFFFE0];
	v1 =	vmul.f32 v2, v1  }
0x101: {  	v2 =	vmul.f32 v6, v8;
	v6 =	vld [tilespmem:s23+$0xFFFFFFE0]  }
0x102: {  	[tilespmem:s25+$0x50] =	vst v1;
	v8 =	vld [tilespmem:s25+$0x60]  }
0x103: {  	[tilespmem:s25+$0xFFFFFF50] =	vst v2;
	v9 =	vld [tilespmem:s23+$0x60];
	v1 =	vmul.f32 v5, v4  }
0x104: {  	v4 =	vld [tilespmem:s23+$0xFFFFFF60]  }
0x105: {  	[tilespmem:s25+$0xE0] =	vst v1;
	v10 =	vld [tilespmem:s25+$0xF0]  }
0x106: {  	v2 =	vmul.f32 v6, v3;
	v6 =	vld [tilespmem:s23+$0xF0]  }
0x107: {  	v1 =	vld [tilespmem:s25+$0xFFFFFF70]  }
.Ltmp1:
0x108: {  	[tilespmem:s25+$0xFFFFFFE0] =	vst v2;
	v2 =	vld [tilespmem:s25+$0xFFFFFFF0];
	v3 =	vmul.f32 v9, v8;
	(pc) =	sbr.rel @p0 .LBB2_5-.Ltmp1, $4  }
0x109: {  	v5 =	vmul.f32 v4, v7;
	v4 =	vld [tilespmem:s23+$0xFFFFFFF0]  }
0x10a: {  	[tilespmem:s25+$0x60] =	vst v3;
	v3 =	vld [tilespmem:s25+$0x70]  }
0x10b: {  	[tilespmem:s25+$0xFFFFFF60] =	vst v5;
	v5 =	vld [tilespmem:s23+$0x70];
	v7 =	vmul.f32 v6, v10  }
0x10c: {  	s25 =	sadd.s32 $0x200, s25;
	v6 =	vld [tilespmem:s23+$0xFFFFFF70]  }
0x10d: {  	_ =	sdelay $0x1  }
0x10e: {  	v2 =	vmul.f32 v4, v2  }
0x10f: {  	[tilespmem:s22+$0xF0] =	vst v7;
	v3 =	vmul.f32 v5, v3  }
0x110: {  	[tilespmem:s22+$0xFFFFFFF0] =	vst v2;
	v1 =	vmul.f32 v6, v1  }
0x111: {  	[tilespmem:s22+$0x70] =	vst v3  }
0x112: {  	[tilespmem:s22+$0xFFFFFF70] =	vst v1  }
0x113: {  	[spmem:s4] =	stream.indirect.scatter.add.f32 [tilespmem:s30], [sflag:$0x7], $0x80, s8, s2, $0xb8;
	[tilespmem:$0x1A100] =	vst v63  }
0x114: {  	_ =	swait.ge [sflag:s31], $0x1400  }
0x115: {  	[sflag:s31] =	ssyncset.done $0x0  }
0x116: {  	s21 =	sadd.s32 $0x50, s21;
	[sflag:s31] =	ssyncadd.s32 $0xFFFFEC00  }
0x117: {  	[tilespmem:s30], [sflag:$0x1] =	stream.indirect.gather [hbm4b:s0+s2], $0x80, s21, s2, $0xb8;
	[tilespmem:$0x1A100] =	vst v63  }
0x118: {  	s21 =	sadd.s32 s15, s21  }
0x119: {  	s25 =	sshll.u32 s21, $0x4  }
0x11a: {  	s21 =	sshrl.u32 s21, $0x3;
	s22 =	sadd.s32 s6, s25  }
0x11b: {  	[tilespmem:s3], [sflag:$0x3] =	stream.linear.gather [hbm4b:s22+s5], $0x1400, $0x38;
	[tilespmem:$0x1A100] =	vst v63  }
0x11c: {  	s21 =	sadd.s32 s1, s21  }
0x11d: {  	[tilespmem:s8], [sflag:$0x5] =	stream.linear.gather [hbm4b:s21+s5], $0x28, $0x38;
	[tilespmem:$0x1A100] =	vst v63  }
0x11e: {  	_ =	swait.ge [sflag:s16], $0x1400  }
0x11f: {  	[sflag:s16] =	ssyncset.done $0x0  }
0x120: {  	[sflag:s16] =	ssyncadd.s32 $0xFFFFEC00  }
0x121: {  	_ =	swait.ge [sflag:s17], $0x1400  }
0x122: {  	[sflag:s17] =	ssyncset.done $0x0  }
0x123: {  	[sflag:s17] =	ssyncadd.s32 $0xFFFFEC00  }
0x124: {  	_ =	swait.ge [sflag:s18], $0x28  }
0x125: {  	[sflag:s18] =	ssyncset.done $0x0  }
0x126: {  	s21 =	simm.s32 $0x5200;
	[sflag:s18] =	ssyncadd.s32 $0xFFFFFFD8  }
0x127: {  	s22 =	simm.s32 $0x2A00;
	v1 =	vld [tilespmem:s21+$0x80]  }
0x128: {  	v2 =	vld [tilespmem:s22+$0x80]  }
0x129: {  	v3 =	vld [tilespmem:s21+$0xFFFFFF80]  }
0x12a: {  	v4 =	vld [tilespmem:s22+$0xFFFFFF80]  }
0x12b: {  	v5 =	vld [tilespmem:s21+$0x0]  }
0x12c: {  	v6 =	vld [tilespmem:s22+$0x0]  }
0x12d: {  	v7 =	vld [tilespmem:s21+$0xFFFFFF00];
	v1 =	vmul.f32 v2, v1  }
0x12e: {  	v2 =	vld [tilespmem:s22+$0xFFFFFF00]  }
0x12f: {  	[tilespmem:s21+$0x80] =	vst v1;
	v1 =	vld [tilespmem:s21+$0x90]  }
0x130: {  	v3 =	vmul.f32 v4, v3;
	v4 =	vld [tilespmem:s22+$0x90]  }
0x131: {  	v8 =	vld [tilespmem:s21+$0xFFFFFF10]  }
0x132: {  	[tilespmem:s21+$0xFFFFFF80] =	vst v3;
	v3 =	vmul.f32 v6, v5;
	v5 =	vld [tilespmem:s21+$0xFFFFFF90]  }
0x133: {  	v6 =	vld [tilespmem:s22+$0xFFFFFF90];
	v2 =	vmul.f32 v2, v7  }
0x134: {  	[tilespmem:s21+$0x0] =	vst v3;
	v3 =	vld [tilespmem:s21+$0x10]  }
0x135: {  	v7 =	vld [tilespmem:s22+$0x10];
	[tilespmem:s21+$0xFFFFFF00] =	vst v2;
	v1 =	vmul.f32 v4, v1  }
0x136: {  	v2 =	vld [tilespmem:s22+$0xFFFFFF10]  }
0x137: {  	[tilespmem:s21+$0x90] =	vst v1;
	v1 =	vld [tilespmem:s21+$0xA0]  }
0x138: {  	v4 =	vmul.f32 v6, v5;
	v5 =	vld [tilespmem:s22+$0xA0]  }
0x139: {  	v6 =	vld [tilespmem:s21+$0xFFFFFF20]  }
0x13a: {  	[tilespmem:s21+$0xFFFFFF90] =	vst v4;
	v3 =	vmul.f32 v7, v3;
	v4 =	vld [tilespmem:s21+$0xFFFFFFA0]  }
0x13b: {  	v7 =	vld [tilespmem:s22+$0xFFFFFFA0];
	v2 =	vmul.f32 v2, v8  }
0x13c: {  	[tilespmem:s21+$0x10] =	vst v3;
	v3 =	vld [tilespmem:s21+$0x20]  }
0x13d: {  	v8 =	vld [tilespmem:s22+$0x20];
	[tilespmem:s21+$0xFFFFFF10] =	vst v2;
	v1 =	vmul.f32 v5, v1  }
0x13e: {  	v2 =	vld [tilespmem:s22+$0xFFFFFF20]  }
0x13f: {  	[tilespmem:s21+$0xA0] =	vst v1;
	v1 =	vld [tilespmem:s21+$0xB0]  }
0x140: {  	v4 =	vmul.f32 v7, v4;
	v5 =	vld [tilespmem:s22+$0xB0]  }
0x141: {  	v7 =	vld [tilespmem:s21+$0xFFFFFF30]  }
0x142: {  	[tilespmem:s21+$0xFFFFFFA0] =	vst v4;
	v3 =	vmul.f32 v8, v3;
	v4 =	vld [tilespmem:s21+$0xFFFFFFB0]  }
0x143: {  	v8 =	vld [tilespmem:s22+$0xFFFFFFB0];
	v2 =	vmul.f32 v2, v6  }
0x144: {  	[tilespmem:s21+$0x20] =	vst v3;
	v3 =	vld [tilespmem:s21+$0x30]  }
0x145: {  	v6 =	vld [tilespmem:s22+$0x30];
	[tilespmem:s21+$0xFFFFFF20] =	vst v2;
	v1 =	vmul.f32 v5, v1  }
0x146: {  	v2 =	vld [tilespmem:s22+$0xFFFFFF30]  }
0x147: {  	[tilespmem:s21+$0xB0] =	vst v1;
	v1 =	vld [tilespmem:s21+$0xC0]  }
0x148: {  	v4 =	vmul.f32 v8, v4;
	v5 =	vld [tilespmem:s22+$0xC0]  }
0x149: {  	v8 =	vld [tilespmem:s21+$0xFFFFFF40]  }
0x14a: {  	[tilespmem:s21+$0xFFFFFFB0] =	vst v4;
	v3 =	vmul.f32 v6, v3;
	v4 =	vld [tilespmem:s21+$0xFFFFFFC0]  }
0x14b: {  	v6 =	vld [tilespmem:s22+$0xFFFFFFC0];
	v2 =	vmul.f32 v2, v7  }
0x14c: {  	[tilespmem:s21+$0x30] =	vst v3;
	v3 =	vld [tilespmem:s21+$0x40]  }
0x14d: {  	v7 =	vld [tilespmem:s22+$0x40];
	[tilespmem:s21+$0xFFFFFF30] =	vst v2;
	v1 =	vmul.f32 v5, v1  }
0x14e: {  	v2 =	vld [tilespmem:s22+$0xFFFFFF40]  }
0x14f: {  	[tilespmem:s21+$0xC0] =	vst v1;
	v1 =	vld [tilespmem:s21+$0xD0]  }
0x150: {  	v4 =	vmul.f32 v6, v4;
	v5 =	vld [tilespmem:s22+$0xD0]  }
0x151: {  	v6 =	vld [tilespmem:s21+$0xFFFFFF50]  }
0x152: {  	[tilespmem:s21+$0xFFFFFFC0] =	vst v4;
	v3 =	vmul.f32 v7, v3;
	v4 =	vld [tilespmem:s21+$0xFFFFFFD0]  }
0x153: {  	v7 =	vld [tilespmem:s22+$0xFFFFFFD0];
	v2 =	vmul.f32 v2, v8  }
0x154: {  	[tilespmem:s21+$0x40] =	vst v3;
	v3 =	vld [tilespmem:s21+$0x50]  }
0x155: {  	v8 =	vld [tilespmem:s22+$0x50];
	[tilespmem:s21+$0xFFFFFF40] =	vst v2;
	v1 =	vmul.f32 v5, v1  }
0x156: {  	v2 =	vld [tilespmem:s22+$0xFFFFFF50]  }
0x157: {  	[tilespmem:s21+$0xD0] =	vst v1;
	v1 =	vld [tilespmem:s21+$0xE0]  }
0x158: {  	v4 =	vmul.f32 v7, v4;
	v5 =	vld [tilespmem:s22+$0xE0]  }
0x159: {  	v7 =	vld [tilespmem:s21+$0xFFFFFF60]  }
0x15a: {  	[tilespmem:s21+$0xFFFFFFD0] =	vst v4;
	v3 =	vmul.f32 v8, v3;
	v4 =	vld [tilespmem:s21+$0xFFFFFFE0]  }
0x15b: {  	v8 =	vld [tilespmem:s22+$0xFFFFFFE0];
	v2 =	vmul.f32 v2, v6  }
0x15c: {  	[tilespmem:s21+$0x50] =	vst v3;
	v3 =	vld [tilespmem:s21+$0x60]  }
0x15d: {  	v6 =	vld [tilespmem:s22+$0x60];
	[tilespmem:s21+$0xFFFFFF50] =	vst v2;
	v1 =	vmul.f32 v5, v1  }
0x15e: {  	v5 =	vld [tilespmem:s22+$0xFFFFFF60]  }
0x15f: {  	v9 =	vld [tilespmem:s21+$0xF0];
	[tilespmem:s21+$0xE0] =	vst v1  }
0x160: {  	v2 =	vmul.f32 v8, v4;
	v8 =	vld [tilespmem:s22+$0xF0]  }
0x161: {  	v1 =	vld [tilespmem:s21+$0xFFFFFF70]  }
0x162: {  	[tilespmem:s21+$0xFFFFFFE0] =	vst v2;
	v3 =	vmul.f32 v6, v3;
	v2 =	vld [tilespmem:s21+$0xFFFFFFF0]  }
0x163: {  	v4 =	vld [tilespmem:s22+$0xFFFFFFF0];
	v5 =	vmul.f32 v5, v7  }
0x164: {  	[tilespmem:s21+$0x60] =	vst v3;
	v3 =	vld [tilespmem:s21+$0x70]  }
0x165: {  	[tilespmem:s21+$0xFFFFFF60] =	vst v5;
	v5 =	vld [tilespmem:s22+$0x70];
	v7 =	vmul.f32 v8, v9  }
0x166: {  	s23 =	simm.s32 $0x0;
	s24 =	simm.s32 $0x5400;
	v6 =	vld [tilespmem:s22+$0xFFFFFF70]  }
.LBB2_7:
0x167: {  	v8 =	vld [tilespmem:s24+$0x80];
	[tilespmem:s21+$0xF0] =	vst v7;
	s22 =	sadd.s32 $0x200, s22  }
0x168: {  	s23 =	sadd.s32 $0x4, s23;
	v7 =	vld [tilespmem:s22+$0x80];
	v2 =	vmul.f32 v4, v2  }
0x169: {  	p0 =	slt.u32 s23, $0x24;
	v4 =	vld [tilespmem:s22+$0xFFFFFF00]  }
0x16a: {  	v9 =	vld [tilespmem:s24+$0xFFFFFF80];
	[tilespmem:s21+$0xFFFFFFF0] =	vst v2;
	v2 =	vmul.f32 v5, v3  }
0x16b: {  	v3 =	vld [tilespmem:s22+$0xFFFFFF80];
	v1 =	vmul.f32 v6, v1  }
0x16c: {  	v5 =	vld [tilespmem:s24+$0x0];
	[tilespmem:s21+$0x70] =	vst v2  }
0x16d: {  	v2 =	vld [tilespmem:s22+$0x0];
	v6 =	vmul.f32 v7, v8;
	[tilespmem:s21+$0xFFFFFF70] =	vst v1;
	s21 =	smov.u32 s24  }
0x16e: {  	v1 =	vld [tilespmem:s24+$0xFFFFFF00]  }
0x16f: {  	[tilespmem:s24+$0x80] =	vst v6;
	v6 =	vld [tilespmem:s24+$0x90]  }
0x170: {  	v3 =	vmul.f32 v3, v9;
	v7 =	vld [tilespmem:s22+$0x90]  }
0x171: {  	v8 =	vld [tilespmem:s24+$0xFFFFFF10]  }
0x172: {  	[tilespmem:s24+$0xFFFFFF80] =	vst v3;
	v3 =	vld [tilespmem:s24+$0xFFFFFF90];
	v2 =	vmul.f32 v2, v5  }
0x173: {  	v1 =	vmul.f32 v4, v1;
	v4 =	vld [tilespmem:s22+$0xFFFFFF90]  }
0x174: {  	[tilespmem:s24+$0x0] =	vst v2;
	v2 =	vld [tilespmem:s24+$0x10]  }
0x175: {  	[tilespmem:s24+$0xFFFFFF00] =	vst v1;
	v1 =	vld [tilespmem:s22+$0x10];
	v5 =	vmul.f32 v7, v6  }
0x176: {  	v6 =	vld [tilespmem:s22+$0xFFFFFF10]  }
0x177: {  	[tilespmem:s24+$0x90] =	vst v5;
	v5 =	vld [tilespmem:s24+$0xA0]  }
0x178: {  	v3 =	vmul.f32 v4, v3;
	v4 =	vld [tilespmem:s22+$0xA0]  }
0x179: {  	v7 =	vld [tilespmem:s24+$0xFFFFFF20]  }
0x17a: {  	[tilespmem:s24+$0xFFFFFF90] =	vst v3;
	v3 =	vld [tilespmem:s24+$0xFFFFFFA0];
	v1 =	vmul.f32 v1, v2  }
0x17b: {  	v2 =	vmul.f32 v6, v8;
	v6 =	vld [tilespmem:s22+$0xFFFFFFA0]  }
0x17c: {  	[tilespmem:s24+$0x10] =	vst v1;
	v1 =	vld [tilespmem:s24+$0x20]  }
0x17d: {  	[tilespmem:s24+$0xFFFFFF10] =	vst v2;
	v2 =	vld [tilespmem:s22+$0x20];
	v4 =	vmul.f32 v4, v5  }
0x17e: {  	v5 =	vld [tilespmem:s22+$0xFFFFFF20]  }
0x17f: {  	[tilespmem:s24+$0xA0] =	vst v4;
	v4 =	vld [tilespmem:s24+$0xB0]  }
0x180: {  	v3 =	vmul.f32 v6, v3;
	v6 =	vld [tilespmem:s22+$0xB0]  }
0x181: {  	v8 =	vld [tilespmem:s24+$0xFFFFFF30]  }
0x182: {  	[tilespmem:s24+$0xFFFFFFA0] =	vst v3;
	v3 =	vld [tilespmem:s24+$0xFFFFFFB0];
	v1 =	vmul.f32 v2, v1  }
0x183: {  	v2 =	vmul.f32 v5, v7;
	v5 =	vld [tilespmem:s22+$0xFFFFFFB0]  }
0x184: {  	[tilespmem:s24+$0x20] =	vst v1;
	v1 =	vld [tilespmem:s24+$0x30]  }
0x185: {  	[tilespmem:s24+$0xFFFFFF20] =	vst v2;
	v2 =	vld [tilespmem:s22+$0x30];
	v4 =	vmul.f32 v6, v4  }
0x186: {  	v6 =	vld [tilespmem:s22+$0xFFFFFF30]  }
0x187: {  	[tilespmem:s24+$0xB0] =	vst v4;
	v4 =	vld [tilespmem:s24+$0xC0]  }
0x188: {  	v3 =	vmul.f32 v5, v3;
	v5 =	vld [tilespmem:s22+$0xC0]  }
0x189: {  	v7 =	vld [tilespmem:s24+$0xFFFFFF40]  }
0x18a: {  	[tilespmem:s24+$0xFFFFFFB0] =	vst v3;
	v3 =	vld [tilespmem:s24+$0xFFFFFFC0];
	v1 =	vmul.f32 v2, v1  }
0x18b: {  	v2 =	vmul.f32 v6, v8;
	v6 =	vld [tilespmem:s22+$0xFFFFFFC0]  }
0x18c: {  	[tilespmem:s24+$0x30] =	vst v1;
	v1 =	vld [tilespmem:s24+$0x40]  }
0x18d: {  	[tilespmem:s24+$0xFFFFFF30] =	vst v2;
	v2 =	vld [tilespmem:s22+$0x40];
	v4 =	vmul.f32 v5, v4  }
0x18e: {  	v5 =	vld [tilespmem:s22+$0xFFFFFF40]  }
0x18f: {  	[tilespmem:s24+$0xC0] =	vst v4;
	v4 =	vld [tilespmem:s24+$0xD0]  }
0x190: {  	v3 =	vmul.f32 v6, v3;
	v6 =	vld [tilespmem:s22+$0xD0]  }
0x191: {  	v8 =	vld [tilespmem:s24+$0xFFFFFF50]  }
0x192: {  	[tilespmem:s24+$0xFFFFFFC0] =	vst v3;
	v3 =	vld [tilespmem:s24+$0xFFFFFFD0];
	v1 =	vmul.f32 v2, v1  }
0x193: {  	v2 =	vmul.f32 v5, v7;
	v5 =	vld [tilespmem:s22+$0xFFFFFFD0]  }
0x194: {  	[tilespmem:s24+$0x40] =	vst v1;
	v1 =	vld [tilespmem:s24+$0x50]  }
0x195: {  	[tilespmem:s24+$0xFFFFFF40] =	vst v2;
	v2 =	vld [tilespmem:s22+$0x50];
	v4 =	vmul.f32 v6, v4  }
0x196: {  	v6 =	vld [tilespmem:s22+$0xFFFFFF50]  }
0x197: {  	[tilespmem:s24+$0xD0] =	vst v4;
	v4 =	vld [tilespmem:s24+$0xE0]  }
0x198: {  	v3 =	vmul.f32 v5, v3;
	v5 =	vld [tilespmem:s22+$0xE0]  }
0x199: {  	v7 =	vld [tilespmem:s24+$0xFFFFFF60]  }
0x19a: {  	[tilespmem:s24+$0xFFFFFFD0] =	vst v3;
	v3 =	vld [tilespmem:s24+$0xFFFFFFE0];
	v1 =	vmul.f32 v2, v1  }
0x19b: {  	v2 =	vmul.f32 v6, v8;
	v6 =	vld [tilespmem:s22+$0xFFFFFFE0]  }
0x19c: {  	[tilespmem:s24+$0x50] =	vst v1;
	v8 =	vld [tilespmem:s24+$0x60]  }
0x19d: {  	[tilespmem:s24+$0xFFFFFF50] =	vst v2;
	v9 =	vld [tilespmem:s22+$0x60];
	v1 =	vmul.f32 v5, v4  }
0x19e: {  	v4 =	vld [tilespmem:s22+$0xFFFFFF60]  }
0x19f: {  	[tilespmem:s24+$0xE0] =	vst v1;
	v10 =	vld [tilespmem:s24+$0xF0]  }
0x1a0: {  	v2 =	vmul.f32 v6, v3;
	v6 =	vld [tilespmem:s22+$0xF0]  }
0x1a1: {  	v1 =	vld [tilespmem:s24+$0xFFFFFF70]  }
.Ltmp2:
0x1a2: {  	[tilespmem:s24+$0xFFFFFFE0] =	vst v2;
	v2 =	vld [tilespmem:s24+$0xFFFFFFF0];
	v3 =	vmul.f32 v9, v8;
	(pc) =	sbr.rel @p0 .LBB2_7-.Ltmp2, $4  }
0x1a3: {  	v5 =	vmul.f32 v4, v7;
	v4 =	vld [tilespmem:s22+$0xFFFFFFF0]  }
0x1a4: {  	[tilespmem:s24+$0x60] =	vst v3;
	v3 =	vld [tilespmem:s24+$0x70]  }
0x1a5: {  	[tilespmem:s24+$0xFFFFFF60] =	vst v5;
	v5 =	vld [tilespmem:s22+$0x70];
	v7 =	vmul.f32 v6, v10  }
0x1a6: {  	s24 =	sadd.s32 $0x200, s24;
	v6 =	vld [tilespmem:s22+$0xFFFFFF70]  }
0x1a7: {  	_ =	sdelay $0x1  }
0x1a8: {  	v2 =	vmul.f32 v4, v2  }
0x1a9: {  	[tilespmem:s21+$0xF0] =	vst v7;
	v3 =	vmul.f32 v5, v3  }
0x1aa: {  	s20 =	sadd.s32 $0x1, s20;
	[tilespmem:s21+$0xFFFFFFF0] =	vst v2;
	v1 =	vmul.f32 v6, v1  }
0x1ab: {  	p0 =	sne.s32 s20, $0x3E;
	[tilespmem:s21+$0x70] =	vst v3  }
.Ltmp3:
0x1ac: {  	[tilespmem:s21+$0xFFFFFF70] =	vst v1;
	(pc) =	sbr.rel @p0 .LBB2_4-.Ltmp3, $4  }
0x1ad: {  	[spmem:s4] =	stream.indirect.scatter.add.f32 [tilespmem:s9], [sflag:$0x7], $0x80, s11, s2, $0xb8;
	[tilespmem:$0x1A100] =	vst v63  }
0x1ae: {  	_ =	swait.ge [sflag:s31], $0x1400  }
0x1af: {  	[sflag:s31] =	ssyncset.done $0x0  }
0x1b0: {  	[sflag:s31] =	ssyncadd.s32 $0xFFFFEC00  }
0x1b1: {  	_ =	swait.ge [sflag:s12], $0x1400  }
0x1b2: {  	[sflag:s12] =	ssyncset.done $0x0  }
0x1b3: {  	[sflag:s12] =	ssyncadd.s32 $0xFFFFEC00  }
0x1b4: {  	_ =	swait.ge [sflag:s13], $0x1400  }
0x1b5: {  	[sflag:s13] =	ssyncset.done $0x0  }
0x1b6: {  	[sflag:s13] =	ssyncadd.s32 $0xFFFFEC00  }
0x1b7: {  	_ =	swait.ge [sflag:s14], $0x28  }
0x1b8: {  	[sflag:s14] =	ssyncset.done $0x0  }
0x1b9: {  	s20 =	simm.s32 $0x3E00;
	[sflag:s14] =	ssyncadd.s32 $0xFFFFFFD8  }
0x1ba: {  	s21 =	simm.s32 $0x1600;
	v1 =	vld [tilespmem:s20+$0x80]  }
0x1bb: {  	v2 =	vld [tilespmem:s21+$0x80]  }
0x1bc: {  	v3 =	vld [tilespmem:s20+$0xFFFFFF80]  }
0x1bd: {  	v4 =	vld [tilespmem:s21+$0xFFFFFF80]  }
0x1be: {  	v5 =	vld [tilespmem:s20+$0x0]  }
0x1bf: {  	v6 =	vld [tilespmem:s21+$0x0]  }
0x1c0: {  	v7 =	vld [tilespmem:s20+$0xFFFFFF00];
	v1 =	vmul.f32 v2, v1  }
0x1c1: {  	v2 =	vld [tilespmem:s21+$0xFFFFFF00]  }
0x1c2: {  	[tilespmem:s20+$0x80] =	vst v1;
	v1 =	vld [tilespmem:s20+$0x90]  }
0x1c3: {  	v3 =	vmul.f32 v4, v3;
	v4 =	vld [tilespmem:s21+$0x90]  }
0x1c4: {  	v8 =	vld [tilespmem:s20+$0xFFFFFF10]  }
0x1c5: {  	[tilespmem:s20+$0xFFFFFF80] =	vst v3;
	v3 =	vmul.f32 v6, v5;
	v5 =	vld [tilespmem:s20+$0xFFFFFF90]  }
0x1c6: {  	v6 =	vld [tilespmem:s21+$0xFFFFFF90];
	v2 =	vmul.f32 v2, v7  }
0x1c7: {  	[tilespmem:s20+$0x0] =	vst v3;
	v3 =	vld [tilespmem:s20+$0x10]  }
0x1c8: {  	v7 =	vld [tilespmem:s21+$0x10];
	[tilespmem:s20+$0xFFFFFF00] =	vst v2;
	v1 =	vmul.f32 v4, v1  }
0x1c9: {  	v2 =	vld [tilespmem:s21+$0xFFFFFF10]  }
0x1ca: {  	[tilespmem:s20+$0x90] =	vst v1;
	v1 =	vld [tilespmem:s20+$0xA0]  }
0x1cb: {  	v4 =	vmul.f32 v6, v5;
	v5 =	vld [tilespmem:s21+$0xA0]  }
0x1cc: {  	v6 =	vld [tilespmem:s20+$0xFFFFFF20]  }
0x1cd: {  	[tilespmem:s20+$0xFFFFFF90] =	vst v4;
	v3 =	vmul.f32 v7, v3;
	v4 =	vld [tilespmem:s20+$0xFFFFFFA0]  }
0x1ce: {  	v7 =	vld [tilespmem:s21+$0xFFFFFFA0];
	v2 =	vmul.f32 v2, v8  }
0x1cf: {  	[tilespmem:s20+$0x10] =	vst v3;
	v3 =	vld [tilespmem:s20+$0x20]  }
0x1d0: {  	v8 =	vld [tilespmem:s21+$0x20];
	[tilespmem:s20+$0xFFFFFF10] =	vst v2;
	v1 =	vmul.f32 v5, v1  }
0x1d1: {  	v2 =	vld [tilespmem:s21+$0xFFFFFF20]  }
0x1d2: {  	[tilespmem:s20+$0xA0] =	vst v1;
	v1 =	vld [tilespmem:s20+$0xB0]  }
0x1d3: {  	v4 =	vmul.f32 v7, v4;
	v5 =	vld [tilespmem:s21+$0xB0]  }
0x1d4: {  	v7 =	vld [tilespmem:s20+$0xFFFFFF30]  }
0x1d5: {  	[tilespmem:s20+$0xFFFFFFA0] =	vst v4;
	v3 =	vmul.f32 v8, v3;
	v4 =	vld [tilespmem:s20+$0xFFFFFFB0]  }
0x1d6: {  	v8 =	vld [tilespmem:s21+$0xFFFFFFB0];
	v2 =	vmul.f32 v2, v6  }
0x1d7: {  	[tilespmem:s20+$0x20] =	vst v3;
	v3 =	vld [tilespmem:s20+$0x30]  }
0x1d8: {  	v6 =	vld [tilespmem:s21+$0x30];
	[tilespmem:s20+$0xFFFFFF20] =	vst v2;
	v1 =	vmul.f32 v5, v1  }
0x1d9: {  	v2 =	vld [tilespmem:s21+$0xFFFFFF30]  }
0x1da: {  	[tilespmem:s20+$0xB0] =	vst v1;
	v1 =	vld [tilespmem:s20+$0xC0]  }
0x1db: {  	v4 =	vmul.f32 v8, v4;
	v5 =	vld [tilespmem:s21+$0xC0]  }
0x1dc: {  	v8 =	vld [tilespmem:s20+$0xFFFFFF40]  }
0x1dd: {  	[tilespmem:s20+$0xFFFFFFB0] =	vst v4;
	v3 =	vmul.f32 v6, v3;
	v4 =	vld [tilespmem:s20+$0xFFFFFFC0]  }
0x1de: {  	v6 =	vld [tilespmem:s21+$0xFFFFFFC0];
	v2 =	vmul.f32 v2, v7  }
0x1df: {  	[tilespmem:s20+$0x30] =	vst v3;
	v3 =	vld [tilespmem:s20+$0x40]  }
0x1e0: {  	v7 =	vld [tilespmem:s21+$0x40];
	[tilespmem:s20+$0xFFFFFF30] =	vst v2;
	v1 =	vmul.f32 v5, v1  }
0x1e1: {  	v2 =	vld [tilespmem:s21+$0xFFFFFF40]  }
0x1e2: {  	[tilespmem:s20+$0xC0] =	vst v1;
	v1 =	vld [tilespmem:s20+$0xD0]  }
0x1e3: {  	v4 =	vmul.f32 v6, v4;
	v5 =	vld [tilespmem:s21+$0xD0]  }
0x1e4: {  	v6 =	vld [tilespmem:s20+$0xFFFFFF50]  }
0x1e5: {  	[tilespmem:s20+$0xFFFFFFC0] =	vst v4;
	v3 =	vmul.f32 v7, v3;
	v4 =	vld [tilespmem:s20+$0xFFFFFFD0]  }
0x1e6: {  	v7 =	vld [tilespmem:s21+$0xFFFFFFD0];
	v2 =	vmul.f32 v2, v8  }
0x1e7: {  	[tilespmem:s20+$0x40] =	vst v3;
	v3 =	vld [tilespmem:s20+$0x50]  }
0x1e8: {  	v8 =	vld [tilespmem:s21+$0x50];
	[tilespmem:s20+$0xFFFFFF40] =	vst v2;
	v1 =	vmul.f32 v5, v1  }
0x1e9: {  	v2 =	vld [tilespmem:s21+$0xFFFFFF50]  }
0x1ea: {  	[tilespmem:s20+$0xD0] =	vst v1;
	v1 =	vld [tilespmem:s20+$0xE0]  }
0x1eb: {  	v4 =	vmul.f32 v7, v4;
	v5 =	vld [tilespmem:s21+$0xE0]  }
0x1ec: {  	v7 =	vld [tilespmem:s20+$0xFFFFFF60]  }
0x1ed: {  	[tilespmem:s20+$0xFFFFFFD0] =	vst v4;
	v3 =	vmul.f32 v8, v3;
	v4 =	vld [tilespmem:s20+$0xFFFFFFE0]  }
0x1ee: {  	v8 =	vld [tilespmem:s21+$0xFFFFFFE0];
	v2 =	vmul.f32 v2, v6  }
0x1ef: {  	[tilespmem:s20+$0x50] =	vst v3;
	v3 =	vld [tilespmem:s20+$0x60]  }
0x1f0: {  	v6 =	vld [tilespmem:s21+$0x60];
	[tilespmem:s20+$0xFFFFFF50] =	vst v2;
	v1 =	vmul.f32 v5, v1  }
0x1f1: {  	v5 =	vld [tilespmem:s21+$0xFFFFFF60]  }
0x1f2: {  	v9 =	vld [tilespmem:s20+$0xF0];
	[tilespmem:s20+$0xE0] =	vst v1  }
0x1f3: {  	v2 =	vmul.f32 v8, v4;
	v8 =	vld [tilespmem:s21+$0xF0]  }
0x1f4: {  	v1 =	vld [tilespmem:s20+$0xFFFFFF70]  }
0x1f5: {  	[tilespmem:s20+$0xFFFFFFE0] =	vst v2;
	v3 =	vmul.f32 v6, v3;
	v2 =	vld [tilespmem:s20+$0xFFFFFFF0]  }
0x1f6: {  	v4 =	vld [tilespmem:s21+$0xFFFFFFF0];
	v5 =	vmul.f32 v5, v7  }
0x1f7: {  	[tilespmem:s20+$0x60] =	vst v3;
	v3 =	vld [tilespmem:s20+$0x70]  }
0x1f8: {  	[tilespmem:s20+$0xFFFFFF60] =	vst v5;
	v5 =	vld [tilespmem:s21+$0x70];
	v7 =	vmul.f32 v8, v9  }
0x1f9: {  	s22 =	simm.s32 $0x0;
	s23 =	simm.s32 $0x4000;
	v6 =	vld [tilespmem:s21+$0xFFFFFF70]  }
.LBB2_10:
0x1fa: {  	v8 =	vld [tilespmem:s23+$0x80];
	[tilespmem:s20+$0xF0] =	vst v7;
	s21 =	sadd.s32 $0x200, s21  }
0x1fb: {  	s22 =	sadd.s32 $0x4, s22;
	v7 =	vld [tilespmem:s21+$0x80];
	v2 =	vmul.f32 v4, v2  }
0x1fc: {  	p0 =	slt.u32 s22, $0x24;
	v4 =	vld [tilespmem:s21+$0xFFFFFF00]  }
0x1fd: {  	v9 =	vld [tilespmem:s23+$0xFFFFFF80];
	[tilespmem:s20+$0xFFFFFFF0] =	vst v2;
	v2 =	vmul.f32 v5, v3  }
0x1fe: {  	v3 =	vld [tilespmem:s21+$0xFFFFFF80];
	v1 =	vmul.f32 v6, v1  }
0x1ff: {  	v5 =	vld [tilespmem:s23+$0x0];
	[tilespmem:s20+$0x70] =	vst v2  }
0x200: {  	v2 =	vld [tilespmem:s21+$0x0];
	v6 =	vmul.f32 v7, v8;
	[tilespmem:s20+$0xFFFFFF70] =	vst v1;
	s20 =	smov.u32 s23  }
0x201: {  	v1 =	vld [tilespmem:s23+$0xFFFFFF00]  }
0x202: {  	[tilespmem:s23+$0x80] =	vst v6;
	v6 =	vld [tilespmem:s23+$0x90]  }
0x203: {  	v3 =	vmul.f32 v3, v9;
	v7 =	vld [tilespmem:s21+$0x90]  }
0x204: {  	v8 =	vld [tilespmem:s23+$0xFFFFFF10]  }
0x205: {  	[tilespmem:s23+$0xFFFFFF80] =	vst v3;
	v3 =	vld [tilespmem:s23+$0xFFFFFF90];
	v2 =	vmul.f32 v2, v5  }
0x206: {  	v1 =	vmul.f32 v4, v1;
	v4 =	vld [tilespmem:s21+$0xFFFFFF90]  }
0x207: {  	[tilespmem:s23+$0x0] =	vst v2;
	v2 =	vld [tilespmem:s23+$0x10]  }
0x208: {  	[tilespmem:s23+$0xFFFFFF00] =	vst v1;
	v1 =	vld [tilespmem:s21+$0x10];
	v5 =	vmul.f32 v7, v6  }
0x209: {  	v6 =	vld [tilespmem:s21+$0xFFFFFF10]  }
0x20a: {  	[tilespmem:s23+$0x90] =	vst v5;
	v5 =	vld [tilespmem:s23+$0xA0]  }
0x20b: {  	v3 =	vmul.f32 v4, v3;
	v4 =	vld [tilespmem:s21+$0xA0]  }
0x20c: {  	v7 =	vld [tilespmem:s23+$0xFFFFFF20]  }
0x20d: {  	[tilespmem:s23+$0xFFFFFF90] =	vst v3;
	v3 =	vld [tilespmem:s23+$0xFFFFFFA0];
	v1 =	vmul.f32 v1, v2  }
0x20e: {  	v2 =	vmul.f32 v6, v8;
	v6 =	vld [tilespmem:s21+$0xFFFFFFA0]  }
0x20f: {  	[tilespmem:s23+$0x10] =	vst v1;
	v1 =	vld [tilespmem:s23+$0x20]  }
0x210: {  	[tilespmem:s23+$0xFFFFFF10] =	vst v2;
	v2 =	vld [tilespmem:s21+$0x20];
	v4 =	vmul.f32 v4, v5  }
0x211: {  	v5 =	vld [tilespmem:s21+$0xFFFFFF20]  }
0x212: {  	[tilespmem:s23+$0xA0] =	vst v4;
	v4 =	vld [tilespmem:s23+$0xB0]  }
0x213: {  	v3 =	vmul.f32 v6, v3;
	v6 =	vld [tilespmem:s21+$0xB0]  }
0x214: {  	v8 =	vld [tilespmem:s23+$0xFFFFFF30]  }
0x215: {  	[tilespmem:s23+$0xFFFFFFA0] =	vst v3;
	v3 =	vld [tilespmem:s23+$0xFFFFFFB0];
	v1 =	vmul.f32 v2, v1  }
0x216: {  	v2 =	vmul.f32 v5, v7;
	v5 =	vld [tilespmem:s21+$0xFFFFFFB0]  }
0x217: {  	[tilespmem:s23+$0x20] =	vst v1;
	v1 =	vld [tilespmem:s23+$0x30]  }
0x218: {  	[tilespmem:s23+$0xFFFFFF20] =	vst v2;
	v2 =	vld [tilespmem:s21+$0x30];
	v4 =	vmul.f32 v6, v4  }
0x219: {  	v6 =	vld [tilespmem:s21+$0xFFFFFF30]  }
0x21a: {  	[tilespmem:s23+$0xB0] =	vst v4;
	v4 =	vld [tilespmem:s23+$0xC0]  }
0x21b: {  	v3 =	vmul.f32 v5, v3;
	v5 =	vld [tilespmem:s21+$0xC0]  }
0x21c: {  	v7 =	vld [tilespmem:s23+$0xFFFFFF40]  }
0x21d: {  	[tilespmem:s23+$0xFFFFFFB0] =	vst v3;
	v3 =	vld [tilespmem:s23+$0xFFFFFFC0];
	v1 =	vmul.f32 v2, v1  }
0x21e: {  	v2 =	vmul.f32 v6, v8;
	v6 =	vld [tilespmem:s21+$0xFFFFFFC0]  }
0x21f: {  	[tilespmem:s23+$0x30] =	vst v1;
	v1 =	vld [tilespmem:s23+$0x40]  }
0x220: {  	[tilespmem:s23+$0xFFFFFF30] =	vst v2;
	v2 =	vld [tilespmem:s21+$0x40];
	v4 =	vmul.f32 v5, v4  }
0x221: {  	v5 =	vld [tilespmem:s21+$0xFFFFFF40]  }
0x222: {  	[tilespmem:s23+$0xC0] =	vst v4;
	v4 =	vld [tilespmem:s23+$0xD0]  }
0x223: {  	v3 =	vmul.f32 v6, v3;
	v6 =	vld [tilespmem:s21+$0xD0]  }
0x224: {  	v8 =	vld [tilespmem:s23+$0xFFFFFF50]  }
0x225: {  	[tilespmem:s23+$0xFFFFFFC0] =	vst v3;
	v3 =	vld [tilespmem:s23+$0xFFFFFFD0];
	v1 =	vmul.f32 v2, v1  }
0x226: {  	v2 =	vmul.f32 v5, v7;
	v5 =	vld [tilespmem:s21+$0xFFFFFFD0]  }
0x227: {  	[tilespmem:s23+$0x40] =	vst v1;
	v1 =	vld [tilespmem:s23+$0x50]  }
0x228: {  	[tilespmem:s23+$0xFFFFFF40] =	vst v2;
	v2 =	vld [tilespmem:s21+$0x50];
	v4 =	vmul.f32 v6, v4  }
0x229: {  	v6 =	vld [tilespmem:s21+$0xFFFFFF50]  }
0x22a: {  	[tilespmem:s23+$0xD0] =	vst v4;
	v4 =	vld [tilespmem:s23+$0xE0]  }
0x22b: {  	v3 =	vmul.f32 v5, v3;
	v5 =	vld [tilespmem:s21+$0xE0]  }
0x22c: {  	v7 =	vld [tilespmem:s23+$0xFFFFFF60]  }
0x22d: {  	[tilespmem:s23+$0xFFFFFFD0] =	vst v3;
	v3 =	vld [tilespmem:s23+$0xFFFFFFE0];
	v1 =	vmul.f32 v2, v1  }
0x22e: {  	v2 =	vmul.f32 v6, v8;
	v6 =	vld [tilespmem:s21+$0xFFFFFFE0]  }
0x22f: {  	[tilespmem:s23+$0x50] =	vst v1;
	v8 =	vld [tilespmem:s23+$0x60]  }
0x230: {  	[tilespmem:s23+$0xFFFFFF50] =	vst v2;
	v9 =	vld [tilespmem:s21+$0x60];
	v1 =	vmul.f32 v5, v4  }
0x231: {  	v4 =	vld [tilespmem:s21+$0xFFFFFF60]  }
0x232: {  	[tilespmem:s23+$0xE0] =	vst v1;
	v10 =	vld [tilespmem:s23+$0xF0]  }
0x233: {  	v2 =	vmul.f32 v6, v3;
	v6 =	vld [tilespmem:s21+$0xF0]  }
0x234: {  	v1 =	vld [tilespmem:s23+$0xFFFFFF70]  }
.Ltmp4:
0x235: {  	[tilespmem:s23+$0xFFFFFFE0] =	vst v2;
	v2 =	vld [tilespmem:s23+$0xFFFFFFF0];
	v3 =	vmul.f32 v9, v8;
	(pc) =	sbr.rel @p0 .LBB2_10-.Ltmp4, $4  }
0x236: {  	v5 =	vmul.f32 v4, v7;
	v4 =	vld [tilespmem:s21+$0xFFFFFFF0]  }
0x237: {  	[tilespmem:s23+$0x60] =	vst v3;
	v3 =	vld [tilespmem:s23+$0x70]  }
0x238: {  	[tilespmem:s23+$0xFFFFFF60] =	vst v5;
	v5 =	vld [tilespmem:s21+$0x70];
	v7 =	vmul.f32 v6, v10  }
0x239: {  	s23 =	sadd.s32 $0x200, s23;
	v6 =	vld [tilespmem:s21+$0xFFFFFF70]  }
0x23a: {  	_ =	sdelay $0x1  }
0x23b: {  	v2 =	vmul.f32 v4, v2  }
0x23c: {  	[tilespmem:s20+$0xF0] =	vst v7;
	v3 =	vmul.f32 v5, v3  }
0x23d: {  	[tilespmem:s20+$0xFFFFFFF0] =	vst v2;
	v1 =	vmul.f32 v6, v1  }
0x23e: {  	[tilespmem:s20+$0x70] =	vst v3  }
0x23f: {  	[tilespmem:s20+$0xFFFFFF70] =	vst v1  }
0x240: {  	[spmem:s4] =	stream.indirect.scatter.add.f32 [tilespmem:s30], [sflag:$0x7], $0x80, s8, s2, $0xb8;
	[tilespmem:$0x1A100] =	vst v63  }
0x241: {  	_ =	swait.ge [sflag:s31], $0x1400  }
0x242: {  	[sflag:s31] =	ssyncset.done $0x0  }
0x243: {  	s24 =	stileid.u32;
	[sflag:s31] =	ssyncadd.s32 $0xFFFFEC00  }
0x244: {  	s20 =	sshll.u32 s24, $0x6;
	[bflag:$0x0] =	sbarrier.arrive $0xFFFF  }
0x245: {  	s21 =	sshrl.u32 s7, $0x3;
	s20 =	sor.u32 $0x1C07, s20;
	s22 =	rddreg [dreg:$0x15]  }
0x246: {  	[hbm:s22], [sflag:s20] =	dma.local [spmem:s21], $0x2780  }
0x247: {  	_ =	swait.ge [sflag:s31], $0x2780  }
0x248: {  	s19 =	sadd.s32 $0x1, s19;
	s25 =	rddreg [dreg:$0x16]  }
0x249: {  	p0 =	sne.s32 s19, s25  }
.Ltmp5:
0x24a: {  	_ = 	snop;
	(pc) =	sbr.rel @p0 .LBB2_1-.Ltmp5, $3  }
0x24b: {  	_ =	sdelay $0x1  }
0x24c: {  	[sflag:s31] =	ssyncset.done $0x0  }
0x24d: {  	[sflag:s31] =	ssyncadd.s32 $0xFFFFD880  }
0x24e: {  	_ =	sfence.sel $0x180000  }
0x24f: {  	[bflag:$0x0] =	sbarrier.arrive $0xFFFF  }
0x250: {  	_ =	strace $0x9000004A  }
0x251: {  	s0 =	stileid.u32;
	[bflag:$0x2] =	sbarrier.arrive $0xFFFF  }
0x252: {  	p0 =	sne.s32 s0, $0x0;
	s0 =	rddreg [dreg:$0x5]  }
0x253: {  	s0 =	sadd.s32 @!p0 $0x100000, s0  }
0x254: {  	[sflag:s0] =	ssyncadd.tile.s32 @!p0 $0x1;
	_ =	shalt  }
.Lfunc_end2:
_tile_overlayer_lowered:
.L_overlay_start_2:
0x255: {  	(tag) =	ssettag $0x2  }
0x256: {  	s0 =	rddreg [dreg:$0x0];
	s2 =	stileid.u32  }
0x257: {  	s1 =	rddreg [dreg:$0x1];
	p0 =	sne.s32 s2, $0x0  }
0x258: {  	s3 =	rddreg [dreg:$0x2];
	[bflag:$0x3] =	sbarrier.arrive $0xFFFF;
	s2 =	simm.s32 @!p0 $0x1C07  }
0x259: {  	[timem:s3], [sflag:s2] =	dma.local @!p0 [hbm:s0], s1  }
0x25a: {  	s0 =	simm.s32 @!p0 $0x7  }
0x25b: {  	_ =	swait.ge @!p0 [sflag:s0], s1  }
0x25c: {  	s1 =	ssub.s32 @!p0 $0x0, s1;
	[sflag:s0] =	ssyncset.done @!p0 $0x0  }
0x25d: {  	[sflag:s0] =	ssyncadd.s32 @!p0 s1  }
0x25e: {  	[bflag:$0x3] =	sbarrier.arrive $0xFFFF  }
0x25f: {  	_ =	shalt  }

</sc_bundles>
